<compile_context>
chip_gen: v7x
topology: tpu7x:2x2x1
jax: 0.10.2.dev20260603
libtpu: 0.0.44.dev20260713+nightly
codegen_flags: <defaults>
</compile_context>

<pallas_src>
import jax
import jax.numpy as jnp
from jax import lax
from jax.experimental import pallas as pl
from jax.experimental.pallas import tpu as pltpu
from jax.experimental.pallas import tpu_sc as plsc

N = 10000
E = 320000
NF = 128
EF = 16
H = 128

KB = 64
NS = 16
NC = 2
EPW = E // NS
RPW = 320
JC = 8
NNODE = 10240
NBLKN = NNODE // KB
BN = 1024

_PREC = lax.Precision.HIGHEST


def _dot(a, b):
    return jnp.dot(a, b, precision=_PREC, preferred_element_type=jnp.float32)



def _make_edge_op():
    scratch = [
        pltpu.VMEM((JC, KB), jnp.int32),
        pltpu.VMEM((JC, KB), jnp.int32),
        pltpu.VMEM((JC, KB), jnp.int32),
        pltpu.VMEM((16,), jnp.int32),
        pltpu.VMEM((16,), jnp.float32),
        pltpu.VMEM((16,), jnp.float32),
        pltpu.VMEM((16,), jnp.float32),
        pltpu.VMEM((16,), jnp.float32),
        pltpu.VMEM((KB, H), jnp.float32),
        pltpu.VMEM((KB, H), jnp.float32),
        pltpu.VMEM((KB, H), jnp.float32),
        pltpu.VMEM((KB, H), jnp.float32),
        pltpu.VMEM((KB, H), jnp.float32),
        pltpu.VMEM_SHARED((NNODE, H), jnp.float32),
        pltpu.SemaphoreType.DMA,
        pltpu.SemaphoreType.DMA,
    ]

    def body(a_hbm, b_hbm, c_hbm, src_hbm, dst_hbm, cid_hbm, m2_hbm,
             ga_hbm, gc_hbm, al_hbm, be_hbm, out_hbm,
             sidx, didx, cidx, m2_v, ga_v, gc_v, al_v, be_v,
             a_v, b_v, c_v, v_v, w_v, acc, sem_g, sem_s):
        cid = lax.axis_index("c")
        sid = lax.axis_index("s")

        pltpu.sync_copy(m2_hbm, m2_v)
        pltpu.sync_copy(ga_hbm, ga_v)
        pltpu.sync_copy(gc_hbm, gc_v)
        pltpu.sync_copy(al_hbm, al_v)
        pltpu.sync_copy(be_hbm, be_v)

        def zrow(r, carry):
            for q in range(H // 16):
                v_v[r, pl.ds(q * 16, 16)] = jnp.zeros((16,), jnp.float32)
            return carry
        lax.fori_loop(0, KB, zrow, 0)

        zd = [pltpu.async_copy(v_v, acc.at[pl.ds((sid + i * NS) * KB, KB), :],
                               sem_g) for i in range(NBLKN // NS)]
        for d in zd:
            d.wait()

        cid0 = lax.convert_element_type(cid == 0, jnp.int32)
        active = jnp.maximum(m2_v[...], jnp.broadcast_to(cid0, (16,)))
        inactive_n = (1 - active) * N

        plsc.subcore_barrier()
        ga = ga_v[...]
        gc = gc_v[...]
        alpha = al_v[...]
        beta = be_v[...]

        def echunk(jo, carry):
            rows = pl.ds(jo * JC, JC)

            @pl.when(cid == 0)
            def _():
                pltpu.async_copy(src_hbm.at[sid, rows, :], sidx, sem_g)
                pltpu.async_copy(dst_hbm.at[sid, rows, :], didx, sem_g)

            @pl.when(cid != 0)
            def _():
                pltpu.async_copy(dst_hbm.at[sid, rows, :], sidx, sem_g)
                pltpu.async_copy(src_hbm.at[sid, rows, :], didx, sem_g)

            pltpu.async_copy(cid_hbm.at[sid, rows, :], cidx, sem_g).wait()
            pltpu.make_async_copy(cid_hbm.at[sid, rows, :], cidx, sem_g).wait()
            pltpu.make_async_copy(cid_hbm.at[sid, rows, :], cidx, sem_g).wait()

            def mrow(r, c2):
                for q in range(KB // 16):
                    sl = pl.ds(q * 16, 16)
                    didx[r, sl] = active * didx[r, sl] + inactive_n
                return c2
            lax.fori_loop(0, JC, mrow, 0)

            sdesc = [None, None]
            for k in range(JC):
                d0 = pltpu.async_copy(a_hbm.at[didx.at[k]], a_v, sem_g)
                d1 = pltpu.async_copy(b_hbm.at[sidx.at[k]], b_v, sem_g)
                d2 = pltpu.async_copy(c_hbm.at[cidx.at[k]], c_v, sem_g)
                d0.wait()
                d1.wait()
                d2.wait()
                vbuf = v_v if k % 2 == 0 else w_v
                if sdesc[k % 2] is not None:
                    sdesc[k % 2].wait()

                def crow(r, c3, vbuf=vbuf):
                    for q in range(H // 16):
                        sl = pl.ds(q * 16, 16)
                        xv = ga * a_v[r, sl] + b_v[r, sl] + gc * c_v[r, sl]
                        vbuf[r, sl] = alpha * jnp.maximum(xv, 0.0) + beta * xv
                    return c3
                lax.fori_loop(0, KB, crow, 0)

                sdesc[k % 2] = pltpu.async_copy(vbuf, acc.at[didx.at[k]],
                                                sem_s, add=True)
            sdesc[0].wait()
            sdesc[1].wait()
            return carry
        lax.fori_loop(0, RPW // JC, echunk, 0)

        plsc.subcore_barrier()

        dd = []
        for i in range(NBLKN // NS):
            r0 = (sid + i * NS) * KB
            dd.append(pltpu.async_copy(
                acc.at[pl.ds(r0, KB), :],
                out_hbm.at[pl.ds(cid * NNODE + r0, KB), :], sem_g))
        for d in dd:
            d.wait()

    return pl.kernel(body,
                     out_type=jax.ShapeDtypeStruct((NC * NNODE, H),
                                                   jnp.float32),
                     mesh=plsc.VectorSubcoreMesh(core_axis_name="c",
                                                 subcore_axis_name="s"),
                     scratch_types=tuple(scratch))



def _dir_body(s0r, d0r, src_r, dst_r, out):
    i = pl.program_id(0)

    @pl.when(i == 0)
    def _():
        out[...] = jnp.ones((8, 128), jnp.int32)

    hit = jnp.any((src_r[...] == d0r[0, 0]) & (dst_r[...] == s0r[0, 0]))

    @pl.when(hit)
    def _():
        out[...] = jnp.zeros((8, 128), jnp.int32)


def _directed_flag(edge_index):
    DB = 20
    src_r = edge_index[0].reshape(DB, E // DB // 128, 128)
    dst_r = edge_index[1].reshape(DB, E // DB // 128, 128)
    s0 = edge_index[0, 0].reshape(1, 1)
    d0 = edge_index[1, 0].reshape(1, 1)
    blk = pl.BlockSpec((1, E // DB // 128, 128), lambda i: (i, 0, 0))
    smem = pl.BlockSpec(memory_space=pltpu.SMEM)
    out = pl.pallas_call(
        _dir_body,
        grid=(DB,),
        in_specs=[smem, smem, blk, blk],
        out_specs=pl.BlockSpec((8, 128), lambda i: (0, 0)),
        out_shape=jax.ShapeDtypeStruct((8, 128), jnp.int32),
    )(s0, d0, src_r, dst_r)
    return out[0, :16]


def _c_body(ea, w, b, c):
    c[...] = _dot(ea[...], w[...]) + b[0]


def _prep_c(ea, wb_pairs):
    EB = 4000
    nb = E // EB
    wstack = jnp.concatenate([w for w, _ in wb_pairs], axis=0)
    bstack = jnp.stack([b.reshape(1, H) for _, b in wb_pairs], axis=0)
    return pl.pallas_call(
        _c_body,
        grid=(3 * nb,),
        in_specs=[pl.BlockSpec((EB, EF), lambda i: (i % nb, 0)),
                  pl.BlockSpec((EF, H), lambda i: (i // nb, 0)),
                  pl.BlockSpec((1, 1, H), lambda i: (i // nb, 0, 0))],
        out_specs=pl.BlockSpec((EB, H), lambda i: (i, 0)),
        out_shape=jax.ShapeDtypeStruct((3 * E, H), jnp.float32),
    )(ea, wstack, bstack)


def _hspec():
    return pl.BlockSpec((BN, H), lambda i: (i, 0))


def _wspec():
    return pl.BlockSpec((H, H), lambda i: (0, 0))


def _bspec():
    return pl.BlockSpec((1, H), lambda i: (0, 0))


def _ab_body(h, wd, ws, a, b):
    hh = h[...]
    a[...] = _dot(hh, wd[...])
    b[...] = _dot(hh, ws[...])


def _ab(h, w1):
    return pl.pallas_call(
        _ab_body,
        grid=(NNODE // BN,),
        in_specs=[_hspec(), _wspec(), _wspec()],
        out_specs=[_hspec(), _hspec()],
        out_shape=[jax.ShapeDtypeStruct((NNODE, H), jnp.float32)] * 2,
    )(h, w1[:H], w1[H:2 * H])


def _deg_dis(da, db):
    deg = (da[...] + db[...])[:, :1]
    dis = jnp.where(deg > 0, lax.rsqrt(deg), 0.0)
    return deg, dis


def _post_body(sa, sb, da, db, w2, b2, tw0, g, hs):
    deg, dis = _deg_dis(da, db)
    h1 = jnp.maximum(_dot(sa[...] + sb[...], w2[...]) + deg * b2[...], 0.0)
    g[...] = _dot(h1, tw0[...])
    hs[...] = dis * h1


def _post(sa, sb, da, db, w2, b2, tw0):
    return pl.pallas_call(
        _post_body,
        grid=(NNODE // BN,),
        in_specs=[_hspec()] * 4 + [_wspec(), _bspec(), _wspec()],
        out_specs=[_hspec(), _hspec()],
        out_shape=[jax.ShapeDtypeStruct((NNODE, H), jnp.float32)] * 2,
    )(sa, sb, da, db, w2, b2.reshape(1, H), tw0)


def _mid_body(pa, pb, da, db, tw1, term, hs2):
    _, dis = _deg_dis(da, db)
    hp = dis * (pa[...] + pb[...])
    term[...] = _dot(hp, tw1[...])
    hs2[...] = dis * hp


def _mid(pa, pb, da, db, tw1):
    return pl.pallas_call(
        _mid_body,
        grid=(NNODE // BN,),
        in_specs=[_hspec()] * 4 + [_wspec()],
        out_specs=[_hspec(), _hspec()],
        out_shape=[jax.ShapeDtypeStruct((NNODE, H), jnp.float32)] * 2,
    )(pa, pb, da, db, tw1)


def _tagfin_body(pa, pb, da, db, g, term, tw2, tb, wd, ws, a, b):
    _, dis = _deg_dis(da, db)
    hp = dis * (pa[...] + pb[...])
    ht = jnp.maximum(g[...] + term[...] + _dot(hp, tw2[...]) + tb[...], 0.0)
    a[...] = _dot(ht, wd[...])
    b[...] = _dot(ht, ws[...])


def _tagfin(pa, pb, da, db, g, term, tw2, tb, w1_next):
    return pl.pallas_call(
        _tagfin_body,
        grid=(NNODE // BN,),
        in_specs=[_hspec()] * 6 + [_wspec(), _bspec(), _wspec(), _wspec()],
        out_specs=[_hspec(), _hspec()],
        out_shape=[jax.ShapeDtypeStruct((NNODE, H), jnp.float32)] * 2,
    )(pa, pb, da, db, g, term, tw2, tb.reshape(1, H), w1_next[:H],
      w1_next[H:2 * H])


def _final_body(sa, sb, da, db, w2, b2, out):
    deg, _ = _deg_dis(da, db)
    out[...] = _dot(sa[...] + sb[...], w2[...]) + deg * b2[...]


def _final(sa, sb, da, db, w2, b2):
    return pl.pallas_call(
        _final_body,
        grid=(NNODE // BN,),
        in_specs=[_hspec()] * 4 + [_wspec(), _bspec()],
        out_specs=_hspec(),
        out_shape=jax.ShapeDtypeStruct((NNODE, H), jnp.float32),
    )(sa, sb, da, db, w2, b2.reshape(1, H))



def kernel(x, edge_index, edge_attr,
           l0_w1, l0_b1, l0_w2, l0_b2,
           t1_w0, t1_w1, t1_w2, t1_b,
           l2_w1, l2_b1, l2_w2, l2_b2,
           t3_w0, t3_w1, t3_w2, t3_b,
           l4_w1, l4_b1, l4_w2, l4_b2):
    h0 = jnp.pad(x[:, 4:4 + NF], ((0, NNODE - N), (0, 0)))

    def pad_edges(v, fill):
        return jnp.pad(v.reshape(NS, EPW), ((0, 0), (0, RPW * KB - EPW)),
                       constant_values=fill).reshape(NS, RPW, KB)

    srcm = pad_edges(edge_index[0], N)
    dstm = pad_edges(edge_index[1], N)

    m2 = _directed_flag(edge_index)
    ones_n = jnp.ones((NNODE, H), jnp.float32)
    zn = jnp.zeros((NNODE, H), jnp.float32)

    cidx_base = pad_edges(jnp.arange(E, dtype=jnp.int32), 0)
    cidx_hot = jnp.broadcast_to(jnp.arange(KB, dtype=jnp.int32),
                                (NS, RPW, KB))

    def coef(v):
        return jnp.full((16,), v, jnp.float32)

    MSG = (coef(1.0), coef(1.0), coef(1.0), coef(0.0))
    HOP = (coef(0.0), coef(0.0), coef(0.0), coef(1.0))

    cbig = _prep_c(edge_attr, [(l0_w1[2 * H:], l0_b1), (l2_w1[2 * H:], l2_b1),
                               (l4_w1[2 * H:], l4_b1)])
    a0, b0 = _ab(h0, l0_w1)

    edge_op = _make_edge_op()

    def split(p):
        return p[:NNODE], p[NNODE:]

    def st0(p, g, term, da, db):
        return (ones_n, ones_n, cidx_hot) + HOP + (g, term, da, db)

    def st1(p, g, term, da, db):
        da, db = split(p)
        return (a0, b0, cidx_base) + MSG + (g, term, da, db)

    def _post_stage(p, g, term, da, db, w2, b2, tw0):
        g, hs = _post(p[:NNODE], p[NNODE:], da, db, w2, b2, tw0)
        return (hs, hs, cidx_hot) + HOP + (g, term, da, db)

    def _mid_stage(p, g, term, da, db, tw1):
        term, hs2 = _mid(p[:NNODE], p[NNODE:], da, db, tw1)
        return (hs2, hs2, cidx_hot) + HOP + (g, term, da, db)

    def _fin_stage(p, g, term, da, db, tw2, tb, w1n, lyr):
        a, b = _tagfin(p[:NNODE], p[NNODE:], da, db, g, term, tw2, tb, w1n)
        return (a, b, cidx_base + lyr * E) + MSG + (g, term, da, db)

    branches = [
        st0,
        st1,
        lambda p, g, t, da, db: _post_stage(p, g, t, da, db, l0_w2, l0_b2,
                                            t1_w0),
        lambda p, g, t, da, db: _mid_stage(p, g, t, da, db, t1_w1),
        lambda p, g, t, da, db: _fin_stage(p, g, t, da, db, t1_w2, t1_b,
                                           l2_w1, 1),
        lambda p, g, t, da, db: _post_stage(p, g, t, da, db, l2_w2, l2_b2,
                                            t3_w0),
        lambda p, g, t, da, db: _mid_stage(p, g, t, da, db, t3_w1),
        lambda p, g, t, da, db: _fin_stage(p, g, t, da, db, t3_w2, t3_b,
                                           l4_w1, 2),
    ]

    def body(carry, i):
        p, g, term, da, db = carry
        a, b, cidx, ga, gc, al, be, g, term, da, db = lax.switch(
            i, branches, p, g, term, da, db)
        p = edge_op(a, b, cbig, srcm, dstm, cidx, m2, ga, gc, al, be)
        return (p, g, term, da, db), None

    carry0 = (jnp.zeros((NC * NNODE, H), jnp.float32), zn, zn, zn, zn)
    (p, _, _, da, db), _ = lax.scan(body, carry0,
                                    jnp.arange(8, dtype=jnp.int32))
    return _final(p[:NNODE], p[NNODE:], da, db, l4_w2, l4_b2)[:N]

# --- scband reference (transcript-rebuilt; emitter-appended) ---
"""Pipeline reference for scband-multi-mpn-5111011082634 (READ-ONLY COPY).

The authoritative reference and input builder live on the scoring server;
editing this copy changes nothing except your own understanding.
"""

import jax, jax.numpy as jnp
import numpy as np

N = 10000
E = 320000
NF = 128
EF = 16
H = 128
OUT = 128


def _init(key, shape, scale=0.05):
    return jax.random.normal(key, shape, dtype=jnp.float32) * scale


def setup_inputs(seed: int = 0) -> dict:
    key = jax.random.key(seed)
    ks = jax.random.split(key, 24)
    inp = {}
    inp["x"] = jax.random.normal(ks[0], (N, 2 * NF + 4), dtype=jnp.float32)
    inp["edge_index"] = jax.random.randint(ks[1], (2, E), 0, N, dtype=jnp.int32)
    inp["edge_attr"] = jax.random.normal(ks[2], (E, EF), dtype=jnp.float32)
    inp["l0_w1"] = _init(ks[3], (2 * NF + EF, H)); inp["l0_b1"] = jnp.zeros((H,), jnp.float32)
    inp["l0_w2"] = _init(ks[4], (H, H)); inp["l0_b2"] = jnp.zeros((H,), jnp.float32)
    inp["t1_w0"] = _init(ks[5], (H, H)); inp["t1_w1"] = _init(ks[6], (H, H)); inp["t1_w2"] = _init(ks[7], (H, H)); inp["t1_b"] = jnp.zeros((H,), jnp.float32)
    inp["l2_w1"] = _init(ks[8], (2 * H + EF, H)); inp["l2_b1"] = jnp.zeros((H,), jnp.float32)
    inp["l2_w2"] = _init(ks[9], (H, H)); inp["l2_b2"] = jnp.zeros((H,), jnp.float32)
    inp["t3_w0"] = _init(ks[10], (H, H)); inp["t3_w1"] = _init(ks[11], (H, H)); inp["t3_w2"] = _init(ks[12], (H, H)); inp["t3_b"] = jnp.zeros((H,), jnp.float32)
    inp["l4_w1"] = _init(ks[13], (2 * H + EF, H)); inp["l4_b1"] = jnp.zeros((H,), jnp.float32)
    inp["l4_w2"] = _init(ks[14], (H, OUT)); inp["l4_b2"] = jnp.zeros((OUT,), jnp.float32)
    return inp


def _edge_agg(x, src, dst, edge_attr, edge_mask, w1, b1, w2, b2, n):
    # MessagePassing(aggr='add'): message = MLP(cat([x_i, x_j, edge_attr]))
    # x_i = x[dst] (target), x_j = x[src] (source); aggregate by dst.
    # Note: norm is computed in the torch forward but unused by message(); omitted.
    m = jnp.concatenate([x[dst], x[src], edge_attr], axis=-1)
    m = jax.nn.relu(m @ w1 + b1)
    m = m @ w2 + b2
    m = m * edge_mask[:, None]
    return jax.ops.segment_sum(m, dst, num_segments=n)


def _tag(x, src, dst, edge_mask, ws, b, n):
    # PyG TAGConv with gcn_norm (no self loops): out = sum_k lin_k(A_hat^k x) + bias
    deg = jax.ops.segment_sum(edge_mask.astype(x.dtype), dst, num_segments=n)
    dis = jnp.where(deg > 0, deg ** -0.5, 0.0)
    w = dis[src] * dis[dst] * edge_mask
    out = x @ ws[0]
    h = x
    for k in range(1, len(ws)):
        h = jax.ops.segment_sum(w[:, None] * h[src], dst, num_segments=n)
        out = out + h @ ws[k]
    return out + b


def _is_directed(edge_index):
    src0 = edge_index[0, 0]
    mask = edge_index[0] == edge_index[1, 0]
    has_rev = jnp.any(jnp.where(mask, edge_index[1] == src0, False))
    return jnp.logical_not(has_rev)


def reference(x, edge_index, edge_attr, l0_w1, l0_b1, l0_w2, l0_b2, t1_w0, t1_w1, t1_w2, t1_b, l2_w1, l2_b1, l2_w2, l2_b2, t3_w0, t3_w1, t3_w2, t3_b, l4_w1, l4_b1, l4_w2, l4_b2):
    n = x.shape[0]
    directed = _is_directed(edge_index)
    e = edge_index.shape[1]
    rev = jnp.stack([edge_index[1], edge_index[0]], axis=0)
    edge_index = jnp.concatenate([edge_index, rev], axis=1)
    edge_attr = jnp.concatenate([edge_attr, edge_attr], axis=0)
    edge_mask = jnp.concatenate([
        jnp.ones((e,), x.dtype),
        jnp.where(directed, jnp.float32(1.0), jnp.float32(0.0)) * jnp.ones((e,), x.dtype),
    ], axis=0)
    src, dst = edge_index[0], edge_index[1]
    h = x[:, 4:4 + NF]
    # dropout_rate = 0.0 -> dropout is identity
    h = jax.nn.relu(_edge_agg(h, src, dst, edge_attr, edge_mask, l0_w1, l0_b1, l0_w2, l0_b2, n))
    h = jax.nn.relu(_tag(h, src, dst, edge_mask, (t1_w0, t1_w1, t1_w2), t1_b, n))
    h = jax.nn.relu(_edge_agg(h, src, dst, edge_attr, edge_mask, l2_w1, l2_b1, l2_w2, l2_b2, n))
    h = jax.nn.relu(_tag(h, src, dst, edge_mask, (t3_w0, t3_w1, t3_w2), t3_b, n))
    h = _edge_agg(h, src, dst, edge_attr, edge_mask, l4_w1, l4_b1, l4_w2, l4_b2, n)
    return h

if __name__ == "__main__":
    import jax
    _d = setup_inputs()
    print(jax.jit(kernel)(*tuple(_d.values())))

</pallas_src>

<mosaic_0001>
#map = affine_map<(d0, d1) -> (0, 0)>
#map1 = affine_map<(d0, d1) -> (0, 0, 0)>
#map2 = affine_map<(d0, d1) -> (0)>
module attributes {stable_mosaic.version = 14 : i64} {
  func.func @body(%arg0: i32, %arg1: i32, %arg2: memref<10240x128xf32, #tpu.memory_space<hbm>>, %arg3: memref<10240x128xf32, #tpu.memory_space<hbm>>, %arg4: memref<960000x128xf32, #tpu.memory_space<hbm>>, %arg5: memref<16x320x64xi32, #tpu.memory_space<hbm>>, %arg6: memref<16x320x64xi32, #tpu.memory_space<hbm>>, %arg7: memref<16x320x64xi32, #tpu.memory_space<hbm>>, %arg8: memref<16xi32, #tpu.memory_space<hbm>>, %arg9: memref<16xf32, #tpu.memory_space<hbm>>, %arg10: memref<16xf32, #tpu.memory_space<hbm>>, %arg11: memref<16xf32, #tpu.memory_space<hbm>>, %arg12: memref<16xf32, #tpu.memory_space<hbm>>, %arg13: memref<20480x128xf32, #tpu.memory_space<hbm>>, %arg14: memref<8x64xi32, #tpu.memory_space<vmem>>, %arg15: memref<8x64xi32, #tpu.memory_space<vmem>>, %arg16: memref<8x64xi32, #tpu.memory_space<vmem>>, %arg17: memref<16xi32, #tpu.memory_space<vmem>>, %arg18: memref<16xf32, #tpu.memory_space<vmem>>, %arg19: memref<16xf32, #tpu.memory_space<vmem>>, %arg20: memref<16xf32, #tpu.memory_space<vmem>>, %arg21: memref<16xf32, #tpu.memory_space<vmem>>, %arg22: memref<64x128xf32, #tpu.memory_space<vmem>>, %arg23: memref<64x128xf32, #tpu.memory_space<vmem>>, %arg24: memref<64x128xf32, #tpu.memory_space<vmem>>, %arg25: memref<64x128xf32, #tpu.memory_space<vmem>>, %arg26: memref<64x128xf32, #tpu.memory_space<vmem>>, %arg27: memref<10240x128xf32, #tpu.memory_space<vmem_shared>>, %arg28: memref<!tpu.dma_semaphore, #tpu.memory_space<semaphore_mem>>, %arg29: memref<!tpu.dma_semaphore, #tpu.memory_space<semaphore_mem>>) attributes {dimension_semantics = [#tpu.dimension_semantics<core_parallel>, #tpu.dimension_semantics<subcore_parallel>], iteration_bounds = array<i64: 2, 16>, scalar_prefetch = 0 : i64, scratch_operands = 16 : i64, tpu.core_type = #tpu.core_type<sc_vector_subcore>, window_params = [{transform_indices = #map}, {transform_indices = #map}, {transform_indices = #map}, {transform_indices = #map1}, {transform_indices = #map1}, {transform_indices = #map1}, {transform_indices = #map2}, {transform_indices = #map2}, {transform_indices = #map2}, {transform_indices = #map2}, {transform_indices = #map2}, {transform_indices = #map}]} {
    "tpu.region"() ({
      %run_scoped3A = tpu.sem_alloc : memref<!tpu.dma_semaphore, #tpu.memory_space<semaphore_mem>>
      tpu.enqueue_dma source(%arg8 : memref<16xi32, #tpu.memory_space<hbm>>) target(%arg17 : memref<16xi32, #tpu.memory_space<vmem>>) target_semaphore(%run_scoped3A : memref<!tpu.dma_semaphore, #tpu.memory_space<semaphore_mem>>)
      tpu.wait_dma2 semaphore(%run_scoped3A : memref<!tpu.dma_semaphore, #tpu.memory_space<semaphore_mem>>) src(%arg8 : memref<16xi32, #tpu.memory_space<hbm>>) dst(%arg17 : memref<16xi32, #tpu.memory_space<vmem>>)
      tpu.yield
    }) : () -> ()
    "tpu.region"() ({
      %run_scoped3A = tpu.sem_alloc : memref<!tpu.dma_semaphore, #tpu.memory_space<semaphore_mem>>
      tpu.enqueue_dma source(%arg9 : memref<16xf32, #tpu.memory_space<hbm>>) target(%arg18 : memref<16xf32, #tpu.memory_space<vmem>>) target_semaphore(%run_scoped3A : memref<!tpu.dma_semaphore, #tpu.memory_space<semaphore_mem>>)
      tpu.wait_dma2 semaphore(%run_scoped3A : memref<!tpu.dma_semaphore, #tpu.memory_space<semaphore_mem>>) src(%arg9 : memref<16xf32, #tpu.memory_space<hbm>>) dst(%arg18 : memref<16xf32, #tpu.memory_space<vmem>>)
      tpu.yield
    }) : () -> ()
    "tpu.region"() ({
      %run_scoped3A = tpu.sem_alloc : memref<!tpu.dma_semaphore, #tpu.memory_space<semaphore_mem>>
      tpu.enqueue_dma source(%arg10 : memref<16xf32, #tpu.memory_space<hbm>>) target(%arg19 : memref<16xf32, #tpu.memory_space<vmem>>) target_semaphore(%run_scoped3A : memref<!tpu.dma_semaphore, #tpu.memory_space<semaphore_mem>>)
      tpu.wait_dma2 semaphore(%run_scoped3A : memref<!tpu.dma_semaphore, #tpu.memory_space<semaphore_mem>>) src(%arg10 : memref<16xf32, #tpu.memory_space<hbm>>) dst(%arg19 : memref<16xf32, #tpu.memory_space<vmem>>)
      tpu.yield
    }) : () -> ()
    "tpu.region"() ({
      %run_scoped3A = tpu.sem_alloc : memref<!tpu.dma_semaphore, #tpu.memory_space<semaphore_mem>>
      tpu.enqueue_dma source(%arg11 : memref<16xf32, #tpu.memory_space<hbm>>) target(%arg20 : memref<16xf32, #tpu.memory_space<vmem>>) target_semaphore(%run_scoped3A : memref<!tpu.dma_semaphore, #tpu.memory_space<semaphore_mem>>)
      tpu.wait_dma2 semaphore(%run_scoped3A : memref<!tpu.dma_semaphore, #tpu.memory_space<semaphore_mem>>) src(%arg11 : memref<16xf32, #tpu.memory_space<hbm>>) dst(%arg20 : memref<16xf32, #tpu.memory_space<vmem>>)
      tpu.yield
    }) : () -> ()
    "tpu.region"() ({
      %run_scoped3A = tpu.sem_alloc : memref<!tpu.dma_semaphore, #tpu.memory_space<semaphore_mem>>
      tpu.enqueue_dma source(%arg12 : memref<16xf32, #tpu.memory_space<hbm>>) target(%arg21 : memref<16xf32, #tpu.memory_space<vmem>>) target_semaphore(%run_scoped3A : memref<!tpu.dma_semaphore, #tpu.memory_space<semaphore_mem>>)
      tpu.wait_dma2 semaphore(%run_scoped3A : memref<!tpu.dma_semaphore, #tpu.memory_space<semaphore_mem>>) src(%arg12 : memref<16xf32, #tpu.memory_space<hbm>>) dst(%arg21 : memref<16xf32, #tpu.memory_space<vmem>>)
      tpu.yield
    }) : () -> ()
    %scan3A = arith.constant 0 : i32
    %scan3A_0 = arith.constant 0 : i32
    %scan3A_1 = arith.constant 64 : i32
    %scan3A_2 = arith.addi %scan3A_0, %scan3A_1 : i32
    %scan3A_3 = arith.constant 1 : i32
    scf.for %scan3A_298 = %scan3A_0 to %scan3A_2 step %scan3A_3  : i32 {
      %broadcast_in_dim3A_299 = arith.constant 0.000000e+00 : f32
      %broadcast_in_dim3A_300 = vector.broadcast %broadcast_in_dim3A_299 : f32 to vector<16xf32>
      %swap3A = arith.index_cast %scan3A_298 : i32 to index
      %swap3A_301 = arith.constant 0 : index
      %swap3A_302 = tpu.vector_load %arg25[%swap3A, %swap3A_301] {strides = array<i32>} : memref<64x128xf32, #tpu.memory_space<vmem>>, vector<1x16xf32>,
      %swap3A_303 = vector.shape_cast %swap3A_302 : vector<1x16xf32> to vector<16xf32>
      %swap3A_304 = vector.shape_cast %broadcast_in_dim3A_300 : vector<16xf32> to vector<1x16xf32>
      tpu.vector_store %arg25[%swap3A, %swap3A_301], %swap3A_304 {strides = array<i32>} : memref<64x128xf32, #tpu.memory_space<vmem>>, vector<1x16xf32>,
      %broadcast_in_dim3A_305 = arith.constant 0.000000e+00 : f32
      %broadcast_in_dim3A_306 = vector.broadcast %broadcast_in_dim3A_305 : f32 to vector<16xf32>
      %swap3A_307 = arith.index_cast %scan3A_298 : i32 to index
      %swap3A_308 = arith.constant 16 : index
      %swap3A_309 = tpu.vector_load %arg25[%swap3A_307, %swap3A_308] {strides = array<i32>} : memref<64x128xf32, #tpu.memory_space<vmem>>, vector<1x16xf32>,
      %swap3A_310 = vector.shape_cast %swap3A_309 : vector<1x16xf32> to vector<16xf32>
      %swap3A_311 = vector.shape_cast %broadcast_in_dim3A_306 : vector<16xf32> to vector<1x16xf32>
      tpu.vector_store %arg25[%swap3A_307, %swap3A_308], %swap3A_311 {strides = array<i32>} : memref<64x128xf32, #tpu.memory_space<vmem>>, vector<1x16xf32>,
      %broadcast_in_dim3A_312 = arith.constant 0.000000e+00 : f32
      %broadcast_in_dim3A_313 = vector.broadcast %broadcast_in_dim3A_312 : f32 to vector<16xf32>
      %swap3A_314 = arith.index_cast %scan3A_298 : i32 to index
      %swap3A_315 = arith.constant 32 : index
      %swap3A_316 = tpu.vector_load %arg25[%swap3A_314, %swap3A_315] {strides = array<i32>} : memref<64x128xf32, #tpu.memory_space<vmem>>, vector<1x16xf32>,
      %swap3A_317 = vector.shape_cast %swap3A_316 : vector<1x16xf32> to vector<16xf32>
      %swap3A_318 = vector.shape_cast %broadcast_in_dim3A_313 : vector<16xf32> to vector<1x16xf32>
      tpu.vector_store %arg25[%swap3A_314, %swap3A_315], %swap3A_318 {strides = array<i32>} : memref<64x128xf32, #tpu.memory_space<vmem>>, vector<1x16xf32>,
      %broadcast_in_dim3A_319 = arith.constant 0.000000e+00 : f32
      %broadcast_in_dim3A_320 = vector.broadcast %broadcast_in_dim3A_319 : f32 to vector<16xf32>
      %swap3A_321 = arith.index_cast %scan3A_298 : i32 to index
      %swap3A_322 = arith.constant 48 : index
      %swap3A_323 = tpu.vector_load %arg25[%swap3A_321, %swap3A_322] {strides = array<i32>} : memref<64x128xf32, #tpu.memory_space<vmem>>, vector<1x16xf32>,
      %swap3A_324 = vector.shape_cast %swap3A_323 : vector<1x16xf32> to vector<16xf32>
      %swap3A_325 = vector.shape_cast %broadcast_in_dim3A_320 : vector<16xf32> to vector<1x16xf32>
      tpu.vector_store %arg25[%swap3A_321, %swap3A_322], %swap3A_325 {strides = array<i32>} : memref<64x128xf32, #tpu.memory_space<vmem>>, vector<1x16xf32>,
      %broadcast_in_dim3A_326 = arith.constant 0.000000e+00 : f32
      %broadcast_in_dim3A_327 = vector.broadcast %broadcast_in_dim3A_326 : f32 to vector<16xf32>
      %swap3A_328 = arith.index_cast %scan3A_298 : i32 to index
      %swap3A_329 = arith.constant 64 : index
      %swap3A_330 = tpu.vector_load %arg25[%swap3A_328, %swap3A_329] {strides = array<i32>} : memref<64x128xf32, #tpu.memory_space<vmem>>, vector<1x16xf32>,
      %swap3A_331 = vector.shape_cast %swap3A_330 : vector<1x16xf32> to vector<16xf32>
      %swap3A_332 = vector.shape_cast %broadcast_in_dim3A_327 : vector<16xf32> to vector<1x16xf32>
      tpu.vector_store %arg25[%swap3A_328, %swap3A_329], %swap3A_332 {strides = array<i32>} : memref<64x128xf32, #tpu.memory_space<vmem>>, vector<1x16xf32>,
      %broadcast_in_dim3A_333 = arith.constant 0.000000e+00 : f32
      %broadcast_in_dim3A_334 = vector.broadcast %broadcast_in_dim3A_333 : f32 to vector<16xf32>
      %swap3A_335 = arith.index_cast %scan3A_298 : i32 to index
      %swap3A_336 = arith.constant 80 : index
      %swap3A_337 = tpu.vector_load %arg25[%swap3A_335, %swap3A_336] {strides = array<i32>} : memref<64x128xf32, #tpu.memory_space<vmem>>, vector<1x16xf32>,
      %swap3A_338 = vector.shape_cast %swap3A_337 : vector<1x16xf32> to vector<16xf32>
      %swap3A_339 = vector.shape_cast %broadcast_in_dim3A_334 : vector<16xf32> to vector<1x16xf32>
      tpu.vector_store %arg25[%swap3A_335, %swap3A_336], %swap3A_339 {strides = array<i32>} : memref<64x128xf32, #tpu.memory_space<vmem>>, vector<1x16xf32>,
      %broadcast_in_dim3A_340 = arith.constant 0.000000e+00 : f32
      %broadcast_in_dim3A_341 = vector.broadcast %broadcast_in_dim3A_340 : f32 to vector<16xf32>
      %swap3A_342 = arith.index_cast %scan3A_298 : i32 to index
      %swap3A_343 = arith.constant 96 : index
      %swap3A_344 = tpu.vector_load %arg25[%swap3A_342, %swap3A_343] {strides = array<i32>} : memref<64x128xf32, #tpu.memory_space<vmem>>, vector<1x16xf32>,
      %swap3A_345 = vector.shape_cast %swap3A_344 : vector<1x16xf32> to vector<16xf32>
      %swap3A_346 = vector.shape_cast %broadcast_in_dim3A_341 : vector<16xf32> to vector<1x16xf32>
      tpu.vector_store %arg25[%swap3A_342, %swap3A_343], %swap3A_346 {strides = array<i32>} : memref<64x128xf32, #tpu.memory_space<vmem>>, vector<1x16xf32>,
      %broadcast_in_dim3A_347 = arith.constant 0.000000e+00 : f32
      %broadcast_in_dim3A_348 = vector.broadcast %broadcast_in_dim3A_347 : f32 to vector<16xf32>
      %swap3A_349 = arith.index_cast %scan3A_298 : i32 to index
      %swap3A_350 = arith.constant 112 : index
      %swap3A_351 = tpu.vector_load %arg25[%swap3A_349, %swap3A_350] {strides = array<i32>} : memref<64x128xf32, #tpu.memory_space<vmem>>, vector<1x16xf32>,
      %swap3A_352 = vector.shape_cast %swap3A_351 : vector<1x16xf32> to vector<16xf32>
      %swap3A_353 = vector.shape_cast %broadcast_in_dim3A_348 : vector<16xf32> to vector<1x16xf32>
      tpu.vector_store %arg25[%swap3A_349, %swap3A_350], %swap3A_353 {strides = array<i32>} : memref<64x128xf32, #tpu.memory_space<vmem>>, vector<1x16xf32>,
    }
    %scan3A_4 = arith.constant 64 : i32
    %add3A = arith.constant 0 : i32
    %add3A_5 = arith.addi %arg1, %add3A : i32
    %mul3A = arith.constant 64 : i32
    %mul3A_6 = arith.muli %add3A_5, %mul3A : i32
    %dma_start3A = arith.constant 0 : i32
    %dma_start3A_7 = tpu.memref_slice %arg27[%mul3A_6, %dma_start3A] : memref<10240x128xf32, #tpu.memory_space<vmem_shared>> -> memref<64x128xf32, #tpu.memory_space<vmem_shared>>
    %dma_start3A_8 = arith.constant 0 : i32
    %dma_start3A_9 = tpu.memref_slice %arg27[%mul3A_6, %dma_start3A_8] : memref<10240x128xf32, #tpu.memory_space<vmem_shared>> -> memref<64x128xf32, #tpu.memory_space<vmem_shared>>
    tpu.enqueue_dma source(%arg25 : memref<64x128xf32, #tpu.memory_space<vmem>>) target(%dma_start3A_9 : memref<64x128xf32, #tpu.memory_space<vmem_shared>>) target_semaphore(%arg28 : memref<!tpu.dma_semaphore, #tpu.memory_space<semaphore_mem>>)
    %add3A_10 = arith.constant 16 : i32
    %add3A_11 = arith.addi %arg1, %add3A_10 : i32
    %mul3A_12 = arith.constant 64 : i32
    %mul3A_13 = arith.muli %add3A_11, %mul3A_12 : i32
    %dma_start3A_14 = arith.constant 0 : i32
    %dma_start3A_15 = tpu.memref_slice %arg27[%mul3A_13, %dma_start3A_14] : memref<10240x128xf32, #tpu.memory_space<vmem_shared>> -> memref<64x128xf32, #tpu.memory_space<vmem_shared>>
    %dma_start3A_16 = arith.constant 0 : i32
    %dma_start3A_17 = tpu.memref_slice %arg27[%mul3A_13, %dma_start3A_16] : memref<10240x128xf32, #tpu.memory_space<vmem_shared>> -> memref<64x128xf32, #tpu.memory_space<vmem_shared>>
    tpu.enqueue_dma source(%arg25 : memref<64x128xf32, #tpu.memory_space<vmem>>) target(%dma_start3A_17 : memref<64x128xf32, #tpu.memory_space<vmem_shared>>) target_semaphore(%arg28 : memref<!tpu.dma_semaphore, #tpu.memory_space<semaphore_mem>>)
    %add3A_18 = arith.constant 32 : i32
    %add3A_19 = arith.addi %arg1, %add3A_18 : i32
    %mul3A_20 = arith.constant 64 : i32
    %mul3A_21 = arith.muli %add3A_19, %mul3A_20 : i32
    %dma_start3A_22 = arith.constant 0 : i32
    %dma_start3A_23 = tpu.memref_slice %arg27[%mul3A_21, %dma_start3A_22] : memref<10240x128xf32, #tpu.memory_space<vmem_shared>> -> memref<64x128xf32, #tpu.memory_space<vmem_shared>>
    %dma_start3A_24 = arith.constant 0 : i32
    %dma_start3A_25 = tpu.memref_slice %arg27[%mul3A_21, %dma_start3A_24] : memref<10240x128xf32, #tpu.memory_space<vmem_shared>> -> memref<64x128xf32, #tpu.memory_space<vmem_shared>>
    tpu.enqueue_dma source(%arg25 : memref<64x128xf32, #tpu.memory_space<vmem>>) target(%dma_start3A_25 : memref<64x128xf32, #tpu.memory_space<vmem_shared>>) target_semaphore(%arg28 : memref<!tpu.dma_semaphore, #tpu.memory_space<semaphore_mem>>)
    %add3A_26 = arith.constant 48 : i32
    %add3A_27 = arith.addi %arg1, %add3A_26 : i32
    %mul3A_28 = arith.constant 64 : i32
    %mul3A_29 = arith.muli %add3A_27, %mul3A_28 : i32
    %dma_start3A_30 = arith.constant 0 : i32
    %dma_start3A_31 = tpu.memref_slice %arg27[%mul3A_29, %dma_start3A_30] : memref<10240x128xf32, #tpu.memory_space<vmem_shared>> -> memref<64x128xf32, #tpu.memory_space<vmem_shared>>
    %dma_start3A_32 = arith.constant 0 : i32
    %dma_start3A_33 = tpu.memref_slice %arg27[%mul3A_29, %dma_start3A_32] : memref<10240x128xf32, #tpu.memory_space<vmem_shared>> -> memref<64x128xf32, #tpu.memory_space<vmem_shared>>
    tpu.enqueue_dma source(%arg25 : memref<64x128xf32, #tpu.memory_space<vmem>>) target(%dma_start3A_33 : memref<64x128xf32, #tpu.memory_space<vmem_shared>>) target_semaphore(%arg28 : memref<!tpu.dma_semaphore, #tpu.memory_space<semaphore_mem>>)
    %add3A_34 = arith.constant 64 : i32
    %add3A_35 = arith.addi %arg1, %add3A_34 : i32
    %mul3A_36 = arith.constant 64 : i32
    %mul3A_37 = arith.muli %add3A_35, %mul3A_36 : i32
    %dma_start3A_38 = arith.constant 0 : i32
    %dma_start3A_39 = tpu.memref_slice %arg27[%mul3A_37, %dma_start3A_38] : memref<10240x128xf32, #tpu.memory_space<vmem_shared>> -> memref<64x128xf32, #tpu.memory_space<vmem_shared>>
    %dma_start3A_40 = arith.constant 0 : i32
    %dma_start3A_41 = tpu.memref_slice %arg27[%mul3A_37, %dma_start3A_40] : memref<10240x128xf32, #tpu.memory_space<vmem_shared>> -> memref<64x128xf32, #tpu.memory_space<vmem_shared>>
    tpu.enqueue_dma source(%arg25 : memref<64x128xf32, #tpu.memory_space<vmem>>) target(%dma_start3A_41 : memref<64x128xf32, #tpu.memory_space<vmem_shared>>) target_semaphore(%arg28 : memref<!tpu.dma_semaphore, #tpu.memory_space<semaphore_mem>>)
    %add3A_42 = arith.constant 80 : i32
    %add3A_43 = arith.addi %arg1, %add3A_42 : i32
    %mul3A_44 = arith.constant 64 : i32
    %mul3A_45 = arith.muli %add3A_43, %mul3A_44 : i32
    %dma_start3A_46 = arith.constant 0 : i32
    %dma_start3A_47 = tpu.memref_slice %arg27[%mul3A_45, %dma_start3A_46] : memref<10240x128xf32, #tpu.memory_space<vmem_shared>> -> memref<64x128xf32, #tpu.memory_space<vmem_shared>>
    %dma_start3A_48 = arith.constant 0 : i32
    %dma_start3A_49 = tpu.memref_slice %arg27[%mul3A_45, %dma_start3A_48] : memref<10240x128xf32, #tpu.memory_space<vmem_shared>> -> memref<64x128xf32, #tpu.memory_space<vmem_shared>>
    tpu.enqueue_dma source(%arg25 : memref<64x128xf32, #tpu.memory_space<vmem>>) target(%dma_start3A_49 : memref<64x128xf32, #tpu.memory_space<vmem_shared>>) target_semaphore(%arg28 : memref<!tpu.dma_semaphore, #tpu.memory_space<semaphore_mem>>)
    %add3A_50 = arith.constant 96 : i32
    %add3A_51 = arith.addi %arg1, %add3A_50 : i32
    %mul3A_52 = arith.constant 64 : i32
    %mul3A_53 = arith.muli %add3A_51, %mul3A_52 : i32
    %dma_start3A_54 = arith.constant 0 : i32
    %dma_start3A_55 = tpu.memref_slice %arg27[%mul3A_53, %dma_start3A_54] : memref<10240x128xf32, #tpu.memory_space<vmem_shared>> -> memref<64x128xf32, #tpu.memory_space<vmem_shared>>
    %dma_start3A_56 = arith.constant 0 : i32
    %dma_start3A_57 = tpu.memref_slice %arg27[%mul3A_53, %dma_start3A_56] : memref<10240x128xf32, #tpu.memory_space<vmem_shared>> -> memref<64x128xf32, #tpu.memory_space<vmem_shared>>
    tpu.enqueue_dma source(%arg25 : memref<64x128xf32, #tpu.memory_space<vmem>>) target(%dma_start3A_57 : memref<64x128xf32, #tpu.memory_space<vmem_shared>>) target_semaphore(%arg28 : memref<!tpu.dma_semaphore, #tpu.memory_space<semaphore_mem>>)
    %add3A_58 = arith.constant 112 : i32
    %add3A_59 = arith.addi %arg1, %add3A_58 : i32
    %mul3A_60 = arith.constant 64 : i32
    %mul3A_61 = arith.muli %add3A_59, %mul3A_60 : i32
    %dma_start3A_62 = arith.constant 0 : i32
    %dma_start3A_63 = tpu.memref_slice %arg27[%mul3A_61, %dma_start3A_62] : memref<10240x128xf32, #tpu.memory_space<vmem_shared>> -> memref<64x128xf32, #tpu.memory_space<vmem_shared>>
    %dma_start3A_64 = arith.constant 0 : i32
    %dma_start3A_65 = tpu.memref_slice %arg27[%mul3A_61, %dma_start3A_64] : memref<10240x128xf32, #tpu.memory_space<vmem_shared>> -> memref<64x128xf32, #tpu.memory_space<vmem_shared>>
    tpu.enqueue_dma source(%arg25 : memref<64x128xf32, #tpu.memory_space<vmem>>) target(%dma_start3A_65 : memref<64x128xf32, #tpu.memory_space<vmem_shared>>) target_semaphore(%arg28 : memref<!tpu.dma_semaphore, #tpu.memory_space<semaphore_mem>>)
    %add3A_66 = arith.constant 128 : i32
    %add3A_67 = arith.addi %arg1, %add3A_66 : i32
    %mul3A_68 = arith.constant 64 : i32
    %mul3A_69 = arith.muli %add3A_67, %mul3A_68 : i32
    %dma_start3A_70 = arith.constant 0 : i32
    %dma_start3A_71 = tpu.memref_slice %arg27[%mul3A_69, %dma_start3A_70] : memref<10240x128xf32, #tpu.memory_space<vmem_shared>> -> memref<64x128xf32, #tpu.memory_space<vmem_shared>>
    %dma_start3A_72 = arith.constant 0 : i32
    %dma_start3A_73 = tpu.memref_slice %arg27[%mul3A_69, %dma_start3A_72] : memref<10240x128xf32, #tpu.memory_space<vmem_shared>> -> memref<64x128xf32, #tpu.memory_space<vmem_shared>>
    tpu.enqueue_dma source(%arg25 : memref<64x128xf32, #tpu.memory_space<vmem>>) target(%dma_start3A_73 : memref<64x128xf32, #tpu.memory_space<vmem_shared>>) target_semaphore(%arg28 : memref<!tpu.dma_semaphore, #tpu.memory_space<semaphore_mem>>)
    %add3A_74 = arith.constant 144 : i32
    %add3A_75 = arith.addi %arg1, %add3A_74 : i32
    %mul3A_76 = arith.constant 64 : i32
    %mul3A_77 = arith.muli %add3A_75, %mul3A_76 : i32
    %dma_start3A_78 = arith.constant 0 : i32
    %dma_start3A_79 = tpu.memref_slice %arg27[%mul3A_77, %dma_start3A_78] : memref<10240x128xf32, #tpu.memory_space<vmem_shared>> -> memref<64x128xf32, #tpu.memory_space<vmem_shared>>
    %dma_start3A_80 = arith.constant 0 : i32
    %dma_start3A_81 = tpu.memref_slice %arg27[%mul3A_77, %dma_start3A_80] : memref<10240x128xf32, #tpu.memory_space<vmem_shared>> -> memref<64x128xf32, #tpu.memory_space<vmem_shared>>
    tpu.enqueue_dma source(%arg25 : memref<64x128xf32, #tpu.memory_space<vmem>>) target(%dma_start3A_81 : memref<64x128xf32, #tpu.memory_space<vmem_shared>>) target_semaphore(%arg28 : memref<!tpu.dma_semaphore, #tpu.memory_space<semaphore_mem>>)
    %dma_wait3A = arith.constant 0 : i32
    %dma_wait3A_82 = tpu.memref_slice %arg27[%mul3A_6, %dma_wait3A] : memref<10240x128xf32, #tpu.memory_space<vmem_shared>> -> memref<64x128xf32, #tpu.memory_space<vmem_shared>>
    %dma_wait3A_83 = arith.constant 0 : i32
    %dma_wait3A_84 = tpu.memref_slice %arg27[%mul3A_6, %dma_wait3A_83] : memref<10240x128xf32, #tpu.memory_space<vmem_shared>> -> memref<64x128xf32, #tpu.memory_space<vmem_shared>>
    tpu.wait_dma2 semaphore(%arg28 : memref<!tpu.dma_semaphore, #tpu.memory_space<semaphore_mem>>) src(%arg25 : memref<64x128xf32, #tpu.memory_space<vmem>>) dst(%dma_wait3A_84 : memref<64x128xf32, #tpu.memory_space<vmem_shared>>)
    %dma_wait3A_85 = arith.constant 0 : i32
    %dma_wait3A_86 = tpu.memref_slice %arg27[%mul3A_13, %dma_wait3A_85] : memref<10240x128xf32, #tpu.memory_space<vmem_shared>> -> memref<64x128xf32, #tpu.memory_space<vmem_shared>>
    %dma_wait3A_87 = arith.constant 0 : i32
    %dma_wait3A_88 = tpu.memref_slice %arg27[%mul3A_13, %dma_wait3A_87] : memref<10240x128xf32, #tpu.memory_space<vmem_shared>> -> memref<64x128xf32, #tpu.memory_space<vmem_shared>>
    tpu.wait_dma2 semaphore(%arg28 : memref<!tpu.dma_semaphore, #tpu.memory_space<semaphore_mem>>) src(%arg25 : memref<64x128xf32, #tpu.memory_space<vmem>>) dst(%dma_wait3A_88 : memref<64x128xf32, #tpu.memory_space<vmem_shared>>)
    %dma_wait3A_89 = arith.constant 0 : i32
    %dma_wait3A_90 = tpu.memref_slice %arg27[%mul3A_21, %dma_wait3A_89] : memref<10240x128xf32, #tpu.memory_space<vmem_shared>> -> memref<64x128xf32, #tpu.memory_space<vmem_shared>>
    %dma_wait3A_91 = arith.constant 0 : i32
    %dma_wait3A_92 = tpu.memref_slice %arg27[%mul3A_21, %dma_wait3A_91] : memref<10240x128xf32, #tpu.memory_space<vmem_shared>> -> memref<64x128xf32, #tpu.memory_space<vmem_shared>>
    tpu.wait_dma2 semaphore(%arg28 : memref<!tpu.dma_semaphore, #tpu.memory_space<semaphore_mem>>) src(%arg25 : memref<64x128xf32, #tpu.memory_space<vmem>>) dst(%dma_wait3A_92 : memref<64x128xf32, #tpu.memory_space<vmem_shared>>)
    %dma_wait3A_93 = arith.constant 0 : i32
    %dma_wait3A_94 = tpu.memref_slice %arg27[%mul3A_29, %dma_wait3A_93] : memref<10240x128xf32, #tpu.memory_space<vmem_shared>> -> memref<64x128xf32, #tpu.memory_space<vmem_shared>>
    %dma_wait3A_95 = arith.constant 0 : i32
    %dma_wait3A_96 = tpu.memref_slice %arg27[%mul3A_29, %dma_wait3A_95] : memref<10240x128xf32, #tpu.memory_space<vmem_shared>> -> memref<64x128xf32, #tpu.memory_space<vmem_shared>>
    tpu.wait_dma2 semaphore(%arg28 : memref<!tpu.dma_semaphore, #tpu.memory_space<semaphore_mem>>) src(%arg25 : memref<64x128xf32, #tpu.memory_space<vmem>>) dst(%dma_wait3A_96 : memref<64x128xf32, #tpu.memory_space<vmem_shared>>)
    %dma_wait3A_97 = arith.constant 0 : i32
    %dma_wait3A_98 = tpu.memref_slice %arg27[%mul3A_37, %dma_wait3A_97] : memref<10240x128xf32, #tpu.memory_space<vmem_shared>> -> memref<64x128xf32, #tpu.memory_space<vmem_shared>>
    %dma_wait3A_99 = arith.constant 0 : i32
    %dma_wait3A_100 = tpu.memref_slice %arg27[%mul3A_37, %dma_wait3A_99] : memref<10240x128xf32, #tpu.memory_space<vmem_shared>> -> memref<64x128xf32, #tpu.memory_space<vmem_shared>>
    tpu.wait_dma2 semaphore(%arg28 : memref<!tpu.dma_semaphore, #tpu.memory_space<semaphore_mem>>) src(%arg25 : memref<64x128xf32, #tpu.memory_space<vmem>>) dst(%dma_wait3A_100 : memref<64x128xf32, #tpu.memory_space<vmem_shared>>)
    %dma_wait3A_101 = arith.constant 0 : i32
    %dma_wait3A_102 = tpu.memref_slice %arg27[%mul3A_45, %dma_wait3A_101] : memref<10240x128xf32, #tpu.memory_space<vmem_shared>> -> memref<64x128xf32, #tpu.memory_space<vmem_shared>>
    %dma_wait3A_103 = arith.constant 0 : i32
    %dma_wait3A_104 = tpu.memref_slice %arg27[%mul3A_45, %dma_wait3A_103] : memref<10240x128xf32, #tpu.memory_space<vmem_shared>> -> memref<64x128xf32, #tpu.memory_space<vmem_shared>>
    tpu.wait_dma2 semaphore(%arg28 : memref<!tpu.dma_semaphore, #tpu.memory_space<semaphore_mem>>) src(%arg25 : memref<64x128xf32, #tpu.memory_space<vmem>>) dst(%dma_wait3A_104 : memref<64x128xf32, #tpu.memory_space<vmem_shared>>)
    %dma_wait3A_105 = arith.constant 0 : i32
    %dma_wait3A_106 = tpu.memref_slice %arg27[%mul3A_53, %dma_wait3A_105] : memref<10240x128xf32, #tpu.memory_space<vmem_shared>> -> memref<64x128xf32, #tpu.memory_space<vmem_shared>>
    %dma_wait3A_107 = arith.constant 0 : i32
    %dma_wait3A_108 = tpu.memref_slice %arg27[%mul3A_53, %dma_wait3A_107] : memref<10240x128xf32, #tpu.memory_space<vmem_shared>> -> memref<64x128xf32, #tpu.memory_space<vmem_shared>>
    tpu.wait_dma2 semaphore(%arg28 : memref<!tpu.dma_semaphore, #tpu.memory_space<semaphore_mem>>) src(%arg25 : memref<64x128xf32, #tpu.memory_space<vmem>>) dst(%dma_wait3A_108 : memref<64x128xf32, #tpu.memory_space<vmem_shared>>)
    %dma_wait3A_109 = arith.constant 0 : i32
    %dma_wait3A_110 = tpu.memref_slice %arg27[%mul3A_61, %dma_wait3A_109] : memref<10240x128xf32, #tpu.memory_space<vmem_shared>> -> memref<64x128xf32, #tpu.memory_space<vmem_shared>>
    %dma_wait3A_111 = arith.constant 0 : i32
    %dma_wait3A_112 = tpu.memref_slice %arg27[%mul3A_61, %dma_wait3A_111] : memref<10240x128xf32, #tpu.memory_space<vmem_shared>> -> memref<64x128xf32, #tpu.memory_space<vmem_shared>>
    tpu.wait_dma2 semaphore(%arg28 : memref<!tpu.dma_semaphore, #tpu.memory_space<semaphore_mem>>) src(%arg25 : memref<64x128xf32, #tpu.memory_space<vmem>>) dst(%dma_wait3A_112 : memref<64x128xf32, #tpu.memory_space<vmem_shared>>)
    %dma_wait3A_113 = arith.constant 0 : i32
    %dma_wait3A_114 = tpu.memref_slice %arg27[%mul3A_69, %dma_wait3A_113] : memref<10240x128xf32, #tpu.memory_space<vmem_shared>> -> memref<64x128xf32, #tpu.memory_space<vmem_shared>>
    %dma_wait3A_115 = arith.constant 0 : i32
    %dma_wait3A_116 = tpu.memref_slice %arg27[%mul3A_69, %dma_wait3A_115] : memref<10240x128xf32, #tpu.memory_space<vmem_shared>> -> memref<64x128xf32, #tpu.memory_space<vmem_shared>>
    tpu.wait_dma2 semaphore(%arg28 : memref<!tpu.dma_semaphore, #tpu.memory_space<semaphore_mem>>) src(%arg25 : memref<64x128xf32, #tpu.memory_space<vmem>>) dst(%dma_wait3A_116 : memref<64x128xf32, #tpu.memory_space<vmem_shared>>)
    %dma_wait3A_117 = arith.constant 0 : i32
    %dma_wait3A_118 = tpu.memref_slice %arg27[%mul3A_77, %dma_wait3A_117] : memref<10240x128xf32, #tpu.memory_space<vmem_shared>> -> memref<64x128xf32, #tpu.memory_space<vmem_shared>>
    %dma_wait3A_119 = arith.constant 0 : i32
    %dma_wait3A_120 = tpu.memref_slice %arg27[%mul3A_77, %dma_wait3A_119] : memref<10240x128xf32, #tpu.memory_space<vmem_shared>> -> memref<64x128xf32, #tpu.memory_space<vmem_shared>>
    tpu.wait_dma2 semaphore(%arg28 : memref<!tpu.dma_semaphore, #tpu.memory_space<semaphore_mem>>) src(%arg25 : memref<64x128xf32, #tpu.memory_space<vmem>>) dst(%dma_wait3A_120 : memref<64x128xf32, #tpu.memory_space<vmem_shared>>)
    %eq3A = arith.constant 0 : i32
    %eq3A_121 = arith.cmpi eq, %arg0, %eq3A : i32
    %convert_element_type3A = arith.extui %eq3A_121 : i1 to i32
    %get3A = arith.constant 0 : index
    %get3A_122 = tpu.vector_load %arg17[%get3A] {strides = array<i32>} : memref<16xi32, #tpu.memory_space<vmem>>, vector<16xi32>,
    %get3A_123 = vector.shape_cast %get3A_122 : vector<16xi32> to vector<16xi32>
    %broadcast_in_dim3A = vector.broadcast %convert_element_type3A : i32 to vector<16xi32>
    %max3A = arith.maxsi %get3A_123, %broadcast_in_dim3A : vector<16xi32>
    %sub3A = arith.constant 1 : i32
    %sub3A_124 = vector.broadcast %sub3A : i32 to vector<16xi32>
    %sub3A_125 = arith.subi %sub3A_124, %max3A : vector<16xi32>
    %mul3A_126 = arith.constant 10000 : i32
    %mul3A_127 = vector.broadcast %mul3A_126 : i32 to vector<16xi32>
    %mul3A_128 = arith.muli %sub3A_125, %mul3A_127 : vector<16xi32>
    %barrier3A = arith.constant 0 : index
    tpu.barrier barrier_id(%barrier3A)
    %get3A_129 = arith.constant 0 : index
    %get3A_130 = tpu.vector_load %arg18[%get3A_129] {strides = array<i32>} : memref<16xf32, #tpu.memory_space<vmem>>, vector<16xf32>,
    %get3A_131 = vector.shape_cast %get3A_130 : vector<16xf32> to vector<16xf32>
    %get3A_132 = arith.constant 0 : index
    %get3A_133 = tpu.vector_load %arg19[%get3A_132] {strides = array<i32>} : memref<16xf32, #tpu.memory_space<vmem>>, vector<16xf32>,
    %get3A_134 = vector.shape_cast %get3A_133 : vector<16xf32> to vector<16xf32>
    %get3A_135 = arith.constant 0 : index
    %get3A_136 = tpu.vector_load %arg20[%get3A_135] {strides = array<i32>} : memref<16xf32, #tpu.memory_space<vmem>>, vector<16xf32>,
    %get3A_137 = vector.shape_cast %get3A_136 : vector<16xf32> to vector<16xf32>
    %get3A_138 = arith.constant 0 : index
    %get3A_139 = tpu.vector_load %arg21[%get3A_138] {strides = array<i32>} : memref<16xf32, #tpu.memory_space<vmem>>, vector<16xf32>,
    %get3A_140 = vector.shape_cast %get3A_139 : vector<16xf32> to vector<16xf32>
    %scan3A_141 = arith.constant 0 : i32
    %scan3A_142 = arith.constant 0 : i32
    %scan3A_143 = arith.constant 40 : i32
    %scan3A_144 = arith.addi %scan3A_142, %scan3A_143 : i32
    %scan3A_145 = arith.constant 1 : i32
    scf.for %scan3A_298 = %scan3A_142 to %scan3A_144 step %scan3A_145  : i32 {
      %mul3A_299 = arith.constant 8 : i32
      %mul3A_300 = arith.muli %scan3A_298, %mul3A_299 : i32
      %eq3A_301 = arith.constant 0 : i32
      %eq3A_302 = arith.cmpi eq, %arg0, %eq3A_301 : i32
      %convert_element_type3A_303 = arith.extui %eq3A_302 : i1 to i32
      %cond3A = arith.constant 0 : i32
      %cond3A_304 = arith.cmpi ne, %convert_element_type3A_303, %cond3A : i32
      scf.if %cond3A_304 {
        %dma_start3A_835 = arith.constant 0 : i32
        %dma_start3A_836 = tpu.memref_slice %arg5[%arg1, %mul3A_300, %dma_start3A_835] : memref<16x320x64xi32, #tpu.memory_space<hbm>> -> memref<1x8x64xi32, #tpu.memory_space<hbm>>
        %dma_start3A_837 = tpu.memref_squeeze %dma_start3A_836 : memref<1x8x64xi32, #tpu.memory_space<hbm>> -> memref<8x64xi32, #tpu.memory_space<hbm>>
        %dma_start3A_838 = arith.constant 0 : i32
        %dma_start3A_839 = tpu.memref_slice %arg5[%arg1, %mul3A_300, %dma_start3A_838] : memref<16x320x64xi32, #tpu.memory_space<hbm>> -> memref<1x8x64xi32, #tpu.memory_space<hbm>>
        %dma_start3A_840 = tpu.memref_squeeze %dma_start3A_839 : memref<1x8x64xi32, #tpu.memory_space<hbm>> -> memref<8x64xi32, #tpu.memory_space<hbm>>
        tpu.enqueue_dma source(%dma_start3A_840 : memref<8x64xi32, #tpu.memory_space<hbm>>) target(%arg14 : memref<8x64xi32, #tpu.memory_space<vmem>>) target_semaphore(%arg28 : memref<!tpu.dma_semaphore, #tpu.memory_space<semaphore_mem>>)
        %dma_start3A_841 = arith.constant 0 : i32
        %dma_start3A_842 = tpu.memref_slice %arg6[%arg1, %mul3A_300, %dma_start3A_841] : memref<16x320x64xi32, #tpu.memory_space<hbm>> -> memref<1x8x64xi32, #tpu.memory_space<hbm>>
        %dma_start3A_843 = tpu.memref_squeeze %dma_start3A_842 : memref<1x8x64xi32, #tpu.memory_space<hbm>> -> memref<8x64xi32, #tpu.memory_space<hbm>>
        %dma_start3A_844 = arith.constant 0 : i32
        %dma_start3A_845 = tpu.memref_slice %arg6[%arg1, %mul3A_300, %dma_start3A_844] : memref<16x320x64xi32, #tpu.memory_space<hbm>> -> memref<1x8x64xi32, #tpu.memory_space<hbm>>
        %dma_start3A_846 = tpu.memref_squeeze %dma_start3A_845 : memref<1x8x64xi32, #tpu.memory_space<hbm>> -> memref<8x64xi32, #tpu.memory_space<hbm>>
        tpu.enqueue_dma source(%dma_start3A_846 : memref<8x64xi32, #tpu.memory_space<hbm>>) target(%arg15 : memref<8x64xi32, #tpu.memory_space<vmem>>) target_semaphore(%arg28 : memref<!tpu.dma_semaphore, #tpu.memory_space<semaphore_mem>>)
      } else {
      }
      %ne3A = arith.constant 0 : i32
      %ne3A_305 = arith.cmpi ne, %arg0, %ne3A : i32
      %convert_element_type3A_306 = arith.extui %ne3A_305 : i1 to i32
      %cond3A_307 = arith.constant 0 : i32
      %cond3A_308 = arith.cmpi ne, %convert_element_type3A_306, %cond3A_307 : i32
      scf.if %cond3A_308 {
        %dma_start3A_835 = arith.constant 0 : i32
        %dma_start3A_836 = tpu.memref_slice %arg6[%arg1, %mul3A_300, %dma_start3A_835] : memref<16x320x64xi32, #tpu.memory_space<hbm>> -> memref<1x8x64xi32, #tpu.memory_space<hbm>>
        %dma_start3A_837 = tpu.memref_squeeze %dma_start3A_836 : memref<1x8x64xi32, #tpu.memory_space<hbm>> -> memref<8x64xi32, #tpu.memory_space<hbm>>
        %dma_start3A_838 = arith.constant 0 : i32
        %dma_start3A_839 = tpu.memref_slice %arg6[%arg1, %mul3A_300, %dma_start3A_838] : memref<16x320x64xi32, #tpu.memory_space<hbm>> -> memref<1x8x64xi32, #tpu.memory_space<hbm>>
        %dma_start3A_840 = tpu.memref_squeeze %dma_start3A_839 : memref<1x8x64xi32, #tpu.memory_space<hbm>> -> memref<8x64xi32, #tpu.memory_space<hbm>>
        tpu.enqueue_dma source(%dma_start3A_840 : memref<8x64xi32, #tpu.memory_space<hbm>>) target(%arg14 : memref<8x64xi32, #tpu.memory_space<vmem>>) target_semaphore(%arg28 : memref<!tpu.dma_semaphore, #tpu.memory_space<semaphore_mem>>)
        %dma_start3A_841 = arith.constant 0 : i32
        %dma_start3A_842 = tpu.memref_slice %arg5[%arg1, %mul3A_300, %dma_start3A_841] : memref<16x320x64xi32, #tpu.memory_space<hbm>> -> memref<1x8x64xi32, #tpu.memory_space<hbm>>
        %dma_start3A_843 = tpu.memref_squeeze %dma_start3A_842 : memref<1x8x64xi32, #tpu.memory_space<hbm>> -> memref<8x64xi32, #tpu.memory_space<hbm>>
        %dma_start3A_844 = arith.constant 0 : i32
        %dma_start3A_845 = tpu.memref_slice %arg5[%arg1, %mul3A_300, %dma_start3A_844] : memref<16x320x64xi32, #tpu.memory_space<hbm>> -> memref<1x8x64xi32, #tpu.memory_space<hbm>>
        %dma_start3A_846 = tpu.memref_squeeze %dma_start3A_845 : memref<1x8x64xi32, #tpu.memory_space<hbm>> -> memref<8x64xi32, #tpu.memory_space<hbm>>
        tpu.enqueue_dma source(%dma_start3A_846 : memref<8x64xi32, #tpu.memory_space<hbm>>) target(%arg15 : memref<8x64xi32, #tpu.memory_space<vmem>>) target_semaphore(%arg28 : memref<!tpu.dma_semaphore, #tpu.memory_space<semaphore_mem>>)
      } else {
      }
      %dma_start3A_309 = arith.constant 0 : i32
      %dma_start3A_310 = tpu.memref_slice %arg7[%arg1, %mul3A_300, %dma_start3A_309] : memref<16x320x64xi32, #tpu.memory_space<hbm>> -> memref<1x8x64xi32, #tpu.memory_space<hbm>>
      %dma_start3A_311 = tpu.memref_squeeze %dma_start3A_310 : memref<1x8x64xi32, #tpu.memory_space<hbm>> -> memref<8x64xi32, #tpu.memory_space<hbm>>
      %dma_start3A_312 = arith.constant 0 : i32
      %dma_start3A_313 = tpu.memref_slice %arg7[%arg1, %mul3A_300, %dma_start3A_312] : memref<16x320x64xi32, #tpu.memory_space<hbm>> -> memref<1x8x64xi32, #tpu.memory_space<hbm>>
      %dma_start3A_314 = tpu.memref_squeeze %dma_start3A_313 : memref<1x8x64xi32, #tpu.memory_space<hbm>> -> memref<8x64xi32, #tpu.memory_space<hbm>>
      tpu.enqueue_dma source(%dma_start3A_314 : memref<8x64xi32, #tpu.memory_space<hbm>>) target(%arg16 : memref<8x64xi32, #tpu.memory_space<vmem>>) target_semaphore(%arg28 : memref<!tpu.dma_semaphore, #tpu.memory_space<semaphore_mem>>)
      %dma_wait3A_315 = arith.constant 0 : i32
      %dma_wait3A_316 = tpu.memref_slice %arg7[%arg1, %mul3A_300, %dma_wait3A_315] : memref<16x320x64xi32, #tpu.memory_space<hbm>> -> memref<1x8x64xi32, #tpu.memory_space<hbm>>
      %dma_wait3A_317 = tpu.memref_squeeze %dma_wait3A_316 : memref<1x8x64xi32, #tpu.memory_space<hbm>> -> memref<8x64xi32, #tpu.memory_space<hbm>>
      %dma_wait3A_318 = arith.constant 0 : i32
      %dma_wait3A_319 = tpu.memref_slice %arg7[%arg1, %mul3A_300, %dma_wait3A_318] : memref<16x320x64xi32, #tpu.memory_space<hbm>> -> memref<1x8x64xi32, #tpu.memory_space<hbm>>
      %dma_wait3A_320 = tpu.memref_squeeze %dma_wait3A_319 : memref<1x8x64xi32, #tpu.memory_space<hbm>> -> memref<8x64xi32, #tpu.memory_space<hbm>>
      tpu.wait_dma2 semaphore(%arg28 : memref<!tpu.dma_semaphore, #tpu.memory_space<semaphore_mem>>) src(%dma_wait3A_320 : memref<8x64xi32, #tpu.memory_space<hbm>>) dst(%arg16 : memref<8x64xi32, #tpu.memory_space<vmem>>)
      %dma_wait3A_321 = arith.constant 0 : i32
      %dma_wait3A_322 = tpu.memref_slice %arg7[%arg1, %mul3A_300, %dma_wait3A_321] : memref<16x320x64xi32, #tpu.memory_space<hbm>> -> memref<1x8x64xi32, #tpu.memory_space<hbm>>
      %dma_wait3A_323 = tpu.memref_squeeze %dma_wait3A_322 : memref<1x8x64xi32, #tpu.memory_space<hbm>> -> memref<8x64xi32, #tpu.memory_space<hbm>>
      %dma_wait3A_324 = arith.constant 0 : i32
      %dma_wait3A_325 = tpu.memref_slice %arg7[%arg1, %mul3A_300, %dma_wait3A_324] : memref<16x320x64xi32, #tpu.memory_space<hbm>> -> memref<1x8x64xi32, #tpu.memory_space<hbm>>
      %dma_wait3A_326 = tpu.memref_squeeze %dma_wait3A_325 : memref<1x8x64xi32, #tpu.memory_space<hbm>> -> memref<8x64xi32, #tpu.memory_space<hbm>>
      tpu.wait_dma2 semaphore(%arg28 : memref<!tpu.dma_semaphore, #tpu.memory_space<semaphore_mem>>) src(%dma_wait3A_326 : memref<8x64xi32, #tpu.memory_space<hbm>>) dst(%arg16 : memref<8x64xi32, #tpu.memory_space<vmem>>)
      %dma_wait3A_327 = arith.constant 0 : i32
      %dma_wait3A_328 = tpu.memref_slice %arg7[%arg1, %mul3A_300, %dma_wait3A_327] : memref<16x320x64xi32, #tpu.memory_space<hbm>> -> memref<1x8x64xi32, #tpu.memory_space<hbm>>
      %dma_wait3A_329 = tpu.memref_squeeze %dma_wait3A_328 : memref<1x8x64xi32, #tpu.memory_space<hbm>> -> memref<8x64xi32, #tpu.memory_space<hbm>>
      %dma_wait3A_330 = arith.constant 0 : i32
      %dma_wait3A_331 = tpu.memref_slice %arg7[%arg1, %mul3A_300, %dma_wait3A_330] : memref<16x320x64xi32, #tpu.memory_space<hbm>> -> memref<1x8x64xi32, #tpu.memory_space<hbm>>
      %dma_wait3A_332 = tpu.memref_squeeze %dma_wait3A_331 : memref<1x8x64xi32, #tpu.memory_space<hbm>> -> memref<8x64xi32, #tpu.memory_space<hbm>>
      tpu.wait_dma2 semaphore(%arg28 : memref<!tpu.dma_semaphore, #tpu.memory_space<semaphore_mem>>) src(%dma_wait3A_332 : memref<8x64xi32, #tpu.memory_space<hbm>>) dst(%arg16 : memref<8x64xi32, #tpu.memory_space<vmem>>)
      %scan3A_333 = arith.constant 0 : i32
      %scan3A_334 = arith.constant 0 : i32
      %scan3A_335 = arith.constant 8 : i32
      %scan3A_336 = arith.addi %scan3A_334, %scan3A_335 : i32
      %scan3A_337 = arith.constant 1 : i32
      scf.for %scan3A_835 = %scan3A_334 to %scan3A_336 step %scan3A_337  : i32 {
        %get3A_836 = arith.index_cast %scan3A_835 : i32 to index
        %get3A_837 = arith.constant 0 : index
        %get3A_838 = tpu.vector_load %arg15[%get3A_836, %get3A_837] {strides = array<i32>} : memref<8x64xi32, #tpu.memory_space<vmem>>, vector<1x16xi32>,
        %get3A_839 = vector.shape_cast %get3A_838 : vector<1x16xi32> to vector<16xi32>
        %mul3A_840 = arith.muli %max3A, %get3A_839 : vector<16xi32>
        %add3A_841 = arith.addi %mul3A_840, %mul3A_128 : vector<16xi32>
        %swap3A = arith.index_cast %scan3A_835 : i32 to index
        %swap3A_842 = arith.constant 0 : index
        %swap3A_843 = tpu.vector_load %arg15[%swap3A, %swap3A_842] {strides = array<i32>} : memref<8x64xi32, #tpu.memory_space<vmem>>, vector<1x16xi32>,
        %swap3A_844 = vector.shape_cast %swap3A_843 : vector<1x16xi32> to vector<16xi32>
        %swap3A_845 = vector.shape_cast %add3A_841 : vector<16xi32> to vector<1x16xi32>
        tpu.vector_store %arg15[%swap3A, %swap3A_842], %swap3A_845 {strides = array<i32>} : memref<8x64xi32, #tpu.memory_space<vmem>>, vector<1x16xi32>,
        %get3A_846 = arith.index_cast %scan3A_835 : i32 to index
        %get3A_847 = arith.constant 16 : index
        %get3A_848 = tpu.vector_load %arg15[%get3A_846, %get3A_847] {strides = array<i32>} : memref<8x64xi32, #tpu.memory_space<vmem>>, vector<1x16xi32>,
        %get3A_849 = vector.shape_cast %get3A_848 : vector<1x16xi32> to vector<16xi32>
        %mul3A_850 = arith.muli %max3A, %get3A_849 : vector<16xi32>
        %add3A_851 = arith.addi %mul3A_850, %mul3A_128 : vector<16xi32>
        %swap3A_852 = arith.index_cast %scan3A_835 : i32 to index
        %swap3A_853 = arith.constant 16 : index
        %swap3A_854 = tpu.vector_load %arg15[%swap3A_852, %swap3A_853] {strides = array<i32>} : memref<8x64xi32, #tpu.memory_space<vmem>>, vector<1x16xi32>,
        %swap3A_855 = vector.shape_cast %swap3A_854 : vector<1x16xi32> to vector<16xi32>
        %swap3A_856 = vector.shape_cast %add3A_851 : vector<16xi32> to vector<1x16xi32>
        tpu.vector_store %arg15[%swap3A_852, %swap3A_853], %swap3A_856 {strides = array<i32>} : memref<8x64xi32, #tpu.memory_space<vmem>>, vector<1x16xi32>,
        %get3A_857 = arith.index_cast %scan3A_835 : i32 to index
        %get3A_858 = arith.constant 32 : index
        %get3A_859 = tpu.vector_load %arg15[%get3A_857, %get3A_858] {strides = array<i32>} : memref<8x64xi32, #tpu.memory_space<vmem>>, vector<1x16xi32>,
        %get3A_860 = vector.shape_cast %get3A_859 : vector<1x16xi32> to vector<16xi32>
        %mul3A_861 = arith.muli %max3A, %get3A_860 : vector<16xi32>
        %add3A_862 = arith.addi %mul3A_861, %mul3A_128 : vector<16xi32>
        %swap3A_863 = arith.index_cast %scan3A_835 : i32 to index
        %swap3A_864 = arith.constant 32 : index
        %swap3A_865 = tpu.vector_load %arg15[%swap3A_863, %swap3A_864] {strides = array<i32>} : memref<8x64xi32, #tpu.memory_space<vmem>>, vector<1x16xi32>,
        %swap3A_866 = vector.shape_cast %swap3A_865 : vector<1x16xi32> to vector<16xi32>
        %swap3A_867 = vector.shape_cast %add3A_862 : vector<16xi32> to vector<1x16xi32>
        tpu.vector_store %arg15[%swap3A_863, %swap3A_864], %swap3A_867 {strides = array<i32>} : memref<8x64xi32, #tpu.memory_space<vmem>>, vector<1x16xi32>,
        %get3A_868 = arith.index_cast %scan3A_835 : i32 to index
        %get3A_869 = arith.constant 48 : index
        %get3A_870 = tpu.vector_load %arg15[%get3A_868, %get3A_869] {strides = array<i32>} : memref<8x64xi32, #tpu.memory_space<vmem>>, vector<1x16xi32>,
        %get3A_871 = vector.shape_cast %get3A_870 : vector<1x16xi32> to vector<16xi32>
        %mul3A_872 = arith.muli %max3A, %get3A_871 : vector<16xi32>
        %add3A_873 = arith.addi %mul3A_872, %mul3A_128 : vector<16xi32>
        %swap3A_874 = arith.index_cast %scan3A_835 : i32 to index
        %swap3A_875 = arith.constant 48 : index
        %swap3A_876 = tpu.vector_load %arg15[%swap3A_874, %swap3A_875] {strides = array<i32>} : memref<8x64xi32, #tpu.memory_space<vmem>>, vector<1x16xi32>,
        %swap3A_877 = vector.shape_cast %swap3A_876 : vector<1x16xi32> to vector<16xi32>
        %swap3A_878 = vector.shape_cast %add3A_873 : vector<16xi32> to vector<1x16xi32>
        tpu.vector_store %arg15[%swap3A_874, %swap3A_875], %swap3A_878 {strides = array<i32>} : memref<8x64xi32, #tpu.memory_space<vmem>>, vector<1x16xi32>,
      }
      %scan3A_338 = arith.constant 8 : i32
      %dma_start3A_339 = arith.constant 0 : i32
      %dma_start3A_340 = arith.constant 0 : i32
      %dma_start3A_341 = tpu.memref_slice %arg15[%dma_start3A_339, %dma_start3A_340] : memref<8x64xi32, #tpu.memory_space<vmem>> -> memref<1x64xi32, #tpu.memory_space<vmem>>
      %dma_start3A_342 = tpu.memref_squeeze %dma_start3A_341 : memref<1x64xi32, #tpu.memory_space<vmem>> -> memref<64xi32, #tpu.memory_space<vmem>>
      %dma_start3A_343 = arith.constant 0 : i32
      %dma_start3A_344 = arith.constant 0 : i32
      %dma_start3A_345 = tpu.memref_slice %arg2[%dma_start3A_343, %dma_start3A_344] : memref<10240x128xf32, #tpu.memory_space<hbm>> -> memref<10240x128xf32, #tpu.memory_space<hbm>>
      tpu.enqueue_indirect_dma source(%dma_start3A_345 : memref<10240x128xf32, #tpu.memory_space<hbm>>) target(%arg22 : memref<64x128xf32, #tpu.memory_space<vmem>>) offsets(%dma_start3A_342 : memref<64xi32, #tpu.memory_space<vmem>>) semaphore(%arg28 : memref<!tpu.dma_semaphore, #tpu.memory_space<semaphore_mem>>)
      %dma_start3A_346 = arith.constant 0 : i32
      %dma_start3A_347 = arith.constant 0 : i32
      %dma_start3A_348 = tpu.memref_slice %arg14[%dma_start3A_346, %dma_start3A_347] : memref<8x64xi32, #tpu.memory_space<vmem>> -> memref<1x64xi32, #tpu.memory_space<vmem>>
      %dma_start3A_349 = tpu.memref_squeeze %dma_start3A_348 : memref<1x64xi32, #tpu.memory_space<vmem>> -> memref<64xi32, #tpu.memory_space<vmem>>
      %dma_start3A_350 = arith.constant 0 : i32
      %dma_start3A_351 = arith.constant 0 : i32
      %dma_start3A_352 = tpu.memref_slice %arg3[%dma_start3A_350, %dma_start3A_351] : memref<10240x128xf32, #tpu.memory_space<hbm>> -> memref<10240x128xf32, #tpu.memory_space<hbm>>
      tpu.enqueue_indirect_dma source(%dma_start3A_352 : memref<10240x128xf32, #tpu.memory_space<hbm>>) target(%arg23 : memref<64x128xf32, #tpu.memory_space<vmem>>) offsets(%dma_start3A_349 : memref<64xi32, #tpu.memory_space<vmem>>) semaphore(%arg28 : memref<!tpu.dma_semaphore, #tpu.memory_space<semaphore_mem>>)
      %dma_start3A_353 = arith.constant 0 : i32
      %dma_start3A_354 = arith.constant 0 : i32
      %dma_start3A_355 = tpu.memref_slice %arg16[%dma_start3A_353, %dma_start3A_354] : memref<8x64xi32, #tpu.memory_space<vmem>> -> memref<1x64xi32, #tpu.memory_space<vmem>>
      %dma_start3A_356 = tpu.memref_squeeze %dma_start3A_355 : memref<1x64xi32, #tpu.memory_space<vmem>> -> memref<64xi32, #tpu.memory_space<vmem>>
      %dma_start3A_357 = arith.constant 0 : i32
      %dma_start3A_358 = arith.constant 0 : i32
      %dma_start3A_359 = tpu.memref_slice %arg4[%dma_start3A_357, %dma_start3A_358] : memref<960000x128xf32, #tpu.memory_space<hbm>> -> memref<960000x128xf32, #tpu.memory_space<hbm>>
      tpu.enqueue_indirect_dma source(%dma_start3A_359 : memref<960000x128xf32, #tpu.memory_space<hbm>>) target(%arg24 : memref<64x128xf32, #tpu.memory_space<vmem>>) offsets(%dma_start3A_356 : memref<64xi32, #tpu.memory_space<vmem>>) semaphore(%arg28 : memref<!tpu.dma_semaphore, #tpu.memory_space<semaphore_mem>>)
      %dma_wait3A_360 = arith.constant 0 : i32
      %dma_wait3A_361 = arith.constant 0 : i32
      %dma_wait3A_362 = tpu.memref_slice %arg15[%dma_wait3A_360, %dma_wait3A_361] : memref<8x64xi32, #tpu.memory_space<vmem>> -> memref<1x64xi32, #tpu.memory_space<vmem>>
      %dma_wait3A_363 = tpu.memref_squeeze %dma_wait3A_362 : memref<1x64xi32, #tpu.memory_space<vmem>> -> memref<64xi32, #tpu.memory_space<vmem>>
      %dma_wait3A_364 = arith.constant 0 : i32
      %dma_wait3A_365 = arith.constant 0 : i32
      %dma_wait3A_366 = tpu.memref_slice %arg2[%dma_wait3A_364, %dma_wait3A_365] : memref<10240x128xf32, #tpu.memory_space<hbm>> -> memref<10240x128xf32, #tpu.memory_space<hbm>>
      tpu.wait_indirect_dma semaphore(%arg28 : memref<!tpu.dma_semaphore, #tpu.memory_space<semaphore_mem>>) src(%dma_wait3A_366 : memref<10240x128xf32, #tpu.memory_space<hbm>>) dst(%arg22 : memref<64x128xf32, #tpu.memory_space<vmem>>)
      %dma_wait3A_367 = arith.constant 0 : i32
      %dma_wait3A_368 = arith.constant 0 : i32
      %dma_wait3A_369 = tpu.memref_slice %arg14[%dma_wait3A_367, %dma_wait3A_368] : memref<8x64xi32, #tpu.memory_space<vmem>> -> memref<1x64xi32, #tpu.memory_space<vmem>>
      %dma_wait3A_370 = tpu.memref_squeeze %dma_wait3A_369 : memref<1x64xi32, #tpu.memory_space<vmem>> -> memref<64xi32, #tpu.memory_space<vmem>>
      %dma_wait3A_371 = arith.constant 0 : i32
      %dma_wait3A_372 = arith.constant 0 : i32
      %dma_wait3A_373 = tpu.memref_slice %arg3[%dma_wait3A_371, %dma_wait3A_372] : memref<10240x128xf32, #tpu.memory_space<hbm>> -> memref<10240x128xf32, #tpu.memory_space<hbm>>
      tpu.wait_indirect_dma semaphore(%arg28 : memref<!tpu.dma_semaphore, #tpu.memory_space<semaphore_mem>>) src(%dma_wait3A_373 : memref<10240x128xf32, #tpu.memory_space<hbm>>) dst(%arg23 : memref<64x128xf32, #tpu.memory_space<vmem>>)
      %dma_wait3A_374 = arith.constant 0 : i32
      %dma_wait3A_375 = arith.constant 0 : i32
      %dma_wait3A_376 = tpu.memref_slice %arg16[%dma_wait3A_374, %dma_wait3A_375] : memref<8x64xi32, #tpu.memory_space<vmem>> -> memref<1x64xi32, #tpu.memory_space<vmem>>
      %dma_wait3A_377 = tpu.memref_squeeze %dma_wait3A_376 : memref<1x64xi32, #tpu.memory_space<vmem>> -> memref<64xi32, #tpu.memory_space<vmem>>
      %dma_wait3A_378 = arith.constant 0 : i32
      %dma_wait3A_379 = arith.constant 0 : i32
      %dma_wait3A_380 = tpu.memref_slice %arg4[%dma_wait3A_378, %dma_wait3A_379] : memref<960000x128xf32, #tpu.memory_space<hbm>> -> memref<960000x128xf32, #tpu.memory_space<hbm>>
      tpu.wait_indirect_dma semaphore(%arg28 : memref<!tpu.dma_semaphore, #tpu.memory_space<semaphore_mem>>) src(%dma_wait3A_380 : memref<960000x128xf32, #tpu.memory_space<hbm>>) dst(%arg24 : memref<64x128xf32, #tpu.memory_space<vmem>>)
      %scan3A_381 = arith.constant 0 : i32
      %scan3A_382 = arith.constant 0 : i32
      %scan3A_383 = arith.constant 64 : i32
      %scan3A_384 = arith.addi %scan3A_382, %scan3A_383 : i32
      %scan3A_385 = arith.constant 1 : i32
      scf.for %scan3A_835 = %scan3A_382 to %scan3A_384 step %scan3A_385  : i32 {
        %get3A_836 = arith.index_cast %scan3A_835 : i32 to index
        %get3A_837 = arith.constant 0 : index
        %get3A_838 = tpu.vector_load %arg22[%get3A_836, %get3A_837] {strides = array<i32>} : memref<64x128xf32, #tpu.memory_space<vmem>>, vector<1x16xf32>,
        %get3A_839 = vector.shape_cast %get3A_838 : vector<1x16xf32> to vector<16xf32>
        %mul3A_840 = arith.mulf %get3A_131, %get3A_839 : vector<16xf32>
        %get3A_841 = arith.index_cast %scan3A_835 : i32 to index
        %get3A_842 = arith.constant 0 : index
        %get3A_843 = tpu.vector_load %arg23[%get3A_841, %get3A_842] {strides = array<i32>} : memref<64x128xf32, #tpu.memory_space<vmem>>, vector<1x16xf32>,
        %get3A_844 = vector.shape_cast %get3A_843 : vector<1x16xf32> to vector<16xf32>
        %add3A_845 = arith.addf %mul3A_840, %get3A_844 : vector<16xf32>
        %get3A_846 = arith.index_cast %scan3A_835 : i32 to index
        %get3A_847 = arith.constant 0 : index
        %get3A_848 = tpu.vector_load %arg24[%get3A_846, %get3A_847] {strides = array<i32>} : memref<64x128xf32, #tpu.memory_space<vmem>>, vector<1x16xf32>,
        %get3A_849 = vector.shape_cast %get3A_848 : vector<1x16xf32> to vector<16xf32>
        %mul3A_850 = arith.mulf %get3A_134, %get3A_849 : vector<16xf32>
        %add3A_851 = arith.addf %add3A_845, %mul3A_850 : vector<16xf32>
        %max3A_852 = arith.constant 0.000000e+00 : f32
        %max3A_853 = vector.broadcast %max3A_852 : f32 to vector<16xf32>
        %max3A_854 = arith.maximumf %add3A_851, %max3A_853 : vector<16xf32>
        %mul3A_855 = arith.mulf %get3A_137, %max3A_854 : vector<16xf32>
        %mul3A_856 = arith.mulf %get3A_140, %add3A_851 : vector<16xf32>
        %add3A_857 = arith.addf %mul3A_855, %mul3A_856 : vector<16xf32>
        %swap3A = arith.index_cast %scan3A_835 : i32 to index
        %swap3A_858 = arith.constant 0 : index
        %swap3A_859 = tpu.vector_load %arg25[%swap3A, %swap3A_858] {strides = array<i32>} : memref<64x128xf32, #tpu.memory_space<vmem>>, vector<1x16xf32>,
        %swap3A_860 = vector.shape_cast %swap3A_859 : vector<1x16xf32> to vector<16xf32>
        %swap3A_861 = vector.shape_cast %add3A_857 : vector<16xf32> to vector<1x16xf32>
        tpu.vector_store %arg25[%swap3A, %swap3A_858], %swap3A_861 {strides = array<i32>} : memref<64x128xf32, #tpu.memory_space<vmem>>, vector<1x16xf32>,
        %get3A_862 = arith.index_cast %scan3A_835 : i32 to index
        %get3A_863 = arith.constant 16 : index
        %get3A_864 = tpu.vector_load %arg22[%get3A_862, %get3A_863] {strides = array<i32>} : memref<64x128xf32, #tpu.memory_space<vmem>>, vector<1x16xf32>,
        %get3A_865 = vector.shape_cast %get3A_864 : vector<1x16xf32> to vector<16xf32>
        %mul3A_866 = arith.mulf %get3A_131, %get3A_865 : vector<16xf32>
        %get3A_867 = arith.index_cast %scan3A_835 : i32 to index
        %get3A_868 = arith.constant 16 : index
        %get3A_869 = tpu.vector_load %arg23[%get3A_867, %get3A_868] {strides = array<i32>} : memref<64x128xf32, #tpu.memory_space<vmem>>, vector<1x16xf32>,
        %get3A_870 = vector.shape_cast %get3A_869 : vector<1x16xf32> to vector<16xf32>
        %add3A_871 = arith.addf %mul3A_866, %get3A_870 : vector<16xf32>
        %get3A_872 = arith.index_cast %scan3A_835 : i32 to index
        %get3A_873 = arith.constant 16 : index
        %get3A_874 = tpu.vector_load %arg24[%get3A_872, %get3A_873] {strides = array<i32>} : memref<64x128xf32, #tpu.memory_space<vmem>>, vector<1x16xf32>,
        %get3A_875 = vector.shape_cast %get3A_874 : vector<1x16xf32> to vector<16xf32>
        %mul3A_876 = arith.mulf %get3A_134, %get3A_875 : vector<16xf32>
        %add3A_877 = arith.addf %add3A_871, %mul3A_876 : vector<16xf32>
        %max3A_878 = arith.constant 0.000000e+00 : f32
        %max3A_879 = vector.broadcast %max3A_878 : f32 to vector<16xf32>
        %max3A_880 = arith.maximumf %add3A_877, %max3A_879 : vector<16xf32>
        %mul3A_881 = arith.mulf %get3A_137, %max3A_880 : vector<16xf32>
        %mul3A_882 = arith.mulf %get3A_140, %add3A_877 : vector<16xf32>
        %add3A_883 = arith.addf %mul3A_881, %mul3A_882 : vector<16xf32>
        %swap3A_884 = arith.index_cast %scan3A_835 : i32 to index
        %swap3A_885 = arith.constant 16 : index
        %swap3A_886 = tpu.vector_load %arg25[%swap3A_884, %swap3A_885] {strides = array<i32>} : memref<64x128xf32, #tpu.memory_space<vmem>>, vector<1x16xf32>,
        %swap3A_887 = vector.shape_cast %swap3A_886 : vector<1x16xf32> to vector<16xf32>
        %swap3A_888 = vector.shape_cast %add3A_883 : vector<16xf32> to vector<1x16xf32>
        tpu.vector_store %arg25[%swap3A_884, %swap3A_885], %swap3A_888 {strides = array<i32>} : memref<64x128xf32, #tpu.memory_space<vmem>>, vector<1x16xf32>,
        %get3A_889 = arith.index_cast %scan3A_835 : i32 to index
        %get3A_890 = arith.constant 32 : index
        %get3A_891 = tpu.vector_load %arg22[%get3A_889, %get3A_890] {strides = array<i32>} : memref<64x128xf32, #tpu.memory_space<vmem>>, vector<1x16xf32>,
        %get3A_892 = vector.shape_cast %get3A_891 : vector<1x16xf32> to vector<16xf32>
        %mul3A_893 = arith.mulf %get3A_131, %get3A_892 : vector<16xf32>
        %get3A_894 = arith.index_cast %scan3A_835 : i32 to index
        %get3A_895 = arith.constant 32 : index
        %get3A_896 = tpu.vector_load %arg23[%get3A_894, %get3A_895] {strides = array<i32>} : memref<64x128xf32, #tpu.memory_space<vmem>>, vector<1x16xf32>,
        %get3A_897 = vector.shape_cast %get3A_896 : vector<1x16xf32> to vector<16xf32>
        %add3A_898 = arith.addf %mul3A_893, %get3A_897 : vector<16xf32>
        %get3A_899 = arith.index_cast %scan3A_835 : i32 to index
        %get3A_900 = arith.constant 32 : index
        %get3A_901 = tpu.vector_load %arg24[%get3A_899, %get3A_900] {strides = array<i32>} : memref<64x128xf32, #tpu.memory_space<vmem>>, vector<1x16xf32>,
        %get3A_902 = vector.shape_cast %get3A_901 : vector<1x16xf32> to vector<16xf32>
        %mul3A_903 = arith.mulf %get3A_134, %get3A_902 : vector<16xf32>
        %add3A_904 = arith.addf %add3A_898, %mul3A_903 : vector<16xf32>
        %max3A_905 = arith.constant 0.000000e+00 : f32
        %max3A_906 = vector.broadcast %max3A_905 : f32 to vector<16xf32>
        %max3A_907 = arith.maximumf %add3A_904, %max3A_906 : vector<16xf32>
        %mul3A_908 = arith.mulf %get3A_137, %max3A_907 : vector<16xf32>
        %mul3A_909 = arith.mulf %get3A_140, %add3A_904 : vector<16xf32>
        %add3A_910 = arith.addf %mul3A_908, %mul3A_909 : vector<16xf32>
        %swap3A_911 = arith.index_cast %scan3A_835 : i32 to index
        %swap3A_912 = arith.constant 32 : index
        %swap3A_913 = tpu.vector_load %arg25[%swap3A_911, %swap3A_912] {strides = array<i32>} : memref<64x128xf32, #tpu.memory_space<vmem>>, vector<1x16xf32>,
        %swap3A_914 = vector.shape_cast %swap3A_913 : vector<1x16xf32> to vector<16xf32>
        %swap3A_915 = vector.shape_cast %add3A_910 : vector<16xf32> to vector<1x16xf32>
        tpu.vector_store %arg25[%swap3A_911, %swap3A_912], %swap3A_915 {strides = array<i32>} : memref<64x128xf32, #tpu.memory_space<vmem>>, vector<1x16xf32>,
        %get3A_916 = arith.index_cast %scan3A_835 : i32 to index
        %get3A_917 = arith.constant 48 : index
        %get3A_918 = tpu.vector_load %arg22[%get3A_916, %get3A_917] {strides = array<i32>} : memref<64x128xf32, #tpu.memory_space<vmem>>, vector<1x16xf32>,
        %get3A_919 = vector.shape_cast %get3A_918 : vector<1x16xf32> to vector<16xf32>
        %mul3A_920 = arith.mulf %get3A_131, %get3A_919 : vector<16xf32>
        %get3A_921 = arith.index_cast %scan3A_835 : i32 to index
        %get3A_922 = arith.constant 48 : index
        %get3A_923 = tpu.vector_load %arg23[%get3A_921, %get3A_922] {strides = array<i32>} : memref<64x128xf32, #tpu.memory_space<vmem>>, vector<1x16xf32>,
        %get3A_924 = vector.shape_cast %get3A_923 : vector<1x16xf32> to vector<16xf32>
        %add3A_925 = arith.addf %mul3A_920, %get3A_924 : vector<16xf32>
        %get3A_926 = arith.index_cast %scan3A_835 : i32 to index
        %get3A_927 = arith.constant 48 : index
        %get3A_928 = tpu.vector_load %arg24[%get3A_926, %get3A_927] {strides = array<i32>} : memref<64x128xf32, #tpu.memory_space<vmem>>, vector<1x16xf32>,
        %get3A_929 = vector.shape_cast %get3A_928 : vector<1x16xf32> to vector<16xf32>
        %mul3A_930 = arith.mulf %get3A_134, %get3A_929 : vector<16xf32>
        %add3A_931 = arith.addf %add3A_925, %mul3A_930 : vector<16xf32>
        %max3A_932 = arith.constant 0.000000e+00 : f32
        %max3A_933 = vector.broadcast %max3A_932 : f32 to vector<16xf32>
        %max3A_934 = arith.maximumf %add3A_931, %max3A_933 : vector<16xf32>
        %mul3A_935 = arith.mulf %get3A_137, %max3A_934 : vector<16xf32>
        %mul3A_936 = arith.mulf %get3A_140, %add3A_931 : vector<16xf32>
        %add3A_937 = arith.addf %mul3A_935, %mul3A_936 : vector<16xf32>
        %swap3A_938 = arith.index_cast %scan3A_835 : i32 to index
        %swap3A_939 = arith.constant 48 : index
        %swap3A_940 = tpu.vector_load %arg25[%swap3A_938, %swap3A_939] {strides = array<i32>} : memref<64x128xf32, #tpu.memory_space<vmem>>, vector<1x16xf32>,
        %swap3A_941 = vector.shape_cast %swap3A_940 : vector<1x16xf32> to vector<16xf32>
        %swap3A_942 = vector.shape_cast %add3A_937 : vector<16xf32> to vector<1x16xf32>
        tpu.vector_store %arg25[%swap3A_938, %swap3A_939], %swap3A_942 {strides = array<i32>} : memref<64x128xf32, #tpu.memory_space<vmem>>, vector<1x16xf32>,
        %get3A_943 = arith.index_cast %scan3A_835 : i32 to index
        %get3A_944 = arith.constant 64 : index
        %get3A_945 = tpu.vector_load %arg22[%get3A_943, %get3A_944] {strides = array<i32>} : memref<64x128xf32, #tpu.memory_space<vmem>>, vector<1x16xf32>,
        %get3A_946 = vector.shape_cast %get3A_945 : vector<1x16xf32> to vector<16xf32>
        %mul3A_947 = arith.mulf %get3A_131, %get3A_946 : vector<16xf32>
        %get3A_948 = arith.index_cast %scan3A_835 : i32 to index
        %get3A_949 = arith.constant 64 : index
        %get3A_950 = tpu.vector_load %arg23[%get3A_948, %get3A_949] {strides = array<i32>} : memref<64x128xf32, #tpu.memory_space<vmem>>, vector<1x16xf32>,
        %get3A_951 = vector.shape_cast %get3A_950 : vector<1x16xf32> to vector<16xf32>
        %add3A_952 = arith.addf %mul3A_947, %get3A_951 : vector<16xf32>
        %get3A_953 = arith.index_cast %scan3A_835 : i32 to index
        %get3A_954 = arith.constant 64 : index
        %get3A_955 = tpu.vector_load %arg24[%get3A_953, %get3A_954] {strides = array<i32>} : memref<64x128xf32, #tpu.memory_space<vmem>>, vector<1x16xf32>,
        %get3A_956 = vector.shape_cast %get3A_955 : vector<1x16xf32> to vector<16xf32>
        %mul3A_957 = arith.mulf %get3A_134, %get3A_956 : vector<16xf32>
        %add3A_958 = arith.addf %add3A_952, %mul3A_957 : vector<16xf32>
        %max3A_959 = arith.constant 0.000000e+00 : f32
        %max3A_960 = vector.broadcast %max3A_959 : f32 to vector<16xf32>
        %max3A_961 = arith.maximumf %add3A_958, %max3A_960 : vector<16xf32>
        %mul3A_962 = arith.mulf %get3A_137, %max3A_961 : vector<16xf32>
        %mul3A_963 = arith.mulf %get3A_140, %add3A_958 : vector<16xf32>
        %add3A_964 = arith.addf %mul3A_962, %mul3A_963 : vector<16xf32>
        %swap3A_965 = arith.index_cast %scan3A_835 : i32 to index
        %swap3A_966 = arith.constant 64 : index
        %swap3A_967 = tpu.vector_load %arg25[%swap3A_965, %swap3A_966] {strides = array<i32>} : memref<64x128xf32, #tpu.memory_space<vmem>>, vector<1x16xf32>,
        %swap3A_968 = vector.shape_cast %swap3A_967 : vector<1x16xf32> to vector<16xf32>
        %swap3A_969 = vector.shape_cast %add3A_964 : vector<16xf32> to vector<1x16xf32>
        tpu.vector_store %arg25[%swap3A_965, %swap3A_966], %swap3A_969 {strides = array<i32>} : memref<64x128xf32, #tpu.memory_space<vmem>>, vector<1x16xf32>,
        %get3A_970 = arith.index_cast %scan3A_835 : i32 to index
        %get3A_971 = arith.constant 80 : index
        %get3A_972 = tpu.vector_load %arg22[%get3A_970, %get3A_971] {strides = array<i32>} : memref<64x128xf32, #tpu.memory_space<vmem>>, vector<1x16xf32>,
        %get3A_973 = vector.shape_cast %get3A_972 : vector<1x16xf32> to vector<16xf32>
        %mul3A_974 = arith.mulf %get3A_131, %get3A_973 : vector<16xf32>
        %get3A_975 = arith.index_cast %scan3A_835 : i32 to index
        %get3A_976 = arith.constant 80 : index
        %get3A_977 = tpu.vector_load %arg23[%get3A_975, %get3A_976] {strides = array<i32>} : memref<64x128xf32, #tpu.memory_space<vmem>>, vector<1x16xf32>,
        %get3A_978 = vector.shape_cast %get3A_977 : vector<1x16xf32> to vector<16xf32>
        %add3A_979 = arith.addf %mul3A_974, %get3A_978 : vector<16xf32>
        %get3A_980 = arith.index_cast %scan3A_835 : i32 to index
        %get3A_981 = arith.constant 80 : index
        %get3A_982 = tpu.vector_load %arg24[%get3A_980, %get3A_981] {strides = array<i32>} : memref<64x128xf32, #tpu.memory_space<vmem>>, vector<1x16xf32>,
        %get3A_983 = vector.shape_cast %get3A_982 : vector<1x16xf32> to vector<16xf32>
        %mul3A_984 = arith.mulf %get3A_134, %get3A_983 : vector<16xf32>
        %add3A_985 = arith.addf %add3A_979, %mul3A_984 : vector<16xf32>
        %max3A_986 = arith.constant 0.000000e+00 : f32
        %max3A_987 = vector.broadcast %max3A_986 : f32 to vector<16xf32>
        %max3A_988 = arith.maximumf %add3A_985, %max3A_987 : vector<16xf32>
        %mul3A_989 = arith.mulf %get3A_137, %max3A_988 : vector<16xf32>
        %mul3A_990 = arith.mulf %get3A_140, %add3A_985 : vector<16xf32>
        %add3A_991 = arith.addf %mul3A_989, %mul3A_990 : vector<16xf32>
        %swap3A_992 = arith.index_cast %scan3A_835 : i32 to index
        %swap3A_993 = arith.constant 80 : index
        %swap3A_994 = tpu.vector_load %arg25[%swap3A_992, %swap3A_993] {strides = array<i32>} : memref<64x128xf32, #tpu.memory_space<vmem>>, vector<1x16xf32>,
        %swap3A_995 = vector.shape_cast %swap3A_994 : vector<1x16xf32> to vector<16xf32>
        %swap3A_996 = vector.shape_cast %add3A_991 : vector<16xf32> to vector<1x16xf32>
        tpu.vector_store %arg25[%swap3A_992, %swap3A_993], %swap3A_996 {strides = array<i32>} : memref<64x128xf32, #tpu.memory_space<vmem>>, vector<1x16xf32>,
        %get3A_997 = arith.index_cast %scan3A_835 : i32 to index
        %get3A_998 = arith.constant 96 : index
        %get3A_999 = tpu.vector_load %arg22[%get3A_997, %get3A_998] {strides = array<i32>} : memref<64x128xf32, #tpu.memory_space<vmem>>, vector<1x16xf32>,
        %get3A_1000 = vector.shape_cast %get3A_999 : vector<1x16xf32> to vector<16xf32>
        %mul3A_1001 = arith.mulf %get3A_131, %get3A_1000 : vector<16xf32>
        %get3A_1002 = arith.index_cast %scan3A_835 : i32 to index
        %get3A_1003 = arith.constant 96 : index
        %get3A_1004 = tpu.vector_load %arg23[%get3A_1002, %get3A_1003] {strides = array<i32>} : memref<64x128xf32, #tpu.memory_space<vmem>>, vector<1x16xf32>,
        %get3A_1005 = vector.shape_cast %get3A_1004 : vector<1x16xf32> to vector<16xf32>
        %add3A_1006 = arith.addf %mul3A_1001, %get3A_1005 : vector<16xf32>
        %get3A_1007 = arith.index_cast %scan3A_835 : i32 to index
        %get3A_1008 = arith.constant 96 : index
        %get3A_1009 = tpu.vector_load %arg24[%get3A_1007, %get3A_1008] {strides = array<i32>} : memref<64x128xf32, #tpu.memory_space<vmem>>, vector<1x16xf32>,
        %get3A_1010 = vector.shape_cast %get3A_1009 : vector<1x16xf32> to vector<16xf32>
        %mul3A_1011 = arith.mulf %get3A_134, %get3A_1010 : vector<16xf32>
        %add3A_1012 = arith.addf %add3A_1006, %mul3A_1011 : vector<16xf32>
        %max3A_1013 = arith.constant 0.000000e+00 : f32
        %max3A_1014 = vector.broadcast %max3A_1013 : f32 to vector<16xf32>
        %max3A_1015 = arith.maximumf %add3A_1012, %max3A_1014 : vector<16xf32>
        %mul3A_1016 = arith.mulf %get3A_137, %max3A_1015 : vector<16xf32>
        %mul3A_1017 = arith.mulf %get3A_140, %add3A_1012 : vector<16xf32>
        %add3A_1018 = arith.addf %mul3A_1016, %mul3A_1017 : vector<16xf32>
        %swap3A_1019 = arith.index_cast %scan3A_835 : i32 to index
        %swap3A_1020 = arith.constant 96 : index
        %swap3A_1021 = tpu.vector_load %arg25[%swap3A_1019, %swap3A_1020] {strides = array<i32>} : memref<64x128xf32, #tpu.memory_space<vmem>>, vector<1x16xf32>,
        %swap3A_1022 = vector.shape_cast %swap3A_1021 : vector<1x16xf32> to vector<16xf32>
        %swap3A_1023 = vector.shape_cast %add3A_1018 : vector<16xf32> to vector<1x16xf32>
        tpu.vector_store %arg25[%swap3A_1019, %swap3A_1020], %swap3A_1023 {strides = array<i32>} : memref<64x128xf32, #tpu.memory_space<vmem>>, vector<1x16xf32>,
        %get3A_1024 = arith.index_cast %scan3A_835 : i32 to index
        %get3A_1025 = arith.constant 112 : index
        %get3A_1026 = tpu.vector_load %arg22[%get3A_1024, %get3A_1025] {strides = array<i32>} : memref<64x128xf32, #tpu.memory_space<vmem>>, vector<1x16xf32>,
        %get3A_1027 = vector.shape_cast %get3A_1026 : vector<1x16xf32> to vector<16xf32>
        %mul3A_1028 = arith.mulf %get3A_131, %get3A_1027 : vector<16xf32>
        %get3A_1029 = arith.index_cast %scan3A_835 : i32 to index
        %get3A_1030 = arith.constant 112 : index
        %get3A_1031 = tpu.vector_load %arg23[%get3A_1029, %get3A_1030] {strides = array<i32>} : memref<64x128xf32, #tpu.memory_space<vmem>>, vector<1x16xf32>,
        %get3A_1032 = vector.shape_cast %get3A_1031 : vector<1x16xf32> to vector<16xf32>
        %add3A_1033 = arith.addf %mul3A_1028, %get3A_1032 : vector<16xf32>
        %get3A_1034 = arith.index_cast %scan3A_835 : i32 to index
        %get3A_1035 = arith.constant 112 : index
        %get3A_1036 = tpu.vector_load %arg24[%get3A_1034, %get3A_1035] {strides = array<i32>} : memref<64x128xf32, #tpu.memory_space<vmem>>, vector<1x16xf32>,
        %get3A_1037 = vector.shape_cast %get3A_1036 : vector<1x16xf32> to vector<16xf32>
        %mul3A_1038 = arith.mulf %get3A_134, %get3A_1037 : vector<16xf32>
        %add3A_1039 = arith.addf %add3A_1033, %mul3A_1038 : vector<16xf32>
        %max3A_1040 = arith.constant 0.000000e+00 : f32
        %max3A_1041 = vector.broadcast %max3A_1040 : f32 to vector<16xf32>
        %max3A_1042 = arith.maximumf %add3A_1039, %max3A_1041 : vector<16xf32>
        %mul3A_1043 = arith.mulf %get3A_137, %max3A_1042 : vector<16xf32>
        %mul3A_1044 = arith.mulf %get3A_140, %add3A_1039 : vector<16xf32>
        %add3A_1045 = arith.addf %mul3A_1043, %mul3A_1044 : vector<16xf32>
        %swap3A_1046 = arith.index_cast %scan3A_835 : i32 to index
        %swap3A_1047 = arith.constant 112 : index
        %swap3A_1048 = tpu.vector_load %arg25[%swap3A_1046, %swap3A_1047] {strides = array<i32>} : memref<64x128xf32, #tpu.memory_space<vmem>>, vector<1x16xf32>,
        %swap3A_1049 = vector.shape_cast %swap3A_1048 : vector<1x16xf32> to vector<16xf32>
        %swap3A_1050 = vector.shape_cast %add3A_1045 : vector<16xf32> to vector<1x16xf32>
        tpu.vector_store %arg25[%swap3A_1046, %swap3A_1047], %swap3A_1050 {strides = array<i32>} : memref<64x128xf32, #tpu.memory_space<vmem>>, vector<1x16xf32>,
      }
      %scan3A_386 = arith.constant 64 : i32
      %dma_start3A_387 = arith.constant 0 : i32
      %dma_start3A_388 = arith.constant 0 : i32
      %dma_start3A_389 = tpu.memref_slice %arg15[%dma_start3A_387, %dma_start3A_388] : memref<8x64xi32, #tpu.memory_space<vmem>> -> memref<1x64xi32, #tpu.memory_space<vmem>>
      %dma_start3A_390 = tpu.memref_squeeze %dma_start3A_389 : memref<1x64xi32, #tpu.memory_space<vmem>> -> memref<64xi32, #tpu.memory_space<vmem>>
      %dma_start3A_391 = arith.constant 0 : i32
      %dma_start3A_392 = arith.constant 0 : i32
      %dma_start3A_393 = tpu.memref_slice %arg27[%dma_start3A_391, %dma_start3A_392] : memref<10240x128xf32, #tpu.memory_space<vmem_shared>> -> memref<10240x128xf32, #tpu.memory_space<vmem_shared>>
      tpu.enqueue_indirect_dma source(%arg25 : memref<64x128xf32, #tpu.memory_space<vmem>>) target(%dma_start3A_393 : memref<10240x128xf32, #tpu.memory_space<vmem_shared>>) offsets(%dma_start3A_390 : memref<64xi32, #tpu.memory_space<vmem>>) semaphore(%arg29 : memref<!tpu.dma_semaphore, #tpu.memory_space<semaphore_mem>>) {add = true}
      %dma_start3A_394 = arith.constant 1 : i32
      %dma_start3A_395 = arith.constant 0 : i32
      %dma_start3A_396 = tpu.memref_slice %arg15[%dma_start3A_394, %dma_start3A_395] : memref<8x64xi32, #tpu.memory_space<vmem>> -> memref<1x64xi32, #tpu.memory_space<vmem>>
      %dma_start3A_397 = tpu.memref_squeeze %dma_start3A_396 : memref<1x64xi32, #tpu.memory_space<vmem>> -> memref<64xi32, #tpu.memory_space<vmem>>
      %dma_start3A_398 = arith.constant 0 : i32
      %dma_start3A_399 = arith.constant 0 : i32
      %dma_start3A_400 = tpu.memref_slice %arg2[%dma_start3A_398, %dma_start3A_399] : memref<10240x128xf32, #tpu.memory_space<hbm>> -> memref<10240x128xf32, #tpu.memory_space<hbm>>
      tpu.enqueue_indirect_dma source(%dma_start3A_400 : memref<10240x128xf32, #tpu.memory_space<hbm>>) target(%arg22 : memref<64x128xf32, #tpu.memory_space<vmem>>) offsets(%dma_start3A_397 : memref<64xi32, #tpu.memory_space<vmem>>) semaphore(%arg28 : memref<!tpu.dma_semaphore, #tpu.memory_space<semaphore_mem>>)
      %dma_start3A_401 = arith.constant 1 : i32
      %dma_start3A_402 = arith.constant 0 : i32
      %dma_start3A_403 = tpu.memref_slice %arg14[%dma_start3A_401, %dma_start3A_402] : memref<8x64xi32, #tpu.memory_space<vmem>> -> memref<1x64xi32, #tpu.memory_space<vmem>>
      %dma_start3A_404 = tpu.memref_squeeze %dma_start3A_403 : memref<1x64xi32, #tpu.memory_space<vmem>> -> memref<64xi32, #tpu.memory_space<vmem>>
      %dma_start3A_405 = arith.constant 0 : i32
      %dma_start3A_406 = arith.constant 0 : i32
      %dma_start3A_407 = tpu.memref_slice %arg3[%dma_start3A_405, %dma_start3A_406] : memref<10240x128xf32, #tpu.memory_space<hbm>> -> memref<10240x128xf32, #tpu.memory_space<hbm>>
      tpu.enqueue_indirect_dma source(%dma_start3A_407 : memref<10240x128xf32, #tpu.memory_space<hbm>>) target(%arg23 : memref<64x128xf32, #tpu.memory_space<vmem>>) offsets(%dma_start3A_404 : memref<64xi32, #tpu.memory_space<vmem>>) semaphore(%arg28 : memref<!tpu.dma_semaphore, #tpu.memory_space<semaphore_mem>>)
      %dma_start3A_408 = arith.constant 1 : i32
      %dma_start3A_409 = arith.constant 0 : i32
      %dma_start3A_410 = tpu.memref_slice %arg16[%dma_start3A_408, %dma_start3A_409] : memref<8x64xi32, #tpu.memory_space<vmem>> -> memref<1x64xi32, #tpu.memory_space<vmem>>
      %dma_start3A_411 = tpu.memref_squeeze %dma_start3A_410 : memref<1x64xi32, #tpu.memory_space<vmem>> -> memref<64xi32, #tpu.memory_space<vmem>>
      %dma_start3A_412 = arith.constant 0 : i32
      %dma_start3A_413 = arith.constant 0 : i32
      %dma_start3A_414 = tpu.memref_slice %arg4[%dma_start3A_412, %dma_start3A_413] : memref<960000x128xf32, #tpu.memory_space<hbm>> -> memref<960000x128xf32, #tpu.memory_space<hbm>>
      tpu.enqueue_indirect_dma source(%dma_start3A_414 : memref<960000x128xf32, #tpu.memory_space<hbm>>) target(%arg24 : memref<64x128xf32, #tpu.memory_space<vmem>>) offsets(%dma_start3A_411 : memref<64xi32, #tpu.memory_space<vmem>>) semaphore(%arg28 : memref<!tpu.dma_semaphore, #tpu.memory_space<semaphore_mem>>)
      %dma_wait3A_415 = arith.constant 1 : i32
      %dma_wait3A_416 = arith.constant 0 : i32
      %dma_wait3A_417 = tpu.memref_slice %arg15[%dma_wait3A_415, %dma_wait3A_416] : memref<8x64xi32, #tpu.memory_space<vmem>> -> memref<1x64xi32, #tpu.memory_space<vmem>>
      %dma_wait3A_418 = tpu.memref_squeeze %dma_wait3A_417 : memref<1x64xi32, #tpu.memory_space<vmem>> -> memref<64xi32, #tpu.memory_space<vmem>>
      %dma_wait3A_419 = arith.constant 0 : i32
      %dma_wait3A_420 = arith.constant 0 : i32
      %dma_wait3A_421 = tpu.memref_slice %arg2[%dma_wait3A_419, %dma_wait3A_420] : memref<10240x128xf32, #tpu.memory_space<hbm>> -> memref<10240x128xf32, #tpu.memory_space<hbm>>
      tpu.wait_indirect_dma semaphore(%arg28 : memref<!tpu.dma_semaphore, #tpu.memory_space<semaphore_mem>>) src(%dma_wait3A_421 : memref<10240x128xf32, #tpu.memory_space<hbm>>) dst(%arg22 : memref<64x128xf32, #tpu.memory_space<vmem>>)
      %dma_wait3A_422 = arith.constant 1 : i32
      %dma_wait3A_423 = arith.constant 0 : i32
      %dma_wait3A_424 = tpu.memref_slice %arg14[%dma_wait3A_422, %dma_wait3A_423] : memref<8x64xi32, #tpu.memory_space<vmem>> -> memref<1x64xi32, #tpu.memory_space<vmem>>
      %dma_wait3A_425 = tpu.memref_squeeze %dma_wait3A_424 : memref<1x64xi32, #tpu.memory_space<vmem>> -> memref<64xi32, #tpu.memory_space<vmem>>
      %dma_wait3A_426 = arith.constant 0 : i32
      %dma_wait3A_427 = arith.constant 0 : i32
      %dma_wait3A_428 = tpu.memref_slice %arg3[%dma_wait3A_426, %dma_wait3A_427] : memref<10240x128xf32, #tpu.memory_space<hbm>> -> memref<10240x128xf32, #tpu.memory_space<hbm>>
      tpu.wait_indirect_dma semaphore(%arg28 : memref<!tpu.dma_semaphore, #tpu.memory_space<semaphore_mem>>) src(%dma_wait3A_428 : memref<10240x128xf32, #tpu.memory_space<hbm>>) dst(%arg23 : memref<64x128xf32, #tpu.memory_space<vmem>>)
      %dma_wait3A_429 = arith.constant 1 : i32
      %dma_wait3A_430 = arith.constant 0 : i32
      %dma_wait3A_431 = tpu.memref_slice %arg16[%dma_wait3A_429, %dma_wait3A_430] : memref<8x64xi32, #tpu.memory_space<vmem>> -> memref<1x64xi32, #tpu.memory_space<vmem>>
      %dma_wait3A_432 = tpu.memref_squeeze %dma_wait3A_431 : memref<1x64xi32, #tpu.memory_space<vmem>> -> memref<64xi32, #tpu.memory_space<vmem>>
      %dma_wait3A_433 = arith.constant 0 : i32
      %dma_wait3A_434 = arith.constant 0 : i32
      %dma_wait3A_435 = tpu.memref_slice %arg4[%dma_wait3A_433, %dma_wait3A_434] : memref<960000x128xf32, #tpu.memory_space<hbm>> -> memref<960000x128xf32, #tpu.memory_space<hbm>>
      tpu.wait_indirect_dma semaphore(%arg28 : memref<!tpu.dma_semaphore, #tpu.memory_space<semaphore_mem>>) src(%dma_wait3A_435 : memref<960000x128xf32, #tpu.memory_space<hbm>>) dst(%arg24 : memref<64x128xf32, #tpu.memory_space<vmem>>)
      %scan3A_436 = arith.constant 0 : i32
      %scan3A_437 = arith.constant 0 : i32
      %scan3A_438 = arith.constant 64 : i32
      %scan3A_439 = arith.addi %scan3A_437, %scan3A_438 : i32
      %scan3A_440 = arith.constant 1 : i32
      scf.for %scan3A_835 = %scan3A_437 to %scan3A_439 step %scan3A_440  : i32 {
        %get3A_836 = arith.index_cast %scan3A_835 : i32 to index
        %get3A_837 = arith.constant 0 : index
        %get3A_838 = tpu.vector_load %arg22[%get3A_836, %get3A_837] {strides = array<i32>} : memref<64x128xf32, #tpu.memory_space<vmem>>, vector<1x16xf32>,
        %get3A_839 = vector.shape_cast %get3A_838 : vector<1x16xf32> to vector<16xf32>
        %mul3A_840 = arith.mulf %get3A_131, %get3A_839 : vector<16xf32>
        %get3A_841 = arith.index_cast %scan3A_835 : i32 to index
        %get3A_842 = arith.constant 0 : index
        %get3A_843 = tpu.vector_load %arg23[%get3A_841, %get3A_842] {strides = array<i32>} : memref<64x128xf32, #tpu.memory_space<vmem>>, vector<1x16xf32>,
        %get3A_844 = vector.shape_cast %get3A_843 : vector<1x16xf32> to vector<16xf32>
        %add3A_845 = arith.addf %mul3A_840, %get3A_844 : vector<16xf32>
        %get3A_846 = arith.index_cast %scan3A_835 : i32 to index
        %get3A_847 = arith.constant 0 : index
        %get3A_848 = tpu.vector_load %arg24[%get3A_846, %get3A_847] {strides = array<i32>} : memref<64x128xf32, #tpu.memory_space<vmem>>, vector<1x16xf32>,
        %get3A_849 = vector.shape_cast %get3A_848 : vector<1x16xf32> to vector<16xf32>
        %mul3A_850 = arith.mulf %get3A_134, %get3A_849 : vector<16xf32>
        %add3A_851 = arith.addf %add3A_845, %mul3A_850 : vector<16xf32>
        %max3A_852 = arith.constant 0.000000e+00 : f32
        %max3A_853 = vector.broadcast %max3A_852 : f32 to vector<16xf32>
        %max3A_854 = arith.maximumf %add3A_851, %max3A_853 : vector<16xf32>
        %mul3A_855 = arith.mulf %get3A_137, %max3A_854 : vector<16xf32>
        %mul3A_856 = arith.mulf %get3A_140, %add3A_851 : vector<16xf32>
        %add3A_857 = arith.addf %mul3A_855, %mul3A_856 : vector<16xf32>
        %swap3A = arith.index_cast %scan3A_835 : i32 to index
        %swap3A_858 = arith.constant 0 : index
        %swap3A_859 = tpu.vector_load %arg26[%swap3A, %swap3A_858] {strides = array<i32>} : memref<64x128xf32, #tpu.memory_space<vmem>>, vector<1x16xf32>,
        %swap3A_860 = vector.shape_cast %swap3A_859 : vector<1x16xf32> to vector<16xf32>
        %swap3A_861 = vector.shape_cast %add3A_857 : vector<16xf32> to vector<1x16xf32>
        tpu.vector_store %arg26[%swap3A, %swap3A_858], %swap3A_861 {strides = array<i32>} : memref<64x128xf32, #tpu.memory_space<vmem>>, vector<1x16xf32>,
        %get3A_862 = arith.index_cast %scan3A_835 : i32 to index
        %get3A_863 = arith.constant 16 : index
        %get3A_864 = tpu.vector_load %arg22[%get3A_862, %get3A_863] {strides = array<i32>} : memref<64x128xf32, #tpu.memory_space<vmem>>, vector<1x16xf32>,
        %get3A_865 = vector.shape_cast %get3A_864 : vector<1x16xf32> to vector<16xf32>
        %mul3A_866 = arith.mulf %get3A_131, %get3A_865 : vector<16xf32>
        %get3A_867 = arith.index_cast %scan3A_835 : i32 to index
        %get3A_868 = arith.constant 16 : index
        %get3A_869 = tpu.vector_load %arg23[%get3A_867, %get3A_868] {strides = array<i32>} : memref<64x128xf32, #tpu.memory_space<vmem>>, vector<1x16xf32>,
        %get3A_870 = vector.shape_cast %get3A_869 : vector<1x16xf32> to vector<16xf32>
        %add3A_871 = arith.addf %mul3A_866, %get3A_870 : vector<16xf32>
        %get3A_872 = arith.index_cast %scan3A_835 : i32 to index
        %get3A_873 = arith.constant 16 : index
        %get3A_874 = tpu.vector_load %arg24[%get3A_872, %get3A_873] {strides = array<i32>} : memref<64x128xf32, #tpu.memory_space<vmem>>, vector<1x16xf32>,
        %get3A_875 = vector.shape_cast %get3A_874 : vector<1x16xf32> to vector<16xf32>
        %mul3A_876 = arith.mulf %get3A_134, %get3A_875 : vector<16xf32>
        %add3A_877 = arith.addf %add3A_871, %mul3A_876 : vector<16xf32>
        %max3A_878 = arith.constant 0.000000e+00 : f32
        %max3A_879 = vector.broadcast %max3A_878 : f32 to vector<16xf32>
        %max3A_880 = arith.maximumf %add3A_877, %max3A_879 : vector<16xf32>
        %mul3A_881 = arith.mulf %get3A_137, %max3A_880 : vector<16xf32>
        %mul3A_882 = arith.mulf %get3A_140, %add3A_877 : vector<16xf32>
        %add3A_883 = arith.addf %mul3A_881, %mul3A_882 : vector<16xf32>
        %swap3A_884 = arith.index_cast %scan3A_835 : i32 to index
        %swap3A_885 = arith.constant 16 : index
        %swap3A_886 = tpu.vector_load %arg26[%swap3A_884, %swap3A_885] {strides = array<i32>} : memref<64x128xf32, #tpu.memory_space<vmem>>, vector<1x16xf32>,
        %swap3A_887 = vector.shape_cast %swap3A_886 : vector<1x16xf32> to vector<16xf32>
        %swap3A_888 = vector.shape_cast %add3A_883 : vector<16xf32> to vector<1x16xf32>
        tpu.vector_store %arg26[%swap3A_884, %swap3A_885], %swap3A_888 {strides = array<i32>} : memref<64x128xf32, #tpu.memory_space<vmem>>, vector<1x16xf32>,
        %get3A_889 = arith.index_cast %scan3A_835 : i32 to index
        %get3A_890 = arith.constant 32 : index
        %get3A_891 = tpu.vector_load %arg22[%get3A_889, %get3A_890] {strides = array<i32>} : memref<64x128xf32, #tpu.memory_space<vmem>>, vector<1x16xf32>,
        %get3A_892 = vector.shape_cast %get3A_891 : vector<1x16xf32> to vector<16xf32>
        %mul3A_893 = arith.mulf %get3A_131, %get3A_892 : vector<16xf32>
        %get3A_894 = arith.index_cast %scan3A_835 : i32 to index
        %get3A_895 = arith.constant 32 : index
        %get3A_896 = tpu.vector_load %arg23[%get3A_894, %get3A_895] {strides = array<i32>} : memref<64x128xf32, #tpu.memory_space<vmem>>, vector<1x16xf32>,
        %get3A_897 = vector.shape_cast %get3A_896 : vector<1x16xf32> to vector<16xf32>
        %add3A_898 = arith.addf %mul3A_893, %get3A_897 : vector<16xf32>
        %get3A_899 = arith.index_cast %scan3A_835 : i32 to index
        %get3A_900 = arith.constant 32 : index
        %get3A_901 = tpu.vector_load %arg24[%get3A_899, %get3A_900] {strides = array<i32>} : memref<64x128xf32, #tpu.memory_space<vmem>>, vector<1x16xf32>,
        %get3A_902 = vector.shape_cast %get3A_901 : vector<1x16xf32> to vector<16xf32>
        %mul3A_903 = arith.mulf %get3A_134, %get3A_902 : vector<16xf32>
        %add3A_904 = arith.addf %add3A_898, %mul3A_903 : vector<16xf32>
        %max3A_905 = arith.constant 0.000000e+00 : f32
        %max3A_906 = vector.broadcast %max3A_905 : f32 to vector<16xf32>
        %max3A_907 = arith.maximumf %add3A_904, %max3A_906 : vector<16xf32>
        %mul3A_908 = arith.mulf %get3A_137, %max3A_907 : vector<16xf32>
        %mul3A_909 = arith.mulf %get3A_140, %add3A_904 : vector<16xf32>
        %add3A_910 = arith.addf %mul3A_908, %mul3A_909 : vector<16xf32>
        %swap3A_911 = arith.index_cast %scan3A_835 : i32 to index
        %swap3A_912 = arith.constant 32 : index
        %swap3A_913 = tpu.vector_load %arg26[%swap3A_911, %swap3A_912] {strides = array<i32>} : memref<64x128xf32, #tpu.memory_space<vmem>>, vector<1x16xf32>,
        %swap3A_914 = vector.shape_cast %swap3A_913 : vector<1x16xf32> to vector<16xf32>
        %swap3A_915 = vector.shape_cast %add3A_910 : vector<16xf32> to vector<1x16xf32>
        tpu.vector_store %arg26[%swap3A_911, %swap3A_912], %swap3A_915 {strides = array<i32>} : memref<64x128xf32, #tpu.memory_space<vmem>>, vector<1x16xf32>,
        %get3A_916 = arith.index_cast %scan3A_835 : i32 to index
        %get3A_917 = arith.constant 48 : index
        %get3A_918 = tpu.vector_load %arg22[%get3A_916, %get3A_917] {strides = array<i32>} : memref<64x128xf32, #tpu.memory_space<vmem>>, vector<1x16xf32>,
        %get3A_919 = vector.shape_cast %get3A_918 : vector<1x16xf32> to vector<16xf32>
        %mul3A_920 = arith.mulf %get3A_131, %get3A_919 : vector<16xf32>
        %get3A_921 = arith.index_cast %scan3A_835 : i32 to index
        %get3A_922 = arith.constant 48 : index
        %get3A_923 = tpu.vector_load %arg23[%get3A_921, %get3A_922] {strides = array<i32>} : memref<64x128xf32, #tpu.memory_space<vmem>>, vector<1x16xf32>,
        %get3A_924 = vector.shape_cast %get3A_923 : vector<1x16xf32> to vector<16xf32>
        %add3A_925 = arith.addf %mul3A_920, %get3A_924 : vector<16xf32>
        %get3A_926 = arith.index_cast %scan3A_835 : i32 to index
        %get3A_927 = arith.constant 48 : index
        %get3A_928 = tpu.vector_load %arg24[%get3A_926, %get3A_927] {strides = array<i32>} : memref<64x128xf32, #tpu.memory_space<vmem>>, vector<1x16xf32>,
        %get3A_929 = vector.shape_cast %get3A_928 : vector<1x16xf32> to vector<16xf32>
        %mul3A_930 = arith.mulf %get3A_134, %get3A_929 : vector<16xf32>
        %add3A_931 = arith.addf %add3A_925, %mul3A_930 : vector<16xf32>
        %max3A_932 = arith.constant 0.000000e+00 : f32
        %max3A_933 = vector.broadcast %max3A_932 : f32 to vector<16xf32>
        %max3A_934 = arith.maximumf %add3A_931, %max3A_933 : vector<16xf32>
        %mul3A_935 = arith.mulf %get3A_137, %max3A_934 : vector<16xf32>
        %mul3A_936 = arith.mulf %get3A_140, %add3A_931 : vector<16xf32>
        %add3A_937 = arith.addf %mul3A_935, %mul3A_936 : vector<16xf32>
        %swap3A_938 = arith.index_cast %scan3A_835 : i32 to index
        %swap3A_939 = arith.constant 48 : index
        %swap3A_940 = tpu.vector_load %arg26[%swap3A_938, %swap3A_939] {strides = array<i32>} : memref<64x128xf32, #tpu.memory_space<vmem>>, vector<1x16xf32>,
        %swap3A_941 = vector.shape_cast %swap3A_940 : vector<1x16xf32> to vector<16xf32>
        %swap3A_942 = vector.shape_cast %add3A_937 : vector<16xf32> to vector<1x16xf32>
        tpu.vector_store %arg26[%swap3A_938, %swap3A_939], %swap3A_942 {strides = array<i32>} : memref<64x128xf32, #tpu.memory_space<vmem>>, vector<1x16xf32>,
        %get3A_943 = arith.index_cast %scan3A_835 : i32 to index
        %get3A_944 = arith.constant 64 : index
        %get3A_945 = tpu.vector_load %arg22[%get3A_943, %get3A_944] {strides = array<i32>} : memref<64x128xf32, #tpu.memory_space<vmem>>, vector<1x16xf32>,
        %get3A_946 = vector.shape_cast %get3A_945 : vector<1x16xf32> to vector<16xf32>
        %mul3A_947 = arith.mulf %get3A_131, %get3A_946 : vector<16xf32>
        %get3A_948 = arith.index_cast %scan3A_835 : i32 to index
        %get3A_949 = arith.constant 64 : index
        %get3A_950 = tpu.vector_load %arg23[%get3A_948, %get3A_949] {strides = array<i32>} : memref<64x128xf32, #tpu.memory_space<vmem>>, vector<1x16xf32>,
        %get3A_951 = vector.shape_cast %get3A_950 : vector<1x16xf32> to vector<16xf32>
        %add3A_952 = arith.addf %mul3A_947, %get3A_951 : vector<16xf32>
        %get3A_953 = arith.index_cast %scan3A_835 : i32 to index
        %get3A_954 = arith.constant 64 : index
        %get3A_955 = tpu.vector_load %arg24[%get3A_953, %get3A_954] {strides = array<i32>} : memref<64x128xf32, #tpu.memory_space<vmem>>, vector<1x16xf32>,
        %get3A_956 = vector.shape_cast %get3A_955 : vector<1x16xf32> to vector<16xf32>
        %mul3A_957 = arith.mulf %get3A_134, %get3A_956 : vector<16xf32>
        %add3A_958 = arith.addf %add3A_952, %mul3A_957 : vector<16xf32>
        %max3A_959 = arith.constant 0.000000e+00 : f32
        %max3A_960 = vector.broadcast %max3A_959 : f32 to vector<16xf32>
        %max3A_961 = arith.maximumf %add3A_958, %max3A_960 : vector<16xf32>
        %mul3A_962 = arith.mulf %get3A_137, %max3A_961 : vector<16xf32>
        %mul3A_963 = arith.mulf %get3A_140, %add3A_958 : vector<16xf32>
        %add3A_964 = arith.addf %mul3A_962, %mul3A_963 : vector<16xf32>
        %swap3A_965 = arith.index_cast %scan3A_835 : i32 to index
        %swap3A_966 = arith.constant 64 : index
        %swap3A_967 = tpu.vector_load %arg26[%swap3A_965, %swap3A_966] {strides = array<i32>} : memref<64x128xf32, #tpu.memory_space<vmem>>, vector<1x16xf32>,
        %swap3A_968 = vector.shape_cast %swap3A_967 : vector<1x16xf32> to vector<16xf32>
        %swap3A_969 = vector.shape_cast %add3A_964 : vector<16xf32> to vector<1x16xf32>
        tpu.vector_store %arg26[%swap3A_965, %swap3A_966], %swap3A_969 {strides = array<i32>} : memref<64x128xf32, #tpu.memory_space<vmem>>, vector<1x16xf32>,
        %get3A_970 = arith.index_cast %scan3A_835 : i32 to index
        %get3A_971 = arith.constant 80 : index
        %get3A_972 = tpu.vector_load %arg22[%get3A_970, %get3A_971] {strides = array<i32>} : memref<64x128xf32, #tpu.memory_space<vmem>>, vector<1x16xf32>,
        %get3A_973 = vector.shape_cast %get3A_972 : vector<1x16xf32> to vector<16xf32>
        %mul3A_974 = arith.mulf %get3A_131, %get3A_973 : vector<16xf32>
        %get3A_975 = arith.index_cast %scan3A_835 : i32 to index
        %get3A_976 = arith.constant 80 : index
        %get3A_977 = tpu.vector_load %arg23[%get3A_975, %get3A_976] {strides = array<i32>} : memref<64x128xf32, #tpu.memory_space<vmem>>, vector<1x16xf32>,
        %get3A_978 = vector.shape_cast %get3A_977 : vector<1x16xf32> to vector<16xf32>
        %add3A_979 = arith.addf %mul3A_974, %get3A_978 : vector<16xf32>
        %get3A_980 = arith.index_cast %scan3A_835 : i32 to index
        %get3A_981 = arith.constant 80 : index
        %get3A_982 = tpu.vector_load %arg24[%get3A_980, %get3A_981] {strides = array<i32>} : memref<64x128xf32, #tpu.memory_space<vmem>>, vector<1x16xf32>,
        %get3A_983 = vector.shape_cast %get3A_982 : vector<1x16xf32> to vector<16xf32>
        %mul3A_984 = arith.mulf %get3A_134, %get3A_983 : vector<16xf32>
        %add3A_985 = arith.addf %add3A_979, %mul3A_984 : vector<16xf32>
        %max3A_986 = arith.constant 0.000000e+00 : f32
        %max3A_987 = vector.broadcast %max3A_986 : f32 to vector<16xf32>
        %max3A_988 = arith.maximumf %add3A_985, %max3A_987 : vector<16xf32>
        %mul3A_989 = arith.mulf %get3A_137, %max3A_988 : vector<16xf32>
        %mul3A_990 = arith.mulf %get3A_140, %add3A_985 : vector<16xf32>
        %add3A_991 = arith.addf %mul3A_989, %mul3A_990 : vector<16xf32>
        %swap3A_992 = arith.index_cast %scan3A_835 : i32 to index
        %swap3A_993 = arith.constant 80 : index
        %swap3A_994 = tpu.vector_load %arg26[%swap3A_992, %swap3A_993] {strides = array<i32>} : memref<64x128xf32, #tpu.memory_space<vmem>>, vector<1x16xf32>,
        %swap3A_995 = vector.shape_cast %swap3A_994 : vector<1x16xf32> to vector<16xf32>
        %swap3A_996 = vector.shape_cast %add3A_991 : vector<16xf32> to vector<1x16xf32>
        tpu.vector_store %arg26[%swap3A_992, %swap3A_993], %swap3A_996 {strides = array<i32>} : memref<64x128xf32, #tpu.memory_space<vmem>>, vector<1x16xf32>,
        %get3A_997 = arith.index_cast %scan3A_835 : i32 to index
        %get3A_998 = arith.constant 96 : index
        %get3A_999 = tpu.vector_load %arg22[%get3A_997, %get3A_998] {strides = array<i32>} : memref<64x128xf32, #tpu.memory_space<vmem>>, vector<1x16xf32>,
        %get3A_1000 = vector.shape_cast %get3A_999 : vector<1x16xf32> to vector<16xf32>
        %mul3A_1001 = arith.mulf %get3A_131, %get3A_1000 : vector<16xf32>
        %get3A_1002 = arith.index_cast %scan3A_835 : i32 to index
        %get3A_1003 = arith.constant 96 : index
        %get3A_1004 = tpu.vector_load %arg23[%get3A_1002, %get3A_1003] {strides = array<i32>} : memref<64x128xf32, #tpu.memory_space<vmem>>, vector<1x16xf32>,
        %get3A_1005 = vector.shape_cast %get3A_1004 : vector<1x16xf32> to vector<16xf32>
        %add3A_1006 = arith.addf %mul3A_1001, %get3A_1005 : vector<16xf32>
        %get3A_1007 = arith.index_cast %scan3A_835 : i32 to index
        %get3A_1008 = arith.constant 96 : index
        %get3A_1009 = tpu.vector_load %arg24[%get3A_1007, %get3A_1008] {strides = array<i32>} : memref<64x128xf32, #tpu.memory_space<vmem>>, vector<1x16xf32>,
        %get3A_1010 = vector.shape_cast %get3A_1009 : vector<1x16xf32> to vector<16xf32>
        %mul3A_1011 = arith.mulf %get3A_134, %get3A_1010 : vector<16xf32>
        %add3A_1012 = arith.addf %add3A_1006, %mul3A_1011 : vector<16xf32>
        %max3A_1013 = arith.constant 0.000000e+00 : f32
        %max3A_1014 = vector.broadcast %max3A_1013 : f32 to vector<16xf32>
        %max3A_1015 = arith.maximumf %add3A_1012, %max3A_1014 : vector<16xf32>
        %mul3A_1016 = arith.mulf %get3A_137, %max3A_1015 : vector<16xf32>
        %mul3A_1017 = arith.mulf %get3A_140, %add3A_1012 : vector<16xf32>
        %add3A_1018 = arith.addf %mul3A_1016, %mul3A_1017 : vector<16xf32>
        %swap3A_1019 = arith.index_cast %scan3A_835 : i32 to index
        %swap3A_1020 = arith.constant 96 : index
        %swap3A_1021 = tpu.vector_load %arg26[%swap3A_1019, %swap3A_1020] {strides = array<i32>} : memref<64x128xf32, #tpu.memory_space<vmem>>, vector<1x16xf32>,
        %swap3A_1022 = vector.shape_cast %swap3A_1021 : vector<1x16xf32> to vector<16xf32>
        %swap3A_1023 = vector.shape_cast %add3A_1018 : vector<16xf32> to vector<1x16xf32>
        tpu.vector_store %arg26[%swap3A_1019, %swap3A_1020], %swap3A_1023 {strides = array<i32>} : memref<64x128xf32, #tpu.memory_space<vmem>>, vector<1x16xf32>,
        %get3A_1024 = arith.index_cast %scan3A_835 : i32 to index
        %get3A_1025 = arith.constant 112 : index
        %get3A_1026 = tpu.vector_load %arg22[%get3A_1024, %get3A_1025] {strides = array<i32>} : memref<64x128xf32, #tpu.memory_space<vmem>>, vector<1x16xf32>,
        %get3A_1027 = vector.shape_cast %get3A_1026 : vector<1x16xf32> to vector<16xf32>
        %mul3A_1028 = arith.mulf %get3A_131, %get3A_1027 : vector<16xf32>
        %get3A_1029 = arith.index_cast %scan3A_835 : i32 to index
        %get3A_1030 = arith.constant 112 : index
        %get3A_1031 = tpu.vector_load %arg23[%get3A_1029, %get3A_1030] {strides = array<i32>} : memref<64x128xf32, #tpu.memory_space<vmem>>, vector<1x16xf32>,
        %get3A_1032 = vector.shape_cast %get3A_1031 : vector<1x16xf32> to vector<16xf32>
        %add3A_1033 = arith.addf %mul3A_1028, %get3A_1032 : vector<16xf32>
        %get3A_1034 = arith.index_cast %scan3A_835 : i32 to index
        %get3A_1035 = arith.constant 112 : index
        %get3A_1036 = tpu.vector_load %arg24[%get3A_1034, %get3A_1035] {strides = array<i32>} : memref<64x128xf32, #tpu.memory_space<vmem>>, vector<1x16xf32>,
        %get3A_1037 = vector.shape_cast %get3A_1036 : vector<1x16xf32> to vector<16xf32>
        %mul3A_1038 = arith.mulf %get3A_134, %get3A_1037 : vector<16xf32>
        %add3A_1039 = arith.addf %add3A_1033, %mul3A_1038 : vector<16xf32>
        %max3A_1040 = arith.constant 0.000000e+00 : f32
        %max3A_1041 = vector.broadcast %max3A_1040 : f32 to vector<16xf32>
        %max3A_1042 = arith.maximumf %add3A_1039, %max3A_1041 : vector<16xf32>
        %mul3A_1043 = arith.mulf %get3A_137, %max3A_1042 : vector<16xf32>
        %mul3A_1044 = arith.mulf %get3A_140, %add3A_1039 : vector<16xf32>
        %add3A_1045 = arith.addf %mul3A_1043, %mul3A_1044 : vector<16xf32>
        %swap3A_1046 = arith.index_cast %scan3A_835 : i32 to index
        %swap3A_1047 = arith.constant 112 : index
        %swap3A_1048 = tpu.vector_load %arg26[%swap3A_1046, %swap3A_1047] {strides = array<i32>} : memref<64x128xf32, #tpu.memory_space<vmem>>, vector<1x16xf32>,
        %swap3A_1049 = vector.shape_cast %swap3A_1048 : vector<1x16xf32> to vector<16xf32>
        %swap3A_1050 = vector.shape_cast %add3A_1045 : vector<16xf32> to vector<1x16xf32>
        tpu.vector_store %arg26[%swap3A_1046, %swap3A_1047], %swap3A_1050 {strides = array<i32>} : memref<64x128xf32, #tpu.memory_space<vmem>>, vector<1x16xf32>,
      }
      %scan3A_441 = arith.constant 64 : i32
      %dma_start3A_442 = arith.constant 1 : i32
      %dma_start3A_443 = arith.constant 0 : i32
      %dma_start3A_444 = tpu.memref_slice %arg15[%dma_start3A_442, %dma_start3A_443] : memref<8x64xi32, #tpu.memory_space<vmem>> -> memref<1x64xi32, #tpu.memory_space<vmem>>
      %dma_start3A_445 = tpu.memref_squeeze %dma_start3A_444 : memref<1x64xi32, #tpu.memory_space<vmem>> -> memref<64xi32, #tpu.memory_space<vmem>>
      %dma_start3A_446 = arith.constant 0 : i32
      %dma_start3A_447 = arith.constant 0 : i32
      %dma_start3A_448 = tpu.memref_slice %arg27[%dma_start3A_446, %dma_start3A_447] : memref<10240x128xf32, #tpu.memory_space<vmem_shared>> -> memref<10240x128xf32, #tpu.memory_space<vmem_shared>>
      tpu.enqueue_indirect_dma source(%arg26 : memref<64x128xf32, #tpu.memory_space<vmem>>) target(%dma_start3A_448 : memref<10240x128xf32, #tpu.memory_space<vmem_shared>>) offsets(%dma_start3A_445 : memref<64xi32, #tpu.memory_space<vmem>>) semaphore(%arg29 : memref<!tpu.dma_semaphore, #tpu.memory_space<semaphore_mem>>) {add = true}
      %dma_start3A_449 = arith.constant 2 : i32
      %dma_start3A_450 = arith.constant 0 : i32
      %dma_start3A_451 = tpu.memref_slice %arg15[%dma_start3A_449, %dma_start3A_450] : memref<8x64xi32, #tpu.memory_space<vmem>> -> memref<1x64xi32, #tpu.memory_space<vmem>>
      %dma_start3A_452 = tpu.memref_squeeze %dma_start3A_451 : memref<1x64xi32, #tpu.memory_space<vmem>> -> memref<64xi32, #tpu.memory_space<vmem>>
      %dma_start3A_453 = arith.constant 0 : i32
      %dma_start3A_454 = arith.constant 0 : i32
      %dma_start3A_455 = tpu.memref_slice %arg2[%dma_start3A_453, %dma_start3A_454] : memref<10240x128xf32, #tpu.memory_space<hbm>> -> memref<10240x128xf32, #tpu.memory_space<hbm>>
      tpu.enqueue_indirect_dma source(%dma_start3A_455 : memref<10240x128xf32, #tpu.memory_space<hbm>>) target(%arg22 : memref<64x128xf32, #tpu.memory_space<vmem>>) offsets(%dma_start3A_452 : memref<64xi32, #tpu.memory_space<vmem>>) semaphore(%arg28 : memref<!tpu.dma_semaphore, #tpu.memory_space<semaphore_mem>>)
      %dma_start3A_456 = arith.constant 2 : i32
      %dma_start3A_457 = arith.constant 0 : i32
      %dma_start3A_458 = tpu.memref_slice %arg14[%dma_start3A_456, %dma_start3A_457] : memref<8x64xi32, #tpu.memory_space<vmem>> -> memref<1x64xi32, #tpu.memory_space<vmem>>
      %dma_start3A_459 = tpu.memref_squeeze %dma_start3A_458 : memref<1x64xi32, #tpu.memory_space<vmem>> -> memref<64xi32, #tpu.memory_space<vmem>>
      %dma_start3A_460 = arith.constant 0 : i32
      %dma_start3A_461 = arith.constant 0 : i32
      %dma_start3A_462 = tpu.memref_slice %arg3[%dma_start3A_460, %dma_start3A_461] : memref<10240x128xf32, #tpu.memory_space<hbm>> -> memref<10240x128xf32, #tpu.memory_space<hbm>>
      tpu.enqueue_indirect_dma source(%dma_start3A_462 : memref<10240x128xf32, #tpu.memory_space<hbm>>) target(%arg23 : memref<64x128xf32, #tpu.memory_space<vmem>>) offsets(%dma_start3A_459 : memref<64xi32, #tpu.memory_space<vmem>>) semaphore(%arg28 : memref<!tpu.dma_semaphore, #tpu.memory_space<semaphore_mem>>)
      %dma_start3A_463 = arith.constant 2 : i32
      %dma_start3A_464 = arith.constant 0 : i32
      %dma_start3A_465 = tpu.memref_slice %arg16[%dma_start3A_463, %dma_start3A_464] : memref<8x64xi32, #tpu.memory_space<vmem>> -> memref<1x64xi32, #tpu.memory_space<vmem>>
      %dma_start3A_466 = tpu.memref_squeeze %dma_start3A_465 : memref<1x64xi32, #tpu.memory_space<vmem>> -> memref<64xi32, #tpu.memory_space<vmem>>
      %dma_start3A_467 = arith.constant 0 : i32
      %dma_start3A_468 = arith.constant 0 : i32
      %dma_start3A_469 = tpu.memref_slice %arg4[%dma_start3A_467, %dma_start3A_468] : memref<960000x128xf32, #tpu.memory_space<hbm>> -> memref<960000x128xf32, #tpu.memory_space<hbm>>
      tpu.enqueue_indirect_dma source(%dma_start3A_469 : memref<960000x128xf32, #tpu.memory_space<hbm>>) target(%arg24 : memref<64x128xf32, #tpu.memory_space<vmem>>) offsets(%dma_start3A_466 : memref<64xi32, #tpu.memory_space<vmem>>) semaphore(%arg28 : memref<!tpu.dma_semaphore, #tpu.memory_space<semaphore_mem>>)
      %dma_wait3A_470 = arith.constant 2 : i32
      %dma_wait3A_471 = arith.constant 0 : i32
      %dma_wait3A_472 = tpu.memref_slice %arg15[%dma_wait3A_470, %dma_wait3A_471] : memref<8x64xi32, #tpu.memory_space<vmem>> -> memref<1x64xi32, #tpu.memory_space<vmem>>
      %dma_wait3A_473 = tpu.memref_squeeze %dma_wait3A_472 : memref<1x64xi32, #tpu.memory_space<vmem>> -> memref<64xi32, #tpu.memory_space<vmem>>
      %dma_wait3A_474 = arith.constant 0 : i32
      %dma_wait3A_475 = arith.constant 0 : i32
      %dma_wait3A_476 = tpu.memref_slice %arg2[%dma_wait3A_474, %dma_wait3A_475] : memref<10240x128xf32, #tpu.memory_space<hbm>> -> memref<10240x128xf32, #tpu.memory_space<hbm>>
      tpu.wait_indirect_dma semaphore(%arg28 : memref<!tpu.dma_semaphore, #tpu.memory_space<semaphore_mem>>) src(%dma_wait3A_476 : memref<10240x128xf32, #tpu.memory_space<hbm>>) dst(%arg22 : memref<64x128xf32, #tpu.memory_space<vmem>>)
      %dma_wait3A_477 = arith.constant 2 : i32
      %dma_wait3A_478 = arith.constant 0 : i32
      %dma_wait3A_479 = tpu.memref_slice %arg14[%dma_wait3A_477, %dma_wait3A_478] : memref<8x64xi32, #tpu.memory_space<vmem>> -> memref<1x64xi32, #tpu.memory_space<vmem>>
      %dma_wait3A_480 = tpu.memref_squeeze %dma_wait3A_479 : memref<1x64xi32, #tpu.memory_space<vmem>> -> memref<64xi32, #tpu.memory_space<vmem>>
      %dma_wait3A_481 = arith.constant 0 : i32
      %dma_wait3A_482 = arith.constant 0 : i32
      %dma_wait3A_483 = tpu.memref_slice %arg3[%dma_wait3A_481, %dma_wait3A_482] : memref<10240x128xf32, #tpu.memory_space<hbm>> -> memref<10240x128xf32, #tpu.memory_space<hbm>>
      tpu.wait_indirect_dma semaphore(%arg28 : memref<!tpu.dma_semaphore, #tpu.memory_space<semaphore_mem>>) src(%dma_wait3A_483 : memref<10240x128xf32, #tpu.memory_space<hbm>>) dst(%arg23 : memref<64x128xf32, #tpu.memory_space<vmem>>)
      %dma_wait3A_484 = arith.constant 2 : i32
      %dma_wait3A_485 = arith.constant 0 : i32
      %dma_wait3A_486 = tpu.memref_slice %arg16[%dma_wait3A_484, %dma_wait3A_485] : memref<8x64xi32, #tpu.memory_space<vmem>> -> memref<1x64xi32, #tpu.memory_space<vmem>>
      %dma_wait3A_487 = tpu.memref_squeeze %dma_wait3A_486 : memref<1x64xi32, #tpu.memory_space<vmem>> -> memref<64xi32, #tpu.memory_space<vmem>>
      %dma_wait3A_488 = arith.constant 0 : i32
      %dma_wait3A_489 = arith.constant 0 : i32
      %dma_wait3A_490 = tpu.memref_slice %arg4[%dma_wait3A_488, %dma_wait3A_489] : memref<960000x128xf32, #tpu.memory_space<hbm>> -> memref<960000x128xf32, #tpu.memory_space<hbm>>
      tpu.wait_indirect_dma semaphore(%arg28 : memref<!tpu.dma_semaphore, #tpu.memory_space<semaphore_mem>>) src(%dma_wait3A_490 : memref<960000x128xf32, #tpu.memory_space<hbm>>) dst(%arg24 : memref<64x128xf32, #tpu.memory_space<vmem>>)
      %dma_wait3A_491 = arith.constant 0 : i32
      %dma_wait3A_492 = arith.constant 0 : i32
      %dma_wait3A_493 = tpu.memref_slice %arg15[%dma_wait3A_491, %dma_wait3A_492] : memref<8x64xi32, #tpu.memory_space<vmem>> -> memref<1x64xi32, #tpu.memory_space<vmem>>
      %dma_wait3A_494 = tpu.memref_squeeze %dma_wait3A_493 : memref<1x64xi32, #tpu.memory_space<vmem>> -> memref<64xi32, #tpu.memory_space<vmem>>
      %dma_wait3A_495 = arith.constant 0 : i32
      %dma_wait3A_496 = arith.constant 0 : i32
      %dma_wait3A_497 = tpu.memref_slice %arg27[%dma_wait3A_495, %dma_wait3A_496] : memref<10240x128xf32, #tpu.memory_space<vmem_shared>> -> memref<10240x128xf32, #tpu.memory_space<vmem_shared>>
      tpu.wait_indirect_dma semaphore(%arg29 : memref<!tpu.dma_semaphore, #tpu.memory_space<semaphore_mem>>) src(%arg25 : memref<64x128xf32, #tpu.memory_space<vmem>>) dst(%dma_wait3A_497 : memref<10240x128xf32, #tpu.memory_space<vmem_shared>>)
      %scan3A_498 = arith.constant 0 : i32
      %scan3A_499 = arith.constant 0 : i32
      %scan3A_500 = arith.constant 64 : i32
      %scan3A_501 = arith.addi %scan3A_499, %scan3A_500 : i32
      %scan3A_502 = arith.constant 1 : i32
      scf.for %scan3A_835 = %scan3A_499 to %scan3A_501 step %scan3A_502  : i32 {
        %get3A_836 = arith.index_cast %scan3A_835 : i32 to index
        %get3A_837 = arith.constant 0 : index
        %get3A_838 = tpu.vector_load %arg22[%get3A_836, %get3A_837] {strides = array<i32>} : memref<64x128xf32, #tpu.memory_space<vmem>>, vector<1x16xf32>,
        %get3A_839 = vector.shape_cast %get3A_838 : vector<1x16xf32> to vector<16xf32>
        %mul3A_840 = arith.mulf %get3A_131, %get3A_839 : vector<16xf32>
        %get3A_841 = arith.index_cast %scan3A_835 : i32 to index
        %get3A_842 = arith.constant 0 : index
        %get3A_843 = tpu.vector_load %arg23[%get3A_841, %get3A_842] {strides = array<i32>} : memref<64x128xf32, #tpu.memory_space<vmem>>, vector<1x16xf32>,
        %get3A_844 = vector.shape_cast %get3A_843 : vector<1x16xf32> to vector<16xf32>
        %add3A_845 = arith.addf %mul3A_840, %get3A_844 : vector<16xf32>
        %get3A_846 = arith.index_cast %scan3A_835 : i32 to index
        %get3A_847 = arith.constant 0 : index
        %get3A_848 = tpu.vector_load %arg24[%get3A_846, %get3A_847] {strides = array<i32>} : memref<64x128xf32, #tpu.memory_space<vmem>>, vector<1x16xf32>,
        %get3A_849 = vector.shape_cast %get3A_848 : vector<1x16xf32> to vector<16xf32>
        %mul3A_850 = arith.mulf %get3A_134, %get3A_849 : vector<16xf32>
        %add3A_851 = arith.addf %add3A_845, %mul3A_850 : vector<16xf32>
        %max3A_852 = arith.constant 0.000000e+00 : f32
        %max3A_853 = vector.broadcast %max3A_852 : f32 to vector<16xf32>
        %max3A_854 = arith.maximumf %add3A_851, %max3A_853 : vector<16xf32>
        %mul3A_855 = arith.mulf %get3A_137, %max3A_854 : vector<16xf32>
        %mul3A_856 = arith.mulf %get3A_140, %add3A_851 : vector<16xf32>
        %add3A_857 = arith.addf %mul3A_855, %mul3A_856 : vector<16xf32>
        %swap3A = arith.index_cast %scan3A_835 : i32 to index
        %swap3A_858 = arith.constant 0 : index
        %swap3A_859 = tpu.vector_load %arg25[%swap3A, %swap3A_858] {strides = array<i32>} : memref<64x128xf32, #tpu.memory_space<vmem>>, vector<1x16xf32>,
        %swap3A_860 = vector.shape_cast %swap3A_859 : vector<1x16xf32> to vector<16xf32>
        %swap3A_861 = vector.shape_cast %add3A_857 : vector<16xf32> to vector<1x16xf32>
        tpu.vector_store %arg25[%swap3A, %swap3A_858], %swap3A_861 {strides = array<i32>} : memref<64x128xf32, #tpu.memory_space<vmem>>, vector<1x16xf32>,
        %get3A_862 = arith.index_cast %scan3A_835 : i32 to index
        %get3A_863 = arith.constant 16 : index
        %get3A_864 = tpu.vector_load %arg22[%get3A_862, %get3A_863] {strides = array<i32>} : memref<64x128xf32, #tpu.memory_space<vmem>>, vector<1x16xf32>,
        %get3A_865 = vector.shape_cast %get3A_864 : vector<1x16xf32> to vector<16xf32>
        %mul3A_866 = arith.mulf %get3A_131, %get3A_865 : vector<16xf32>
        %get3A_867 = arith.index_cast %scan3A_835 : i32 to index
        %get3A_868 = arith.constant 16 : index
        %get3A_869 = tpu.vector_load %arg23[%get3A_867, %get3A_868] {strides = array<i32>} : memref<64x128xf32, #tpu.memory_space<vmem>>, vector<1x16xf32>,
        %get3A_870 = vector.shape_cast %get3A_869 : vector<1x16xf32> to vector<16xf32>
        %add3A_871 = arith.addf %mul3A_866, %get3A_870 : vector<16xf32>
        %get3A_872 = arith.index_cast %scan3A_835 : i32 to index
        %get3A_873 = arith.constant 16 : index
        %get3A_874 = tpu.vector_load %arg24[%get3A_872, %get3A_873] {strides = array<i32>} : memref<64x128xf32, #tpu.memory_space<vmem>>, vector<1x16xf32>,
        %get3A_875 = vector.shape_cast %get3A_874 : vector<1x16xf32> to vector<16xf32>
        %mul3A_876 = arith.mulf %get3A_134, %get3A_875 : vector<16xf32>
        %add3A_877 = arith.addf %add3A_871, %mul3A_876 : vector<16xf32>
        %max3A_878 = arith.constant 0.000000e+00 : f32
        %max3A_879 = vector.broadcast %max3A_878 : f32 to vector<16xf32>
        %max3A_880 = arith.maximumf %add3A_877, %max3A_879 : vector<16xf32>
        %mul3A_881 = arith.mulf %get3A_137, %max3A_880 : vector<16xf32>
        %mul3A_882 = arith.mulf %get3A_140, %add3A_877 : vector<16xf32>
        %add3A_883 = arith.addf %mul3A_881, %mul3A_882 : vector<16xf32>
        %swap3A_884 = arith.index_cast %scan3A_835 : i32 to index
        %swap3A_885 = arith.constant 16 : index
        %swap3A_886 = tpu.vector_load %arg25[%swap3A_884, %swap3A_885] {strides = array<i32>} : memref<64x128xf32, #tpu.memory_space<vmem>>, vector<1x16xf32>,
        %swap3A_887 = vector.shape_cast %swap3A_886 : vector<1x16xf32> to vector<16xf32>
        %swap3A_888 = vector.shape_cast %add3A_883 : vector<16xf32> to vector<1x16xf32>
        tpu.vector_store %arg25[%swap3A_884, %swap3A_885], %swap3A_888 {strides = array<i32>} : memref<64x128xf32, #tpu.memory_space<vmem>>, vector<1x16xf32>,
        %get3A_889 = arith.index_cast %scan3A_835 : i32 to index
        %get3A_890 = arith.constant 32 : index
        %get3A_891 = tpu.vector_load %arg22[%get3A_889, %get3A_890] {strides = array<i32>} : memref<64x128xf32, #tpu.memory_space<vmem>>, vector<1x16xf32>,
        %get3A_892 = vector.shape_cast %get3A_891 : vector<1x16xf32> to vector<16xf32>
        %mul3A_893 = arith.mulf %get3A_131, %get3A_892 : vector<16xf32>
        %get3A_894 = arith.index_cast %scan3A_835 : i32 to index
        %get3A_895 = arith.constant 32 : index
        %get3A_896 = tpu.vector_load %arg23[%get3A_894, %get3A_895] {strides = array<i32>} : memref<64x128xf32, #tpu.memory_space<vmem>>, vector<1x16xf32>,
        %get3A_897 = vector.shape_cast %get3A_896 : vector<1x16xf32> to vector<16xf32>
        %add3A_898 = arith.addf %mul3A_893, %get3A_897 : vector<16xf32>
        %get3A_899 = arith.index_cast %scan3A_835 : i32 to index
        %get3A_900 = arith.constant 32 : index
        %get3A_901 = tpu.vector_load %arg24[%get3A_899, %get3A_900] {strides = array<i32>} : memref<64x128xf32, #tpu.memory_space<vmem>>, vector<1x16xf32>,
        %get3A_902 = vector.shape_cast %get3A_901 : vector<1x16xf32> to vector<16xf32>
        %mul3A_903 = arith.mulf %get3A_134, %get3A_902 : vector<16xf32>
        %add3A_904 = arith.addf %add3A_898, %mul3A_903 : vector<16xf32>
        %max3A_905 = arith.constant 0.000000e+00 : f32
        %max3A_906 = vector.broadcast %max3A_905 : f32 to vector<16xf32>
        %max3A_907 = arith.maximumf %add3A_904, %max3A_906 : vector<16xf32>
        %mul3A_908 = arith.mulf %get3A_137, %max3A_907 : vector<16xf32>
        %mul3A_909 = arith.mulf %get3A_140, %add3A_904 : vector<16xf32>
        %add3A_910 = arith.addf %mul3A_908, %mul3A_909 : vector<16xf32>
        %swap3A_911 = arith.index_cast %scan3A_835 : i32 to index
        %swap3A_912 = arith.constant 32 : index
        %swap3A_913 = tpu.vector_load %arg25[%swap3A_911, %swap3A_912] {strides = array<i32>} : memref<64x128xf32, #tpu.memory_space<vmem>>, vector<1x16xf32>,
        %swap3A_914 = vector.shape_cast %swap3A_913 : vector<1x16xf32> to vector<16xf32>
        %swap3A_915 = vector.shape_cast %add3A_910 : vector<16xf32> to vector<1x16xf32>
        tpu.vector_store %arg25[%swap3A_911, %swap3A_912], %swap3A_915 {strides = array<i32>} : memref<64x128xf32, #tpu.memory_space<vmem>>, vector<1x16xf32>,
        %get3A_916 = arith.index_cast %scan3A_835 : i32 to index
        %get3A_917 = arith.constant 48 : index
        %get3A_918 = tpu.vector_load %arg22[%get3A_916, %get3A_917] {strides = array<i32>} : memref<64x128xf32, #tpu.memory_space<vmem>>, vector<1x16xf32>,
        %get3A_919 = vector.shape_cast %get3A_918 : vector<1x16xf32> to vector<16xf32>
        %mul3A_920 = arith.mulf %get3A_131, %get3A_919 : vector<16xf32>
        %get3A_921 = arith.index_cast %scan3A_835 : i32 to index
        %get3A_922 = arith.constant 48 : index
        %get3A_923 = tpu.vector_load %arg23[%get3A_921, %get3A_922] {strides = array<i32>} : memref<64x128xf32, #tpu.memory_space<vmem>>, vector<1x16xf32>,
        %get3A_924 = vector.shape_cast %get3A_923 : vector<1x16xf32> to vector<16xf32>
        %add3A_925 = arith.addf %mul3A_920, %get3A_924 : vector<16xf32>
        %get3A_926 = arith.index_cast %scan3A_835 : i32 to index
        %get3A_927 = arith.constant 48 : index
        %get3A_928 = tpu.vector_load %arg24[%get3A_926, %get3A_927] {strides = array<i32>} : memref<64x128xf32, #tpu.memory_space<vmem>>, vector<1x16xf32>,
        %get3A_929 = vector.shape_cast %get3A_928 : vector<1x16xf32> to vector<16xf32>
        %mul3A_930 = arith.mulf %get3A_134, %get3A_929 : vector<16xf32>
        %add3A_931 = arith.addf %add3A_925, %mul3A_930 : vector<16xf32>
        %max3A_932 = arith.constant 0.000000e+00 : f32
        %max3A_933 = vector.broadcast %max3A_932 : f32 to vector<16xf32>
        %max3A_934 = arith.maximumf %add3A_931, %max3A_933 : vector<16xf32>
        %mul3A_935 = arith.mulf %get3A_137, %max3A_934 : vector<16xf32>
        %mul3A_936 = arith.mulf %get3A_140, %add3A_931 : vector<16xf32>
        %add3A_937 = arith.addf %mul3A_935, %mul3A_936 : vector<16xf32>
        %swap3A_938 = arith.index_cast %scan3A_835 : i32 to index
        %swap3A_939 = arith.constant 48 : index
        %swap3A_940 = tpu.vector_load %arg25[%swap3A_938, %swap3A_939] {strides = array<i32>} : memref<64x128xf32, #tpu.memory_space<vmem>>, vector<1x16xf32>,
        %swap3A_941 = vector.shape_cast %swap3A_940 : vector<1x16xf32> to vector<16xf32>
        %swap3A_942 = vector.shape_cast %add3A_937 : vector<16xf32> to vector<1x16xf32>
        tpu.vector_store %arg25[%swap3A_938, %swap3A_939], %swap3A_942 {strides = array<i32>} : memref<64x128xf32, #tpu.memory_space<vmem>>, vector<1x16xf32>,
        %get3A_943 = arith.index_cast %scan3A_835 : i32 to index
        %get3A_944 = arith.constant 64 : index
        %get3A_945 = tpu.vector_load %arg22[%get3A_943, %get3A_944] {strides = array<i32>} : memref<64x128xf32, #tpu.memory_space<vmem>>, vector<1x16xf32>,
        %get3A_946 = vector.shape_cast %get3A_945 : vector<1x16xf32> to vector<16xf32>
        %mul3A_947 = arith.mulf %get3A_131, %get3A_946 : vector<16xf32>
        %get3A_948 = arith.index_cast %scan3A_835 : i32 to index
        %get3A_949 = arith.constant 64 : index
        %get3A_950 = tpu.vector_load %arg23[%get3A_948, %get3A_949] {strides = array<i32>} : memref<64x128xf32, #tpu.memory_space<vmem>>, vector<1x16xf32>,
        %get3A_951 = vector.shape_cast %get3A_950 : vector<1x16xf32> to vector<16xf32>
        %add3A_952 = arith.addf %mul3A_947, %get3A_951 : vector<16xf32>
        %get3A_953 = arith.index_cast %scan3A_835 : i32 to index
        %get3A_954 = arith.constant 64 : index
        %get3A_955 = tpu.vector_load %arg24[%get3A_953, %get3A_954] {strides = array<i32>} : memref<64x128xf32, #tpu.memory_space<vmem>>, vector<1x16xf32>,
        %get3A_956 = vector.shape_cast %get3A_955 : vector<1x16xf32> to vector<16xf32>
        %mul3A_957 = arith.mulf %get3A_134, %get3A_956 : vector<16xf32>
        %add3A_958 = arith.addf %add3A_952, %mul3A_957 : vector<16xf32>
        %max3A_959 = arith.constant 0.000000e+00 : f32
        %max3A_960 = vector.broadcast %max3A_959 : f32 to vector<16xf32>
        %max3A_961 = arith.maximumf %add3A_958, %max3A_960 : vector<16xf32>
        %mul3A_962 = arith.mulf %get3A_137, %max3A_961 : vector<16xf32>
        %mul3A_963 = arith.mulf %get3A_140, %add3A_958 : vector<16xf32>
        %add3A_964 = arith.addf %mul3A_962, %mul3A_963 : vector<16xf32>
        %swap3A_965 = arith.index_cast %scan3A_835 : i32 to index
        %swap3A_966 = arith.constant 64 : index
        %swap3A_967 = tpu.vector_load %arg25[%swap3A_965, %swap3A_966] {strides = array<i32>} : memref<64x128xf32, #tpu.memory_space<vmem>>, vector<1x16xf32>,
        %swap3A_968 = vector.shape_cast %swap3A_967 : vector<1x16xf32> to vector<16xf32>
        %swap3A_969 = vector.shape_cast %add3A_964 : vector<16xf32> to vector<1x16xf32>
        tpu.vector_store %arg25[%swap3A_965, %swap3A_966], %swap3A_969 {strides = array<i32>} : memref<64x128xf32, #tpu.memory_space<vmem>>, vector<1x16xf32>,
        %get3A_970 = arith.index_cast %scan3A_835 : i32 to index
        %get3A_971 = arith.constant 80 : index
        %get3A_972 = tpu.vector_load %arg22[%get3A_970, %get3A_971] {strides = array<i32>} : memref<64x128xf32, #tpu.memory_space<vmem>>, vector<1x16xf32>,
        %get3A_973 = vector.shape_cast %get3A_972 : vector<1x16xf32> to vector<16xf32>
        %mul3A_974 = arith.mulf %get3A_131, %get3A_973 : vector<16xf32>
        %get3A_975 = arith.index_cast %scan3A_835 : i32 to index
        %get3A_976 = arith.constant 80 : index
        %get3A_977 = tpu.vector_load %arg23[%get3A_975, %get3A_976] {strides = array<i32>} : memref<64x128xf32, #tpu.memory_space<vmem>>, vector<1x16xf32>,
        %get3A_978 = vector.shape_cast %get3A_977 : vector<1x16xf32> to vector<16xf32>
        %add3A_979 = arith.addf %mul3A_974, %get3A_978 : vector<16xf32>
        %get3A_980 = arith.index_cast %scan3A_835 : i32 to index
        %get3A_981 = arith.constant 80 : index
        %get3A_982 = tpu.vector_load %arg24[%get3A_980, %get3A_981] {strides = array<i32>} : memref<64x128xf32, #tpu.memory_space<vmem>>, vector<1x16xf32>,
        %get3A_983 = vector.shape_cast %get3A_982 : vector<1x16xf32> to vector<16xf32>
        %mul3A_984 = arith.mulf %get3A_134, %get3A_983 : vector<16xf32>
        %add3A_985 = arith.addf %add3A_979, %mul3A_984 : vector<16xf32>
        %max3A_986 = arith.constant 0.000000e+00 : f32
        %max3A_987 = vector.broadcast %max3A_986 : f32 to vector<16xf32>
        %max3A_988 = arith.maximumf %add3A_985, %max3A_987 : vector<16xf32>
        %mul3A_989 = arith.mulf %get3A_137, %max3A_988 : vector<16xf32>
        %mul3A_990 = arith.mulf %get3A_140, %add3A_985 : vector<16xf32>
        %add3A_991 = arith.addf %mul3A_989, %mul3A_990 : vector<16xf32>
        %swap3A_992 = arith.index_cast %scan3A_835 : i32 to index
        %swap3A_993 = arith.constant 80 : index
        %swap3A_994 = tpu.vector_load %arg25[%swap3A_992, %swap3A_993] {strides = array<i32>} : memref<64x128xf32, #tpu.memory_space<vmem>>, vector<1x16xf32>,
        %swap3A_995 = vector.shape_cast %swap3A_994 : vector<1x16xf32> to vector<16xf32>
        %swap3A_996 = vector.shape_cast %add3A_991 : vector<16xf32> to vector<1x16xf32>
        tpu.vector_store %arg25[%swap3A_992, %swap3A_993], %swap3A_996 {strides = array<i32>} : memref<64x128xf32, #tpu.memory_space<vmem>>, vector<1x16xf32>,
        %get3A_997 = arith.index_cast %scan3A_835 : i32 to index
        %get3A_998 = arith.constant 96 : index
        %get3A_999 = tpu.vector_load %arg22[%get3A_997, %get3A_998] {strides = array<i32>} : memref<64x128xf32, #tpu.memory_space<vmem>>, vector<1x16xf32>,
        %get3A_1000 = vector.shape_cast %get3A_999 : vector<1x16xf32> to vector<16xf32>
        %mul3A_1001 = arith.mulf %get3A_131, %get3A_1000 : vector<16xf32>
        %get3A_1002 = arith.index_cast %scan3A_835 : i32 to index
        %get3A_1003 = arith.constant 96 : index
        %get3A_1004 = tpu.vector_load %arg23[%get3A_1002, %get3A_1003] {strides = array<i32>} : memref<64x128xf32, #tpu.memory_space<vmem>>, vector<1x16xf32>,
        %get3A_1005 = vector.shape_cast %get3A_1004 : vector<1x16xf32> to vector<16xf32>
        %add3A_1006 = arith.addf %mul3A_1001, %get3A_1005 : vector<16xf32>
        %get3A_1007 = arith.index_cast %scan3A_835 : i32 to index
        %get3A_1008 = arith.constant 96 : index
        %get3A_1009 = tpu.vector_load %arg24[%get3A_1007, %get3A_1008] {strides = array<i32>} : memref<64x128xf32, #tpu.memory_space<vmem>>, vector<1x16xf32>,
        %get3A_1010 = vector.shape_cast %get3A_1009 : vector<1x16xf32> to vector<16xf32>
        %mul3A_1011 = arith.mulf %get3A_134, %get3A_1010 : vector<16xf32>
        %add3A_1012 = arith.addf %add3A_1006, %mul3A_1011 : vector<16xf32>
        %max3A_1013 = arith.constant 0.000000e+00 : f32
        %max3A_1014 = vector.broadcast %max3A_1013 : f32 to vector<16xf32>
        %max3A_1015 = arith.maximumf %add3A_1012, %max3A_1014 : vector<16xf32>
        %mul3A_1016 = arith.mulf %get3A_137, %max3A_1015 : vector<16xf32>
        %mul3A_1017 = arith.mulf %get3A_140, %add3A_1012 : vector<16xf32>
        %add3A_1018 = arith.addf %mul3A_1016, %mul3A_1017 : vector<16xf32>
        %swap3A_1019 = arith.index_cast %scan3A_835 : i32 to index
        %swap3A_1020 = arith.constant 96 : index
        %swap3A_1021 = tpu.vector_load %arg25[%swap3A_1019, %swap3A_1020] {strides = array<i32>} : memref<64x128xf32, #tpu.memory_space<vmem>>, vector<1x16xf32>,
        %swap3A_1022 = vector.shape_cast %swap3A_1021 : vector<1x16xf32> to vector<16xf32>
        %swap3A_1023 = vector.shape_cast %add3A_1018 : vector<16xf32> to vector<1x16xf32>
        tpu.vector_store %arg25[%swap3A_1019, %swap3A_1020], %swap3A_1023 {strides = array<i32>} : memref<64x128xf32, #tpu.memory_space<vmem>>, vector<1x16xf32>,
        %get3A_1024 = arith.index_cast %scan3A_835 : i32 to index
        %get3A_1025 = arith.constant 112 : index
        %get3A_1026 = tpu.vector_load %arg22[%get3A_1024, %get3A_1025] {strides = array<i32>} : memref<64x128xf32, #tpu.memory_space<vmem>>, vector<1x16xf32>,
        %get3A_1027 = vector.shape_cast %get3A_1026 : vector<1x16xf32> to vector<16xf32>
        %mul3A_1028 = arith.mulf %get3A_131, %get3A_1027 : vector<16xf32>
        %get3A_1029 = arith.index_cast %scan3A_835 : i32 to index
        %get3A_1030 = arith.constant 112 : index
        %get3A_1031 = tpu.vector_load %arg23[%get3A_1029, %get3A_1030] {strides = array<i32>} : memref<64x128xf32, #tpu.memory_space<vmem>>, vector<1x16xf32>,
        %get3A_1032 = vector.shape_cast %get3A_1031 : vector<1x16xf32> to vector<16xf32>
        %add3A_1033 = arith.addf %mul3A_1028, %get3A_1032 : vector<16xf32>
        %get3A_1034 = arith.index_cast %scan3A_835 : i32 to index
        %get3A_1035 = arith.constant 112 : index
        %get3A_1036 = tpu.vector_load %arg24[%get3A_1034, %get3A_1035] {strides = array<i32>} : memref<64x128xf32, #tpu.memory_space<vmem>>, vector<1x16xf32>,
        %get3A_1037 = vector.shape_cast %get3A_1036 : vector<1x16xf32> to vector<16xf32>
        %mul3A_1038 = arith.mulf %get3A_134, %get3A_1037 : vector<16xf32>
        %add3A_1039 = arith.addf %add3A_1033, %mul3A_1038 : vector<16xf32>
        %max3A_1040 = arith.constant 0.000000e+00 : f32
        %max3A_1041 = vector.broadcast %max3A_1040 : f32 to vector<16xf32>
        %max3A_1042 = arith.maximumf %add3A_1039, %max3A_1041 : vector<16xf32>
        %mul3A_1043 = arith.mulf %get3A_137, %max3A_1042 : vector<16xf32>
        %mul3A_1044 = arith.mulf %get3A_140, %add3A_1039 : vector<16xf32>
        %add3A_1045 = arith.addf %mul3A_1043, %mul3A_1044 : vector<16xf32>
        %swap3A_1046 = arith.index_cast %scan3A_835 : i32 to index
        %swap3A_1047 = arith.constant 112 : index
        %swap3A_1048 = tpu.vector_load %arg25[%swap3A_1046, %swap3A_1047] {strides = array<i32>} : memref<64x128xf32, #tpu.memory_space<vmem>>, vector<1x16xf32>,
        %swap3A_1049 = vector.shape_cast %swap3A_1048 : vector<1x16xf32> to vector<16xf32>
        %swap3A_1050 = vector.shape_cast %add3A_1045 : vector<16xf32> to vector<1x16xf32>
        tpu.vector_store %arg25[%swap3A_1046, %swap3A_1047], %swap3A_1050 {strides = array<i32>} : memref<64x128xf32, #tpu.memory_space<vmem>>, vector<1x16xf32>,
      }
      %scan3A_503 = arith.constant 64 : i32
      %dma_start3A_504 = arith.constant 2 : i32
      %dma_start3A_505 = arith.constant 0 : i32
      %dma_start3A_506 = tpu.memref_slice %arg15[%dma_start3A_504, %dma_start3A_505] : memref<8x64xi32, #tpu.memory_space<vmem>> -> memref<1x64xi32, #tpu.memory_space<vmem>>
      %dma_start3A_507 = tpu.memref_squeeze %dma_start3A_506 : memref<1x64xi32, #tpu.memory_space<vmem>> -> memref<64xi32, #tpu.memory_space<vmem>>
      %dma_start3A_508 = arith.constant 0 : i32
      %dma_start3A_509 = arith.constant 0 : i32
      %dma_start3A_510 = tpu.memref_slice %arg27[%dma_start3A_508, %dma_start3A_509] : memref<10240x128xf32, #tpu.memory_space<vmem_shared>> -> memref<10240x128xf32, #tpu.memory_space<vmem_shared>>
      tpu.enqueue_indirect_dma source(%arg25 : memref<64x128xf32, #tpu.memory_space<vmem>>) target(%dma_start3A_510 : memref<10240x128xf32, #tpu.memory_space<vmem_shared>>) offsets(%dma_start3A_507 : memref<64xi32, #tpu.memory_space<vmem>>) semaphore(%arg29 : memref<!tpu.dma_semaphore, #tpu.memory_space<semaphore_mem>>) {add = true}
      %dma_start3A_511 = arith.constant 3 : i32
      %dma_start3A_512 = arith.constant 0 : i32
      %dma_start3A_513 = tpu.memref_slice %arg15[%dma_start3A_511, %dma_start3A_512] : memref<8x64xi32, #tpu.memory_space<vmem>> -> memref<1x64xi32, #tpu.memory_space<vmem>>
      %dma_start3A_514 = tpu.memref_squeeze %dma_start3A_513 : memref<1x64xi32, #tpu.memory_space<vmem>> -> memref<64xi32, #tpu.memory_space<vmem>>
      %dma_start3A_515 = arith.constant 0 : i32
      %dma_start3A_516 = arith.constant 0 : i32
      %dma_start3A_517 = tpu.memref_slice %arg2[%dma_start3A_515, %dma_start3A_516] : memref<10240x128xf32, #tpu.memory_space<hbm>> -> memref<10240x128xf32, #tpu.memory_space<hbm>>
      tpu.enqueue_indirect_dma source(%dma_start3A_517 : memref<10240x128xf32, #tpu.memory_space<hbm>>) target(%arg22 : memref<64x128xf32, #tpu.memory_space<vmem>>) offsets(%dma_start3A_514 : memref<64xi32, #tpu.memory_space<vmem>>) semaphore(%arg28 : memref<!tpu.dma_semaphore, #tpu.memory_space<semaphore_mem>>)
      %dma_start3A_518 = arith.constant 3 : i32
      %dma_start3A_519 = arith.constant 0 : i32
      %dma_start3A_520 = tpu.memref_slice %arg14[%dma_start3A_518, %dma_start3A_519] : memref<8x64xi32, #tpu.memory_space<vmem>> -> memref<1x64xi32, #tpu.memory_space<vmem>>
      %dma_start3A_521 = tpu.memref_squeeze %dma_start3A_520 : memref<1x64xi32, #tpu.memory_space<vmem>> -> memref<64xi32, #tpu.memory_space<vmem>>
      %dma_start3A_522 = arith.constant 0 : i32
      %dma_start3A_523 = arith.constant 0 : i32
      %dma_start3A_524 = tpu.memref_slice %arg3[%dma_start3A_522, %dma_start3A_523] : memref<10240x128xf32, #tpu.memory_space<hbm>> -> memref<10240x128xf32, #tpu.memory_space<hbm>>
      tpu.enqueue_indirect_dma source(%dma_start3A_524 : memref<10240x128xf32, #tpu.memory_space<hbm>>) target(%arg23 : memref<64x128xf32, #tpu.memory_space<vmem>>) offsets(%dma_start3A_521 : memref<64xi32, #tpu.memory_space<vmem>>) semaphore(%arg28 : memref<!tpu.dma_semaphore, #tpu.memory_space<semaphore_mem>>)
      %dma_start3A_525 = arith.constant 3 : i32
      %dma_start3A_526 = arith.constant 0 : i32
      %dma_start3A_527 = tpu.memref_slice %arg16[%dma_start3A_525, %dma_start3A_526] : memref<8x64xi32, #tpu.memory_space<vmem>> -> memref<1x64xi32, #tpu.memory_space<vmem>>
      %dma_start3A_528 = tpu.memref_squeeze %dma_start3A_527 : memref<1x64xi32, #tpu.memory_space<vmem>> -> memref<64xi32, #tpu.memory_space<vmem>>
      %dma_start3A_529 = arith.constant 0 : i32
      %dma_start3A_530 = arith.constant 0 : i32
      %dma_start3A_531 = tpu.memref_slice %arg4[%dma_start3A_529, %dma_start3A_530] : memref<960000x128xf32, #tpu.memory_space<hbm>> -> memref<960000x128xf32, #tpu.memory_space<hbm>>
      tpu.enqueue_indirect_dma source(%dma_start3A_531 : memref<960000x128xf32, #tpu.memory_space<hbm>>) target(%arg24 : memref<64x128xf32, #tpu.memory_space<vmem>>) offsets(%dma_start3A_528 : memref<64xi32, #tpu.memory_space<vmem>>) semaphore(%arg28 : memref<!tpu.dma_semaphore, #tpu.memory_space<semaphore_mem>>)
      %dma_wait3A_532 = arith.constant 3 : i32
      %dma_wait3A_533 = arith.constant 0 : i32
      %dma_wait3A_534 = tpu.memref_slice %arg15[%dma_wait3A_532, %dma_wait3A_533] : memref<8x64xi32, #tpu.memory_space<vmem>> -> memref<1x64xi32, #tpu.memory_space<vmem>>
      %dma_wait3A_535 = tpu.memref_squeeze %dma_wait3A_534 : memref<1x64xi32, #tpu.memory_space<vmem>> -> memref<64xi32, #tpu.memory_space<vmem>>
      %dma_wait3A_536 = arith.constant 0 : i32
      %dma_wait3A_537 = arith.constant 0 : i32
      %dma_wait3A_538 = tpu.memref_slice %arg2[%dma_wait3A_536, %dma_wait3A_537] : memref<10240x128xf32, #tpu.memory_space<hbm>> -> memref<10240x128xf32, #tpu.memory_space<hbm>>
      tpu.wait_indirect_dma semaphore(%arg28 : memref<!tpu.dma_semaphore, #tpu.memory_space<semaphore_mem>>) src(%dma_wait3A_538 : memref<10240x128xf32, #tpu.memory_space<hbm>>) dst(%arg22 : memref<64x128xf32, #tpu.memory_space<vmem>>)
      %dma_wait3A_539 = arith.constant 3 : i32
      %dma_wait3A_540 = arith.constant 0 : i32
      %dma_wait3A_541 = tpu.memref_slice %arg14[%dma_wait3A_539, %dma_wait3A_540] : memref<8x64xi32, #tpu.memory_space<vmem>> -> memref<1x64xi32, #tpu.memory_space<vmem>>
      %dma_wait3A_542 = tpu.memref_squeeze %dma_wait3A_541 : memref<1x64xi32, #tpu.memory_space<vmem>> -> memref<64xi32, #tpu.memory_space<vmem>>
      %dma_wait3A_543 = arith.constant 0 : i32
      %dma_wait3A_544 = arith.constant 0 : i32
      %dma_wait3A_545 = tpu.memref_slice %arg3[%dma_wait3A_543, %dma_wait3A_544] : memref<10240x128xf32, #tpu.memory_space<hbm>> -> memref<10240x128xf32, #tpu.memory_space<hbm>>
      tpu.wait_indirect_dma semaphore(%arg28 : memref<!tpu.dma_semaphore, #tpu.memory_space<semaphore_mem>>) src(%dma_wait3A_545 : memref<10240x128xf32, #tpu.memory_space<hbm>>) dst(%arg23 : memref<64x128xf32, #tpu.memory_space<vmem>>)
      %dma_wait3A_546 = arith.constant 3 : i32
      %dma_wait3A_547 = arith.constant 0 : i32
      %dma_wait3A_548 = tpu.memref_slice %arg16[%dma_wait3A_546, %dma_wait3A_547] : memref<8x64xi32, #tpu.memory_space<vmem>> -> memref<1x64xi32, #tpu.memory_space<vmem>>
      %dma_wait3A_549 = tpu.memref_squeeze %dma_wait3A_548 : memref<1x64xi32, #tpu.memory_space<vmem>> -> memref<64xi32, #tpu.memory_space<vmem>>
      %dma_wait3A_550 = arith.constant 0 : i32
      %dma_wait3A_551 = arith.constant 0 : i32
      %dma_wait3A_552 = tpu.memref_slice %arg4[%dma_wait3A_550, %dma_wait3A_551] : memref<960000x128xf32, #tpu.memory_space<hbm>> -> memref<960000x128xf32, #tpu.memory_space<hbm>>
      tpu.wait_indirect_dma semaphore(%arg28 : memref<!tpu.dma_semaphore, #tpu.memory_space<semaphore_mem>>) src(%dma_wait3A_552 : memref<960000x128xf32, #tpu.memory_space<hbm>>) dst(%arg24 : memref<64x128xf32, #tpu.memory_space<vmem>>)
      %dma_wait3A_553 = arith.constant 1 : i32
      %dma_wait3A_554 = arith.constant 0 : i32
      %dma_wait3A_555 = tpu.memref_slice %arg15[%dma_wait3A_553, %dma_wait3A_554] : memref<8x64xi32, #tpu.memory_space<vmem>> -> memref<1x64xi32, #tpu.memory_space<vmem>>
      %dma_wait3A_556 = tpu.memref_squeeze %dma_wait3A_555 : memref<1x64xi32, #tpu.memory_space<vmem>> -> memref<64xi32, #tpu.memory_space<vmem>>
      %dma_wait3A_557 = arith.constant 0 : i32
      %dma_wait3A_558 = arith.constant 0 : i32
      %dma_wait3A_559 = tpu.memref_slice %arg27[%dma_wait3A_557, %dma_wait3A_558] : memref<10240x128xf32, #tpu.memory_space<vmem_shared>> -> memref<10240x128xf32, #tpu.memory_space<vmem_shared>>
      tpu.wait_indirect_dma semaphore(%arg29 : memref<!tpu.dma_semaphore, #tpu.memory_space<semaphore_mem>>) src(%arg26 : memref<64x128xf32, #tpu.memory_space<vmem>>) dst(%dma_wait3A_559 : memref<10240x128xf32, #tpu.memory_space<vmem_shared>>)
      %scan3A_560 = arith.constant 0 : i32
      %scan3A_561 = arith.constant 0 : i32
      %scan3A_562 = arith.constant 64 : i32
      %scan3A_563 = arith.addi %scan3A_561, %scan3A_562 : i32
      %scan3A_564 = arith.constant 1 : i32
      scf.for %scan3A_835 = %scan3A_561 to %scan3A_563 step %scan3A_564  : i32 {
        %get3A_836 = arith.index_cast %scan3A_835 : i32 to index
        %get3A_837 = arith.constant 0 : index
        %get3A_838 = tpu.vector_load %arg22[%get3A_836, %get3A_837] {strides = array<i32>} : memref<64x128xf32, #tpu.memory_space<vmem>>, vector<1x16xf32>,
        %get3A_839 = vector.shape_cast %get3A_838 : vector<1x16xf32> to vector<16xf32>
        %mul3A_840 = arith.mulf %get3A_131, %get3A_839 : vector<16xf32>
        %get3A_841 = arith.index_cast %scan3A_835 : i32 to index
        %get3A_842 = arith.constant 0 : index
        %get3A_843 = tpu.vector_load %arg23[%get3A_841, %get3A_842] {strides = array<i32>} : memref<64x128xf32, #tpu.memory_space<vmem>>, vector<1x16xf32>,
        %get3A_844 = vector.shape_cast %get3A_843 : vector<1x16xf32> to vector<16xf32>
        %add3A_845 = arith.addf %mul3A_840, %get3A_844 : vector<16xf32>
        %get3A_846 = arith.index_cast %scan3A_835 : i32 to index
        %get3A_847 = arith.constant 0 : index
        %get3A_848 = tpu.vector_load %arg24[%get3A_846, %get3A_847] {strides = array<i32>} : memref<64x128xf32, #tpu.memory_space<vmem>>, vector<1x16xf32>,
        %get3A_849 = vector.shape_cast %get3A_848 : vector<1x16xf32> to vector<16xf32>
        %mul3A_850 = arith.mulf %get3A_134, %get3A_849 : vector<16xf32>
        %add3A_851 = arith.addf %add3A_845, %mul3A_850 : vector<16xf32>
        %max3A_852 = arith.constant 0.000000e+00 : f32
        %max3A_853 = vector.broadcast %max3A_852 : f32 to vector<16xf32>
        %max3A_854 = arith.maximumf %add3A_851, %max3A_853 : vector<16xf32>
        %mul3A_855 = arith.mulf %get3A_137, %max3A_854 : vector<16xf32>
        %mul3A_856 = arith.mulf %get3A_140, %add3A_851 : vector<16xf32>
        %add3A_857 = arith.addf %mul3A_855, %mul3A_856 : vector<16xf32>
        %swap3A = arith.index_cast %scan3A_835 : i32 to index
        %swap3A_858 = arith.constant 0 : index
        %swap3A_859 = tpu.vector_load %arg26[%swap3A, %swap3A_858] {strides = array<i32>} : memref<64x128xf32, #tpu.memory_space<vmem>>, vector<1x16xf32>,
        %swap3A_860 = vector.shape_cast %swap3A_859 : vector<1x16xf32> to vector<16xf32>
        %swap3A_861 = vector.shape_cast %add3A_857 : vector<16xf32> to vector<1x16xf32>
        tpu.vector_store %arg26[%swap3A, %swap3A_858], %swap3A_861 {strides = array<i32>} : memref<64x128xf32, #tpu.memory_space<vmem>>, vector<1x16xf32>,
        %get3A_862 = arith.index_cast %scan3A_835 : i32 to index
        %get3A_863 = arith.constant 16 : index
        %get3A_864 = tpu.vector_load %arg22[%get3A_862, %get3A_863] {strides = array<i32>} : memref<64x128xf32, #tpu.memory_space<vmem>>, vector<1x16xf32>,
        %get3A_865 = vector.shape_cast %get3A_864 : vector<1x16xf32> to vector<16xf32>
        %mul3A_866 = arith.mulf %get3A_131, %get3A_865 : vector<16xf32>
        %get3A_867 = arith.index_cast %scan3A_835 : i32 to index
        %get3A_868 = arith.constant 16 : index
        %get3A_869 = tpu.vector_load %arg23[%get3A_867, %get3A_868] {strides = array<i32>} : memref<64x128xf32, #tpu.memory_space<vmem>>, vector<1x16xf32>,
        %get3A_870 = vector.shape_cast %get3A_869 : vector<1x16xf32> to vector<16xf32>
        %add3A_871 = arith.addf %mul3A_866, %get3A_870 : vector<16xf32>
        %get3A_872 = arith.index_cast %scan3A_835 : i32 to index
        %get3A_873 = arith.constant 16 : index
        %get3A_874 = tpu.vector_load %arg24[%get3A_872, %get3A_873] {strides = array<i32>} : memref<64x128xf32, #tpu.memory_space<vmem>>, vector<1x16xf32>,
        %get3A_875 = vector.shape_cast %get3A_874 : vector<1x16xf32> to vector<16xf32>
        %mul3A_876 = arith.mulf %get3A_134, %get3A_875 : vector<16xf32>
        %add3A_877 = arith.addf %add3A_871, %mul3A_876 : vector<16xf32>
        %max3A_878 = arith.constant 0.000000e+00 : f32
        %max3A_879 = vector.broadcast %max3A_878 : f32 to vector<16xf32>
        %max3A_880 = arith.maximumf %add3A_877, %max3A_879 : vector<16xf32>
        %mul3A_881 = arith.mulf %get3A_137, %max3A_880 : vector<16xf32>
        %mul3A_882 = arith.mulf %get3A_140, %add3A_877 : vector<16xf32>
        %add3A_883 = arith.addf %mul3A_881, %mul3A_882 : vector<16xf32>
        %swap3A_884 = arith.index_cast %scan3A_835 : i32 to index
        %swap3A_885 = arith.constant 16 : index
        %swap3A_886 = tpu.vector_load %arg26[%swap3A_884, %swap3A_885] {strides = array<i32>} : memref<64x128xf32, #tpu.memory_space<vmem>>, vector<1x16xf32>,
        %swap3A_887 = vector.shape_cast %swap3A_886 : vector<1x16xf32> to vector<16xf32>
        %swap3A_888 = vector.shape_cast %add3A_883 : vector<16xf32> to vector<1x16xf32>
        tpu.vector_store %arg26[%swap3A_884, %swap3A_885], %swap3A_888 {strides = array<i32>} : memref<64x128xf32, #tpu.memory_space<vmem>>, vector<1x16xf32>,
        %get3A_889 = arith.index_cast %scan3A_835 : i32 to index
        %get3A_890 = arith.constant 32 : index
        %get3A_891 = tpu.vector_load %arg22[%get3A_889, %get3A_890] {strides = array<i32>} : memref<64x128xf32, #tpu.memory_space<vmem>>, vector<1x16xf32>,
        %get3A_892 = vector.shape_cast %get3A_891 : vector<1x16xf32> to vector<16xf32>
        %mul3A_893 = arith.mulf %get3A_131, %get3A_892 : vector<16xf32>
        %get3A_894 = arith.index_cast %scan3A_835 : i32 to index
        %get3A_895 = arith.constant 32 : index
        %get3A_896 = tpu.vector_load %arg23[%get3A_894, %get3A_895] {strides = array<i32>} : memref<64x128xf32, #tpu.memory_space<vmem>>, vector<1x16xf32>,
        %get3A_897 = vector.shape_cast %get3A_896 : vector<1x16xf32> to vector<16xf32>
        %add3A_898 = arith.addf %mul3A_893, %get3A_897 : vector<16xf32>
        %get3A_899 = arith.index_cast %scan3A_835 : i32 to index
        %get3A_900 = arith.constant 32 : index
        %get3A_901 = tpu.vector_load %arg24[%get3A_899, %get3A_900] {strides = array<i32>} : memref<64x128xf32, #tpu.memory_space<vmem>>, vector<1x16xf32>,
        %get3A_902 = vector.shape_cast %get3A_901 : vector<1x16xf32> to vector<16xf32>
        %mul3A_903 = arith.mulf %get3A_134, %get3A_902 : vector<16xf32>
        %add3A_904 = arith.addf %add3A_898, %mul3A_903 : vector<16xf32>
        %max3A_905 = arith.constant 0.000000e+00 : f32
        %max3A_906 = vector.broadcast %max3A_905 : f32 to vector<16xf32>
        %max3A_907 = arith.maximumf %add3A_904, %max3A_906 : vector<16xf32>
        %mul3A_908 = arith.mulf %get3A_137, %max3A_907 : vector<16xf32>
        %mul3A_909 = arith.mulf %get3A_140, %add3A_904 : vector<16xf32>
        %add3A_910 = arith.addf %mul3A_908, %mul3A_909 : vector<16xf32>
        %swap3A_911 = arith.index_cast %scan3A_835 : i32 to index
        %swap3A_912 = arith.constant 32 : index
        %swap3A_913 = tpu.vector_load %arg26[%swap3A_911, %swap3A_912] {strides = array<i32>} : memref<64x128xf32, #tpu.memory_space<vmem>>, vector<1x16xf32>,
        %swap3A_914 = vector.shape_cast %swap3A_913 : vector<1x16xf32> to vector<16xf32>
        %swap3A_915 = vector.shape_cast %add3A_910 : vector<16xf32> to vector<1x16xf32>
        tpu.vector_store %arg26[%swap3A_911, %swap3A_912], %swap3A_915 {strides = array<i32>} : memref<64x128xf32, #tpu.memory_space<vmem>>, vector<1x16xf32>,
        %get3A_916 = arith.index_cast %scan3A_835 : i32 to index
        %get3A_917 = arith.constant 48 : index
        %get3A_918 = tpu.vector_load %arg22[%get3A_916, %get3A_917] {strides = array<i32>} : memref<64x128xf32, #tpu.memory_space<vmem>>, vector<1x16xf32>,
        %get3A_919 = vector.shape_cast %get3A_918 : vector<1x16xf32> to vector<16xf32>
        %mul3A_920 = arith.mulf %get3A_131, %get3A_919 : vector<16xf32>
        %get3A_921 = arith.index_cast %scan3A_835 : i32 to index
        %get3A_922 = arith.constant 48 : index
        %get3A_923 = tpu.vector_load %arg23[%get3A_921, %get3A_922] {strides = array<i32>} : memref<64x128xf32, #tpu.memory_space<vmem>>, vector<1x16xf32>,
        %get3A_924 = vector.shape_cast %get3A_923 : vector<1x16xf32> to vector<16xf32>
        %add3A_925 = arith.addf %mul3A_920, %get3A_924 : vector<16xf32>
        %get3A_926 = arith.index_cast %scan3A_835 : i32 to index
        %get3A_927 = arith.constant 48 : index
        %get3A_928 = tpu.vector_load %arg24[%get3A_926, %get3A_927] {strides = array<i32>} : memref<64x128xf32, #tpu.memory_space<vmem>>, vector<1x16xf32>,
        %get3A_929 = vector.shape_cast %get3A_928 : vector<1x16xf32> to vector<16xf32>
        %mul3A_930 = arith.mulf %get3A_134, %get3A_929 : vector<16xf32>
        %add3A_931 = arith.addf %add3A_925, %mul3A_930 : vector<16xf32>
        %max3A_932 = arith.constant 0.000000e+00 : f32
        %max3A_933 = vector.broadcast %max3A_932 : f32 to vector<16xf32>
        %max3A_934 = arith.maximumf %add3A_931, %max3A_933 : vector<16xf32>
        %mul3A_935 = arith.mulf %get3A_137, %max3A_934 : vector<16xf32>
        %mul3A_936 = arith.mulf %get3A_140, %add3A_931 : vector<16xf32>
        %add3A_937 = arith.addf %mul3A_935, %mul3A_936 : vector<16xf32>
        %swap3A_938 = arith.index_cast %scan3A_835 : i32 to index
        %swap3A_939 = arith.constant 48 : index
        %swap3A_940 = tpu.vector_load %arg26[%swap3A_938, %swap3A_939] {strides = array<i32>} : memref<64x128xf32, #tpu.memory_space<vmem>>, vector<1x16xf32>,
        %swap3A_941 = vector.shape_cast %swap3A_940 : vector<1x16xf32> to vector<16xf32>
        %swap3A_942 = vector.shape_cast %add3A_937 : vector<16xf32> to vector<1x16xf32>
        tpu.vector_store %arg26[%swap3A_938, %swap3A_939], %swap3A_942 {strides = array<i32>} : memref<64x128xf32, #tpu.memory_space<vmem>>, vector<1x16xf32>,
        %get3A_943 = arith.index_cast %scan3A_835 : i32 to index
        %get3A_944 = arith.constant 64 : index
        %get3A_945 = tpu.vector_load %arg22[%get3A_943, %get3A_944] {strides = array<i32>} : memref<64x128xf32, #tpu.memory_space<vmem>>, vector<1x16xf32>,
        %get3A_946 = vector.shape_cast %get3A_945 : vector<1x16xf32> to vector<16xf32>
        %mul3A_947 = arith.mulf %get3A_131, %get3A_946 : vector<16xf32>
        %get3A_948 = arith.index_cast %scan3A_835 : i32 to index
        %get3A_949 = arith.constant 64 : index
        %get3A_950 = tpu.vector_load %arg23[%get3A_948, %get3A_949] {strides = array<i32>} : memref<64x128xf32, #tpu.memory_space<vmem>>, vector<1x16xf32>,
        %get3A_951 = vector.shape_cast %get3A_950 : vector<1x16xf32> to vector<16xf32>
        %add3A_952 = arith.addf %mul3A_947, %get3A_951 : vector<16xf32>
        %get3A_953 = arith.index_cast %scan3A_835 : i32 to index
        %get3A_954 = arith.constant 64 : index
        %get3A_955 = tpu.vector_load %arg24[%get3A_953, %get3A_954] {strides = array<i32>} : memref<64x128xf32, #tpu.memory_space<vmem>>, vector<1x16xf32>,
        %get3A_956 = vector.shape_cast %get3A_955 : vector<1x16xf32> to vector<16xf32>
        %mul3A_957 = arith.mulf %get3A_134, %get3A_956 : vector<16xf32>
        %add3A_958 = arith.addf %add3A_952, %mul3A_957 : vector<16xf32>
        %max3A_959 = arith.constant 0.000000e+00 : f32
        %max3A_960 = vector.broadcast %max3A_959 : f32 to vector<16xf32>
        %max3A_961 = arith.maximumf %add3A_958, %max3A_960 : vector<16xf32>
        %mul3A_962 = arith.mulf %get3A_137, %max3A_961 : vector<16xf32>
        %mul3A_963 = arith.mulf %get3A_140, %add3A_958 : vector<16xf32>
        %add3A_964 = arith.addf %mul3A_962, %mul3A_963 : vector<16xf32>
        %swap3A_965 = arith.index_cast %scan3A_835 : i32 to index
        %swap3A_966 = arith.constant 64 : index
        %swap3A_967 = tpu.vector_load %arg26[%swap3A_965, %swap3A_966] {strides = array<i32>} : memref<64x128xf32, #tpu.memory_space<vmem>>, vector<1x16xf32>,
        %swap3A_968 = vector.shape_cast %swap3A_967 : vector<1x16xf32> to vector<16xf32>
        %swap3A_969 = vector.shape_cast %add3A_964 : vector<16xf32> to vector<1x16xf32>
        tpu.vector_store %arg26[%swap3A_965, %swap3A_966], %swap3A_969 {strides = array<i32>} : memref<64x128xf32, #tpu.memory_space<vmem>>, vector<1x16xf32>,
        %get3A_970 = arith.index_cast %scan3A_835 : i32 to index
        %get3A_971 = arith.constant 80 : index
        %get3A_972 = tpu.vector_load %arg22[%get3A_970, %get3A_971] {strides = array<i32>} : memref<64x128xf32, #tpu.memory_space<vmem>>, vector<1x16xf32>,
        %get3A_973 = vector.shape_cast %get3A_972 : vector<1x16xf32> to vector<16xf32>
        %mul3A_974 = arith.mulf %get3A_131, %get3A_973 : vector<16xf32>
        %get3A_975 = arith.index_cast %scan3A_835 : i32 to index
        %get3A_976 = arith.constant 80 : index
        %get3A_977 = tpu.vector_load %arg23[%get3A_975, %get3A_976] {strides = array<i32>} : memref<64x128xf32, #tpu.memory_space<vmem>>, vector<1x16xf32>,
        %get3A_978 = vector.shape_cast %get3A_977 : vector<1x16xf32> to vector<16xf32>
        %add3A_979 = arith.addf %mul3A_974, %get3A_978 : vector<16xf32>
        %get3A_980 = arith.index_cast %scan3A_835 : i32 to index
        %get3A_981 = arith.constant 80 : index
        %get3A_982 = tpu.vector_load %arg24[%get3A_980, %get3A_981] {strides = array<i32>} : memref<64x128xf32, #tpu.memory_space<vmem>>, vector<1x16xf32>,
        %get3A_983 = vector.shape_cast %get3A_982 : vector<1x16xf32> to vector<16xf32>
        %mul3A_984 = arith.mulf %get3A_134, %get3A_983 : vector<16xf32>
        %add3A_985 = arith.addf %add3A_979, %mul3A_984 : vector<16xf32>
        %max3A_986 = arith.constant 0.000000e+00 : f32
        %max3A_987 = vector.broadcast %max3A_986 : f32 to vector<16xf32>
        %max3A_988 = arith.maximumf %add3A_985, %max3A_987 : vector<16xf32>
        %mul3A_989 = arith.mulf %get3A_137, %max3A_988 : vector<16xf32>
        %mul3A_990 = arith.mulf %get3A_140, %add3A_985 : vector<16xf32>
        %add3A_991 = arith.addf %mul3A_989, %mul3A_990 : vector<16xf32>
        %swap3A_992 = arith.index_cast %scan3A_835 : i32 to index
        %swap3A_993 = arith.constant 80 : index
        %swap3A_994 = tpu.vector_load %arg26[%swap3A_992, %swap3A_993] {strides = array<i32>} : memref<64x128xf32, #tpu.memory_space<vmem>>, vector<1x16xf32>,
        %swap3A_995 = vector.shape_cast %swap3A_994 : vector<1x16xf32> to vector<16xf32>
        %swap3A_996 = vector.shape_cast %add3A_991 : vector<16xf32> to vector<1x16xf32>
        tpu.vector_store %arg26[%swap3A_992, %swap3A_993], %swap3A_996 {strides = array<i32>} : memref<64x128xf32, #tpu.memory_space<vmem>>, vector<1x16xf32>,
        %get3A_997 = arith.index_cast %scan3A_835 : i32 to index
        %get3A_998 = arith.constant 96 : index
        %get3A_999 = tpu.vector_load %arg22[%get3A_997, %get3A_998] {strides = array<i32>} : memref<64x128xf32, #tpu.memory_space<vmem>>, vector<1x16xf32>,
        %get3A_1000 = vector.shape_cast %get3A_999 : vector<1x16xf32> to vector<16xf32>
        %mul3A_1001 = arith.mulf %get3A_131, %get3A_1000 : vector<16xf32>
        %get3A_1002 = arith.index_cast %scan3A_835 : i32 to index
        %get3A_1003 = arith.constant 96 : index
        %get3A_1004 = tpu.vector_load %arg23[%get3A_1002, %get3A_1003] {strides = array<i32>} : memref<64x128xf32, #tpu.memory_space<vmem>>, vector<1x16xf32>,
        %get3A_1005 = vector.shape_cast %get3A_1004 : vector<1x16xf32> to vector<16xf32>
        %add3A_1006 = arith.addf %mul3A_1001, %get3A_1005 : vector<16xf32>
        %get3A_1007 = arith.index_cast %scan3A_835 : i32 to index
        %get3A_1008 = arith.constant 96 : index
        %get3A_1009 = tpu.vector_load %arg24[%get3A_1007, %get3A_1008] {strides = array<i32>} : memref<64x128xf32, #tpu.memory_space<vmem>>, vector<1x16xf32>,
        %get3A_1010 = vector.shape_cast %get3A_1009 : vector<1x16xf32> to vector<16xf32>
        %mul3A_1011 = arith.mulf %get3A_134, %get3A_1010 : vector<16xf32>
        %add3A_1012 = arith.addf %add3A_1006, %mul3A_1011 : vector<16xf32>
        %max3A_1013 = arith.constant 0.000000e+00 : f32
        %max3A_1014 = vector.broadcast %max3A_1013 : f32 to vector<16xf32>
        %max3A_1015 = arith.maximumf %add3A_1012, %max3A_1014 : vector<16xf32>
        %mul3A_1016 = arith.mulf %get3A_137, %max3A_1015 : vector<16xf32>
        %mul3A_1017 = arith.mulf %get3A_140, %add3A_1012 : vector<16xf32>
        %add3A_1018 = arith.addf %mul3A_1016, %mul3A_1017 : vector<16xf32>
        %swap3A_1019 = arith.index_cast %scan3A_835 : i32 to index
        %swap3A_1020 = arith.constant 96 : index
        %swap3A_1021 = tpu.vector_load %arg26[%swap3A_1019, %swap3A_1020] {strides = array<i32>} : memref<64x128xf32, #tpu.memory_space<vmem>>, vector<1x16xf32>,
        %swap3A_1022 = vector.shape_cast %swap3A_1021 : vector<1x16xf32> to vector<16xf32>
        %swap3A_1023 = vector.shape_cast %add3A_1018 : vector<16xf32> to vector<1x16xf32>
        tpu.vector_store %arg26[%swap3A_1019, %swap3A_1020], %swap3A_1023 {strides = array<i32>} : memref<64x128xf32, #tpu.memory_space<vmem>>, vector<1x16xf32>,
        %get3A_1024 = arith.index_cast %scan3A_835 : i32 to index
        %get3A_1025 = arith.constant 112 : index
        %get3A_1026 = tpu.vector_load %arg22[%get3A_1024, %get3A_1025] {strides = array<i32>} : memref<64x128xf32, #tpu.memory_space<vmem>>, vector<1x16xf32>,
        %get3A_1027 = vector.shape_cast %get3A_1026 : vector<1x16xf32> to vector<16xf32>
        %mul3A_1028 = arith.mulf %get3A_131, %get3A_1027 : vector<16xf32>
        %get3A_1029 = arith.index_cast %scan3A_835 : i32 to index
        %get3A_1030 = arith.constant 112 : index
        %get3A_1031 = tpu.vector_load %arg23[%get3A_1029, %get3A_1030] {strides = array<i32>} : memref<64x128xf32, #tpu.memory_space<vmem>>, vector<1x16xf32>,
        %get3A_1032 = vector.shape_cast %get3A_1031 : vector<1x16xf32> to vector<16xf32>
        %add3A_1033 = arith.addf %mul3A_1028, %get3A_1032 : vector<16xf32>
        %get3A_1034 = arith.index_cast %scan3A_835 : i32 to index
        %get3A_1035 = arith.constant 112 : index
        %get3A_1036 = tpu.vector_load %arg24[%get3A_1034, %get3A_1035] {strides = array<i32>} : memref<64x128xf32, #tpu.memory_space<vmem>>, vector<1x16xf32>,
        %get3A_1037 = vector.shape_cast %get3A_1036 : vector<1x16xf32> to vector<16xf32>
        %mul3A_1038 = arith.mulf %get3A_134, %get3A_1037 : vector<16xf32>
        %add3A_1039 = arith.addf %add3A_1033, %mul3A_1038 : vector<16xf32>
        %max3A_1040 = arith.constant 0.000000e+00 : f32
        %max3A_1041 = vector.broadcast %max3A_1040 : f32 to vector<16xf32>
        %max3A_1042 = arith.maximumf %add3A_1039, %max3A_1041 : vector<16xf32>
        %mul3A_1043 = arith.mulf %get3A_137, %max3A_1042 : vector<16xf32>
        %mul3A_1044 = arith.mulf %get3A_140, %add3A_1039 : vector<16xf32>
        %add3A_1045 = arith.addf %mul3A_1043, %mul3A_1044 : vector<16xf32>
        %swap3A_1046 = arith.index_cast %scan3A_835 : i32 to index
        %swap3A_1047 = arith.constant 112 : index
        %swap3A_1048 = tpu.vector_load %arg26[%swap3A_1046, %swap3A_1047] {strides = array<i32>} : memref<64x128xf32, #tpu.memory_space<vmem>>, vector<1x16xf32>,
        %swap3A_1049 = vector.shape_cast %swap3A_1048 : vector<1x16xf32> to vector<16xf32>
        %swap3A_1050 = vector.shape_cast %add3A_1045 : vector<16xf32> to vector<1x16xf32>
        tpu.vector_store %arg26[%swap3A_1046, %swap3A_1047], %swap3A_1050 {strides = array<i32>} : memref<64x128xf32, #tpu.memory_space<vmem>>, vector<1x16xf32>,
      }
      %scan3A_565 = arith.constant 64 : i32
      %dma_start3A_566 = arith.constant 3 : i32
      %dma_start3A_567 = arith.constant 0 : i32
      %dma_start3A_568 = tpu.memref_slice %arg15[%dma_start3A_566, %dma_start3A_567] : memref<8x64xi32, #tpu.memory_space<vmem>> -> memref<1x64xi32, #tpu.memory_space<vmem>>
      %dma_start3A_569 = tpu.memref_squeeze %dma_start3A_568 : memref<1x64xi32, #tpu.memory_space<vmem>> -> memref<64xi32, #tpu.memory_space<vmem>>
      %dma_start3A_570 = arith.constant 0 : i32
      %dma_start3A_571 = arith.constant 0 : i32
      %dma_start3A_572 = tpu.memref_slice %arg27[%dma_start3A_570, %dma_start3A_571] : memref<10240x128xf32, #tpu.memory_space<vmem_shared>> -> memref<10240x128xf32, #tpu.memory_space<vmem_shared>>
      tpu.enqueue_indirect_dma source(%arg26 : memref<64x128xf32, #tpu.memory_space<vmem>>) target(%dma_start3A_572 : memref<10240x128xf32, #tpu.memory_space<vmem_shared>>) offsets(%dma_start3A_569 : memref<64xi32, #tpu.memory_space<vmem>>) semaphore(%arg29 : memref<!tpu.dma_semaphore, #tpu.memory_space<semaphore_mem>>) {add = true}
      %dma_start3A_573 = arith.constant 4 : i32
      %dma_start3A_574 = arith.constant 0 : i32
      %dma_start3A_575 = tpu.memref_slice %arg15[%dma_start3A_573, %dma_start3A_574] : memref<8x64xi32, #tpu.memory_space<vmem>> -> memref<1x64xi32, #tpu.memory_space<vmem>>
      %dma_start3A_576 = tpu.memref_squeeze %dma_start3A_575 : memref<1x64xi32, #tpu.memory_space<vmem>> -> memref<64xi32, #tpu.memory_space<vmem>>
      %dma_start3A_577 = arith.constant 0 : i32
      %dma_start3A_578 = arith.constant 0 : i32
      %dma_start3A_579 = tpu.memref_slice %arg2[%dma_start3A_577, %dma_start3A_578] : memref<10240x128xf32, #tpu.memory_space<hbm>> -> memref<10240x128xf32, #tpu.memory_space<hbm>>
      tpu.enqueue_indirect_dma source(%dma_start3A_579 : memref<10240x128xf32, #tpu.memory_space<hbm>>) target(%arg22 : memref<64x128xf32, #tpu.memory_space<vmem>>) offsets(%dma_start3A_576 : memref<64xi32, #tpu.memory_space<vmem>>) semaphore(%arg28 : memref<!tpu.dma_semaphore, #tpu.memory_space<semaphore_mem>>)
      %dma_start3A_580 = arith.constant 4 : i32
      %dma_start3A_581 = arith.constant 0 : i32
      %dma_start3A_582 = tpu.memref_slice %arg14[%dma_start3A_580, %dma_start3A_581] : memref<8x64xi32, #tpu.memory_space<vmem>> -> memref<1x64xi32, #tpu.memory_space<vmem>>
      %dma_start3A_583 = tpu.memref_squeeze %dma_start3A_582 : memref<1x64xi32, #tpu.memory_space<vmem>> -> memref<64xi32, #tpu.memory_space<vmem>>
      %dma_start3A_584 = arith.constant 0 : i32
      %dma_start3A_585 = arith.constant 0 : i32
      %dma_start3A_586 = tpu.memref_slice %arg3[%dma_start3A_584, %dma_start3A_585] : memref<10240x128xf32, #tpu.memory_space<hbm>> -> memref<10240x128xf32, #tpu.memory_space<hbm>>
      tpu.enqueue_indirect_dma source(%dma_start3A_586 : memref<10240x128xf32, #tpu.memory_space<hbm>>) target(%arg23 : memref<64x128xf32, #tpu.memory_space<vmem>>) offsets(%dma_start3A_583 : memref<64xi32, #tpu.memory_space<vmem>>) semaphore(%arg28 : memref<!tpu.dma_semaphore, #tpu.memory_space<semaphore_mem>>)
      %dma_start3A_587 = arith.constant 4 : i32
      %dma_start3A_588 = arith.constant 0 : i32
      %dma_start3A_589 = tpu.memref_slice %arg16[%dma_start3A_587, %dma_start3A_588] : memref<8x64xi32, #tpu.memory_space<vmem>> -> memref<1x64xi32, #tpu.memory_space<vmem>>
      %dma_start3A_590 = tpu.memref_squeeze %dma_start3A_589 : memref<1x64xi32, #tpu.memory_space<vmem>> -> memref<64xi32, #tpu.memory_space<vmem>>
      %dma_start3A_591 = arith.constant 0 : i32
      %dma_start3A_592 = arith.constant 0 : i32
      %dma_start3A_593 = tpu.memref_slice %arg4[%dma_start3A_591, %dma_start3A_592] : memref<960000x128xf32, #tpu.memory_space<hbm>> -> memref<960000x128xf32, #tpu.memory_space<hbm>>
      tpu.enqueue_indirect_dma source(%dma_start3A_593 : memref<960000x128xf32, #tpu.memory_space<hbm>>) target(%arg24 : memref<64x128xf32, #tpu.memory_space<vmem>>) offsets(%dma_start3A_590 : memref<64xi32, #tpu.memory_space<vmem>>) semaphore(%arg28 : memref<!tpu.dma_semaphore, #tpu.memory_space<semaphore_mem>>)
      %dma_wait3A_594 = arith.constant 4 : i32
      %dma_wait3A_595 = arith.constant 0 : i32
      %dma_wait3A_596 = tpu.memref_slice %arg15[%dma_wait3A_594, %dma_wait3A_595] : memref<8x64xi32, #tpu.memory_space<vmem>> -> memref<1x64xi32, #tpu.memory_space<vmem>>
      %dma_wait3A_597 = tpu.memref_squeeze %dma_wait3A_596 : memref<1x64xi32, #tpu.memory_space<vmem>> -> memref<64xi32, #tpu.memory_space<vmem>>
      %dma_wait3A_598 = arith.constant 0 : i32
      %dma_wait3A_599 = arith.constant 0 : i32
      %dma_wait3A_600 = tpu.memref_slice %arg2[%dma_wait3A_598, %dma_wait3A_599] : memref<10240x128xf32, #tpu.memory_space<hbm>> -> memref<10240x128xf32, #tpu.memory_space<hbm>>
      tpu.wait_indirect_dma semaphore(%arg28 : memref<!tpu.dma_semaphore, #tpu.memory_space<semaphore_mem>>) src(%dma_wait3A_600 : memref<10240x128xf32, #tpu.memory_space<hbm>>) dst(%arg22 : memref<64x128xf32, #tpu.memory_space<vmem>>)
      %dma_wait3A_601 = arith.constant 4 : i32
      %dma_wait3A_602 = arith.constant 0 : i32
      %dma_wait3A_603 = tpu.memref_slice %arg14[%dma_wait3A_601, %dma_wait3A_602] : memref<8x64xi32, #tpu.memory_space<vmem>> -> memref<1x64xi32, #tpu.memory_space<vmem>>
      %dma_wait3A_604 = tpu.memref_squeeze %dma_wait3A_603 : memref<1x64xi32, #tpu.memory_space<vmem>> -> memref<64xi32, #tpu.memory_space<vmem>>
      %dma_wait3A_605 = arith.constant 0 : i32
      %dma_wait3A_606 = arith.constant 0 : i32
      %dma_wait3A_607 = tpu.memref_slice %arg3[%dma_wait3A_605, %dma_wait3A_606] : memref<10240x128xf32, #tpu.memory_space<hbm>> -> memref<10240x128xf32, #tpu.memory_space<hbm>>
      tpu.wait_indirect_dma semaphore(%arg28 : memref<!tpu.dma_semaphore, #tpu.memory_space<semaphore_mem>>) src(%dma_wait3A_607 : memref<10240x128xf32, #tpu.memory_space<hbm>>) dst(%arg23 : memref<64x128xf32, #tpu.memory_space<vmem>>)
      %dma_wait3A_608 = arith.constant 4 : i32
      %dma_wait3A_609 = arith.constant 0 : i32
      %dma_wait3A_610 = tpu.memref_slice %arg16[%dma_wait3A_608, %dma_wait3A_609] : memref<8x64xi32, #tpu.memory_space<vmem>> -> memref<1x64xi32, #tpu.memory_space<vmem>>
      %dma_wait3A_611 = tpu.memref_squeeze %dma_wait3A_610 : memref<1x64xi32, #tpu.memory_space<vmem>> -> memref<64xi32, #tpu.memory_space<vmem>>
      %dma_wait3A_612 = arith.constant 0 : i32
      %dma_wait3A_613 = arith.constant 0 : i32
      %dma_wait3A_614 = tpu.memref_slice %arg4[%dma_wait3A_612, %dma_wait3A_613] : memref<960000x128xf32, #tpu.memory_space<hbm>> -> memref<960000x128xf32, #tpu.memory_space<hbm>>
      tpu.wait_indirect_dma semaphore(%arg28 : memref<!tpu.dma_semaphore, #tpu.memory_space<semaphore_mem>>) src(%dma_wait3A_614 : memref<960000x128xf32, #tpu.memory_space<hbm>>) dst(%arg24 : memref<64x128xf32, #tpu.memory_space<vmem>>)
      %dma_wait3A_615 = arith.constant 2 : i32
      %dma_wait3A_616 = arith.constant 0 : i32
      %dma_wait3A_617 = tpu.memref_slice %arg15[%dma_wait3A_615, %dma_wait3A_616] : memref<8x64xi32, #tpu.memory_space<vmem>> -> memref<1x64xi32, #tpu.memory_space<vmem>>
      %dma_wait3A_618 = tpu.memref_squeeze %dma_wait3A_617 : memref<1x64xi32, #tpu.memory_space<vmem>> -> memref<64xi32, #tpu.memory_space<vmem>>
      %dma_wait3A_619 = arith.constant 0 : i32
      %dma_wait3A_620 = arith.constant 0 : i32
      %dma_wait3A_621 = tpu.memref_slice %arg27[%dma_wait3A_619, %dma_wait3A_620] : memref<10240x128xf32, #tpu.memory_space<vmem_shared>> -> memref<10240x128xf32, #tpu.memory_space<vmem_shared>>
      tpu.wait_indirect_dma semaphore(%arg29 : memref<!tpu.dma_semaphore, #tpu.memory_space<semaphore_mem>>) src(%arg25 : memref<64x128xf32, #tpu.memory_space<vmem>>) dst(%dma_wait3A_621 : memref<10240x128xf32, #tpu.memory_space<vmem_shared>>)
      %scan3A_622 = arith.constant 0 : i32
      %scan3A_623 = arith.constant 0 : i32
      %scan3A_624 = arith.constant 64 : i32
      %scan3A_625 = arith.addi %scan3A_623, %scan3A_624 : i32
      %scan3A_626 = arith.constant 1 : i32
      scf.for %scan3A_835 = %scan3A_623 to %scan3A_625 step %scan3A_626  : i32 {
        %get3A_836 = arith.index_cast %scan3A_835 : i32 to index
        %get3A_837 = arith.constant 0 : index
        %get3A_838 = tpu.vector_load %arg22[%get3A_836, %get3A_837] {strides = array<i32>} : memref<64x128xf32, #tpu.memory_space<vmem>>, vector<1x16xf32>,
        %get3A_839 = vector.shape_cast %get3A_838 : vector<1x16xf32> to vector<16xf32>
        %mul3A_840 = arith.mulf %get3A_131, %get3A_839 : vector<16xf32>
        %get3A_841 = arith.index_cast %scan3A_835 : i32 to index
        %get3A_842 = arith.constant 0 : index
        %get3A_843 = tpu.vector_load %arg23[%get3A_841, %get3A_842] {strides = array<i32>} : memref<64x128xf32, #tpu.memory_space<vmem>>, vector<1x16xf32>,
        %get3A_844 = vector.shape_cast %get3A_843 : vector<1x16xf32> to vector<16xf32>
        %add3A_845 = arith.addf %mul3A_840, %get3A_844 : vector<16xf32>
        %get3A_846 = arith.index_cast %scan3A_835 : i32 to index
        %get3A_847 = arith.constant 0 : index
        %get3A_848 = tpu.vector_load %arg24[%get3A_846, %get3A_847] {strides = array<i32>} : memref<64x128xf32, #tpu.memory_space<vmem>>, vector<1x16xf32>,
        %get3A_849 = vector.shape_cast %get3A_848 : vector<1x16xf32> to vector<16xf32>
        %mul3A_850 = arith.mulf %get3A_134, %get3A_849 : vector<16xf32>
        %add3A_851 = arith.addf %add3A_845, %mul3A_850 : vector<16xf32>
        %max3A_852 = arith.constant 0.000000e+00 : f32
        %max3A_853 = vector.broadcast %max3A_852 : f32 to vector<16xf32>
        %max3A_854 = arith.maximumf %add3A_851, %max3A_853 : vector<16xf32>
        %mul3A_855 = arith.mulf %get3A_137, %max3A_854 : vector<16xf32>
        %mul3A_856 = arith.mulf %get3A_140, %add3A_851 : vector<16xf32>
        %add3A_857 = arith.addf %mul3A_855, %mul3A_856 : vector<16xf32>
        %swap3A = arith.index_cast %scan3A_835 : i32 to index
        %swap3A_858 = arith.constant 0 : index
        %swap3A_859 = tpu.vector_load %arg25[%swap3A, %swap3A_858] {strides = array<i32>} : memref<64x128xf32, #tpu.memory_space<vmem>>, vector<1x16xf32>,
        %swap3A_860 = vector.shape_cast %swap3A_859 : vector<1x16xf32> to vector<16xf32>
        %swap3A_861 = vector.shape_cast %add3A_857 : vector<16xf32> to vector<1x16xf32>
        tpu.vector_store %arg25[%swap3A, %swap3A_858], %swap3A_861 {strides = array<i32>} : memref<64x128xf32, #tpu.memory_space<vmem>>, vector<1x16xf32>,
        %get3A_862 = arith.index_cast %scan3A_835 : i32 to index
        %get3A_863 = arith.constant 16 : index
        %get3A_864 = tpu.vector_load %arg22[%get3A_862, %get3A_863] {strides = array<i32>} : memref<64x128xf32, #tpu.memory_space<vmem>>, vector<1x16xf32>,
        %get3A_865 = vector.shape_cast %get3A_864 : vector<1x16xf32> to vector<16xf32>
        %mul3A_866 = arith.mulf %get3A_131, %get3A_865 : vector<16xf32>
        %get3A_867 = arith.index_cast %scan3A_835 : i32 to index
        %get3A_868 = arith.constant 16 : index
        %get3A_869 = tpu.vector_load %arg23[%get3A_867, %get3A_868] {strides = array<i32>} : memref<64x128xf32, #tpu.memory_space<vmem>>, vector<1x16xf32>,
        %get3A_870 = vector.shape_cast %get3A_869 : vector<1x16xf32> to vector<16xf32>
        %add3A_871 = arith.addf %mul3A_866, %get3A_870 : vector<16xf32>
        %get3A_872 = arith.index_cast %scan3A_835 : i32 to index
        %get3A_873 = arith.constant 16 : index
        %get3A_874 = tpu.vector_load %arg24[%get3A_872, %get3A_873] {strides = array<i32>} : memref<64x128xf32, #tpu.memory_space<vmem>>, vector<1x16xf32>,
        %get3A_875 = vector.shape_cast %get3A_874 : vector<1x16xf32> to vector<16xf32>
        %mul3A_876 = arith.mulf %get3A_134, %get3A_875 : vector<16xf32>
        %add3A_877 = arith.addf %add3A_871, %mul3A_876 : vector<16xf32>
        %max3A_878 = arith.constant 0.000000e+00 : f32
        %max3A_879 = vector.broadcast %max3A_878 : f32 to vector<16xf32>
        %max3A_880 = arith.maximumf %add3A_877, %max3A_879 : vector<16xf32>
        %mul3A_881 = arith.mulf %get3A_137, %max3A_880 : vector<16xf32>
        %mul3A_882 = arith.mulf %get3A_140, %add3A_877 : vector<16xf32>
        %add3A_883 = arith.addf %mul3A_881, %mul3A_882 : vector<16xf32>
        %swap3A_884 = arith.index_cast %scan3A_835 : i32 to index
        %swap3A_885 = arith.constant 16 : index
        %swap3A_886 = tpu.vector_load %arg25[%swap3A_884, %swap3A_885] {strides = array<i32>} : memref<64x128xf32, #tpu.memory_space<vmem>>, vector<1x16xf32>,
        %swap3A_887 = vector.shape_cast %swap3A_886 : vector<1x16xf32> to vector<16xf32>
        %swap3A_888 = vector.shape_cast %add3A_883 : vector<16xf32> to vector<1x16xf32>
        tpu.vector_store %arg25[%swap3A_884, %swap3A_885], %swap3A_888 {strides = array<i32>} : memref<64x128xf32, #tpu.memory_space<vmem>>, vector<1x16xf32>,
        %get3A_889 = arith.index_cast %scan3A_835 : i32 to index
        %get3A_890 = arith.constant 32 : index
        %get3A_891 = tpu.vector_load %arg22[%get3A_889, %get3A_890] {strides = array<i32>} : memref<64x128xf32, #tpu.memory_space<vmem>>, vector<1x16xf32>,
        %get3A_892 = vector.shape_cast %get3A_891 : vector<1x16xf32> to vector<16xf32>
        %mul3A_893 = arith.mulf %get3A_131, %get3A_892 : vector<16xf32>
        %get3A_894 = arith.index_cast %scan3A_835 : i32 to index
        %get3A_895 = arith.constant 32 : index
        %get3A_896 = tpu.vector_load %arg23[%get3A_894, %get3A_895] {strides = array<i32>} : memref<64x128xf32, #tpu.memory_space<vmem>>, vector<1x16xf32>,
        %get3A_897 = vector.shape_cast %get3A_896 : vector<1x16xf32> to vector<16xf32>
        %add3A_898 = arith.addf %mul3A_893, %get3A_897 : vector<16xf32>
        %get3A_899 = arith.index_cast %scan3A_835 : i32 to index
        %get3A_900 = arith.constant 32 : index
        %get3A_901 = tpu.vector_load %arg24[%get3A_899, %get3A_900] {strides = array<i32>} : memref<64x128xf32, #tpu.memory_space<vmem>>, vector<1x16xf32>,
        %get3A_902 = vector.shape_cast %get3A_901 : vector<1x16xf32> to vector<16xf32>
        %mul3A_903 = arith.mulf %get3A_134, %get3A_902 : vector<16xf32>
        %add3A_904 = arith.addf %add3A_898, %mul3A_903 : vector<16xf32>
        %max3A_905 = arith.constant 0.000000e+00 : f32
        %max3A_906 = vector.broadcast %max3A_905 : f32 to vector<16xf32>
        %max3A_907 = arith.maximumf %add3A_904, %max3A_906 : vector<16xf32>
        %mul3A_908 = arith.mulf %get3A_137, %max3A_907 : vector<16xf32>
        %mul3A_909 = arith.mulf %get3A_140, %add3A_904 : vector<16xf32>
        %add3A_910 = arith.addf %mul3A_908, %mul3A_909 : vector<16xf32>
        %swap3A_911 = arith.index_cast %scan3A_835 : i32 to index
        %swap3A_912 = arith.constant 32 : index
        %swap3A_913 = tpu.vector_load %arg25[%swap3A_911, %swap3A_912] {strides = array<i32>} : memref<64x128xf32, #tpu.memory_space<vmem>>, vector<1x16xf32>,
        %swap3A_914 = vector.shape_cast %swap3A_913 : vector<1x16xf32> to vector<16xf32>
        %swap3A_915 = vector.shape_cast %add3A_910 : vector<16xf32> to vector<1x16xf32>
        tpu.vector_store %arg25[%swap3A_911, %swap3A_912], %swap3A_915 {strides = array<i32>} : memref<64x128xf32, #tpu.memory_space<vmem>>, vector<1x16xf32>,
        %get3A_916 = arith.index_cast %scan3A_835 : i32 to index
        %get3A_917 = arith.constant 48 : index
        %get3A_918 = tpu.vector_load %arg22[%get3A_916, %get3A_917] {strides = array<i32>} : memref<64x128xf32, #tpu.memory_space<vmem>>, vector<1x16xf32>,
        %get3A_919 = vector.shape_cast %get3A_918 : vector<1x16xf32> to vector<16xf32>
        %mul3A_920 = arith.mulf %get3A_131, %get3A_919 : vector<16xf32>
        %get3A_921 = arith.index_cast %scan3A_835 : i32 to index
        %get3A_922 = arith.constant 48 : index
        %get3A_923 = tpu.vector_load %arg23[%get3A_921, %get3A_922] {strides = array<i32>} : memref<64x128xf32, #tpu.memory_space<vmem>>, vector<1x16xf32>,
        %get3A_924 = vector.shape_cast %get3A_923 : vector<1x16xf32> to vector<16xf32>
        %add3A_925 = arith.addf %mul3A_920, %get3A_924 : vector<16xf32>
        %get3A_926 = arith.index_cast %scan3A_835 : i32 to index
        %get3A_927 = arith.constant 48 : index
        %get3A_928 = tpu.vector_load %arg24[%get3A_926, %get3A_927] {strides = array<i32>} : memref<64x128xf32, #tpu.memory_space<vmem>>, vector<1x16xf32>,
        %get3A_929 = vector.shape_cast %get3A_928 : vector<1x16xf32> to vector<16xf32>
        %mul3A_930 = arith.mulf %get3A_134, %get3A_929 : vector<16xf32>
        %add3A_931 = arith.addf %add3A_925, %mul3A_930 : vector<16xf32>
        %max3A_932 = arith.constant 0.000000e+00 : f32
        %max3A_933 = vector.broadcast %max3A_932 : f32 to vector<16xf32>
        %max3A_934 = arith.maximumf %add3A_931, %max3A_933 : vector<16xf32>
        %mul3A_935 = arith.mulf %get3A_137, %max3A_934 : vector<16xf32>
        %mul3A_936 = arith.mulf %get3A_140, %add3A_931 : vector<16xf32>
        %add3A_937 = arith.addf %mul3A_935, %mul3A_936 : vector<16xf32>
        %swap3A_938 = arith.index_cast %scan3A_835 : i32 to index
        %swap3A_939 = arith.constant 48 : index
        %swap3A_940 = tpu.vector_load %arg25[%swap3A_938, %swap3A_939] {strides = array<i32>} : memref<64x128xf32, #tpu.memory_space<vmem>>, vector<1x16xf32>,
        %swap3A_941 = vector.shape_cast %swap3A_940 : vector<1x16xf32> to vector<16xf32>
        %swap3A_942 = vector.shape_cast %add3A_937 : vector<16xf32> to vector<1x16xf32>
        tpu.vector_store %arg25[%swap3A_938, %swap3A_939], %swap3A_942 {strides = array<i32>} : memref<64x128xf32, #tpu.memory_space<vmem>>, vector<1x16xf32>,
        %get3A_943 = arith.index_cast %scan3A_835 : i32 to index
        %get3A_944 = arith.constant 64 : index
        %get3A_945 = tpu.vector_load %arg22[%get3A_943, %get3A_944] {strides = array<i32>} : memref<64x128xf32, #tpu.memory_space<vmem>>, vector<1x16xf32>,
        %get3A_946 = vector.shape_cast %get3A_945 : vector<1x16xf32> to vector<16xf32>
        %mul3A_947 = arith.mulf %get3A_131, %get3A_946 : vector<16xf32>
        %get3A_948 = arith.index_cast %scan3A_835 : i32 to index
        %get3A_949 = arith.constant 64 : index
        %get3A_950 = tpu.vector_load %arg23[%get3A_948, %get3A_949] {strides = array<i32>} : memref<64x128xf32, #tpu.memory_space<vmem>>, vector<1x16xf32>,
        %get3A_951 = vector.shape_cast %get3A_950 : vector<1x16xf32> to vector<16xf32>
        %add3A_952 = arith.addf %mul3A_947, %get3A_951 : vector<16xf32>
        %get3A_953 = arith.index_cast %scan3A_835 : i32 to index
        %get3A_954 = arith.constant 64 : index
        %get3A_955 = tpu.vector_load %arg24[%get3A_953, %get3A_954] {strides = array<i32>} : memref<64x128xf32, #tpu.memory_space<vmem>>, vector<1x16xf32>,
        %get3A_956 = vector.shape_cast %get3A_955 : vector<1x16xf32> to vector<16xf32>
        %mul3A_957 = arith.mulf %get3A_134, %get3A_956 : vector<16xf32>
        %add3A_958 = arith.addf %add3A_952, %mul3A_957 : vector<16xf32>
        %max3A_959 = arith.constant 0.000000e+00 : f32
        %max3A_960 = vector.broadcast %max3A_959 : f32 to vector<16xf32>
        %max3A_961 = arith.maximumf %add3A_958, %max3A_960 : vector<16xf32>
        %mul3A_962 = arith.mulf %get3A_137, %max3A_961 : vector<16xf32>
        %mul3A_963 = arith.mulf %get3A_140, %add3A_958 : vector<16xf32>
        %add3A_964 = arith.addf %mul3A_962, %mul3A_963 : vector<16xf32>
        %swap3A_965 = arith.index_cast %scan3A_835 : i32 to index
        %swap3A_966 = arith.constant 64 : index
        %swap3A_967 = tpu.vector_load %arg25[%swap3A_965, %swap3A_966] {strides = array<i32>} : memref<64x128xf32, #tpu.memory_space<vmem>>, vector<1x16xf32>,
        %swap3A_968 = vector.shape_cast %swap3A_967 : vector<1x16xf32> to vector<16xf32>
        %swap3A_969 = vector.shape_cast %add3A_964 : vector<16xf32> to vector<1x16xf32>
        tpu.vector_store %arg25[%swap3A_965, %swap3A_966], %swap3A_969 {strides = array<i32>} : memref<64x128xf32, #tpu.memory_space<vmem>>, vector<1x16xf32>,
        %get3A_970 = arith.index_cast %scan3A_835 : i32 to index
        %get3A_971 = arith.constant 80 : index
        %get3A_972 = tpu.vector_load %arg22[%get3A_970, %get3A_971] {strides = array<i32>} : memref<64x128xf32, #tpu.memory_space<vmem>>, vector<1x16xf32>,
        %get3A_973 = vector.shape_cast %get3A_972 : vector<1x16xf32> to vector<16xf32>
        %mul3A_974 = arith.mulf %get3A_131, %get3A_973 : vector<16xf32>
        %get3A_975 = arith.index_cast %scan3A_835 : i32 to index
        %get3A_976 = arith.constant 80 : index
        %get3A_977 = tpu.vector_load %arg23[%get3A_975, %get3A_976] {strides = array<i32>} : memref<64x128xf32, #tpu.memory_space<vmem>>, vector<1x16xf32>,
        %get3A_978 = vector.shape_cast %get3A_977 : vector<1x16xf32> to vector<16xf32>
        %add3A_979 = arith.addf %mul3A_974, %get3A_978 : vector<16xf32>
        %get3A_980 = arith.index_cast %scan3A_835 : i32 to index
        %get3A_981 = arith.constant 80 : index
        %get3A_982 = tpu.vector_load %arg24[%get3A_980, %get3A_981] {strides = array<i32>} : memref<64x128xf32, #tpu.memory_space<vmem>>, vector<1x16xf32>,
        %get3A_983 = vector.shape_cast %get3A_982 : vector<1x16xf32> to vector<16xf32>
        %mul3A_984 = arith.mulf %get3A_134, %get3A_983 : vector<16xf32>
        %add3A_985 = arith.addf %add3A_979, %mul3A_984 : vector<16xf32>
        %max3A_986 = arith.constant 0.000000e+00 : f32
        %max3A_987 = vector.broadcast %max3A_986 : f32 to vector<16xf32>
        %max3A_988 = arith.maximumf %add3A_985, %max3A_987 : vector<16xf32>
        %mul3A_989 = arith.mulf %get3A_137, %max3A_988 : vector<16xf32>
        %mul3A_990 = arith.mulf %get3A_140, %add3A_985 : vector<16xf32>
        %add3A_991 = arith.addf %mul3A_989, %mul3A_990 : vector<16xf32>
        %swap3A_992 = arith.index_cast %scan3A_835 : i32 to index
        %swap3A_993 = arith.constant 80 : index
        %swap3A_994 = tpu.vector_load %arg25[%swap3A_992, %swap3A_993] {strides = array<i32>} : memref<64x128xf32, #tpu.memory_space<vmem>>, vector<1x16xf32>,
        %swap3A_995 = vector.shape_cast %swap3A_994 : vector<1x16xf32> to vector<16xf32>
        %swap3A_996 = vector.shape_cast %add3A_991 : vector<16xf32> to vector<1x16xf32>
        tpu.vector_store %arg25[%swap3A_992, %swap3A_993], %swap3A_996 {strides = array<i32>} : memref<64x128xf32, #tpu.memory_space<vmem>>, vector<1x16xf32>,
        %get3A_997 = arith.index_cast %scan3A_835 : i32 to index
        %get3A_998 = arith.constant 96 : index
        %get3A_999 = tpu.vector_load %arg22[%get3A_997, %get3A_998] {strides = array<i32>} : memref<64x128xf32, #tpu.memory_space<vmem>>, vector<1x16xf32>,
        %get3A_1000 = vector.shape_cast %get3A_999 : vector<1x16xf32> to vector<16xf32>
        %mul3A_1001 = arith.mulf %get3A_131, %get3A_1000 : vector<16xf32>
        %get3A_1002 = arith.index_cast %scan3A_835 : i32 to index
        %get3A_1003 = arith.constant 96 : index
        %get3A_1004 = tpu.vector_load %arg23[%get3A_1002, %get3A_1003] {strides = array<i32>} : memref<64x128xf32, #tpu.memory_space<vmem>>, vector<1x16xf32>,
        %get3A_1005 = vector.shape_cast %get3A_1004 : vector<1x16xf32> to vector<16xf32>
        %add3A_1006 = arith.addf %mul3A_1001, %get3A_1005 : vector<16xf32>
        %get3A_1007 = arith.index_cast %scan3A_835 : i32 to index
        %get3A_1008 = arith.constant 96 : index
        %get3A_1009 = tpu.vector_load %arg24[%get3A_1007, %get3A_1008] {strides = array<i32>} : memref<64x128xf32, #tpu.memory_space<vmem>>, vector<1x16xf32>,
        %get3A_1010 = vector.shape_cast %get3A_1009 : vector<1x16xf32> to vector<16xf32>
        %mul3A_1011 = arith.mulf %get3A_134, %get3A_1010 : vector<16xf32>
        %add3A_1012 = arith.addf %add3A_1006, %mul3A_1011 : vector<16xf32>
        %max3A_1013 = arith.constant 0.000000e+00 : f32
        %max3A_1014 = vector.broadcast %max3A_1013 : f32 to vector<16xf32>
        %max3A_1015 = arith.maximumf %add3A_1012, %max3A_1014 : vector<16xf32>
        %mul3A_1016 = arith.mulf %get3A_137, %max3A_1015 : vector<16xf32>
        %mul3A_1017 = arith.mulf %get3A_140, %add3A_1012 : vector<16xf32>
        %add3A_1018 = arith.addf %mul3A_1016, %mul3A_1017 : vector<16xf32>
        %swap3A_1019 = arith.index_cast %scan3A_835 : i32 to index
        %swap3A_1020 = arith.constant 96 : index
        %swap3A_1021 = tpu.vector_load %arg25[%swap3A_1019, %swap3A_1020] {strides = array<i32>} : memref<64x128xf32, #tpu.memory_space<vmem>>, vector<1x16xf32>,
        %swap3A_1022 = vector.shape_cast %swap3A_1021 : vector<1x16xf32> to vector<16xf32>
        %swap3A_1023 = vector.shape_cast %add3A_1018 : vector<16xf32> to vector<1x16xf32>
        tpu.vector_store %arg25[%swap3A_1019, %swap3A_1020], %swap3A_1023 {strides = array<i32>} : memref<64x128xf32, #tpu.memory_space<vmem>>, vector<1x16xf32>,
        %get3A_1024 = arith.index_cast %scan3A_835 : i32 to index
        %get3A_1025 = arith.constant 112 : index
        %get3A_1026 = tpu.vector_load %arg22[%get3A_1024, %get3A_1025] {strides = array<i32>} : memref<64x128xf32, #tpu.memory_space<vmem>>, vector<1x16xf32>,
        %get3A_1027 = vector.shape_cast %get3A_1026 : vector<1x16xf32> to vector<16xf32>
        %mul3A_1028 = arith.mulf %get3A_131, %get3A_1027 : vector<16xf32>
        %get3A_1029 = arith.index_cast %scan3A_835 : i32 to index
        %get3A_1030 = arith.constant 112 : index
        %get3A_1031 = tpu.vector_load %arg23[%get3A_1029, %get3A_1030] {strides = array<i32>} : memref<64x128xf32, #tpu.memory_space<vmem>>, vector<1x16xf32>,
        %get3A_1032 = vector.shape_cast %get3A_1031 : vector<1x16xf32> to vector<16xf32>
        %add3A_1033 = arith.addf %mul3A_1028, %get3A_1032 : vector<16xf32>
        %get3A_1034 = arith.index_cast %scan3A_835 : i32 to index
        %get3A_1035 = arith.constant 112 : index
        %get3A_1036 = tpu.vector_load %arg24[%get3A_1034, %get3A_1035] {strides = array<i32>} : memref<64x128xf32, #tpu.memory_space<vmem>>, vector<1x16xf32>,
        %get3A_1037 = vector.shape_cast %get3A_1036 : vector<1x16xf32> to vector<16xf32>
        %mul3A_1038 = arith.mulf %get3A_134, %get3A_1037 : vector<16xf32>
        %add3A_1039 = arith.addf %add3A_1033, %mul3A_1038 : vector<16xf32>
        %max3A_1040 = arith.constant 0.000000e+00 : f32
        %max3A_1041 = vector.broadcast %max3A_1040 : f32 to vector<16xf32>
        %max3A_1042 = arith.maximumf %add3A_1039, %max3A_1041 : vector<16xf32>
        %mul3A_1043 = arith.mulf %get3A_137, %max3A_1042 : vector<16xf32>
        %mul3A_1044 = arith.mulf %get3A_140, %add3A_1039 : vector<16xf32>
        %add3A_1045 = arith.addf %mul3A_1043, %mul3A_1044 : vector<16xf32>
        %swap3A_1046 = arith.index_cast %scan3A_835 : i32 to index
        %swap3A_1047 = arith.constant 112 : index
        %swap3A_1048 = tpu.vector_load %arg25[%swap3A_1046, %swap3A_1047] {strides = array<i32>} : memref<64x128xf32, #tpu.memory_space<vmem>>, vector<1x16xf32>,
        %swap3A_1049 = vector.shape_cast %swap3A_1048 : vector<1x16xf32> to vector<16xf32>
        %swap3A_1050 = vector.shape_cast %add3A_1045 : vector<16xf32> to vector<1x16xf32>
        tpu.vector_store %arg25[%swap3A_1046, %swap3A_1047], %swap3A_1050 {strides = array<i32>} : memref<64x128xf32, #tpu.memory_space<vmem>>, vector<1x16xf32>,
      }
      %scan3A_627 = arith.constant 64 : i32
      %dma_start3A_628 = arith.constant 4 : i32
      %dma_start3A_629 = arith.constant 0 : i32
      %dma_start3A_630 = tpu.memref_slice %arg15[%dma_start3A_628, %dma_start3A_629] : memref<8x64xi32, #tpu.memory_space<vmem>> -> memref<1x64xi32, #tpu.memory_space<vmem>>
      %dma_start3A_631 = tpu.memref_squeeze %dma_start3A_630 : memref<1x64xi32, #tpu.memory_space<vmem>> -> memref<64xi32, #tpu.memory_space<vmem>>
      %dma_start3A_632 = arith.constant 0 : i32
      %dma_start3A_633 = arith.constant 0 : i32
      %dma_start3A_634 = tpu.memref_slice %arg27[%dma_start3A_632, %dma_start3A_633] : memref<10240x128xf32, #tpu.memory_space<vmem_shared>> -> memref<10240x128xf32, #tpu.memory_space<vmem_shared>>
      tpu.enqueue_indirect_dma source(%arg25 : memref<64x128xf32, #tpu.memory_space<vmem>>) target(%dma_start3A_634 : memref<10240x128xf32, #tpu.memory_space<vmem_shared>>) offsets(%dma_start3A_631 : memref<64xi32, #tpu.memory_space<vmem>>) semaphore(%arg29 : memref<!tpu.dma_semaphore, #tpu.memory_space<semaphore_mem>>) {add = true}
      %dma_start3A_635 = arith.constant 5 : i32
      %dma_start3A_636 = arith.constant 0 : i32
      %dma_start3A_637 = tpu.memref_slice %arg15[%dma_start3A_635, %dma_start3A_636] : memref<8x64xi32, #tpu.memory_space<vmem>> -> memref<1x64xi32, #tpu.memory_space<vmem>>
      %dma_start3A_638 = tpu.memref_squeeze %dma_start3A_637 : memref<1x64xi32, #tpu.memory_space<vmem>> -> memref<64xi32, #tpu.memory_space<vmem>>
      %dma_start3A_639 = arith.constant 0 : i32
      %dma_start3A_640 = arith.constant 0 : i32
      %dma_start3A_641 = tpu.memref_slice %arg2[%dma_start3A_639, %dma_start3A_640] : memref<10240x128xf32, #tpu.memory_space<hbm>> -> memref<10240x128xf32, #tpu.memory_space<hbm>>
      tpu.enqueue_indirect_dma source(%dma_start3A_641 : memref<10240x128xf32, #tpu.memory_space<hbm>>) target(%arg22 : memref<64x128xf32, #tpu.memory_space<vmem>>) offsets(%dma_start3A_638 : memref<64xi32, #tpu.memory_space<vmem>>) semaphore(%arg28 : memref<!tpu.dma_semaphore, #tpu.memory_space<semaphore_mem>>)
      %dma_start3A_642 = arith.constant 5 : i32
      %dma_start3A_643 = arith.constant 0 : i32
      %dma_start3A_644 = tpu.memref_slice %arg14[%dma_start3A_642, %dma_start3A_643] : memref<8x64xi32, #tpu.memory_space<vmem>> -> memref<1x64xi32, #tpu.memory_space<vmem>>
      %dma_start3A_645 = tpu.memref_squeeze %dma_start3A_644 : memref<1x64xi32, #tpu.memory_space<vmem>> -> memref<64xi32, #tpu.memory_space<vmem>>
      %dma_start3A_646 = arith.constant 0 : i32
      %dma_start3A_647 = arith.constant 0 : i32
      %dma_start3A_648 = tpu.memref_slice %arg3[%dma_start3A_646, %dma_start3A_647] : memref<10240x128xf32, #tpu.memory_space<hbm>> -> memref<10240x128xf32, #tpu.memory_space<hbm>>
      tpu.enqueue_indirect_dma source(%dma_start3A_648 : memref<10240x128xf32, #tpu.memory_space<hbm>>) target(%arg23 : memref<64x128xf32, #tpu.memory_space<vmem>>) offsets(%dma_start3A_645 : memref<64xi32, #tpu.memory_space<vmem>>) semaphore(%arg28 : memref<!tpu.dma_semaphore, #tpu.memory_space<semaphore_mem>>)
      %dma_start3A_649 = arith.constant 5 : i32
      %dma_start3A_650 = arith.constant 0 : i32
      %dma_start3A_651 = tpu.memref_slice %arg16[%dma_start3A_649, %dma_start3A_650] : memref<8x64xi32, #tpu.memory_space<vmem>> -> memref<1x64xi32, #tpu.memory_space<vmem>>
      %dma_start3A_652 = tpu.memref_squeeze %dma_start3A_651 : memref<1x64xi32, #tpu.memory_space<vmem>> -> memref<64xi32, #tpu.memory_space<vmem>>
      %dma_start3A_653 = arith.constant 0 : i32
      %dma_start3A_654 = arith.constant 0 : i32
      %dma_start3A_655 = tpu.memref_slice %arg4[%dma_start3A_653, %dma_start3A_654] : memref<960000x128xf32, #tpu.memory_space<hbm>> -> memref<960000x128xf32, #tpu.memory_space<hbm>>
      tpu.enqueue_indirect_dma source(%dma_start3A_655 : memref<960000x128xf32, #tpu.memory_space<hbm>>) target(%arg24 : memref<64x128xf32, #tpu.memory_space<vmem>>) offsets(%dma_start3A_652 : memref<64xi32, #tpu.memory_space<vmem>>) semaphore(%arg28 : memref<!tpu.dma_semaphore, #tpu.memory_space<semaphore_mem>>)
      %dma_wait3A_656 = arith.constant 5 : i32
      %dma_wait3A_657 = arith.constant 0 : i32
      %dma_wait3A_658 = tpu.memref_slice %arg15[%dma_wait3A_656, %dma_wait3A_657] : memref<8x64xi32, #tpu.memory_space<vmem>> -> memref<1x64xi32, #tpu.memory_space<vmem>>
      %dma_wait3A_659 = tpu.memref_squeeze %dma_wait3A_658 : memref<1x64xi32, #tpu.memory_space<vmem>> -> memref<64xi32, #tpu.memory_space<vmem>>
      %dma_wait3A_660 = arith.constant 0 : i32
      %dma_wait3A_661 = arith.constant 0 : i32
      %dma_wait3A_662 = tpu.memref_slice %arg2[%dma_wait3A_660, %dma_wait3A_661] : memref<10240x128xf32, #tpu.memory_space<hbm>> -> memref<10240x128xf32, #tpu.memory_space<hbm>>
      tpu.wait_indirect_dma semaphore(%arg28 : memref<!tpu.dma_semaphore, #tpu.memory_space<semaphore_mem>>) src(%dma_wait3A_662 : memref<10240x128xf32, #tpu.memory_space<hbm>>) dst(%arg22 : memref<64x128xf32, #tpu.memory_space<vmem>>)
      %dma_wait3A_663 = arith.constant 5 : i32
      %dma_wait3A_664 = arith.constant 0 : i32
      %dma_wait3A_665 = tpu.memref_slice %arg14[%dma_wait3A_663, %dma_wait3A_664] : memref<8x64xi32, #tpu.memory_space<vmem>> -> memref<1x64xi32, #tpu.memory_space<vmem>>
      %dma_wait3A_666 = tpu.memref_squeeze %dma_wait3A_665 : memref<1x64xi32, #tpu.memory_space<vmem>> -> memref<64xi32, #tpu.memory_space<vmem>>
      %dma_wait3A_667 = arith.constant 0 : i32
      %dma_wait3A_668 = arith.constant 0 : i32
      %dma_wait3A_669 = tpu.memref_slice %arg3[%dma_wait3A_667, %dma_wait3A_668] : memref<10240x128xf32, #tpu.memory_space<hbm>> -> memref<10240x128xf32, #tpu.memory_space<hbm>>
      tpu.wait_indirect_dma semaphore(%arg28 : memref<!tpu.dma_semaphore, #tpu.memory_space<semaphore_mem>>) src(%dma_wait3A_669 : memref<10240x128xf32, #tpu.memory_space<hbm>>) dst(%arg23 : memref<64x128xf32, #tpu.memory_space<vmem>>)
      %dma_wait3A_670 = arith.constant 5 : i32
      %dma_wait3A_671 = arith.constant 0 : i32
      %dma_wait3A_672 = tpu.memref_slice %arg16[%dma_wait3A_670, %dma_wait3A_671] : memref<8x64xi32, #tpu.memory_space<vmem>> -> memref<1x64xi32, #tpu.memory_space<vmem>>
      %dma_wait3A_673 = tpu.memref_squeeze %dma_wait3A_672 : memref<1x64xi32, #tpu.memory_space<vmem>> -> memref<64xi32, #tpu.memory_space<vmem>>
      %dma_wait3A_674 = arith.constant 0 : i32
      %dma_wait3A_675 = arith.constant 0 : i32
      %dma_wait3A_676 = tpu.memref_slice %arg4[%dma_wait3A_674, %dma_wait3A_675] : memref<960000x128xf32, #tpu.memory_space<hbm>> -> memref<960000x128xf32, #tpu.memory_space<hbm>>
      tpu.wait_indirect_dma semaphore(%arg28 : memref<!tpu.dma_semaphore, #tpu.memory_space<semaphore_mem>>) src(%dma_wait3A_676 : memref<960000x128xf32, #tpu.memory_space<hbm>>) dst(%arg24 : memref<64x128xf32, #tpu.memory_space<vmem>>)
      %dma_wait3A_677 = arith.constant 3 : i32
      %dma_wait3A_678 = arith.constant 0 : i32
      %dma_wait3A_679 = tpu.memref_slice %arg15[%dma_wait3A_677, %dma_wait3A_678] : memref<8x64xi32, #tpu.memory_space<vmem>> -> memref<1x64xi32, #tpu.memory_space<vmem>>
      %dma_wait3A_680 = tpu.memref_squeeze %dma_wait3A_679 : memref<1x64xi32, #tpu.memory_space<vmem>> -> memref<64xi32, #tpu.memory_space<vmem>>
      %dma_wait3A_681 = arith.constant 0 : i32
      %dma_wait3A_682 = arith.constant 0 : i32
      %dma_wait3A_683 = tpu.memref_slice %arg27[%dma_wait3A_681, %dma_wait3A_682] : memref<10240x128xf32, #tpu.memory_space<vmem_shared>> -> memref<10240x128xf32, #tpu.memory_space<vmem_shared>>
      tpu.wait_indirect_dma semaphore(%arg29 : memref<!tpu.dma_semaphore, #tpu.memory_space<semaphore_mem>>) src(%arg26 : memref<64x128xf32, #tpu.memory_space<vmem>>) dst(%dma_wait3A_683 : memref<10240x128xf32, #tpu.memory_space<vmem_shared>>)
      %scan3A_684 = arith.constant 0 : i32
      %scan3A_685 = arith.constant 0 : i32
      %scan3A_686 = arith.constant 64 : i32
      %scan3A_687 = arith.addi %scan3A_685, %scan3A_686 : i32
      %scan3A_688 = arith.constant 1 : i32
      scf.for %scan3A_835 = %scan3A_685 to %scan3A_687 step %scan3A_688  : i32 {
        %get3A_836 = arith.index_cast %scan3A_835 : i32 to index
        %get3A_837 = arith.constant 0 : index
        %get3A_838 = tpu.vector_load %arg22[%get3A_836, %get3A_837] {strides = array<i32>} : memref<64x128xf32, #tpu.memory_space<vmem>>, vector<1x16xf32>,
        %get3A_839 = vector.shape_cast %get3A_838 : vector<1x16xf32> to vector<16xf32>
        %mul3A_840 = arith.mulf %get3A_131, %get3A_839 : vector<16xf32>
        %get3A_841 = arith.index_cast %scan3A_835 : i32 to index
        %get3A_842 = arith.constant 0 : index
        %get3A_843 = tpu.vector_load %arg23[%get3A_841, %get3A_842] {strides = array<i32>} : memref<64x128xf32, #tpu.memory_space<vmem>>, vector<1x16xf32>,
        %get3A_844 = vector.shape_cast %get3A_843 : vector<1x16xf32> to vector<16xf32>
        %add3A_845 = arith.addf %mul3A_840, %get3A_844 : vector<16xf32>
        %get3A_846 = arith.index_cast %scan3A_835 : i32 to index
        %get3A_847 = arith.constant 0 : index
        %get3A_848 = tpu.vector_load %arg24[%get3A_846, %get3A_847] {strides = array<i32>} : memref<64x128xf32, #tpu.memory_space<vmem>>, vector<1x16xf32>,
        %get3A_849 = vector.shape_cast %get3A_848 : vector<1x16xf32> to vector<16xf32>
        %mul3A_850 = arith.mulf %get3A_134, %get3A_849 : vector<16xf32>
        %add3A_851 = arith.addf %add3A_845, %mul3A_850 : vector<16xf32>
        %max3A_852 = arith.constant 0.000000e+00 : f32
        %max3A_853 = vector.broadcast %max3A_852 : f32 to vector<16xf32>
        %max3A_854 = arith.maximumf %add3A_851, %max3A_853 : vector<16xf32>
        %mul3A_855 = arith.mulf %get3A_137, %max3A_854 : vector<16xf32>
        %mul3A_856 = arith.mulf %get3A_140, %add3A_851 : vector<16xf32>
        %add3A_857 = arith.addf %mul3A_855, %mul3A_856 : vector<16xf32>
        %swap3A = arith.index_cast %scan3A_835 : i32 to index
        %swap3A_858 = arith.constant 0 : index
        %swap3A_859 = tpu.vector_load %arg26[%swap3A, %swap3A_858] {strides = array<i32>} : memref<64x128xf32, #tpu.memory_space<vmem>>, vector<1x16xf32>,
        %swap3A_860 = vector.shape_cast %swap3A_859 : vector<1x16xf32> to vector<16xf32>
        %swap3A_861 = vector.shape_cast %add3A_857 : vector<16xf32> to vector<1x16xf32>
        tpu.vector_store %arg26[%swap3A, %swap3A_858], %swap3A_861 {strides = array<i32>} : memref<64x128xf32, #tpu.memory_space<vmem>>, vector<1x16xf32>,
        %get3A_862 = arith.index_cast %scan3A_835 : i32 to index
        %get3A_863 = arith.constant 16 : index
        %get3A_864 = tpu.vector_load %arg22[%get3A_862, %get3A_863] {strides = array<i32>} : memref<64x128xf32, #tpu.memory_space<vmem>>, vector<1x16xf32>,
        %get3A_865 = vector.shape_cast %get3A_864 : vector<1x16xf32> to vector<16xf32>
        %mul3A_866 = arith.mulf %get3A_131, %get3A_865 : vector<16xf32>
        %get3A_867 = arith.index_cast %scan3A_835 : i32 to index
        %get3A_868 = arith.constant 16 : index
        %get3A_869 = tpu.vector_load %arg23[%get3A_867, %get3A_868] {strides = array<i32>} : memref<64x128xf32, #tpu.memory_space<vmem>>, vector<1x16xf32>,
        %get3A_870 = vector.shape_cast %get3A_869 : vector<1x16xf32> to vector<16xf32>
        %add3A_871 = arith.addf %mul3A_866, %get3A_870 : vector<16xf32>
        %get3A_872 = arith.index_cast %scan3A_835 : i32 to index
        %get3A_873 = arith.constant 16 : index
        %get3A_874 = tpu.vector_load %arg24[%get3A_872, %get3A_873] {strides = array<i32>} : memref<64x128xf32, #tpu.memory_space<vmem>>, vector<1x16xf32>,
        %get3A_875 = vector.shape_cast %get3A_874 : vector<1x16xf32> to vector<16xf32>
        %mul3A_876 = arith.mulf %get3A_134, %get3A_875 : vector<16xf32>
        %add3A_877 = arith.addf %add3A_871, %mul3A_876 : vector<16xf32>
        %max3A_878 = arith.constant 0.000000e+00 : f32
        %max3A_879 = vector.broadcast %max3A_878 : f32 to vector<16xf32>
        %max3A_880 = arith.maximumf %add3A_877, %max3A_879 : vector<16xf32>
        %mul3A_881 = arith.mulf %get3A_137, %max3A_880 : vector<16xf32>
        %mul3A_882 = arith.mulf %get3A_140, %add3A_877 : vector<16xf32>
        %add3A_883 = arith.addf %mul3A_881, %mul3A_882 : vector<16xf32>
        %swap3A_884 = arith.index_cast %scan3A_835 : i32 to index
        %swap3A_885 = arith.constant 16 : index
        %swap3A_886 = tpu.vector_load %arg26[%swap3A_884, %swap3A_885] {strides = array<i32>} : memref<64x128xf32, #tpu.memory_space<vmem>>, vector<1x16xf32>,
        %swap3A_887 = vector.shape_cast %swap3A_886 : vector<1x16xf32> to vector<16xf32>
        %swap3A_888 = vector.shape_cast %add3A_883 : vector<16xf32> to vector<1x16xf32>
        tpu.vector_store %arg26[%swap3A_884, %swap3A_885], %swap3A_888 {strides = array<i32>} : memref<64x128xf32, #tpu.memory_space<vmem>>, vector<1x16xf32>,
        %get3A_889 = arith.index_cast %scan3A_835 : i32 to index
        %get3A_890 = arith.constant 32 : index
        %get3A_891 = tpu.vector_load %arg22[%get3A_889, %get3A_890] {strides = array<i32>} : memref<64x128xf32, #tpu.memory_space<vmem>>, vector<1x16xf32>,
        %get3A_892 = vector.shape_cast %get3A_891 : vector<1x16xf32> to vector<16xf32>
        %mul3A_893 = arith.mulf %get3A_131, %get3A_892 : vector<16xf32>
        %get3A_894 = arith.index_cast %scan3A_835 : i32 to index
        %get3A_895 = arith.constant 32 : index
        %get3A_896 = tpu.vector_load %arg23[%get3A_894, %get3A_895] {strides = array<i32>} : memref<64x128xf32, #tpu.memory_space<vmem>>, vector<1x16xf32>,
        %get3A_897 = vector.shape_cast %get3A_896 : vector<1x16xf32> to vector<16xf32>
        %add3A_898 = arith.addf %mul3A_893, %get3A_897 : vector<16xf32>
        %get3A_899 = arith.index_cast %scan3A_835 : i32 to index
        %get3A_900 = arith.constant 32 : index
        %get3A_901 = tpu.vector_load %arg24[%get3A_899, %get3A_900] {strides = array<i32>} : memref<64x128xf32, #tpu.memory_space<vmem>>, vector<1x16xf32>,
        %get3A_902 = vector.shape_cast %get3A_901 : vector<1x16xf32> to vector<16xf32>
        %mul3A_903 = arith.mulf %get3A_134, %get3A_902 : vector<16xf32>
        %add3A_904 = arith.addf %add3A_898, %mul3A_903 : vector<16xf32>
        %max3A_905 = arith.constant 0.000000e+00 : f32
        %max3A_906 = vector.broadcast %max3A_905 : f32 to vector<16xf32>
        %max3A_907 = arith.maximumf %add3A_904, %max3A_906 : vector<16xf32>
        %mul3A_908 = arith.mulf %get3A_137, %max3A_907 : vector<16xf32>
        %mul3A_909 = arith.mulf %get3A_140, %add3A_904 : vector<16xf32>
        %add3A_910 = arith.addf %mul3A_908, %mul3A_909 : vector<16xf32>
        %swap3A_911 = arith.index_cast %scan3A_835 : i32 to index
        %swap3A_912 = arith.constant 32 : index
        %swap3A_913 = tpu.vector_load %arg26[%swap3A_911, %swap3A_912] {strides = array<i32>} : memref<64x128xf32, #tpu.memory_space<vmem>>, vector<1x16xf32>,
        %swap3A_914 = vector.shape_cast %swap3A_913 : vector<1x16xf32> to vector<16xf32>
        %swap3A_915 = vector.shape_cast %add3A_910 : vector<16xf32> to vector<1x16xf32>
        tpu.vector_store %arg26[%swap3A_911, %swap3A_912], %swap3A_915 {strides = array<i32>} : memref<64x128xf32, #tpu.memory_space<vmem>>, vector<1x16xf32>,
        %get3A_916 = arith.index_cast %scan3A_835 : i32 to index
        %get3A_917 = arith.constant 48 : index
        %get3A_918 = tpu.vector_load %arg22[%get3A_916, %get3A_917] {strides = array<i32>} : memref<64x128xf32, #tpu.memory_space<vmem>>, vector<1x16xf32>,
        %get3A_919 = vector.shape_cast %get3A_918 : vector<1x16xf32> to vector<16xf32>
        %mul3A_920 = arith.mulf %get3A_131, %get3A_919 : vector<16xf32>
        %get3A_921 = arith.index_cast %scan3A_835 : i32 to index
        %get3A_922 = arith.constant 48 : index
        %get3A_923 = tpu.vector_load %arg23[%get3A_921, %get3A_922] {strides = array<i32>} : memref<64x128xf32, #tpu.memory_space<vmem>>, vector<1x16xf32>,
        %get3A_924 = vector.shape_cast %get3A_923 : vector<1x16xf32> to vector<16xf32>
        %add3A_925 = arith.addf %mul3A_920, %get3A_924 : vector<16xf32>
        %get3A_926 = arith.index_cast %scan3A_835 : i32 to index
        %get3A_927 = arith.constant 48 : index
        %get3A_928 = tpu.vector_load %arg24[%get3A_926, %get3A_927] {strides = array<i32>} : memref<64x128xf32, #tpu.memory_space<vmem>>, vector<1x16xf32>,
        %get3A_929 = vector.shape_cast %get3A_928 : vector<1x16xf32> to vector<16xf32>
        %mul3A_930 = arith.mulf %get3A_134, %get3A_929 : vector<16xf32>
        %add3A_931 = arith.addf %add3A_925, %mul3A_930 : vector<16xf32>
        %max3A_932 = arith.constant 0.000000e+00 : f32
        %max3A_933 = vector.broadcast %max3A_932 : f32 to vector<16xf32>
        %max3A_934 = arith.maximumf %add3A_931, %max3A_933 : vector<16xf32>
        %mul3A_935 = arith.mulf %get3A_137, %max3A_934 : vector<16xf32>
        %mul3A_936 = arith.mulf %get3A_140, %add3A_931 : vector<16xf32>
        %add3A_937 = arith.addf %mul3A_935, %mul3A_936 : vector<16xf32>
        %swap3A_938 = arith.index_cast %scan3A_835 : i32 to index
        %swap3A_939 = arith.constant 48 : index
        %swap3A_940 = tpu.vector_load %arg26[%swap3A_938, %swap3A_939] {strides = array<i32>} : memref<64x128xf32, #tpu.memory_space<vmem>>, vector<1x16xf32>,
        %swap3A_941 = vector.shape_cast %swap3A_940 : vector<1x16xf32> to vector<16xf32>
        %swap3A_942 = vector.shape_cast %add3A_937 : vector<16xf32> to vector<1x16xf32>
        tpu.vector_store %arg26[%swap3A_938, %swap3A_939], %swap3A_942 {strides = array<i32>} : memref<64x128xf32, #tpu.memory_space<vmem>>, vector<1x16xf32>,
        %get3A_943 = arith.index_cast %scan3A_835 : i32 to index
        %get3A_944 = arith.constant 64 : index
        %get3A_945 = tpu.vector_load %arg22[%get3A_943, %get3A_944] {strides = array<i32>} : memref<64x128xf32, #tpu.memory_space<vmem>>, vector<1x16xf32>,
        %get3A_946 = vector.shape_cast %get3A_945 : vector<1x16xf32> to vector<16xf32>
        %mul3A_947 = arith.mulf %get3A_131, %get3A_946 : vector<16xf32>
        %get3A_948 = arith.index_cast %scan3A_835 : i32 to index
        %get3A_949 = arith.constant 64 : index
        %get3A_950 = tpu.vector_load %arg23[%get3A_948, %get3A_949] {strides = array<i32>} : memref<64x128xf32, #tpu.memory_space<vmem>>, vector<1x16xf32>,
        %get3A_951 = vector.shape_cast %get3A_950 : vector<1x16xf32> to vector<16xf32>
        %add3A_952 = arith.addf %mul3A_947, %get3A_951 : vector<16xf32>
        %get3A_953 = arith.index_cast %scan3A_835 : i32 to index
        %get3A_954 = arith.constant 64 : index
        %get3A_955 = tpu.vector_load %arg24[%get3A_953, %get3A_954] {strides = array<i32>} : memref<64x128xf32, #tpu.memory_space<vmem>>, vector<1x16xf32>,
        %get3A_956 = vector.shape_cast %get3A_955 : vector<1x16xf32> to vector<16xf32>
        %mul3A_957 = arith.mulf %get3A_134, %get3A_956 : vector<16xf32>
        %add3A_958 = arith.addf %add3A_952, %mul3A_957 : vector<16xf32>
        %max3A_959 = arith.constant 0.000000e+00 : f32
        %max3A_960 = vector.broadcast %max3A_959 : f32 to vector<16xf32>
        %max3A_961 = arith.maximumf %add3A_958, %max3A_960 : vector<16xf32>
        %mul3A_962 = arith.mulf %get3A_137, %max3A_961 : vector<16xf32>
        %mul3A_963 = arith.mulf %get3A_140, %add3A_958 : vector<16xf32>
        %add3A_964 = arith.addf %mul3A_962, %mul3A_963 : vector<16xf32>
        %swap3A_965 = arith.index_cast %scan3A_835 : i32 to index
        %swap3A_966 = arith.constant 64 : index
        %swap3A_967 = tpu.vector_load %arg26[%swap3A_965, %swap3A_966] {strides = array<i32>} : memref<64x128xf32, #tpu.memory_space<vmem>>, vector<1x16xf32>,
        %swap3A_968 = vector.shape_cast %swap3A_967 : vector<1x16xf32> to vector<16xf32>
        %swap3A_969 = vector.shape_cast %add3A_964 : vector<16xf32> to vector<1x16xf32>
        tpu.vector_store %arg26[%swap3A_965, %swap3A_966], %swap3A_969 {strides = array<i32>} : memref<64x128xf32, #tpu.memory_space<vmem>>, vector<1x16xf32>,
        %get3A_970 = arith.index_cast %scan3A_835 : i32 to index
        %get3A_971 = arith.constant 80 : index
        %get3A_972 = tpu.vector_load %arg22[%get3A_970, %get3A_971] {strides = array<i32>} : memref<64x128xf32, #tpu.memory_space<vmem>>, vector<1x16xf32>,
        %get3A_973 = vector.shape_cast %get3A_972 : vector<1x16xf32> to vector<16xf32>
        %mul3A_974 = arith.mulf %get3A_131, %get3A_973 : vector<16xf32>
        %get3A_975 = arith.index_cast %scan3A_835 : i32 to index
        %get3A_976 = arith.constant 80 : index
        %get3A_977 = tpu.vector_load %arg23[%get3A_975, %get3A_976] {strides = array<i32>} : memref<64x128xf32, #tpu.memory_space<vmem>>, vector<1x16xf32>,
        %get3A_978 = vector.shape_cast %get3A_977 : vector<1x16xf32> to vector<16xf32>
        %add3A_979 = arith.addf %mul3A_974, %get3A_978 : vector<16xf32>
        %get3A_980 = arith.index_cast %scan3A_835 : i32 to index
        %get3A_981 = arith.constant 80 : index
        %get3A_982 = tpu.vector_load %arg24[%get3A_980, %get3A_981] {strides = array<i32>} : memref<64x128xf32, #tpu.memory_space<vmem>>, vector<1x16xf32>,
        %get3A_983 = vector.shape_cast %get3A_982 : vector<1x16xf32> to vector<16xf32>
        %mul3A_984 = arith.mulf %get3A_134, %get3A_983 : vector<16xf32>
        %add3A_985 = arith.addf %add3A_979, %mul3A_984 : vector<16xf32>
        %max3A_986 = arith.constant 0.000000e+00 : f32
        %max3A_987 = vector.broadcast %max3A_986 : f32 to vector<16xf32>
        %max3A_988 = arith.maximumf %add3A_985, %max3A_987 : vector<16xf32>
        %mul3A_989 = arith.mulf %get3A_137, %max3A_988 : vector<16xf32>
        %mul3A_990 = arith.mulf %get3A_140, %add3A_985 : vector<16xf32>
        %add3A_991 = arith.addf %mul3A_989, %mul3A_990 : vector<16xf32>
        %swap3A_992 = arith.index_cast %scan3A_835 : i32 to index
        %swap3A_993 = arith.constant 80 : index
        %swap3A_994 = tpu.vector_load %arg26[%swap3A_992, %swap3A_993] {strides = array<i32>} : memref<64x128xf32, #tpu.memory_space<vmem>>, vector<1x16xf32>,
        %swap3A_995 = vector.shape_cast %swap3A_994 : vector<1x16xf32> to vector<16xf32>
        %swap3A_996 = vector.shape_cast %add3A_991 : vector<16xf32> to vector<1x16xf32>
        tpu.vector_store %arg26[%swap3A_992, %swap3A_993], %swap3A_996 {strides = array<i32>} : memref<64x128xf32, #tpu.memory_space<vmem>>, vector<1x16xf32>,
        %get3A_997 = arith.index_cast %scan3A_835 : i32 to index
        %get3A_998 = arith.constant 96 : index
        %get3A_999 = tpu.vector_load %arg22[%get3A_997, %get3A_998] {strides = array<i32>} : memref<64x128xf32, #tpu.memory_space<vmem>>, vector<1x16xf32>,
        %get3A_1000 = vector.shape_cast %get3A_999 : vector<1x16xf32> to vector<16xf32>
        %mul3A_1001 = arith.mulf %get3A_131, %get3A_1000 : vector<16xf32>
        %get3A_1002 = arith.index_cast %scan3A_835 : i32 to index
        %get3A_1003 = arith.constant 96 : index
        %get3A_1004 = tpu.vector_load %arg23[%get3A_1002, %get3A_1003] {strides = array<i32>} : memref<64x128xf32, #tpu.memory_space<vmem>>, vector<1x16xf32>,
        %get3A_1005 = vector.shape_cast %get3A_1004 : vector<1x16xf32> to vector<16xf32>
        %add3A_1006 = arith.addf %mul3A_1001, %get3A_1005 : vector<16xf32>
        %get3A_1007 = arith.index_cast %scan3A_835 : i32 to index
        %get3A_1008 = arith.constant 96 : index
        %get3A_1009 = tpu.vector_load %arg24[%get3A_1007, %get3A_1008] {strides = array<i32>} : memref<64x128xf32, #tpu.memory_space<vmem>>, vector<1x16xf32>,
        %get3A_1010 = vector.shape_cast %get3A_1009 : vector<1x16xf32> to vector<16xf32>
        %mul3A_1011 = arith.mulf %get3A_134, %get3A_1010 : vector<16xf32>
        %add3A_1012 = arith.addf %add3A_1006, %mul3A_1011 : vector<16xf32>
        %max3A_1013 = arith.constant 0.000000e+00 : f32
        %max3A_1014 = vector.broadcast %max3A_1013 : f32 to vector<16xf32>
        %max3A_1015 = arith.maximumf %add3A_1012, %max3A_1014 : vector<16xf32>
        %mul3A_1016 = arith.mulf %get3A_137, %max3A_1015 : vector<16xf32>
        %mul3A_1017 = arith.mulf %get3A_140, %add3A_1012 : vector<16xf32>
        %add3A_1018 = arith.addf %mul3A_1016, %mul3A_1017 : vector<16xf32>
        %swap3A_1019 = arith.index_cast %scan3A_835 : i32 to index
        %swap3A_1020 = arith.constant 96 : index
        %swap3A_1021 = tpu.vector_load %arg26[%swap3A_1019, %swap3A_1020] {strides = array<i32>} : memref<64x128xf32, #tpu.memory_space<vmem>>, vector<1x16xf32>,
        %swap3A_1022 = vector.shape_cast %swap3A_1021 : vector<1x16xf32> to vector<16xf32>
        %swap3A_1023 = vector.shape_cast %add3A_1018 : vector<16xf32> to vector<1x16xf32>
        tpu.vector_store %arg26[%swap3A_1019, %swap3A_1020], %swap3A_1023 {strides = array<i32>} : memref<64x128xf32, #tpu.memory_space<vmem>>, vector<1x16xf32>,
        %get3A_1024 = arith.index_cast %scan3A_835 : i32 to index
        %get3A_1025 = arith.constant 112 : index
        %get3A_1026 = tpu.vector_load %arg22[%get3A_1024, %get3A_1025] {strides = array<i32>} : memref<64x128xf32, #tpu.memory_space<vmem>>, vector<1x16xf32>,
        %get3A_1027 = vector.shape_cast %get3A_1026 : vector<1x16xf32> to vector<16xf32>
        %mul3A_1028 = arith.mulf %get3A_131, %get3A_1027 : vector<16xf32>
        %get3A_1029 = arith.index_cast %scan3A_835 : i32 to index
        %get3A_1030 = arith.constant 112 : index
        %get3A_1031 = tpu.vector_load %arg23[%get3A_1029, %get3A_1030] {strides = array<i32>} : memref<64x128xf32, #tpu.memory_space<vmem>>, vector<1x16xf32>,
        %get3A_1032 = vector.shape_cast %get3A_1031 : vector<1x16xf32> to vector<16xf32>
        %add3A_1033 = arith.addf %mul3A_1028, %get3A_1032 : vector<16xf32>
        %get3A_1034 = arith.index_cast %scan3A_835 : i32 to index
        %get3A_1035 = arith.constant 112 : index
        %get3A_1036 = tpu.vector_load %arg24[%get3A_1034, %get3A_1035] {strides = array<i32>} : memref<64x128xf32, #tpu.memory_space<vmem>>, vector<1x16xf32>,
        %get3A_1037 = vector.shape_cast %get3A_1036 : vector<1x16xf32> to vector<16xf32>
        %mul3A_1038 = arith.mulf %get3A_134, %get3A_1037 : vector<16xf32>
        %add3A_1039 = arith.addf %add3A_1033, %mul3A_1038 : vector<16xf32>
        %max3A_1040 = arith.constant 0.000000e+00 : f32
        %max3A_1041 = vector.broadcast %max3A_1040 : f32 to vector<16xf32>
        %max3A_1042 = arith.maximumf %add3A_1039, %max3A_1041 : vector<16xf32>
        %mul3A_1043 = arith.mulf %get3A_137, %max3A_1042 : vector<16xf32>
        %mul3A_1044 = arith.mulf %get3A_140, %add3A_1039 : vector<16xf32>
        %add3A_1045 = arith.addf %mul3A_1043, %mul3A_1044 : vector<16xf32>
        %swap3A_1046 = arith.index_cast %scan3A_835 : i32 to index
        %swap3A_1047 = arith.constant 112 : index
        %swap3A_1048 = tpu.vector_load %arg26[%swap3A_1046, %swap3A_1047] {strides = array<i32>} : memref<64x128xf32, #tpu.memory_space<vmem>>, vector<1x16xf32>,
        %swap3A_1049 = vector.shape_cast %swap3A_1048 : vector<1x16xf32> to vector<16xf32>
        %swap3A_1050 = vector.shape_cast %add3A_1045 : vector<16xf32> to vector<1x16xf32>
        tpu.vector_store %arg26[%swap3A_1046, %swap3A_1047], %swap3A_1050 {strides = array<i32>} : memref<64x128xf32, #tpu.memory_space<vmem>>, vector<1x16xf32>,
      }
      %scan3A_689 = arith.constant 64 : i32
      %dma_start3A_690 = arith.constant 5 : i32
      %dma_start3A_691 = arith.constant 0 : i32
      %dma_start3A_692 = tpu.memref_slice %arg15[%dma_start3A_690, %dma_start3A_691] : memref<8x64xi32, #tpu.memory_space<vmem>> -> memref<1x64xi32, #tpu.memory_space<vmem>>
      %dma_start3A_693 = tpu.memref_squeeze %dma_start3A_692 : memref<1x64xi32, #tpu.memory_space<vmem>> -> memref<64xi32, #tpu.memory_space<vmem>>
      %dma_start3A_694 = arith.constant 0 : i32
      %dma_start3A_695 = arith.constant 0 : i32
      %dma_start3A_696 = tpu.memref_slice %arg27[%dma_start3A_694, %dma_start3A_695] : memref<10240x128xf32, #tpu.memory_space<vmem_shared>> -> memref<10240x128xf32, #tpu.memory_space<vmem_shared>>
      tpu.enqueue_indirect_dma source(%arg26 : memref<64x128xf32, #tpu.memory_space<vmem>>) target(%dma_start3A_696 : memref<10240x128xf32, #tpu.memory_space<vmem_shared>>) offsets(%dma_start3A_693 : memref<64xi32, #tpu.memory_space<vmem>>) semaphore(%arg29 : memref<!tpu.dma_semaphore, #tpu.memory_space<semaphore_mem>>) {add = true}
      %dma_start3A_697 = arith.constant 6 : i32
      %dma_start3A_698 = arith.constant 0 : i32
      %dma_start3A_699 = tpu.memref_slice %arg15[%dma_start3A_697, %dma_start3A_698] : memref<8x64xi32, #tpu.memory_space<vmem>> -> memref<1x64xi32, #tpu.memory_space<vmem>>
      %dma_start3A_700 = tpu.memref_squeeze %dma_start3A_699 : memref<1x64xi32, #tpu.memory_space<vmem>> -> memref<64xi32, #tpu.memory_space<vmem>>
      %dma_start3A_701 = arith.constant 0 : i32
      %dma_start3A_702 = arith.constant 0 : i32
      %dma_start3A_703 = tpu.memref_slice %arg2[%dma_start3A_701, %dma_start3A_702] : memref<10240x128xf32, #tpu.memory_space<hbm>> -> memref<10240x128xf32, #tpu.memory_space<hbm>>
      tpu.enqueue_indirect_dma source(%dma_start3A_703 : memref<10240x128xf32, #tpu.memory_space<hbm>>) target(%arg22 : memref<64x128xf32, #tpu.memory_space<vmem>>) offsets(%dma_start3A_700 : memref<64xi32, #tpu.memory_space<vmem>>) semaphore(%arg28 : memref<!tpu.dma_semaphore, #tpu.memory_space<semaphore_mem>>)
      %dma_start3A_704 = arith.constant 6 : i32
      %dma_start3A_705 = arith.constant 0 : i32
      %dma_start3A_706 = tpu.memref_slice %arg14[%dma_start3A_704, %dma_start3A_705] : memref<8x64xi32, #tpu.memory_space<vmem>> -> memref<1x64xi32, #tpu.memory_space<vmem>>
      %dma_start3A_707 = tpu.memref_squeeze %dma_start3A_706 : memref<1x64xi32, #tpu.memory_space<vmem>> -> memref<64xi32, #tpu.memory_space<vmem>>
      %dma_start3A_708 = arith.constant 0 : i32
      %dma_start3A_709 = arith.constant 0 : i32
      %dma_start3A_710 = tpu.memref_slice %arg3[%dma_start3A_708, %dma_start3A_709] : memref<10240x128xf32, #tpu.memory_space<hbm>> -> memref<10240x128xf32, #tpu.memory_space<hbm>>
      tpu.enqueue_indirect_dma source(%dma_start3A_710 : memref<10240x128xf32, #tpu.memory_space<hbm>>) target(%arg23 : memref<64x128xf32, #tpu.memory_space<vmem>>) offsets(%dma_start3A_707 : memref<64xi32, #tpu.memory_space<vmem>>) semaphore(%arg28 : memref<!tpu.dma_semaphore, #tpu.memory_space<semaphore_mem>>)
      %dma_start3A_711 = arith.constant 6 : i32
      %dma_start3A_712 = arith.constant 0 : i32
      %dma_start3A_713 = tpu.memref_slice %arg16[%dma_start3A_711, %dma_start3A_712] : memref<8x64xi32, #tpu.memory_space<vmem>> -> memref<1x64xi32, #tpu.memory_space<vmem>>
      %dma_start3A_714 = tpu.memref_squeeze %dma_start3A_713 : memref<1x64xi32, #tpu.memory_space<vmem>> -> memref<64xi32, #tpu.memory_space<vmem>>
      %dma_start3A_715 = arith.constant 0 : i32
      %dma_start3A_716 = arith.constant 0 : i32
      %dma_start3A_717 = tpu.memref_slice %arg4[%dma_start3A_715, %dma_start3A_716] : memref<960000x128xf32, #tpu.memory_space<hbm>> -> memref<960000x128xf32, #tpu.memory_space<hbm>>
      tpu.enqueue_indirect_dma source(%dma_start3A_717 : memref<960000x128xf32, #tpu.memory_space<hbm>>) target(%arg24 : memref<64x128xf32, #tpu.memory_space<vmem>>) offsets(%dma_start3A_714 : memref<64xi32, #tpu.memory_space<vmem>>) semaphore(%arg28 : memref<!tpu.dma_semaphore, #tpu.memory_space<semaphore_mem>>)
      %dma_wait3A_718 = arith.constant 6 : i32
      %dma_wait3A_719 = arith.constant 0 : i32
      %dma_wait3A_720 = tpu.memref_slice %arg15[%dma_wait3A_718, %dma_wait3A_719] : memref<8x64xi32, #tpu.memory_space<vmem>> -> memref<1x64xi32, #tpu.memory_space<vmem>>
      %dma_wait3A_721 = tpu.memref_squeeze %dma_wait3A_720 : memref<1x64xi32, #tpu.memory_space<vmem>> -> memref<64xi32, #tpu.memory_space<vmem>>
      %dma_wait3A_722 = arith.constant 0 : i32
      %dma_wait3A_723 = arith.constant 0 : i32
      %dma_wait3A_724 = tpu.memref_slice %arg2[%dma_wait3A_722, %dma_wait3A_723] : memref<10240x128xf32, #tpu.memory_space<hbm>> -> memref<10240x128xf32, #tpu.memory_space<hbm>>
      tpu.wait_indirect_dma semaphore(%arg28 : memref<!tpu.dma_semaphore, #tpu.memory_space<semaphore_mem>>) src(%dma_wait3A_724 : memref<10240x128xf32, #tpu.memory_space<hbm>>) dst(%arg22 : memref<64x128xf32, #tpu.memory_space<vmem>>)
      %dma_wait3A_725 = arith.constant 6 : i32
      %dma_wait3A_726 = arith.constant 0 : i32
      %dma_wait3A_727 = tpu.memref_slice %arg14[%dma_wait3A_725, %dma_wait3A_726] : memref<8x64xi32, #tpu.memory_space<vmem>> -> memref<1x64xi32, #tpu.memory_space<vmem>>
      %dma_wait3A_728 = tpu.memref_squeeze %dma_wait3A_727 : memref<1x64xi32, #tpu.memory_space<vmem>> -> memref<64xi32, #tpu.memory_space<vmem>>
      %dma_wait3A_729 = arith.constant 0 : i32
      %dma_wait3A_730 = arith.constant 0 : i32
      %dma_wait3A_731 = tpu.memref_slice %arg3[%dma_wait3A_729, %dma_wait3A_730] : memref<10240x128xf32, #tpu.memory_space<hbm>> -> memref<10240x128xf32, #tpu.memory_space<hbm>>
      tpu.wait_indirect_dma semaphore(%arg28 : memref<!tpu.dma_semaphore, #tpu.memory_space<semaphore_mem>>) src(%dma_wait3A_731 : memref<10240x128xf32, #tpu.memory_space<hbm>>) dst(%arg23 : memref<64x128xf32, #tpu.memory_space<vmem>>)
      %dma_wait3A_732 = arith.constant 6 : i32
      %dma_wait3A_733 = arith.constant 0 : i32
      %dma_wait3A_734 = tpu.memref_slice %arg16[%dma_wait3A_732, %dma_wait3A_733] : memref<8x64xi32, #tpu.memory_space<vmem>> -> memref<1x64xi32, #tpu.memory_space<vmem>>
      %dma_wait3A_735 = tpu.memref_squeeze %dma_wait3A_734 : memref<1x64xi32, #tpu.memory_space<vmem>> -> memref<64xi32, #tpu.memory_space<vmem>>
      %dma_wait3A_736 = arith.constant 0 : i32
      %dma_wait3A_737 = arith.constant 0 : i32
      %dma_wait3A_738 = tpu.memref_slice %arg4[%dma_wait3A_736, %dma_wait3A_737] : memref<960000x128xf32, #tpu.memory_space<hbm>> -> memref<960000x128xf32, #tpu.memory_space<hbm>>
      tpu.wait_indirect_dma semaphore(%arg28 : memref<!tpu.dma_semaphore, #tpu.memory_space<semaphore_mem>>) src(%dma_wait3A_738 : memref<960000x128xf32, #tpu.memory_space<hbm>>) dst(%arg24 : memref<64x128xf32, #tpu.memory_space<vmem>>)
      %dma_wait3A_739 = arith.constant 4 : i32
      %dma_wait3A_740 = arith.constant 0 : i32
      %dma_wait3A_741 = tpu.memref_slice %arg15[%dma_wait3A_739, %dma_wait3A_740] : memref<8x64xi32, #tpu.memory_space<vmem>> -> memref<1x64xi32, #tpu.memory_space<vmem>>
      %dma_wait3A_742 = tpu.memref_squeeze %dma_wait3A_741 : memref<1x64xi32, #tpu.memory_space<vmem>> -> memref<64xi32, #tpu.memory_space<vmem>>
      %dma_wait3A_743 = arith.constant 0 : i32
      %dma_wait3A_744 = arith.constant 0 : i32
      %dma_wait3A_745 = tpu.memref_slice %arg27[%dma_wait3A_743, %dma_wait3A_744] : memref<10240x128xf32, #tpu.memory_space<vmem_shared>> -> memref<10240x128xf32, #tpu.memory_space<vmem_shared>>
      tpu.wait_indirect_dma semaphore(%arg29 : memref<!tpu.dma_semaphore, #tpu.memory_space<semaphore_mem>>) src(%arg25 : memref<64x128xf32, #tpu.memory_space<vmem>>) dst(%dma_wait3A_745 : memref<10240x128xf32, #tpu.memory_space<vmem_shared>>)
      %scan3A_746 = arith.constant 0 : i32
      %scan3A_747 = arith.constant 0 : i32
      %scan3A_748 = arith.constant 64 : i32
      %scan3A_749 = arith.addi %scan3A_747, %scan3A_748 : i32
      %scan3A_750 = arith.constant 1 : i32
      scf.for %scan3A_835 = %scan3A_747 to %scan3A_749 step %scan3A_750  : i32 {
        %get3A_836 = arith.index_cast %scan3A_835 : i32 to index
        %get3A_837 = arith.constant 0 : index
        %get3A_838 = tpu.vector_load %arg22[%get3A_836, %get3A_837] {strides = array<i32>} : memref<64x128xf32, #tpu.memory_space<vmem>>, vector<1x16xf32>,
        %get3A_839 = vector.shape_cast %get3A_838 : vector<1x16xf32> to vector<16xf32>
        %mul3A_840 = arith.mulf %get3A_131, %get3A_839 : vector<16xf32>
        %get3A_841 = arith.index_cast %scan3A_835 : i32 to index
        %get3A_842 = arith.constant 0 : index
        %get3A_843 = tpu.vector_load %arg23[%get3A_841, %get3A_842] {strides = array<i32>} : memref<64x128xf32, #tpu.memory_space<vmem>>, vector<1x16xf32>,
        %get3A_844 = vector.shape_cast %get3A_843 : vector<1x16xf32> to vector<16xf32>
        %add3A_845 = arith.addf %mul3A_840, %get3A_844 : vector<16xf32>
        %get3A_846 = arith.index_cast %scan3A_835 : i32 to index
        %get3A_847 = arith.constant 0 : index
        %get3A_848 = tpu.vector_load %arg24[%get3A_846, %get3A_847] {strides = array<i32>} : memref<64x128xf32, #tpu.memory_space<vmem>>, vector<1x16xf32>,
        %get3A_849 = vector.shape_cast %get3A_848 : vector<1x16xf32> to vector<16xf32>
        %mul3A_850 = arith.mulf %get3A_134, %get3A_849 : vector<16xf32>
        %add3A_851 = arith.addf %add3A_845, %mul3A_850 : vector<16xf32>
        %max3A_852 = arith.constant 0.000000e+00 : f32
        %max3A_853 = vector.broadcast %max3A_852 : f32 to vector<16xf32>
        %max3A_854 = arith.maximumf %add3A_851, %max3A_853 : vector<16xf32>
        %mul3A_855 = arith.mulf %get3A_137, %max3A_854 : vector<16xf32>
        %mul3A_856 = arith.mulf %get3A_140, %add3A_851 : vector<16xf32>
        %add3A_857 = arith.addf %mul3A_855, %mul3A_856 : vector<16xf32>
        %swap3A = arith.index_cast %scan3A_835 : i32 to index
        %swap3A_858 = arith.constant 0 : index
        %swap3A_859 = tpu.vector_load %arg25[%swap3A, %swap3A_858] {strides = array<i32>} : memref<64x128xf32, #tpu.memory_space<vmem>>, vector<1x16xf32>,
        %swap3A_860 = vector.shape_cast %swap3A_859 : vector<1x16xf32> to vector<16xf32>
        %swap3A_861 = vector.shape_cast %add3A_857 : vector<16xf32> to vector<1x16xf32>
        tpu.vector_store %arg25[%swap3A, %swap3A_858], %swap3A_861 {strides = array<i32>} : memref<64x128xf32, #tpu.memory_space<vmem>>, vector<1x16xf32>,
        %get3A_862 = arith.index_cast %scan3A_835 : i32 to index
        %get3A_863 = arith.constant 16 : index
        %get3A_864 = tpu.vector_load %arg22[%get3A_862, %get3A_863] {strides = array<i32>} : memref<64x128xf32, #tpu.memory_space<vmem>>, vector<1x16xf32>,
        %get3A_865 = vector.shape_cast %get3A_864 : vector<1x16xf32> to vector<16xf32>
        %mul3A_866 = arith.mulf %get3A_131, %get3A_865 : vector<16xf32>
        %get3A_867 = arith.index_cast %scan3A_835 : i32 to index
        %get3A_868 = arith.constant 16 : index
        %get3A_869 = tpu.vector_load %arg23[%get3A_867, %get3A_868] {strides = array<i32>} : memref<64x128xf32, #tpu.memory_space<vmem>>, vector<1x16xf32>,
        %get3A_870 = vector.shape_cast %get3A_869 : vector<1x16xf32> to vector<16xf32>
        %add3A_871 = arith.addf %mul3A_866, %get3A_870 : vector<16xf32>
        %get3A_872 = arith.index_cast %scan3A_835 : i32 to index
        %get3A_873 = arith.constant 16 : index
        %get3A_874 = tpu.vector_load %arg24[%get3A_872, %get3A_873] {strides = array<i32>} : memref<64x128xf32, #tpu.memory_space<vmem>>, vector<1x16xf32>,
        %get3A_875 = vector.shape_cast %get3A_874 : vector<1x16xf32> to vector<16xf32>
        %mul3A_876 = arith.mulf %get3A_134, %get3A_875 : vector<16xf32>
        %add3A_877 = arith.addf %add3A_871, %mul3A_876 : vector<16xf32>
        %max3A_878 = arith.constant 0.000000e+00 : f32
        %max3A_879 = vector.broadcast %max3A_878 : f32 to vector<16xf32>
        %max3A_880 = arith.maximumf %add3A_877, %max3A_879 : vector<16xf32>
        %mul3A_881 = arith.mulf %get3A_137, %max3A_880 : vector<16xf32>
        %mul3A_882 = arith.mulf %get3A_140, %add3A_877 : vector<16xf32>
        %add3A_883 = arith.addf %mul3A_881, %mul3A_882 : vector<16xf32>
        %swap3A_884 = arith.index_cast %scan3A_835 : i32 to index
        %swap3A_885 = arith.constant 16 : index
        %swap3A_886 = tpu.vector_load %arg25[%swap3A_884, %swap3A_885] {strides = array<i32>} : memref<64x128xf32, #tpu.memory_space<vmem>>, vector<1x16xf32>,
        %swap3A_887 = vector.shape_cast %swap3A_886 : vector<1x16xf32> to vector<16xf32>
        %swap3A_888 = vector.shape_cast %add3A_883 : vector<16xf32> to vector<1x16xf32>
        tpu.vector_store %arg25[%swap3A_884, %swap3A_885], %swap3A_888 {strides = array<i32>} : memref<64x128xf32, #tpu.memory_space<vmem>>, vector<1x16xf32>,
        %get3A_889 = arith.index_cast %scan3A_835 : i32 to index
        %get3A_890 = arith.constant 32 : index
        %get3A_891 = tpu.vector_load %arg22[%get3A_889, %get3A_890] {strides = array<i32>} : memref<64x128xf32, #tpu.memory_space<vmem>>, vector<1x16xf32>,
        %get3A_892 = vector.shape_cast %get3A_891 : vector<1x16xf32> to vector<16xf32>
        %mul3A_893 = arith.mulf %get3A_131, %get3A_892 : vector<16xf32>
        %get3A_894 = arith.index_cast %scan3A_835 : i32 to index
        %get3A_895 = arith.constant 32 : index
        %get3A_896 = tpu.vector_load %arg23[%get3A_894, %get3A_895] {strides = array<i32>} : memref<64x128xf32, #tpu.memory_space<vmem>>, vector<1x16xf32>,
        %get3A_897 = vector.shape_cast %get3A_896 : vector<1x16xf32> to vector<16xf32>
        %add3A_898 = arith.addf %mul3A_893, %get3A_897 : vector<16xf32>
        %get3A_899 = arith.index_cast %scan3A_835 : i32 to index
        %get3A_900 = arith.constant 32 : index
        %get3A_901 = tpu.vector_load %arg24[%get3A_899, %get3A_900] {strides = array<i32>} : memref<64x128xf32, #tpu.memory_space<vmem>>, vector<1x16xf32>,
        %get3A_902 = vector.shape_cast %get3A_901 : vector<1x16xf32> to vector<16xf32>
        %mul3A_903 = arith.mulf %get3A_134, %get3A_902 : vector<16xf32>
        %add3A_904 = arith.addf %add3A_898, %mul3A_903 : vector<16xf32>
        %max3A_905 = arith.constant 0.000000e+00 : f32
        %max3A_906 = vector.broadcast %max3A_905 : f32 to vector<16xf32>
        %max3A_907 = arith.maximumf %add3A_904, %max3A_906 : vector<16xf32>
        %mul3A_908 = arith.mulf %get3A_137, %max3A_907 : vector<16xf32>
        %mul3A_909 = arith.mulf %get3A_140, %add3A_904 : vector<16xf32>
        %add3A_910 = arith.addf %mul3A_908, %mul3A_909 : vector<16xf32>
        %swap3A_911 = arith.index_cast %scan3A_835 : i32 to index
        %swap3A_912 = arith.constant 32 : index
        %swap3A_913 = tpu.vector_load %arg25[%swap3A_911, %swap3A_912] {strides = array<i32>} : memref<64x128xf32, #tpu.memory_space<vmem>>, vector<1x16xf32>,
        %swap3A_914 = vector.shape_cast %swap3A_913 : vector<1x16xf32> to vector<16xf32>
        %swap3A_915 = vector.shape_cast %add3A_910 : vector<16xf32> to vector<1x16xf32>
        tpu.vector_store %arg25[%swap3A_911, %swap3A_912], %swap3A_915 {strides = array<i32>} : memref<64x128xf32, #tpu.memory_space<vmem>>, vector<1x16xf32>,
        %get3A_916 = arith.index_cast %scan3A_835 : i32 to index
        %get3A_917 = arith.constant 48 : index
        %get3A_918 = tpu.vector_load %arg22[%get3A_916, %get3A_917] {strides = array<i32>} : memref<64x128xf32, #tpu.memory_space<vmem>>, vector<1x16xf32>,
        %get3A_919 = vector.shape_cast %get3A_918 : vector<1x16xf32> to vector<16xf32>
        %mul3A_920 = arith.mulf %get3A_131, %get3A_919 : vector<16xf32>
        %get3A_921 = arith.index_cast %scan3A_835 : i32 to index
        %get3A_922 = arith.constant 48 : index
        %get3A_923 = tpu.vector_load %arg23[%get3A_921, %get3A_922] {strides = array<i32>} : memref<64x128xf32, #tpu.memory_space<vmem>>, vector<1x16xf32>,
        %get3A_924 = vector.shape_cast %get3A_923 : vector<1x16xf32> to vector<16xf32>
        %add3A_925 = arith.addf %mul3A_920, %get3A_924 : vector<16xf32>
        %get3A_926 = arith.index_cast %scan3A_835 : i32 to index
        %get3A_927 = arith.constant 48 : index
        %get3A_928 = tpu.vector_load %arg24[%get3A_926, %get3A_927] {strides = array<i32>} : memref<64x128xf32, #tpu.memory_space<vmem>>, vector<1x16xf32>,
        %get3A_929 = vector.shape_cast %get3A_928 : vector<1x16xf32> to vector<16xf32>
        %mul3A_930 = arith.mulf %get3A_134, %get3A_929 : vector<16xf32>
        %add3A_931 = arith.addf %add3A_925, %mul3A_930 : vector<16xf32>
        %max3A_932 = arith.constant 0.000000e+00 : f32
        %max3A_933 = vector.broadcast %max3A_932 : f32 to vector<16xf32>
        %max3A_934 = arith.maximumf %add3A_931, %max3A_933 : vector<16xf32>
        %mul3A_935 = arith.mulf %get3A_137, %max3A_934 : vector<16xf32>
        %mul3A_936 = arith.mulf %get3A_140, %add3A_931 : vector<16xf32>
        %add3A_937 = arith.addf %mul3A_935, %mul3A_936 : vector<16xf32>
        %swap3A_938 = arith.index_cast %scan3A_835 : i32 to index
        %swap3A_939 = arith.constant 48 : index
        %swap3A_940 = tpu.vector_load %arg25[%swap3A_938, %swap3A_939] {strides = array<i32>} : memref<64x128xf32, #tpu.memory_space<vmem>>, vector<1x16xf32>,
        %swap3A_941 = vector.shape_cast %swap3A_940 : vector<1x16xf32> to vector<16xf32>
        %swap3A_942 = vector.shape_cast %add3A_937 : vector<16xf32> to vector<1x16xf32>
        tpu.vector_store %arg25[%swap3A_938, %swap3A_939], %swap3A_942 {strides = array<i32>} : memref<64x128xf32, #tpu.memory_space<vmem>>, vector<1x16xf32>,
        %get3A_943 = arith.index_cast %scan3A_835 : i32 to index
        %get3A_944 = arith.constant 64 : index
        %get3A_945 = tpu.vector_load %arg22[%get3A_943, %get3A_944] {strides = array<i32>} : memref<64x128xf32, #tpu.memory_space<vmem>>, vector<1x16xf32>,
        %get3A_946 = vector.shape_cast %get3A_945 : vector<1x16xf32> to vector<16xf32>
        %mul3A_947 = arith.mulf %get3A_131, %get3A_946 : vector<16xf32>
        %get3A_948 = arith.index_cast %scan3A_835 : i32 to index
        %get3A_949 = arith.constant 64 : index
        %get3A_950 = tpu.vector_load %arg23[%get3A_948, %get3A_949] {strides = array<i32>} : memref<64x128xf32, #tpu.memory_space<vmem>>, vector<1x16xf32>,
        %get3A_951 = vector.shape_cast %get3A_950 : vector<1x16xf32> to vector<16xf32>
        %add3A_952 = arith.addf %mul3A_947, %get3A_951 : vector<16xf32>
        %get3A_953 = arith.index_cast %scan3A_835 : i32 to index
        %get3A_954 = arith.constant 64 : index
        %get3A_955 = tpu.vector_load %arg24[%get3A_953, %get3A_954] {strides = array<i32>} : memref<64x128xf32, #tpu.memory_space<vmem>>, vector<1x16xf32>,
        %get3A_956 = vector.shape_cast %get3A_955 : vector<1x16xf32> to vector<16xf32>
        %mul3A_957 = arith.mulf %get3A_134, %get3A_956 : vector<16xf32>
        %add3A_958 = arith.addf %add3A_952, %mul3A_957 : vector<16xf32>
        %max3A_959 = arith.constant 0.000000e+00 : f32
        %max3A_960 = vector.broadcast %max3A_959 : f32 to vector<16xf32>
        %max3A_961 = arith.maximumf %add3A_958, %max3A_960 : vector<16xf32>
        %mul3A_962 = arith.mulf %get3A_137, %max3A_961 : vector<16xf32>
        %mul3A_963 = arith.mulf %get3A_140, %add3A_958 : vector<16xf32>
        %add3A_964 = arith.addf %mul3A_962, %mul3A_963 : vector<16xf32>
        %swap3A_965 = arith.index_cast %scan3A_835 : i32 to index
        %swap3A_966 = arith.constant 64 : index
        %swap3A_967 = tpu.vector_load %arg25[%swap3A_965, %swap3A_966] {strides = array<i32>} : memref<64x128xf32, #tpu.memory_space<vmem>>, vector<1x16xf32>,
        %swap3A_968 = vector.shape_cast %swap3A_967 : vector<1x16xf32> to vector<16xf32>
        %swap3A_969 = vector.shape_cast %add3A_964 : vector<16xf32> to vector<1x16xf32>
        tpu.vector_store %arg25[%swap3A_965, %swap3A_966], %swap3A_969 {strides = array<i32>} : memref<64x128xf32, #tpu.memory_space<vmem>>, vector<1x16xf32>,
        %get3A_970 = arith.index_cast %scan3A_835 : i32 to index
        %get3A_971 = arith.constant 80 : index
        %get3A_972 = tpu.vector_load %arg22[%get3A_970, %get3A_971] {strides = array<i32>} : memref<64x128xf32, #tpu.memory_space<vmem>>, vector<1x16xf32>,
        %get3A_973 = vector.shape_cast %get3A_972 : vector<1x16xf32> to vector<16xf32>
        %mul3A_974 = arith.mulf %get3A_131, %get3A_973 : vector<16xf32>
        %get3A_975 = arith.index_cast %scan3A_835 : i32 to index
        %get3A_976 = arith.constant 80 : index
        %get3A_977 = tpu.vector_load %arg23[%get3A_975, %get3A_976] {strides = array<i32>} : memref<64x128xf32, #tpu.memory_space<vmem>>, vector<1x16xf32>,
        %get3A_978 = vector.shape_cast %get3A_977 : vector<1x16xf32> to vector<16xf32>
        %add3A_979 = arith.addf %mul3A_974, %get3A_978 : vector<16xf32>
        %get3A_980 = arith.index_cast %scan3A_835 : i32 to index
        %get3A_981 = arith.constant 80 : index
        %get3A_982 = tpu.vector_load %arg24[%get3A_980, %get3A_981] {strides = array<i32>} : memref<64x128xf32, #tpu.memory_space<vmem>>, vector<1x16xf32>,
        %get3A_983 = vector.shape_cast %get3A_982 : vector<1x16xf32> to vector<16xf32>
        %mul3A_984 = arith.mulf %get3A_134, %get3A_983 : vector<16xf32>
        %add3A_985 = arith.addf %add3A_979, %mul3A_984 : vector<16xf32>
        %max3A_986 = arith.constant 0.000000e+00 : f32
        %max3A_987 = vector.broadcast %max3A_986 : f32 to vector<16xf32>
        %max3A_988 = arith.maximumf %add3A_985, %max3A_987 : vector<16xf32>
        %mul3A_989 = arith.mulf %get3A_137, %max3A_988 : vector<16xf32>
        %mul3A_990 = arith.mulf %get3A_140, %add3A_985 : vector<16xf32>
        %add3A_991 = arith.addf %mul3A_989, %mul3A_990 : vector<16xf32>
        %swap3A_992 = arith.index_cast %scan3A_835 : i32 to index
        %swap3A_993 = arith.constant 80 : index
        %swap3A_994 = tpu.vector_load %arg25[%swap3A_992, %swap3A_993] {strides = array<i32>} : memref<64x128xf32, #tpu.memory_space<vmem>>, vector<1x16xf32>,
        %swap3A_995 = vector.shape_cast %swap3A_994 : vector<1x16xf32> to vector<16xf32>
        %swap3A_996 = vector.shape_cast %add3A_991 : vector<16xf32> to vector<1x16xf32>
        tpu.vector_store %arg25[%swap3A_992, %swap3A_993], %swap3A_996 {strides = array<i32>} : memref<64x128xf32, #tpu.memory_space<vmem>>, vector<1x16xf32>,
        %get3A_997 = arith.index_cast %scan3A_835 : i32 to index
        %get3A_998 = arith.constant 96 : index
        %get3A_999 = tpu.vector_load %arg22[%get3A_997, %get3A_998] {strides = array<i32>} : memref<64x128xf32, #tpu.memory_space<vmem>>, vector<1x16xf32>,
        %get3A_1000 = vector.shape_cast %get3A_999 : vector<1x16xf32> to vector<16xf32>
        %mul3A_1001 = arith.mulf %get3A_131, %get3A_1000 : vector<16xf32>
        %get3A_1002 = arith.index_cast %scan3A_835 : i32 to index
        %get3A_1003 = arith.constant 96 : index
        %get3A_1004 = tpu.vector_load %arg23[%get3A_1002, %get3A_1003] {strides = array<i32>} : memref<64x128xf32, #tpu.memory_space<vmem>>, vector<1x16xf32>,
        %get3A_1005 = vector.shape_cast %get3A_1004 : vector<1x16xf32> to vector<16xf32>
        %add3A_1006 = arith.addf %mul3A_1001, %get3A_1005 : vector<16xf32>
        %get3A_1007 = arith.index_cast %scan3A_835 : i32 to index
        %get3A_1008 = arith.constant 96 : index
        %get3A_1009 = tpu.vector_load %arg24[%get3A_1007, %get3A_1008] {strides = array<i32>} : memref<64x128xf32, #tpu.memory_space<vmem>>, vector<1x16xf32>,
        %get3A_1010 = vector.shape_cast %get3A_1009 : vector<1x16xf32> to vector<16xf32>
        %mul3A_1011 = arith.mulf %get3A_134, %get3A_1010 : vector<16xf32>
        %add3A_1012 = arith.addf %add3A_1006, %mul3A_1011 : vector<16xf32>
        %max3A_1013 = arith.constant 0.000000e+00 : f32
        %max3A_1014 = vector.broadcast %max3A_1013 : f32 to vector<16xf32>
        %max3A_1015 = arith.maximumf %add3A_1012, %max3A_1014 : vector<16xf32>
        %mul3A_1016 = arith.mulf %get3A_137, %max3A_1015 : vector<16xf32>
        %mul3A_1017 = arith.mulf %get3A_140, %add3A_1012 : vector<16xf32>
        %add3A_1018 = arith.addf %mul3A_1016, %mul3A_1017 : vector<16xf32>
        %swap3A_1019 = arith.index_cast %scan3A_835 : i32 to index
        %swap3A_1020 = arith.constant 96 : index
        %swap3A_1021 = tpu.vector_load %arg25[%swap3A_1019, %swap3A_1020] {strides = array<i32>} : memref<64x128xf32, #tpu.memory_space<vmem>>, vector<1x16xf32>,
        %swap3A_1022 = vector.shape_cast %swap3A_1021 : vector<1x16xf32> to vector<16xf32>
        %swap3A_1023 = vector.shape_cast %add3A_1018 : vector<16xf32> to vector<1x16xf32>
        tpu.vector_store %arg25[%swap3A_1019, %swap3A_1020], %swap3A_1023 {strides = array<i32>} : memref<64x128xf32, #tpu.memory_space<vmem>>, vector<1x16xf32>,
        %get3A_1024 = arith.index_cast %scan3A_835 : i32 to index
        %get3A_1025 = arith.constant 112 : index
        %get3A_1026 = tpu.vector_load %arg22[%get3A_1024, %get3A_1025] {strides = array<i32>} : memref<64x128xf32, #tpu.memory_space<vmem>>, vector<1x16xf32>,
        %get3A_1027 = vector.shape_cast %get3A_1026 : vector<1x16xf32> to vector<16xf32>
        %mul3A_1028 = arith.mulf %get3A_131, %get3A_1027 : vector<16xf32>
        %get3A_1029 = arith.index_cast %scan3A_835 : i32 to index
        %get3A_1030 = arith.constant 112 : index
        %get3A_1031 = tpu.vector_load %arg23[%get3A_1029, %get3A_1030] {strides = array<i32>} : memref<64x128xf32, #tpu.memory_space<vmem>>, vector<1x16xf32>,
        %get3A_1032 = vector.shape_cast %get3A_1031 : vector<1x16xf32> to vector<16xf32>
        %add3A_1033 = arith.addf %mul3A_1028, %get3A_1032 : vector<16xf32>
        %get3A_1034 = arith.index_cast %scan3A_835 : i32 to index
        %get3A_1035 = arith.constant 112 : index
        %get3A_1036 = tpu.vector_load %arg24[%get3A_1034, %get3A_1035] {strides = array<i32>} : memref<64x128xf32, #tpu.memory_space<vmem>>, vector<1x16xf32>,
        %get3A_1037 = vector.shape_cast %get3A_1036 : vector<1x16xf32> to vector<16xf32>
        %mul3A_1038 = arith.mulf %get3A_134, %get3A_1037 : vector<16xf32>
        %add3A_1039 = arith.addf %add3A_1033, %mul3A_1038 : vector<16xf32>
        %max3A_1040 = arith.constant 0.000000e+00 : f32
        %max3A_1041 = vector.broadcast %max3A_1040 : f32 to vector<16xf32>
        %max3A_1042 = arith.maximumf %add3A_1039, %max3A_1041 : vector<16xf32>
        %mul3A_1043 = arith.mulf %get3A_137, %max3A_1042 : vector<16xf32>
        %mul3A_1044 = arith.mulf %get3A_140, %add3A_1039 : vector<16xf32>
        %add3A_1045 = arith.addf %mul3A_1043, %mul3A_1044 : vector<16xf32>
        %swap3A_1046 = arith.index_cast %scan3A_835 : i32 to index
        %swap3A_1047 = arith.constant 112 : index
        %swap3A_1048 = tpu.vector_load %arg25[%swap3A_1046, %swap3A_1047] {strides = array<i32>} : memref<64x128xf32, #tpu.memory_space<vmem>>, vector<1x16xf32>,
        %swap3A_1049 = vector.shape_cast %swap3A_1048 : vector<1x16xf32> to vector<16xf32>
        %swap3A_1050 = vector.shape_cast %add3A_1045 : vector<16xf32> to vector<1x16xf32>
        tpu.vector_store %arg25[%swap3A_1046, %swap3A_1047], %swap3A_1050 {strides = array<i32>} : memref<64x128xf32, #tpu.memory_space<vmem>>, vector<1x16xf32>,
      }
      %scan3A_751 = arith.constant 64 : i32
      %dma_start3A_752 = arith.constant 6 : i32
      %dma_start3A_753 = arith.constant 0 : i32
      %dma_start3A_754 = tpu.memref_slice %arg15[%dma_start3A_752, %dma_start3A_753] : memref<8x64xi32, #tpu.memory_space<vmem>> -> memref<1x64xi32, #tpu.memory_space<vmem>>
      %dma_start3A_755 = tpu.memref_squeeze %dma_start3A_754 : memref<1x64xi32, #tpu.memory_space<vmem>> -> memref<64xi32, #tpu.memory_space<vmem>>
      %dma_start3A_756 = arith.constant 0 : i32
      %dma_start3A_757 = arith.constant 0 : i32
      %dma_start3A_758 = tpu.memref_slice %arg27[%dma_start3A_756, %dma_start3A_757] : memref<10240x128xf32, #tpu.memory_space<vmem_shared>> -> memref<10240x128xf32, #tpu.memory_space<vmem_shared>>
      tpu.enqueue_indirect_dma source(%arg25 : memref<64x128xf32, #tpu.memory_space<vmem>>) target(%dma_start3A_758 : memref<10240x128xf32, #tpu.memory_space<vmem_shared>>) offsets(%dma_start3A_755 : memref<64xi32, #tpu.memory_space<vmem>>) semaphore(%arg29 : memref<!tpu.dma_semaphore, #tpu.memory_space<semaphore_mem>>) {add = true}
      %dma_start3A_759 = arith.constant 7 : i32
      %dma_start3A_760 = arith.constant 0 : i32
      %dma_start3A_761 = tpu.memref_slice %arg15[%dma_start3A_759, %dma_start3A_760] : memref<8x64xi32, #tpu.memory_space<vmem>> -> memref<1x64xi32, #tpu.memory_space<vmem>>
      %dma_start3A_762 = tpu.memref_squeeze %dma_start3A_761 : memref<1x64xi32, #tpu.memory_space<vmem>> -> memref<64xi32, #tpu.memory_space<vmem>>
      %dma_start3A_763 = arith.constant 0 : i32
      %dma_start3A_764 = arith.constant 0 : i32
      %dma_start3A_765 = tpu.memref_slice %arg2[%dma_start3A_763, %dma_start3A_764] : memref<10240x128xf32, #tpu.memory_space<hbm>> -> memref<10240x128xf32, #tpu.memory_space<hbm>>
      tpu.enqueue_indirect_dma source(%dma_start3A_765 : memref<10240x128xf32, #tpu.memory_space<hbm>>) target(%arg22 : memref<64x128xf32, #tpu.memory_space<vmem>>) offsets(%dma_start3A_762 : memref<64xi32, #tpu.memory_space<vmem>>) semaphore(%arg28 : memref<!tpu.dma_semaphore, #tpu.memory_space<semaphore_mem>>)
      %dma_start3A_766 = arith.constant 7 : i32
      %dma_start3A_767 = arith.constant 0 : i32
      %dma_start3A_768 = tpu.memref_slice %arg14[%dma_start3A_766, %dma_start3A_767] : memref<8x64xi32, #tpu.memory_space<vmem>> -> memref<1x64xi32, #tpu.memory_space<vmem>>
      %dma_start3A_769 = tpu.memref_squeeze %dma_start3A_768 : memref<1x64xi32, #tpu.memory_space<vmem>> -> memref<64xi32, #tpu.memory_space<vmem>>
      %dma_start3A_770 = arith.constant 0 : i32
      %dma_start3A_771 = arith.constant 0 : i32
      %dma_start3A_772 = tpu.memref_slice %arg3[%dma_start3A_770, %dma_start3A_771] : memref<10240x128xf32, #tpu.memory_space<hbm>> -> memref<10240x128xf32, #tpu.memory_space<hbm>>
      tpu.enqueue_indirect_dma source(%dma_start3A_772 : memref<10240x128xf32, #tpu.memory_space<hbm>>) target(%arg23 : memref<64x128xf32, #tpu.memory_space<vmem>>) offsets(%dma_start3A_769 : memref<64xi32, #tpu.memory_space<vmem>>) semaphore(%arg28 : memref<!tpu.dma_semaphore, #tpu.memory_space<semaphore_mem>>)
      %dma_start3A_773 = arith.constant 7 : i32
      %dma_start3A_774 = arith.constant 0 : i32
      %dma_start3A_775 = tpu.memref_slice %arg16[%dma_start3A_773, %dma_start3A_774] : memref<8x64xi32, #tpu.memory_space<vmem>> -> memref<1x64xi32, #tpu.memory_space<vmem>>
      %dma_start3A_776 = tpu.memref_squeeze %dma_start3A_775 : memref<1x64xi32, #tpu.memory_space<vmem>> -> memref<64xi32, #tpu.memory_space<vmem>>
      %dma_start3A_777 = arith.constant 0 : i32
      %dma_start3A_778 = arith.constant 0 : i32
      %dma_start3A_779 = tpu.memref_slice %arg4[%dma_start3A_777, %dma_start3A_778] : memref<960000x128xf32, #tpu.memory_space<hbm>> -> memref<960000x128xf32, #tpu.memory_space<hbm>>
      tpu.enqueue_indirect_dma source(%dma_start3A_779 : memref<960000x128xf32, #tpu.memory_space<hbm>>) target(%arg24 : memref<64x128xf32, #tpu.memory_space<vmem>>) offsets(%dma_start3A_776 : memref<64xi32, #tpu.memory_space<vmem>>) semaphore(%arg28 : memref<!tpu.dma_semaphore, #tpu.memory_space<semaphore_mem>>)
      %dma_wait3A_780 = arith.constant 7 : i32
      %dma_wait3A_781 = arith.constant 0 : i32
      %dma_wait3A_782 = tpu.memref_slice %arg15[%dma_wait3A_780, %dma_wait3A_781] : memref<8x64xi32, #tpu.memory_space<vmem>> -> memref<1x64xi32, #tpu.memory_space<vmem>>
      %dma_wait3A_783 = tpu.memref_squeeze %dma_wait3A_782 : memref<1x64xi32, #tpu.memory_space<vmem>> -> memref<64xi32, #tpu.memory_space<vmem>>
      %dma_wait3A_784 = arith.constant 0 : i32
      %dma_wait3A_785 = arith.constant 0 : i32
      %dma_wait3A_786 = tpu.memref_slice %arg2[%dma_wait3A_784, %dma_wait3A_785] : memref<10240x128xf32, #tpu.memory_space<hbm>> -> memref<10240x128xf32, #tpu.memory_space<hbm>>
      tpu.wait_indirect_dma semaphore(%arg28 : memref<!tpu.dma_semaphore, #tpu.memory_space<semaphore_mem>>) src(%dma_wait3A_786 : memref<10240x128xf32, #tpu.memory_space<hbm>>) dst(%arg22 : memref<64x128xf32, #tpu.memory_space<vmem>>)
      %dma_wait3A_787 = arith.constant 7 : i32
      %dma_wait3A_788 = arith.constant 0 : i32
      %dma_wait3A_789 = tpu.memref_slice %arg14[%dma_wait3A_787, %dma_wait3A_788] : memref<8x64xi32, #tpu.memory_space<vmem>> -> memref<1x64xi32, #tpu.memory_space<vmem>>
      %dma_wait3A_790 = tpu.memref_squeeze %dma_wait3A_789 : memref<1x64xi32, #tpu.memory_space<vmem>> -> memref<64xi32, #tpu.memory_space<vmem>>
      %dma_wait3A_791 = arith.constant 0 : i32
      %dma_wait3A_792 = arith.constant 0 : i32
      %dma_wait3A_793 = tpu.memref_slice %arg3[%dma_wait3A_791, %dma_wait3A_792] : memref<10240x128xf32, #tpu.memory_space<hbm>> -> memref<10240x128xf32, #tpu.memory_space<hbm>>
      tpu.wait_indirect_dma semaphore(%arg28 : memref<!tpu.dma_semaphore, #tpu.memory_space<semaphore_mem>>) src(%dma_wait3A_793 : memref<10240x128xf32, #tpu.memory_space<hbm>>) dst(%arg23 : memref<64x128xf32, #tpu.memory_space<vmem>>)
      %dma_wait3A_794 = arith.constant 7 : i32
      %dma_wait3A_795 = arith.constant 0 : i32
      %dma_wait3A_796 = tpu.memref_slice %arg16[%dma_wait3A_794, %dma_wait3A_795] : memref<8x64xi32, #tpu.memory_space<vmem>> -> memref<1x64xi32, #tpu.memory_space<vmem>>
      %dma_wait3A_797 = tpu.memref_squeeze %dma_wait3A_796 : memref<1x64xi32, #tpu.memory_space<vmem>> -> memref<64xi32, #tpu.memory_space<vmem>>
      %dma_wait3A_798 = arith.constant 0 : i32
      %dma_wait3A_799 = arith.constant 0 : i32
      %dma_wait3A_800 = tpu.memref_slice %arg4[%dma_wait3A_798, %dma_wait3A_799] : memref<960000x128xf32, #tpu.memory_space<hbm>> -> memref<960000x128xf32, #tpu.memory_space<hbm>>
      tpu.wait_indirect_dma semaphore(%arg28 : memref<!tpu.dma_semaphore, #tpu.memory_space<semaphore_mem>>) src(%dma_wait3A_800 : memref<960000x128xf32, #tpu.memory_space<hbm>>) dst(%arg24 : memref<64x128xf32, #tpu.memory_space<vmem>>)
      %dma_wait3A_801 = arith.constant 5 : i32
      %dma_wait3A_802 = arith.constant 0 : i32
      %dma_wait3A_803 = tpu.memref_slice %arg15[%dma_wait3A_801, %dma_wait3A_802] : memref<8x64xi32, #tpu.memory_space<vmem>> -> memref<1x64xi32, #tpu.memory_space<vmem>>
      %dma_wait3A_804 = tpu.memref_squeeze %dma_wait3A_803 : memref<1x64xi32, #tpu.memory_space<vmem>> -> memref<64xi32, #tpu.memory_space<vmem>>
      %dma_wait3A_805 = arith.constant 0 : i32
      %dma_wait3A_806 = arith.constant 0 : i32
      %dma_wait3A_807 = tpu.memref_slice %arg27[%dma_wait3A_805, %dma_wait3A_806] : memref<10240x128xf32, #tpu.memory_space<vmem_shared>> -> memref<10240x128xf32, #tpu.memory_space<vmem_shared>>
      tpu.wait_indirect_dma semaphore(%arg29 : memref<!tpu.dma_semaphore, #tpu.memory_space<semaphore_mem>>) src(%arg26 : memref<64x128xf32, #tpu.memory_space<vmem>>) dst(%dma_wait3A_807 : memref<10240x128xf32, #tpu.memory_space<vmem_shared>>)
      %scan3A_808 = arith.constant 0 : i32
      %scan3A_809 = arith.constant 0 : i32
      %scan3A_810 = arith.constant 64 : i32
      %scan3A_811 = arith.addi %scan3A_809, %scan3A_810 : i32
      %scan3A_812 = arith.constant 1 : i32
      scf.for %scan3A_835 = %scan3A_809 to %scan3A_811 step %scan3A_812  : i32 {
        %get3A_836 = arith.index_cast %scan3A_835 : i32 to index
        %get3A_837 = arith.constant 0 : index
        %get3A_838 = tpu.vector_load %arg22[%get3A_836, %get3A_837] {strides = array<i32>} : memref<64x128xf32, #tpu.memory_space<vmem>>, vector<1x16xf32>,
        %get3A_839 = vector.shape_cast %get3A_838 : vector<1x16xf32> to vector<16xf32>
        %mul3A_840 = arith.mulf %get3A_131, %get3A_839 : vector<16xf32>
        %get3A_841 = arith.index_cast %scan3A_835 : i32 to index
        %get3A_842 = arith.constant 0 : index
        %get3A_843 = tpu.vector_load %arg23[%get3A_841, %get3A_842] {strides = array<i32>} : memref<64x128xf32, #tpu.memory_space<vmem>>, vector<1x16xf32>,
        %get3A_844 = vector.shape_cast %get3A_843 : vector<1x16xf32> to vector<16xf32>
        %add3A_845 = arith.addf %mul3A_840, %get3A_844 : vector<16xf32>
        %get3A_846 = arith.index_cast %scan3A_835 : i32 to index
        %get3A_847 = arith.constant 0 : index
        %get3A_848 = tpu.vector_load %arg24[%get3A_846, %get3A_847] {strides = array<i32>} : memref<64x128xf32, #tpu.memory_space<vmem>>, vector<1x16xf32>,
        %get3A_849 = vector.shape_cast %get3A_848 : vector<1x16xf32> to vector<16xf32>
        %mul3A_850 = arith.mulf %get3A_134, %get3A_849 : vector<16xf32>
        %add3A_851 = arith.addf %add3A_845, %mul3A_850 : vector<16xf32>
        %max3A_852 = arith.constant 0.000000e+00 : f32
        %max3A_853 = vector.broadcast %max3A_852 : f32 to vector<16xf32>
        %max3A_854 = arith.maximumf %add3A_851, %max3A_853 : vector<16xf32>
        %mul3A_855 = arith.mulf %get3A_137, %max3A_854 : vector<16xf32>
        %mul3A_856 = arith.mulf %get3A_140, %add3A_851 : vector<16xf32>
        %add3A_857 = arith.addf %mul3A_855, %mul3A_856 : vector<16xf32>
        %swap3A = arith.index_cast %scan3A_835 : i32 to index
        %swap3A_858 = arith.constant 0 : index
        %swap3A_859 = tpu.vector_load %arg26[%swap3A, %swap3A_858] {strides = array<i32>} : memref<64x128xf32, #tpu.memory_space<vmem>>, vector<1x16xf32>,
        %swap3A_860 = vector.shape_cast %swap3A_859 : vector<1x16xf32> to vector<16xf32>
        %swap3A_861 = vector.shape_cast %add3A_857 : vector<16xf32> to vector<1x16xf32>
        tpu.vector_store %arg26[%swap3A, %swap3A_858], %swap3A_861 {strides = array<i32>} : memref<64x128xf32, #tpu.memory_space<vmem>>, vector<1x16xf32>,
        %get3A_862 = arith.index_cast %scan3A_835 : i32 to index
        %get3A_863 = arith.constant 16 : index
        %get3A_864 = tpu.vector_load %arg22[%get3A_862, %get3A_863] {strides = array<i32>} : memref<64x128xf32, #tpu.memory_space<vmem>>, vector<1x16xf32>,
        %get3A_865 = vector.shape_cast %get3A_864 : vector<1x16xf32> to vector<16xf32>
        %mul3A_866 = arith.mulf %get3A_131, %get3A_865 : vector<16xf32>
        %get3A_867 = arith.index_cast %scan3A_835 : i32 to index
        %get3A_868 = arith.constant 16 : index
        %get3A_869 = tpu.vector_load %arg23[%get3A_867, %get3A_868] {strides = array<i32>} : memref<64x128xf32, #tpu.memory_space<vmem>>, vector<1x16xf32>,
        %get3A_870 = vector.shape_cast %get3A_869 : vector<1x16xf32> to vector<16xf32>
        %add3A_871 = arith.addf %mul3A_866, %get3A_870 : vector<16xf32>
        %get3A_872 = arith.index_cast %scan3A_835 : i32 to index
        %get3A_873 = arith.constant 16 : index
        %get3A_874 = tpu.vector_load %arg24[%get3A_872, %get3A_873] {strides = array<i32>} : memref<64x128xf32, #tpu.memory_space<vmem>>, vector<1x16xf32>,
        %get3A_875 = vector.shape_cast %get3A_874 : vector<1x16xf32> to vector<16xf32>
        %mul3A_876 = arith.mulf %get3A_134, %get3A_875 : vector<16xf32>
        %add3A_877 = arith.addf %add3A_871, %mul3A_876 : vector<16xf32>
        %max3A_878 = arith.constant 0.000000e+00 : f32
        %max3A_879 = vector.broadcast %max3A_878 : f32 to vector<16xf32>
        %max3A_880 = arith.maximumf %add3A_877, %max3A_879 : vector<16xf32>
        %mul3A_881 = arith.mulf %get3A_137, %max3A_880 : vector<16xf32>
        %mul3A_882 = arith.mulf %get3A_140, %add3A_877 : vector<16xf32>
        %add3A_883 = arith.addf %mul3A_881, %mul3A_882 : vector<16xf32>
        %swap3A_884 = arith.index_cast %scan3A_835 : i32 to index
        %swap3A_885 = arith.constant 16 : index
        %swap3A_886 = tpu.vector_load %arg26[%swap3A_884, %swap3A_885] {strides = array<i32>} : memref<64x128xf32, #tpu.memory_space<vmem>>, vector<1x16xf32>,
        %swap3A_887 = vector.shape_cast %swap3A_886 : vector<1x16xf32> to vector<16xf32>
        %swap3A_888 = vector.shape_cast %add3A_883 : vector<16xf32> to vector<1x16xf32>
        tpu.vector_store %arg26[%swap3A_884, %swap3A_885], %swap3A_888 {strides = array<i32>} : memref<64x128xf32, #tpu.memory_space<vmem>>, vector<1x16xf32>,
        %get3A_889 = arith.index_cast %scan3A_835 : i32 to index
        %get3A_890 = arith.constant 32 : index
        %get3A_891 = tpu.vector_load %arg22[%get3A_889, %get3A_890] {strides = array<i32>} : memref<64x128xf32, #tpu.memory_space<vmem>>, vector<1x16xf32>,
        %get3A_892 = vector.shape_cast %get3A_891 : vector<1x16xf32> to vector<16xf32>
        %mul3A_893 = arith.mulf %get3A_131, %get3A_892 : vector<16xf32>
        %get3A_894 = arith.index_cast %scan3A_835 : i32 to index
        %get3A_895 = arith.constant 32 : index
        %get3A_896 = tpu.vector_load %arg23[%get3A_894, %get3A_895] {strides = array<i32>} : memref<64x128xf32, #tpu.memory_space<vmem>>, vector<1x16xf32>,
        %get3A_897 = vector.shape_cast %get3A_896 : vector<1x16xf32> to vector<16xf32>
        %add3A_898 = arith.addf %mul3A_893, %get3A_897 : vector<16xf32>
        %get3A_899 = arith.index_cast %scan3A_835 : i32 to index
        %get3A_900 = arith.constant 32 : index
        %get3A_901 = tpu.vector_load %arg24[%get3A_899, %get3A_900] {strides = array<i32>} : memref<64x128xf32, #tpu.memory_space<vmem>>, vector<1x16xf32>,
        %get3A_902 = vector.shape_cast %get3A_901 : vector<1x16xf32> to vector<16xf32>
        %mul3A_903 = arith.mulf %get3A_134, %get3A_902 : vector<16xf32>
        %add3A_904 = arith.addf %add3A_898, %mul3A_903 : vector<16xf32>
        %max3A_905 = arith.constant 0.000000e+00 : f32
        %max3A_906 = vector.broadcast %max3A_905 : f32 to vector<16xf32>
        %max3A_907 = arith.maximumf %add3A_904, %max3A_906 : vector<16xf32>
        %mul3A_908 = arith.mulf %get3A_137, %max3A_907 : vector<16xf32>
        %mul3A_909 = arith.mulf %get3A_140, %add3A_904 : vector<16xf32>
        %add3A_910 = arith.addf %mul3A_908, %mul3A_909 : vector<16xf32>
        %swap3A_911 = arith.index_cast %scan3A_835 : i32 to index
        %swap3A_912 = arith.constant 32 : index
        %swap3A_913 = tpu.vector_load %arg26[%swap3A_911, %swap3A_912] {strides = array<i32>} : memref<64x128xf32, #tpu.memory_space<vmem>>, vector<1x16xf32>,
        %swap3A_914 = vector.shape_cast %swap3A_913 : vector<1x16xf32> to vector<16xf32>
        %swap3A_915 = vector.shape_cast %add3A_910 : vector<16xf32> to vector<1x16xf32>
        tpu.vector_store %arg26[%swap3A_911, %swap3A_912], %swap3A_915 {strides = array<i32>} : memref<64x128xf32, #tpu.memory_space<vmem>>, vector<1x16xf32>,
        %get3A_916 = arith.index_cast %scan3A_835 : i32 to index
        %get3A_917 = arith.constant 48 : index
        %get3A_918 = tpu.vector_load %arg22[%get3A_916, %get3A_917] {strides = array<i32>} : memref<64x128xf32, #tpu.memory_space<vmem>>, vector<1x16xf32>,
        %get3A_919 = vector.shape_cast %get3A_918 : vector<1x16xf32> to vector<16xf32>
        %mul3A_920 = arith.mulf %get3A_131, %get3A_919 : vector<16xf32>
        %get3A_921 = arith.index_cast %scan3A_835 : i32 to index
        %get3A_922 = arith.constant 48 : index
        %get3A_923 = tpu.vector_load %arg23[%get3A_921, %get3A_922] {strides = array<i32>} : memref<64x128xf32, #tpu.memory_space<vmem>>, vector<1x16xf32>,
        %get3A_924 = vector.shape_cast %get3A_923 : vector<1x16xf32> to vector<16xf32>
        %add3A_925 = arith.addf %mul3A_920, %get3A_924 : vector<16xf32>
        %get3A_926 = arith.index_cast %scan3A_835 : i32 to index
        %get3A_927 = arith.constant 48 : index
        %get3A_928 = tpu.vector_load %arg24[%get3A_926, %get3A_927] {strides = array<i32>} : memref<64x128xf32, #tpu.memory_space<vmem>>, vector<1x16xf32>,
        %get3A_929 = vector.shape_cast %get3A_928 : vector<1x16xf32> to vector<16xf32>
        %mul3A_930 = arith.mulf %get3A_134, %get3A_929 : vector<16xf32>
        %add3A_931 = arith.addf %add3A_925, %mul3A_930 : vector<16xf32>
        %max3A_932 = arith.constant 0.000000e+00 : f32
        %max3A_933 = vector.broadcast %max3A_932 : f32 to vector<16xf32>
        %max3A_934 = arith.maximumf %add3A_931, %max3A_933 : vector<16xf32>
        %mul3A_935 = arith.mulf %get3A_137, %max3A_934 : vector<16xf32>
        %mul3A_936 = arith.mulf %get3A_140, %add3A_931 : vector<16xf32>
        %add3A_937 = arith.addf %mul3A_935, %mul3A_936 : vector<16xf32>
        %swap3A_938 = arith.index_cast %scan3A_835 : i32 to index
        %swap3A_939 = arith.constant 48 : index
        %swap3A_940 = tpu.vector_load %arg26[%swap3A_938, %swap3A_939] {strides = array<i32>} : memref<64x128xf32, #tpu.memory_space<vmem>>, vector<1x16xf32>,
        %swap3A_941 = vector.shape_cast %swap3A_940 : vector<1x16xf32> to vector<16xf32>
        %swap3A_942 = vector.shape_cast %add3A_937 : vector<16xf32> to vector<1x16xf32>
        tpu.vector_store %arg26[%swap3A_938, %swap3A_939], %swap3A_942 {strides = array<i32>} : memref<64x128xf32, #tpu.memory_space<vmem>>, vector<1x16xf32>,
        %get3A_943 = arith.index_cast %scan3A_835 : i32 to index
        %get3A_944 = arith.constant 64 : index
        %get3A_945 = tpu.vector_load %arg22[%get3A_943, %get3A_944] {strides = array<i32>} : memref<64x128xf32, #tpu.memory_space<vmem>>, vector<1x16xf32>,
        %get3A_946 = vector.shape_cast %get3A_945 : vector<1x16xf32> to vector<16xf32>
        %mul3A_947 = arith.mulf %get3A_131, %get3A_946 : vector<16xf32>
        %get3A_948 = arith.index_cast %scan3A_835 : i32 to index
        %get3A_949 = arith.constant 64 : index
        %get3A_950 = tpu.vector_load %arg23[%get3A_948, %get3A_949] {strides = array<i32>} : memref<64x128xf32, #tpu.memory_space<vmem>>, vector<1x16xf32>,
        %get3A_951 = vector.shape_cast %get3A_950 : vector<1x16xf32> to vector<16xf32>
        %add3A_952 = arith.addf %mul3A_947, %get3A_951 : vector<16xf32>
        %get3A_953 = arith.index_cast %scan3A_835 : i32 to index
        %get3A_954 = arith.constant 64 : index
        %get3A_955 = tpu.vector_load %arg24[%get3A_953, %get3A_954] {strides = array<i32>} : memref<64x128xf32, #tpu.memory_space<vmem>>, vector<1x16xf32>,
        %get3A_956 = vector.shape_cast %get3A_955 : vector<1x16xf32> to vector<16xf32>
        %mul3A_957 = arith.mulf %get3A_134, %get3A_956 : vector<16xf32>
        %add3A_958 = arith.addf %add3A_952, %mul3A_957 : vector<16xf32>
        %max3A_959 = arith.constant 0.000000e+00 : f32
        %max3A_960 = vector.broadcast %max3A_959 : f32 to vector<16xf32>
        %max3A_961 = arith.maximumf %add3A_958, %max3A_960 : vector<16xf32>
        %mul3A_962 = arith.mulf %get3A_137, %max3A_961 : vector<16xf32>
        %mul3A_963 = arith.mulf %get3A_140, %add3A_958 : vector<16xf32>
        %add3A_964 = arith.addf %mul3A_962, %mul3A_963 : vector<16xf32>
        %swap3A_965 = arith.index_cast %scan3A_835 : i32 to index
        %swap3A_966 = arith.constant 64 : index
        %swap3A_967 = tpu.vector_load %arg26[%swap3A_965, %swap3A_966] {strides = array<i32>} : memref<64x128xf32, #tpu.memory_space<vmem>>, vector<1x16xf32>,
        %swap3A_968 = vector.shape_cast %swap3A_967 : vector<1x16xf32> to vector<16xf32>
        %swap3A_969 = vector.shape_cast %add3A_964 : vector<16xf32> to vector<1x16xf32>
        tpu.vector_store %arg26[%swap3A_965, %swap3A_966], %swap3A_969 {strides = array<i32>} : memref<64x128xf32, #tpu.memory_space<vmem>>, vector<1x16xf32>,
        %get3A_970 = arith.index_cast %scan3A_835 : i32 to index
        %get3A_971 = arith.constant 80 : index
        %get3A_972 = tpu.vector_load %arg22[%get3A_970, %get3A_971] {strides = array<i32>} : memref<64x128xf32, #tpu.memory_space<vmem>>, vector<1x16xf32>,
        %get3A_973 = vector.shape_cast %get3A_972 : vector<1x16xf32> to vector<16xf32>
        %mul3A_974 = arith.mulf %get3A_131, %get3A_973 : vector<16xf32>
        %get3A_975 = arith.index_cast %scan3A_835 : i32 to index
        %get3A_976 = arith.constant 80 : index
        %get3A_977 = tpu.vector_load %arg23[%get3A_975, %get3A_976] {strides = array<i32>} : memref<64x128xf32, #tpu.memory_space<vmem>>, vector<1x16xf32>,
        %get3A_978 = vector.shape_cast %get3A_977 : vector<1x16xf32> to vector<16xf32>
        %add3A_979 = arith.addf %mul3A_974, %get3A_978 : vector<16xf32>
        %get3A_980 = arith.index_cast %scan3A_835 : i32 to index
        %get3A_981 = arith.constant 80 : index
        %get3A_982 = tpu.vector_load %arg24[%get3A_980, %get3A_981] {strides = array<i32>} : memref<64x128xf32, #tpu.memory_space<vmem>>, vector<1x16xf32>,
        %get3A_983 = vector.shape_cast %get3A_982 : vector<1x16xf32> to vector<16xf32>
        %mul3A_984 = arith.mulf %get3A_134, %get3A_983 : vector<16xf32>
        %add3A_985 = arith.addf %add3A_979, %mul3A_984 : vector<16xf32>
        %max3A_986 = arith.constant 0.000000e+00 : f32
        %max3A_987 = vector.broadcast %max3A_986 : f32 to vector<16xf32>
        %max3A_988 = arith.maximumf %add3A_985, %max3A_987 : vector<16xf32>
        %mul3A_989 = arith.mulf %get3A_137, %max3A_988 : vector<16xf32>
        %mul3A_990 = arith.mulf %get3A_140, %add3A_985 : vector<16xf32>
        %add3A_991 = arith.addf %mul3A_989, %mul3A_990 : vector<16xf32>
        %swap3A_992 = arith.index_cast %scan3A_835 : i32 to index
        %swap3A_993 = arith.constant 80 : index
        %swap3A_994 = tpu.vector_load %arg26[%swap3A_992, %swap3A_993] {strides = array<i32>} : memref<64x128xf32, #tpu.memory_space<vmem>>, vector<1x16xf32>,
        %swap3A_995 = vector.shape_cast %swap3A_994 : vector<1x16xf32> to vector<16xf32>
        %swap3A_996 = vector.shape_cast %add3A_991 : vector<16xf32> to vector<1x16xf32>
        tpu.vector_store %arg26[%swap3A_992, %swap3A_993], %swap3A_996 {strides = array<i32>} : memref<64x128xf32, #tpu.memory_space<vmem>>, vector<1x16xf32>,
        %get3A_997 = arith.index_cast %scan3A_835 : i32 to index
        %get3A_998 = arith.constant 96 : index
        %get3A_999 = tpu.vector_load %arg22[%get3A_997, %get3A_998] {strides = array<i32>} : memref<64x128xf32, #tpu.memory_space<vmem>>, vector<1x16xf32>,
        %get3A_1000 = vector.shape_cast %get3A_999 : vector<1x16xf32> to vector<16xf32>
        %mul3A_1001 = arith.mulf %get3A_131, %get3A_1000 : vector<16xf32>
        %get3A_1002 = arith.index_cast %scan3A_835 : i32 to index
        %get3A_1003 = arith.constant 96 : index
        %get3A_1004 = tpu.vector_load %arg23[%get3A_1002, %get3A_1003] {strides = array<i32>} : memref<64x128xf32, #tpu.memory_space<vmem>>, vector<1x16xf32>,
        %get3A_1005 = vector.shape_cast %get3A_1004 : vector<1x16xf32> to vector<16xf32>
        %add3A_1006 = arith.addf %mul3A_1001, %get3A_1005 : vector<16xf32>
        %get3A_1007 = arith.index_cast %scan3A_835 : i32 to index
        %get3A_1008 = arith.constant 96 : index
        %get3A_1009 = tpu.vector_load %arg24[%get3A_1007, %get3A_1008] {strides = array<i32>} : memref<64x128xf32, #tpu.memory_space<vmem>>, vector<1x16xf32>,
        %get3A_1010 = vector.shape_cast %get3A_1009 : vector<1x16xf32> to vector<16xf32>
        %mul3A_1011 = arith.mulf %get3A_134, %get3A_1010 : vector<16xf32>
        %add3A_1012 = arith.addf %add3A_1006, %mul3A_1011 : vector<16xf32>
        %max3A_1013 = arith.constant 0.000000e+00 : f32
        %max3A_1014 = vector.broadcast %max3A_1013 : f32 to vector<16xf32>
        %max3A_1015 = arith.maximumf %add3A_1012, %max3A_1014 : vector<16xf32>
        %mul3A_1016 = arith.mulf %get3A_137, %max3A_1015 : vector<16xf32>
        %mul3A_1017 = arith.mulf %get3A_140, %add3A_1012 : vector<16xf32>
        %add3A_1018 = arith.addf %mul3A_1016, %mul3A_1017 : vector<16xf32>
        %swap3A_1019 = arith.index_cast %scan3A_835 : i32 to index
        %swap3A_1020 = arith.constant 96 : index
        %swap3A_1021 = tpu.vector_load %arg26[%swap3A_1019, %swap3A_1020] {strides = array<i32>} : memref<64x128xf32, #tpu.memory_space<vmem>>, vector<1x16xf32>,
        %swap3A_1022 = vector.shape_cast %swap3A_1021 : vector<1x16xf32> to vector<16xf32>
        %swap3A_1023 = vector.shape_cast %add3A_1018 : vector<16xf32> to vector<1x16xf32>
        tpu.vector_store %arg26[%swap3A_1019, %swap3A_1020], %swap3A_1023 {strides = array<i32>} : memref<64x128xf32, #tpu.memory_space<vmem>>, vector<1x16xf32>,
        %get3A_1024 = arith.index_cast %scan3A_835 : i32 to index
        %get3A_1025 = arith.constant 112 : index
        %get3A_1026 = tpu.vector_load %arg22[%get3A_1024, %get3A_1025] {strides = array<i32>} : memref<64x128xf32, #tpu.memory_space<vmem>>, vector<1x16xf32>,
        %get3A_1027 = vector.shape_cast %get3A_1026 : vector<1x16xf32> to vector<16xf32>
        %mul3A_1028 = arith.mulf %get3A_131, %get3A_1027 : vector<16xf32>
        %get3A_1029 = arith.index_cast %scan3A_835 : i32 to index
        %get3A_1030 = arith.constant 112 : index
        %get3A_1031 = tpu.vector_load %arg23[%get3A_1029, %get3A_1030] {strides = array<i32>} : memref<64x128xf32, #tpu.memory_space<vmem>>, vector<1x16xf32>,
        %get3A_1032 = vector.shape_cast %get3A_1031 : vector<1x16xf32> to vector<16xf32>
        %add3A_1033 = arith.addf %mul3A_1028, %get3A_1032 : vector<16xf32>
        %get3A_1034 = arith.index_cast %scan3A_835 : i32 to index
        %get3A_1035 = arith.constant 112 : index
        %get3A_1036 = tpu.vector_load %arg24[%get3A_1034, %get3A_1035] {strides = array<i32>} : memref<64x128xf32, #tpu.memory_space<vmem>>, vector<1x16xf32>,
        %get3A_1037 = vector.shape_cast %get3A_1036 : vector<1x16xf32> to vector<16xf32>
        %mul3A_1038 = arith.mulf %get3A_134, %get3A_1037 : vector<16xf32>
        %add3A_1039 = arith.addf %add3A_1033, %mul3A_1038 : vector<16xf32>
        %max3A_1040 = arith.constant 0.000000e+00 : f32
        %max3A_1041 = vector.broadcast %max3A_1040 : f32 to vector<16xf32>
        %max3A_1042 = arith.maximumf %add3A_1039, %max3A_1041 : vector<16xf32>
        %mul3A_1043 = arith.mulf %get3A_137, %max3A_1042 : vector<16xf32>
        %mul3A_1044 = arith.mulf %get3A_140, %add3A_1039 : vector<16xf32>
        %add3A_1045 = arith.addf %mul3A_1043, %mul3A_1044 : vector<16xf32>
        %swap3A_1046 = arith.index_cast %scan3A_835 : i32 to index
        %swap3A_1047 = arith.constant 112 : index
        %swap3A_1048 = tpu.vector_load %arg26[%swap3A_1046, %swap3A_1047] {strides = array<i32>} : memref<64x128xf32, #tpu.memory_space<vmem>>, vector<1x16xf32>,
        %swap3A_1049 = vector.shape_cast %swap3A_1048 : vector<1x16xf32> to vector<16xf32>
        %swap3A_1050 = vector.shape_cast %add3A_1045 : vector<16xf32> to vector<1x16xf32>
        tpu.vector_store %arg26[%swap3A_1046, %swap3A_1047], %swap3A_1050 {strides = array<i32>} : memref<64x128xf32, #tpu.memory_space<vmem>>, vector<1x16xf32>,
      }
      %scan3A_813 = arith.constant 64 : i32
      %dma_start3A_814 = arith.constant 7 : i32
      %dma_start3A_815 = arith.constant 0 : i32
      %dma_start3A_816 = tpu.memref_slice %arg15[%dma_start3A_814, %dma_start3A_815] : memref<8x64xi32, #tpu.memory_space<vmem>> -> memref<1x64xi32, #tpu.memory_space<vmem>>
      %dma_start3A_817 = tpu.memref_squeeze %dma_start3A_816 : memref<1x64xi32, #tpu.memory_space<vmem>> -> memref<64xi32, #tpu.memory_space<vmem>>
      %dma_start3A_818 = arith.constant 0 : i32
      %dma_start3A_819 = arith.constant 0 : i32
      %dma_start3A_820 = tpu.memref_slice %arg27[%dma_start3A_818, %dma_start3A_819] : memref<10240x128xf32, #tpu.memory_space<vmem_shared>> -> memref<10240x128xf32, #tpu.memory_space<vmem_shared>>
      tpu.enqueue_indirect_dma source(%arg26 : memref<64x128xf32, #tpu.memory_space<vmem>>) target(%dma_start3A_820 : memref<10240x128xf32, #tpu.memory_space<vmem_shared>>) offsets(%dma_start3A_817 : memref<64xi32, #tpu.memory_space<vmem>>) semaphore(%arg29 : memref<!tpu.dma_semaphore, #tpu.memory_space<semaphore_mem>>) {add = true}
      %dma_wait3A_821 = arith.constant 6 : i32
      %dma_wait3A_822 = arith.constant 0 : i32
      %dma_wait3A_823 = tpu.memref_slice %arg15[%dma_wait3A_821, %dma_wait3A_822] : memref<8x64xi32, #tpu.memory_space<vmem>> -> memref<1x64xi32, #tpu.memory_space<vmem>>
      %dma_wait3A_824 = tpu.memref_squeeze %dma_wait3A_823 : memref<1x64xi32, #tpu.memory_space<vmem>> -> memref<64xi32, #tpu.memory_space<vmem>>
      %dma_wait3A_825 = arith.constant 0 : i32
      %dma_wait3A_826 = arith.constant 0 : i32
      %dma_wait3A_827 = tpu.memref_slice %arg27[%dma_wait3A_825, %dma_wait3A_826] : memref<10240x128xf32, #tpu.memory_space<vmem_shared>> -> memref<10240x128xf32, #tpu.memory_space<vmem_shared>>
      tpu.wait_indirect_dma semaphore(%arg29 : memref<!tpu.dma_semaphore, #tpu.memory_space<semaphore_mem>>) src(%arg25 : memref<64x128xf32, #tpu.memory_space<vmem>>) dst(%dma_wait3A_827 : memref<10240x128xf32, #tpu.memory_space<vmem_shared>>)
      %dma_wait3A_828 = arith.constant 7 : i32
      %dma_wait3A_829 = arith.constant 0 : i32
      %dma_wait3A_830 = tpu.memref_slice %arg15[%dma_wait3A_828, %dma_wait3A_829] : memref<8x64xi32, #tpu.memory_space<vmem>> -> memref<1x64xi32, #tpu.memory_space<vmem>>
      %dma_wait3A_831 = tpu.memref_squeeze %dma_wait3A_830 : memref<1x64xi32, #tpu.memory_space<vmem>> -> memref<64xi32, #tpu.memory_space<vmem>>
      %dma_wait3A_832 = arith.constant 0 : i32
      %dma_wait3A_833 = arith.constant 0 : i32
      %dma_wait3A_834 = tpu.memref_slice %arg27[%dma_wait3A_832, %dma_wait3A_833] : memref<10240x128xf32, #tpu.memory_space<vmem_shared>> -> memref<10240x128xf32, #tpu.memory_space<vmem_shared>>
      tpu.wait_indirect_dma semaphore(%arg29 : memref<!tpu.dma_semaphore, #tpu.memory_space<semaphore_mem>>) src(%arg26 : memref<64x128xf32, #tpu.memory_space<vmem>>) dst(%dma_wait3A_834 : memref<10240x128xf32, #tpu.memory_space<vmem_shared>>)
    }
    %scan3A_146 = arith.constant 40 : i32
    %barrier3A_147 = arith.constant 0 : index
    tpu.barrier barrier_id(%barrier3A_147)
    %add3A_148 = arith.constant 0 : i32
    %add3A_149 = arith.addi %arg1, %add3A_148 : i32
    %mul3A_150 = arith.constant 64 : i32
    %mul3A_151 = arith.muli %add3A_149, %mul3A_150 : i32
    %mul3A_152 = arith.constant 10240 : i32
    %mul3A_153 = arith.muli %arg0, %mul3A_152 : i32
    %add3A_154 = arith.addi %mul3A_153, %mul3A_151 : i32
    %dma_start3A_155 = arith.constant 0 : i32
    %dma_start3A_156 = tpu.memref_slice %arg13[%add3A_154, %dma_start3A_155] : memref<20480x128xf32, #tpu.memory_space<hbm>> -> memref<64x128xf32, #tpu.memory_space<hbm>>
    %dma_start3A_157 = arith.constant 0 : i32
    %dma_start3A_158 = tpu.memref_slice %arg27[%mul3A_151, %dma_start3A_157] : memref<10240x128xf32, #tpu.memory_space<vmem_shared>> -> memref<64x128xf32, #tpu.memory_space<vmem_shared>>
    tpu.enqueue_dma source(%dma_start3A_158 : memref<64x128xf32, #tpu.memory_space<vmem_shared>>) target(%dma_start3A_156 : memref<64x128xf32, #tpu.memory_space<hbm>>) target_semaphore(%arg28 : memref<!tpu.dma_semaphore, #tpu.memory_space<semaphore_mem>>)
    %add3A_159 = arith.constant 16 : i32
    %add3A_160 = arith.addi %arg1, %add3A_159 : i32
    %mul3A_161 = arith.constant 64 : i32
    %mul3A_162 = arith.muli %add3A_160, %mul3A_161 : i32
    %mul3A_163 = arith.constant 10240 : i32
    %mul3A_164 = arith.muli %arg0, %mul3A_163 : i32
    %add3A_165 = arith.addi %mul3A_164, %mul3A_162 : i32
    %dma_start3A_166 = arith.constant 0 : i32
    %dma_start3A_167 = tpu.memref_slice %arg13[%add3A_165, %dma_start3A_166] : memref<20480x128xf32, #tpu.memory_space<hbm>> -> memref<64x128xf32, #tpu.memory_space<hbm>>
    %dma_start3A_168 = arith.constant 0 : i32
    %dma_start3A_169 = tpu.memref_slice %arg27[%mul3A_162, %dma_start3A_168] : memref<10240x128xf32, #tpu.memory_space<vmem_shared>> -> memref<64x128xf32, #tpu.memory_space<vmem_shared>>
    tpu.enqueue_dma source(%dma_start3A_169 : memref<64x128xf32, #tpu.memory_space<vmem_shared>>) target(%dma_start3A_167 : memref<64x128xf32, #tpu.memory_space<hbm>>) target_semaphore(%arg28 : memref<!tpu.dma_semaphore, #tpu.memory_space<semaphore_mem>>)
    %add3A_170 = arith.constant 32 : i32
    %add3A_171 = arith.addi %arg1, %add3A_170 : i32
    %mul3A_172 = arith.constant 64 : i32
    %mul3A_173 = arith.muli %add3A_171, %mul3A_172 : i32
    %mul3A_174 = arith.constant 10240 : i32
    %mul3A_175 = arith.muli %arg0, %mul3A_174 : i32
    %add3A_176 = arith.addi %mul3A_175, %mul3A_173 : i32
    %dma_start3A_177 = arith.constant 0 : i32
    %dma_start3A_178 = tpu.memref_slice %arg13[%add3A_176, %dma_start3A_177] : memref<20480x128xf32, #tpu.memory_space<hbm>> -> memref<64x128xf32, #tpu.memory_space<hbm>>
    %dma_start3A_179 = arith.constant 0 : i32
    %dma_start3A_180 = tpu.memref_slice %arg27[%mul3A_173, %dma_start3A_179] : memref<10240x128xf32, #tpu.memory_space<vmem_shared>> -> memref<64x128xf32, #tpu.memory_space<vmem_shared>>
    tpu.enqueue_dma source(%dma_start3A_180 : memref<64x128xf32, #tpu.memory_space<vmem_shared>>) target(%dma_start3A_178 : memref<64x128xf32, #tpu.memory_space<hbm>>) target_semaphore(%arg28 : memref<!tpu.dma_semaphore, #tpu.memory_space<semaphore_mem>>)
    %add3A_181 = arith.constant 48 : i32
    %add3A_182 = arith.addi %arg1, %add3A_181 : i32
    %mul3A_183 = arith.constant 64 : i32
    %mul3A_184 = arith.muli %add3A_182, %mul3A_183 : i32
    %mul3A_185 = arith.constant 10240 : i32
    %mul3A_186 = arith.muli %arg0, %mul3A_185 : i32
    %add3A_187 = arith.addi %mul3A_186, %mul3A_184 : i32
    %dma_start3A_188 = arith.constant 0 : i32
    %dma_start3A_189 = tpu.memref_slice %arg13[%add3A_187, %dma_start3A_188] : memref<20480x128xf32, #tpu.memory_space<hbm>> -> memref<64x128xf32, #tpu.memory_space<hbm>>
    %dma_start3A_190 = arith.constant 0 : i32
    %dma_start3A_191 = tpu.memref_slice %arg27[%mul3A_184, %dma_start3A_190] : memref<10240x128xf32, #tpu.memory_space<vmem_shared>> -> memref<64x128xf32, #tpu.memory_space<vmem_shared>>
    tpu.enqueue_dma source(%dma_start3A_191 : memref<64x128xf32, #tpu.memory_space<vmem_shared>>) target(%dma_start3A_189 : memref<64x128xf32, #tpu.memory_space<hbm>>) target_semaphore(%arg28 : memref<!tpu.dma_semaphore, #tpu.memory_space<semaphore_mem>>)
    %add3A_192 = arith.constant 64 : i32
    %add3A_193 = arith.addi %arg1, %add3A_192 : i32
    %mul3A_194 = arith.constant 64 : i32
    %mul3A_195 = arith.muli %add3A_193, %mul3A_194 : i32
    %mul3A_196 = arith.constant 10240 : i32
    %mul3A_197 = arith.muli %arg0, %mul3A_196 : i32
    %add3A_198 = arith.addi %mul3A_197, %mul3A_195 : i32
    %dma_start3A_199 = arith.constant 0 : i32
    %dma_start3A_200 = tpu.memref_slice %arg13[%add3A_198, %dma_start3A_199] : memref<20480x128xf32, #tpu.memory_space<hbm>> -> memref<64x128xf32, #tpu.memory_space<hbm>>
    %dma_start3A_201 = arith.constant 0 : i32
    %dma_start3A_202 = tpu.memref_slice %arg27[%mul3A_195, %dma_start3A_201] : memref<10240x128xf32, #tpu.memory_space<vmem_shared>> -> memref<64x128xf32, #tpu.memory_space<vmem_shared>>
    tpu.enqueue_dma source(%dma_start3A_202 : memref<64x128xf32, #tpu.memory_space<vmem_shared>>) target(%dma_start3A_200 : memref<64x128xf32, #tpu.memory_space<hbm>>) target_semaphore(%arg28 : memref<!tpu.dma_semaphore, #tpu.memory_space<semaphore_mem>>)
    %add3A_203 = arith.constant 80 : i32
    %add3A_204 = arith.addi %arg1, %add3A_203 : i32
    %mul3A_205 = arith.constant 64 : i32
    %mul3A_206 = arith.muli %add3A_204, %mul3A_205 : i32
    %mul3A_207 = arith.constant 10240 : i32
    %mul3A_208 = arith.muli %arg0, %mul3A_207 : i32
    %add3A_209 = arith.addi %mul3A_208, %mul3A_206 : i32
    %dma_start3A_210 = arith.constant 0 : i32
    %dma_start3A_211 = tpu.memref_slice %arg13[%add3A_209, %dma_start3A_210] : memref<20480x128xf32, #tpu.memory_space<hbm>> -> memref<64x128xf32, #tpu.memory_space<hbm>>
    %dma_start3A_212 = arith.constant 0 : i32
    %dma_start3A_213 = tpu.memref_slice %arg27[%mul3A_206, %dma_start3A_212] : memref<10240x128xf32, #tpu.memory_space<vmem_shared>> -> memref<64x128xf32, #tpu.memory_space<vmem_shared>>
    tpu.enqueue_dma source(%dma_start3A_213 : memref<64x128xf32, #tpu.memory_space<vmem_shared>>) target(%dma_start3A_211 : memref<64x128xf32, #tpu.memory_space<hbm>>) target_semaphore(%arg28 : memref<!tpu.dma_semaphore, #tpu.memory_space<semaphore_mem>>)
    %add3A_214 = arith.constant 96 : i32
    %add3A_215 = arith.addi %arg1, %add3A_214 : i32
    %mul3A_216 = arith.constant 64 : i32
    %mul3A_217 = arith.muli %add3A_215, %mul3A_216 : i32
    %mul3A_218 = arith.constant 10240 : i32
    %mul3A_219 = arith.muli %arg0, %mul3A_218 : i32
    %add3A_220 = arith.addi %mul3A_219, %mul3A_217 : i32
    %dma_start3A_221 = arith.constant 0 : i32
    %dma_start3A_222 = tpu.memref_slice %arg13[%add3A_220, %dma_start3A_221] : memref<20480x128xf32, #tpu.memory_space<hbm>> -> memref<64x128xf32, #tpu.memory_space<hbm>>
    %dma_start3A_223 = arith.constant 0 : i32
    %dma_start3A_224 = tpu.memref_slice %arg27[%mul3A_217, %dma_start3A_223] : memref<10240x128xf32, #tpu.memory_space<vmem_shared>> -> memref<64x128xf32, #tpu.memory_space<vmem_shared>>
    tpu.enqueue_dma source(%dma_start3A_224 : memref<64x128xf32, #tpu.memory_space<vmem_shared>>) target(%dma_start3A_222 : memref<64x128xf32, #tpu.memory_space<hbm>>) target_semaphore(%arg28 : memref<!tpu.dma_semaphore, #tpu.memory_space<semaphore_mem>>)
    %add3A_225 = arith.constant 112 : i32
    %add3A_226 = arith.addi %arg1, %add3A_225 : i32
    %mul3A_227 = arith.constant 64 : i32
    %mul3A_228 = arith.muli %add3A_226, %mul3A_227 : i32
    %mul3A_229 = arith.constant 10240 : i32
    %mul3A_230 = arith.muli %arg0, %mul3A_229 : i32
    %add3A_231 = arith.addi %mul3A_230, %mul3A_228 : i32
    %dma_start3A_232 = arith.constant 0 : i32
    %dma_start3A_233 = tpu.memref_slice %arg13[%add3A_231, %dma_start3A_232] : memref<20480x128xf32, #tpu.memory_space<hbm>> -> memref<64x128xf32, #tpu.memory_space<hbm>>
    %dma_start3A_234 = arith.constant 0 : i32
    %dma_start3A_235 = tpu.memref_slice %arg27[%mul3A_228, %dma_start3A_234] : memref<10240x128xf32, #tpu.memory_space<vmem_shared>> -> memref<64x128xf32, #tpu.memory_space<vmem_shared>>
    tpu.enqueue_dma source(%dma_start3A_235 : memref<64x128xf32, #tpu.memory_space<vmem_shared>>) target(%dma_start3A_233 : memref<64x128xf32, #tpu.memory_space<hbm>>) target_semaphore(%arg28 : memref<!tpu.dma_semaphore, #tpu.memory_space<semaphore_mem>>)
    %add3A_236 = arith.constant 128 : i32
    %add3A_237 = arith.addi %arg1, %add3A_236 : i32
    %mul3A_238 = arith.constant 64 : i32
    %mul3A_239 = arith.muli %add3A_237, %mul3A_238 : i32
    %mul3A_240 = arith.constant 10240 : i32
    %mul3A_241 = arith.muli %arg0, %mul3A_240 : i32
    %add3A_242 = arith.addi %mul3A_241, %mul3A_239 : i32
    %dma_start3A_243 = arith.constant 0 : i32
    %dma_start3A_244 = tpu.memref_slice %arg13[%add3A_242, %dma_start3A_243] : memref<20480x128xf32, #tpu.memory_space<hbm>> -> memref<64x128xf32, #tpu.memory_space<hbm>>
    %dma_start3A_245 = arith.constant 0 : i32
    %dma_start3A_246 = tpu.memref_slice %arg27[%mul3A_239, %dma_start3A_245] : memref<10240x128xf32, #tpu.memory_space<vmem_shared>> -> memref<64x128xf32, #tpu.memory_space<vmem_shared>>
    tpu.enqueue_dma source(%dma_start3A_246 : memref<64x128xf32, #tpu.memory_space<vmem_shared>>) target(%dma_start3A_244 : memref<64x128xf32, #tpu.memory_space<hbm>>) target_semaphore(%arg28 : memref<!tpu.dma_semaphore, #tpu.memory_space<semaphore_mem>>)
    %add3A_247 = arith.constant 144 : i32
    %add3A_248 = arith.addi %arg1, %add3A_247 : i32
    %mul3A_249 = arith.constant 64 : i32
    %mul3A_250 = arith.muli %add3A_248, %mul3A_249 : i32
    %mul3A_251 = arith.constant 10240 : i32
    %mul3A_252 = arith.muli %arg0, %mul3A_251 : i32
    %add3A_253 = arith.addi %mul3A_252, %mul3A_250 : i32
    %dma_start3A_254 = arith.constant 0 : i32
    %dma_start3A_255 = tpu.memref_slice %arg13[%add3A_253, %dma_start3A_254] : memref<20480x128xf32, #tpu.memory_space<hbm>> -> memref<64x128xf32, #tpu.memory_space<hbm>>
    %dma_start3A_256 = arith.constant 0 : i32
    %dma_start3A_257 = tpu.memref_slice %arg27[%mul3A_250, %dma_start3A_256] : memref<10240x128xf32, #tpu.memory_space<vmem_shared>> -> memref<64x128xf32, #tpu.memory_space<vmem_shared>>
    tpu.enqueue_dma source(%dma_start3A_257 : memref<64x128xf32, #tpu.memory_space<vmem_shared>>) target(%dma_start3A_255 : memref<64x128xf32, #tpu.memory_space<hbm>>) target_semaphore(%arg28 : memref<!tpu.dma_semaphore, #tpu.memory_space<semaphore_mem>>)
    %dma_wait3A_258 = arith.constant 0 : i32
    %dma_wait3A_259 = tpu.memref_slice %arg13[%add3A_154, %dma_wait3A_258] : memref<20480x128xf32, #tpu.memory_space<hbm>> -> memref<64x128xf32, #tpu.memory_space<hbm>>
    %dma_wait3A_260 = arith.constant 0 : i32
    %dma_wait3A_261 = tpu.memref_slice %arg27[%mul3A_151, %dma_wait3A_260] : memref<10240x128xf32, #tpu.memory_space<vmem_shared>> -> memref<64x128xf32, #tpu.memory_space<vmem_shared>>
    tpu.wait_dma2 semaphore(%arg28 : memref<!tpu.dma_semaphore, #tpu.memory_space<semaphore_mem>>) src(%dma_wait3A_261 : memref<64x128xf32, #tpu.memory_space<vmem_shared>>) dst(%dma_wait3A_259 : memref<64x128xf32, #tpu.memory_space<hbm>>)
    %dma_wait3A_262 = arith.constant 0 : i32
    %dma_wait3A_263 = tpu.memref_slice %arg13[%add3A_165, %dma_wait3A_262] : memref<20480x128xf32, #tpu.memory_space<hbm>> -> memref<64x128xf32, #tpu.memory_space<hbm>>
    %dma_wait3A_264 = arith.constant 0 : i32
    %dma_wait3A_265 = tpu.memref_slice %arg27[%mul3A_162, %dma_wait3A_264] : memref<10240x128xf32, #tpu.memory_space<vmem_shared>> -> memref<64x128xf32, #tpu.memory_space<vmem_shared>>
    tpu.wait_dma2 semaphore(%arg28 : memref<!tpu.dma_semaphore, #tpu.memory_space<semaphore_mem>>) src(%dma_wait3A_265 : memref<64x128xf32, #tpu.memory_space<vmem_shared>>) dst(%dma_wait3A_263 : memref<64x128xf32, #tpu.memory_space<hbm>>)
    %dma_wait3A_266 = arith.constant 0 : i32
    %dma_wait3A_267 = tpu.memref_slice %arg13[%add3A_176, %dma_wait3A_266] : memref<20480x128xf32, #tpu.memory_space<hbm>> -> memref<64x128xf32, #tpu.memory_space<hbm>>
    %dma_wait3A_268 = arith.constant 0 : i32
    %dma_wait3A_269 = tpu.memref_slice %arg27[%mul3A_173, %dma_wait3A_268] : memref<10240x128xf32, #tpu.memory_space<vmem_shared>> -> memref<64x128xf32, #tpu.memory_space<vmem_shared>>
    tpu.wait_dma2 semaphore(%arg28 : memref<!tpu.dma_semaphore, #tpu.memory_space<semaphore_mem>>) src(%dma_wait3A_269 : memref<64x128xf32, #tpu.memory_space<vmem_shared>>) dst(%dma_wait3A_267 : memref<64x128xf32, #tpu.memory_space<hbm>>)
    %dma_wait3A_270 = arith.constant 0 : i32
    %dma_wait3A_271 = tpu.memref_slice %arg13[%add3A_187, %dma_wait3A_270] : memref<20480x128xf32, #tpu.memory_space<hbm>> -> memref<64x128xf32, #tpu.memory_space<hbm>>
    %dma_wait3A_272 = arith.constant 0 : i32
    %dma_wait3A_273 = tpu.memref_slice %arg27[%mul3A_184, %dma_wait3A_272] : memref<10240x128xf32, #tpu.memory_space<vmem_shared>> -> memref<64x128xf32, #tpu.memory_space<vmem_shared>>
    tpu.wait_dma2 semaphore(%arg28 : memref<!tpu.dma_semaphore, #tpu.memory_space<semaphore_mem>>) src(%dma_wait3A_273 : memref<64x128xf32, #tpu.memory_space<vmem_shared>>) dst(%dma_wait3A_271 : memref<64x128xf32, #tpu.memory_space<hbm>>)
    %dma_wait3A_274 = arith.constant 0 : i32
    %dma_wait3A_275 = tpu.memref_slice %arg13[%add3A_198, %dma_wait3A_274] : memref<20480x128xf32, #tpu.memory_space<hbm>> -> memref<64x128xf32, #tpu.memory_space<hbm>>
    %dma_wait3A_276 = arith.constant 0 : i32
    %dma_wait3A_277 = tpu.memref_slice %arg27[%mul3A_195, %dma_wait3A_276] : memref<10240x128xf32, #tpu.memory_space<vmem_shared>> -> memref<64x128xf32, #tpu.memory_space<vmem_shared>>
    tpu.wait_dma2 semaphore(%arg28 : memref<!tpu.dma_semaphore, #tpu.memory_space<semaphore_mem>>) src(%dma_wait3A_277 : memref<64x128xf32, #tpu.memory_space<vmem_shared>>) dst(%dma_wait3A_275 : memref<64x128xf32, #tpu.memory_space<hbm>>)
    %dma_wait3A_278 = arith.constant 0 : i32
    %dma_wait3A_279 = tpu.memref_slice %arg13[%add3A_209, %dma_wait3A_278] : memref<20480x128xf32, #tpu.memory_space<hbm>> -> memref<64x128xf32, #tpu.memory_space<hbm>>
    %dma_wait3A_280 = arith.constant 0 : i32
    %dma_wait3A_281 = tpu.memref_slice %arg27[%mul3A_206, %dma_wait3A_280] : memref<10240x128xf32, #tpu.memory_space<vmem_shared>> -> memref<64x128xf32, #tpu.memory_space<vmem_shared>>
    tpu.wait_dma2 semaphore(%arg28 : memref<!tpu.dma_semaphore, #tpu.memory_space<semaphore_mem>>) src(%dma_wait3A_281 : memref<64x128xf32, #tpu.memory_space<vmem_shared>>) dst(%dma_wait3A_279 : memref<64x128xf32, #tpu.memory_space<hbm>>)
    %dma_wait3A_282 = arith.constant 0 : i32
    %dma_wait3A_283 = tpu.memref_slice %arg13[%add3A_220, %dma_wait3A_282] : memref<20480x128xf32, #tpu.memory_space<hbm>> -> memref<64x128xf32, #tpu.memory_space<hbm>>
    %dma_wait3A_284 = arith.constant 0 : i32
    %dma_wait3A_285 = tpu.memref_slice %arg27[%mul3A_217, %dma_wait3A_284] : memref<10240x128xf32, #tpu.memory_space<vmem_shared>> -> memref<64x128xf32, #tpu.memory_space<vmem_shared>>
    tpu.wait_dma2 semaphore(%arg28 : memref<!tpu.dma_semaphore, #tpu.memory_space<semaphore_mem>>) src(%dma_wait3A_285 : memref<64x128xf32, #tpu.memory_space<vmem_shared>>) dst(%dma_wait3A_283 : memref<64x128xf32, #tpu.memory_space<hbm>>)
    %dma_wait3A_286 = arith.constant 0 : i32
    %dma_wait3A_287 = tpu.memref_slice %arg13[%add3A_231, %dma_wait3A_286] : memref<20480x128xf32, #tpu.memory_space<hbm>> -> memref<64x128xf32, #tpu.memory_space<hbm>>
    %dma_wait3A_288 = arith.constant 0 : i32
    %dma_wait3A_289 = tpu.memref_slice %arg27[%mul3A_228, %dma_wait3A_288] : memref<10240x128xf32, #tpu.memory_space<vmem_shared>> -> memref<64x128xf32, #tpu.memory_space<vmem_shared>>
    tpu.wait_dma2 semaphore(%arg28 : memref<!tpu.dma_semaphore, #tpu.memory_space<semaphore_mem>>) src(%dma_wait3A_289 : memref<64x128xf32, #tpu.memory_space<vmem_shared>>) dst(%dma_wait3A_287 : memref<64x128xf32, #tpu.memory_space<hbm>>)
    %dma_wait3A_290 = arith.constant 0 : i32
    %dma_wait3A_291 = tpu.memref_slice %arg13[%add3A_242, %dma_wait3A_290] : memref<20480x128xf32, #tpu.memory_space<hbm>> -> memref<64x128xf32, #tpu.memory_space<hbm>>
    %dma_wait3A_292 = arith.constant 0 : i32
    %dma_wait3A_293 = tpu.memref_slice %arg27[%mul3A_239, %dma_wait3A_292] : memref<10240x128xf32, #tpu.memory_space<vmem_shared>> -> memref<64x128xf32, #tpu.memory_space<vmem_shared>>
    tpu.wait_dma2 semaphore(%arg28 : memref<!tpu.dma_semaphore, #tpu.memory_space<semaphore_mem>>) src(%dma_wait3A_293 : memref<64x128xf32, #tpu.memory_space<vmem_shared>>) dst(%dma_wait3A_291 : memref<64x128xf32, #tpu.memory_space<hbm>>)
    %dma_wait3A_294 = arith.constant 0 : i32
    %dma_wait3A_295 = tpu.memref_slice %arg13[%add3A_253, %dma_wait3A_294] : memref<20480x128xf32, #tpu.memory_space<hbm>> -> memref<64x128xf32, #tpu.memory_space<hbm>>
    %dma_wait3A_296 = arith.constant 0 : i32
    %dma_wait3A_297 = tpu.memref_slice %arg27[%mul3A_250, %dma_wait3A_296] : memref<10240x128xf32, #tpu.memory_space<vmem_shared>> -> memref<64x128xf32, #tpu.memory_space<vmem_shared>>
    tpu.wait_dma2 semaphore(%arg28 : memref<!tpu.dma_semaphore, #tpu.memory_space<semaphore_mem>>) src(%dma_wait3A_297 : memref<64x128xf32, #tpu.memory_space<vmem_shared>>) dst(%dma_wait3A_295 : memref<64x128xf32, #tpu.memory_space<hbm>>)
    return
  }
}

module attributes {stable_mosaic.version = 14 : i64} {
  func.func @_dir_body(%arg0: i32, %arg1: memref<1x1xi32, #tpu.memory_space<smem>>, %arg2: memref<1x1xi32, #tpu.memory_space<smem>>, %arg3: memref<1x125x128xi32, #tpu.memory_space<vmem>>, %arg4: memref<1x125x128xi32, #tpu.memory_space<vmem>>, %arg5: memref<8x128xi32, #tpu.memory_space<vmem>>) attributes {dimension_semantics = [#tpu.dimension_semantics<arbitrary>], iteration_bounds = array<i64: 20>, scalar_prefetch = 0 : i64, scratch_operands = 0 : i64, tpu.core_type = #tpu.core_type<tc>, window_params = [{transform_indices = @transform_0, window_bounds = array<i64: 1, 1>}, {transform_indices = @transform_1, window_bounds = array<i64: 1, 1>}, {transform_indices = @transform_2, window_bounds = array<i64: 1, 125, 128>}, {transform_indices = @transform_3, window_bounds = array<i64: 1, 125, 128>}, {pipeline_mode = #tpu.pipeline_mode<synchronous>, transform_indices = @transform_4, window_bounds = array<i64: 8, 128>}]} {
    %eq3A = arith.constant 0 : i32
    %eq3A_0 = arith.cmpi eq, %arg0, %eq3A : i32
    %convert_element_type3A = arith.extui %eq3A_0 : i1 to i32
    %cond3A = arith.constant 0 : i32
    %cond3A_1 = arith.cmpi ne, %convert_element_type3A, %cond3A : i32
    scf.if %cond3A_1 {
      %broadcast_in_dim3A = arith.constant 1 : i32
      %broadcast_in_dim3A_33 = vector.broadcast %broadcast_in_dim3A : i32 to vector<8x128xi32>
      %swap3A = arith.constant 0 : index
      %swap3A_34 = arith.constant 0 : index
      %swap3A_35 = vector.load %arg5[%swap3A, %swap3A_34] : memref<8x128xi32, #tpu.memory_space<vmem>>, vector<8x128xi32>
      tpu.vector_store %arg5[%swap3A, %swap3A_34], %broadcast_in_dim3A_33 {strides = array<i32>} : memref<8x128xi32, #tpu.memory_space<vmem>>, vector<8x128xi32>,
    } else {
    }
    %get3A = arith.constant 0 : index
    %get3A_2 = arith.constant 0 : index
    %get3A_3 = arith.constant 0 : index
    %get3A_4 = vector.load %arg3[%get3A, %get3A_2, %get3A_3] : memref<1x125x128xi32, #tpu.memory_space<vmem>>, vector<1x125x128xi32>
    %get3A_5 = arith.constant 0 : index
    %get3A_6 = arith.constant 0 : index
    %get3A_7 = memref.load %arg2[%get3A_5, %get3A_6] : memref<1x1xi32, #tpu.memory_space<smem>>
    %eq3A_8 = vector.broadcast %get3A_7 : i32 to vector<1x125x128xi32>
    %eq3A_9 = arith.cmpi eq, %get3A_4, %eq3A_8 : vector<1x125x128xi32>
    %get3A_10 = arith.constant 0 : index
    %get3A_11 = arith.constant 0 : index
    %get3A_12 = arith.constant 0 : index
    %get3A_13 = vector.load %arg4[%get3A_10, %get3A_11, %get3A_12] : memref<1x125x128xi32, #tpu.memory_space<vmem>>, vector<1x125x128xi32>
    %get3A_14 = arith.constant 0 : index
    %get3A_15 = arith.constant 0 : index
    %get3A_16 = memref.load %arg1[%get3A_14, %get3A_15] : memref<1x1xi32, #tpu.memory_space<smem>>
    %eq3A_17 = vector.broadcast %get3A_16 : i32 to vector<1x125x128xi32>
    %eq3A_18 = arith.cmpi eq, %get3A_13, %eq3A_17 : vector<1x125x128xi32>
    %and3A = arith.andi %eq3A_9, %eq3A_18 : vector<1x125x128xi1>
    %reduce_or3A = arith.constant 1.000000e+00 : f32
    %reduce_or3A_19 = arith.constant 0.000000e+00 : f32
    %reduce_or3A_20 = vector.broadcast %reduce_or3A : f32 to vector<1x125x128xf32>
    %reduce_or3A_21 = vector.broadcast %reduce_or3A_19 : f32 to vector<1x125x128xf32>
    %reduce_or3A_22 = arith.select %and3A, %reduce_or3A_20, %reduce_or3A_21 : vector<1x125x128xi1>, vector<1x125x128xf32>
    %reduce_or3A_23 = vector.shape_cast %reduce_or3A_22 : vector<1x125x128xf32> to vector<1x1x125x128xf32>
    %reduce_or3A_24 = arith.constant dense<0xFF800000> : vector<1xf32>
    %reduce_or3A_25 = vector.multi_reduction <maximumf>, %reduce_or3A_23, %reduce_or3A_24 [1, 2, 3] : vector<1x1x125x128xf32> to vector<1xf32>
    %reduce_or3A_26 = vector.shape_cast %reduce_or3A_25 : vector<1xf32> to vector<1x1x1x1xf32>
    %reduce_or3A_27 = vector.extract %reduce_or3A_26[0, 0, 0, 0] : f32 from vector<1x1x1x1xf32>
    %reduce_or3A_28 = arith.constant 0.000000e+00 : f32
    %reduce_or3A_29 = arith.cmpf ogt, %reduce_or3A_27, %reduce_or3A_28 : f32
    %convert_element_type3A_30 = arith.extui %reduce_or3A_29 : i1 to i32
    %cond3A_31 = arith.constant 0 : i32
    %cond3A_32 = arith.cmpi ne, %convert_element_type3A_30, %cond3A_31 : i32
    scf.if %cond3A_32 {
      %broadcast_in_dim3A = arith.constant 0 : i32
      %broadcast_in_dim3A_33 = vector.broadcast %broadcast_in_dim3A : i32 to vector<8x128xi32>
      %swap3A = arith.constant 0 : index
      %swap3A_34 = arith.constant 0 : index
      %swap3A_35 = vector.load %arg5[%swap3A, %swap3A_34] : memref<8x128xi32, #tpu.memory_space<vmem>>, vector<8x128xi32>
      tpu.vector_store %arg5[%swap3A, %swap3A_34], %broadcast_in_dim3A_33 {strides = array<i32>} : memref<8x128xi32, #tpu.memory_space<vmem>>, vector<8x128xi32>,
    } else {
    }
    return
  }
  func.func @transform_0(%arg0: i32) -> (i32, i32) {
    %c0_i32 = arith.constant 0 : i32
    %c0_i32_0 = arith.constant 0 : i32
    %c0_i32_1 = arith.constant 0 : i32
    return %c0_i32, %c0_i32_0 : i32, i32
  }
  func.func @transform_1(%arg0: i32) -> (i32, i32) {
    %c0_i32 = arith.constant 0 : i32
    %c0_i32_0 = arith.constant 0 : i32
    %c0_i32_1 = arith.constant 0 : i32
    return %c0_i32, %c0_i32_0 : i32, i32
  }
  func.func @transform_2(%arg0: i32) -> (i32, i32, i32) {
    %c0_i32 = arith.constant 0 : i32
    %c0_i32_0 = arith.constant 0 : i32
    %c0_i32_1 = arith.constant 0 : i32
    return %arg0, %c0_i32, %c0_i32_0 : i32, i32, i32
  }
  func.func @transform_3(%arg0: i32) -> (i32, i32, i32) {
    %c0_i32 = arith.constant 0 : i32
    %c0_i32_0 = arith.constant 0 : i32
    %c0_i32_1 = arith.constant 0 : i32
    return %arg0, %c0_i32, %c0_i32_0 : i32, i32, i32
  }
  func.func @transform_4(%arg0: i32) -> (i32, i32) {
    %c0_i32 = arith.constant 0 : i32
    %c0_i32_0 = arith.constant 0 : i32
    %c0_i32_1 = arith.constant 0 : i32
    return %c0_i32, %c0_i32_0 : i32, i32
  }
}

module attributes {stable_mosaic.version = 14 : i64} {
  func.func @_ab_body(%arg0: i32, %arg1: memref<1024x128xf32, #tpu.memory_space<vmem>>, %arg2: memref<128x128xf32, #tpu.memory_space<vmem>>, %arg3: memref<128x128xf32, #tpu.memory_space<vmem>>, %arg4: memref<1024x128xf32, #tpu.memory_space<vmem>>, %arg5: memref<1024x128xf32, #tpu.memory_space<vmem>>) attributes {dimension_semantics = [#tpu.dimension_semantics<arbitrary>], iteration_bounds = array<i64: 10>, scalar_prefetch = 0 : i64, scratch_operands = 0 : i64, tpu.core_type = #tpu.core_type<tc>, window_params = [{transform_indices = @transform_0, window_bounds = array<i64: 1024, 128>}, {pipeline_mode = #tpu.pipeline_mode<synchronous>, transform_indices = @transform_1, window_bounds = array<i64: 128, 128>}, {pipeline_mode = #tpu.pipeline_mode<synchronous>, transform_indices = @transform_2, window_bounds = array<i64: 128, 128>}, {transform_indices = @transform_3, window_bounds = array<i64: 1024, 128>}, {transform_indices = @transform_4, window_bounds = array<i64: 1024, 128>}]} {
    %get3A = arith.constant 0 : index
    %get3A_0 = arith.constant 0 : index
    %get3A_1 = vector.load %arg1[%get3A, %get3A_0] : memref<1024x128xf32, #tpu.memory_space<vmem>>, vector<1024x128xf32>
    %get3A_2 = arith.constant 0 : index
    %get3A_3 = arith.constant 0 : index
    %get3A_4 = vector.load %arg2[%get3A_2, %get3A_3] : memref<128x128xf32, #tpu.memory_space<vmem>>, vector<128x128xf32>
    %dot_general3A = arith.constant dense<0.000000e+00> : vector<1024x128xf32>
    %dot_general3A_5 = tpu.matmul %get3A_1, %get3A_4, %dot_general3A {dimension_numbers = #tpu.dot_dimension_numbers<[1], [0], [0], [1], [0, 0, 1, 1], [], []>, precision = #tpu.contract_precision<fp32>, transpose_lhs_hint = false} : vector<1024x128xf32>, vector<128x128xf32>, vector<1024x128xf32> -> vector<1024x128xf32>
    %swap3A = arith.constant 0 : index
    %swap3A_6 = arith.constant 0 : index
    %swap3A_7 = vector.load %arg4[%swap3A, %swap3A_6] : memref<1024x128xf32, #tpu.memory_space<vmem>>, vector<1024x128xf32>
    tpu.vector_store %arg4[%swap3A, %swap3A_6], %dot_general3A_5 {strides = array<i32>} : memref<1024x128xf32, #tpu.memory_space<vmem>>, vector<1024x128xf32>,
    %get3A_8 = arith.constant 0 : index
    %get3A_9 = arith.constant 0 : index
    %get3A_10 = vector.load %arg3[%get3A_8, %get3A_9] : memref<128x128xf32, #tpu.memory_space<vmem>>, vector<128x128xf32>
    %dot_general3A_11 = arith.constant dense<0.000000e+00> : vector<1024x128xf32>
    %dot_general3A_12 = tpu.matmul %get3A_1, %get3A_10, %dot_general3A_11 {dimension_numbers = #tpu.dot_dimension_numbers<[1], [0], [0], [1], [0, 0, 1, 1], [], []>, precision = #tpu.contract_precision<fp32>, transpose_lhs_hint = false} : vector<1024x128xf32>, vector<128x128xf32>, vector<1024x128xf32> -> vector<1024x128xf32>
    %swap3A_13 = arith.constant 0 : index
    %swap3A_14 = arith.constant 0 : index
    %swap3A_15 = vector.load %arg5[%swap3A_13, %swap3A_14] : memref<1024x128xf32, #tpu.memory_space<vmem>>, vector<1024x128xf32>
    tpu.vector_store %arg5[%swap3A_13, %swap3A_14], %dot_general3A_12 {strides = array<i32>} : memref<1024x128xf32, #tpu.memory_space<vmem>>, vector<1024x128xf32>,
    return
  }
  func.func @transform_0(%arg0: i32) -> (i32, i32) {
    %c0_i32 = arith.constant 0 : i32
    %c0_i32_0 = arith.constant 0 : i32
    return %arg0, %c0_i32 : i32, i32
  }
  func.func @transform_1(%arg0: i32) -> (i32, i32) {
    %c0_i32 = arith.constant 0 : i32
    %c0_i32_0 = arith.constant 0 : i32
    %c0_i32_1 = arith.constant 0 : i32
    return %c0_i32, %c0_i32_0 : i32, i32
  }
  func.func @transform_2(%arg0: i32) -> (i32, i32) {
    %c0_i32 = arith.constant 0 : i32
    %c0_i32_0 = arith.constant 0 : i32
    %c0_i32_1 = arith.constant 0 : i32
    return %c0_i32, %c0_i32_0 : i32, i32
  }
  func.func @transform_3(%arg0: i32) -> (i32, i32) {
    %c0_i32 = arith.constant 0 : i32
    %c0_i32_0 = arith.constant 0 : i32
    return %arg0, %c0_i32 : i32, i32
  }
  func.func @transform_4(%arg0: i32) -> (i32, i32) {
    %c0_i32 = arith.constant 0 : i32
    %c0_i32_0 = arith.constant 0 : i32
    return %arg0, %c0_i32 : i32, i32
  }
}

module attributes {stable_mosaic.version = 14 : i64} {
  func.func @_c_body(%arg0: i32, %arg1: memref<4000x16xf32, #tpu.memory_space<vmem>>, %arg2: memref<16x128xf32, #tpu.memory_space<vmem>>, %arg3: memref<1x1x128xf32, #tpu.memory_space<vmem>>, %arg4: memref<4000x128xf32, #tpu.memory_space<vmem>>) attributes {dimension_semantics = [#tpu.dimension_semantics<arbitrary>], iteration_bounds = array<i64: 240>, scalar_prefetch = 0 : i64, scratch_operands = 0 : i64, tpu.core_type = #tpu.core_type<tc>, window_params = [{transform_indices = @transform_0, window_bounds = array<i64: 4000, 16>}, {transform_indices = @transform_1, window_bounds = array<i64: 16, 128>}, {transform_indices = @transform_2, window_bounds = array<i64: 1, 1, 128>}, {transform_indices = @transform_3, window_bounds = array<i64: 4000, 128>}]} {
    %get3A = arith.constant 0 : index
    %get3A_0 = arith.constant 0 : index
    %get3A_1 = vector.load %arg1[%get3A, %get3A_0] : memref<4000x16xf32, #tpu.memory_space<vmem>>, vector<4000x16xf32>
    %get3A_2 = arith.constant 0 : index
    %get3A_3 = arith.constant 0 : index
    %get3A_4 = vector.load %arg2[%get3A_2, %get3A_3] : memref<16x128xf32, #tpu.memory_space<vmem>>, vector<16x128xf32>
    %dot_general3A = arith.constant dense<0.000000e+00> : vector<4000x128xf32>
    %dot_general3A_5 = tpu.matmul %get3A_1, %get3A_4, %dot_general3A {dimension_numbers = #tpu.dot_dimension_numbers<[1], [0], [0], [1], [0, 0, 1, 1], [], []>, precision = #tpu.contract_precision<fp32>, transpose_lhs_hint = false} : vector<4000x16xf32>, vector<16x128xf32>, vector<4000x128xf32> -> vector<4000x128xf32>
    %get3A_6 = arith.constant 0 : index
    %get3A_7 = arith.constant 0 : index
    %get3A_8 = arith.constant 0 : index
    %get3A_9 = vector.load %arg3[%get3A_6, %get3A_7, %get3A_8] : memref<1x1x128xf32, #tpu.memory_space<vmem>>, vector<1x1x128xf32>
    %get3A_10 = vector.shape_cast %get3A_9 : vector<1x1x128xf32> to vector<1x128xf32>
    %add3A = vector.broadcast %get3A_10 : vector<1x128xf32> to vector<4000x128xf32>
    %add3A_11 = arith.addf %dot_general3A_5, %add3A : vector<4000x128xf32>
    %swap3A = arith.constant 0 : index
    %swap3A_12 = arith.constant 0 : index
    %swap3A_13 = vector.load %arg4[%swap3A, %swap3A_12] : memref<4000x128xf32, #tpu.memory_space<vmem>>, vector<4000x128xf32>
    tpu.vector_store %arg4[%swap3A, %swap3A_12], %add3A_11 {strides = array<i32>} : memref<4000x128xf32, #tpu.memory_space<vmem>>, vector<4000x128xf32>,
    return
  }
  func.func @transform_0(%arg0: i32) -> (i32, i32) {
    %jit3A = arith.constant 80 : i32
    %eq3A = arith.constant 0 : i32
    %eq3A_0 = arith.cmpi eq, %jit3A, %eq3A : i32
    %jit3A_1 = arith.constant 1 : i32
    %select_n3A = arith.select %eq3A_0, %jit3A_1, %jit3A : i32
    %rem3A = arith.remsi %arg0, %select_n3A : i32
    %ne3A = arith.constant 0 : i32
    %ne3A_2 = arith.cmpi ne, %rem3A, %ne3A : i32
    %lt3A = arith.constant 0 : i32
    %lt3A_3 = arith.cmpi slt, %rem3A, %lt3A : i32
    %lt3A_4 = arith.constant 0 : i32
    %lt3A_5 = arith.cmpi slt, %select_n3A, %lt3A_4 : i32
    %ne3A_6 = arith.xori %lt3A_3, %lt3A_5 : i1
    %and3A = arith.andi %ne3A_6, %ne3A_2 : i1
    %add3A = arith.addi %rem3A, %select_n3A : i32
    %select_n3A_7 = arith.select %and3A, %add3A, %rem3A : i32
    %c0_i32 = arith.constant 0 : i32
    %c0_i32_8 = arith.constant 0 : i32
    return %select_n3A_7, %c0_i32 : i32, i32
  }
  func.func @transform_1(%arg0: i32) -> (i32, i32) {
    %jit3A = arith.constant 80 : i32
    %div3A = arith.divsi %arg0, %jit3A : i32
    %sign3A = arith.constant 0 : i32
    %sign3A_0 = arith.cmpi sgt, %arg0, %sign3A : i32
    %sign3A_1 = arith.extui %sign3A_0 : i1 to i32
    %sign3A_2 = arith.constant 0 : i32
    %sign3A_3 = arith.cmpi slt, %arg0, %sign3A_2 : i32
    %sign3A_4 = arith.extui %sign3A_3 : i1 to i32
    %sign3A_5 = arith.subi %sign3A_1, %sign3A_4 : i32
    %sign3A_6 = arith.constant 0 : i32
    %sign3A_7 = arith.cmpi sgt, %jit3A, %sign3A_6 : i32
    %sign3A_8 = arith.extui %sign3A_7 : i1 to i32
    %sign3A_9 = arith.constant 0 : i32
    %sign3A_10 = arith.cmpi slt, %jit3A, %sign3A_9 : i32
    %sign3A_11 = arith.extui %sign3A_10 : i1 to i32
    %sign3A_12 = arith.subi %sign3A_8, %sign3A_11 : i32
    %ne3A = arith.cmpi ne, %sign3A_5, %sign3A_12 : i32
    %rem3A = arith.remsi %arg0, %jit3A : i32
    %ne3A_13 = arith.constant 0 : i32
    %ne3A_14 = arith.cmpi ne, %rem3A, %ne3A_13 : i32
    %and3A = arith.andi %ne3A, %ne3A_14 : i1
    %sub3A = arith.constant 1 : i32
    %sub3A_15 = arith.subi %div3A, %sub3A : i32
    %select_n3A = arith.select %and3A, %sub3A_15, %div3A : i32
    %c0_i32 = arith.constant 0 : i32
    %c0_i32_16 = arith.constant 0 : i32
    return %select_n3A, %c0_i32 : i32, i32
  }
  func.func @transform_2(%arg0: i32) -> (i32, i32, i32) {
    %jit3A = arith.constant 80 : i32
    %div3A = arith.divsi %arg0, %jit3A : i32
    %sign3A = arith.constant 0 : i32
    %sign3A_0 = arith.cmpi sgt, %arg0, %sign3A : i32
    %sign3A_1 = arith.extui %sign3A_0 : i1 to i32
    %sign3A_2 = arith.constant 0 : i32
    %sign3A_3 = arith.cmpi slt, %arg0, %sign3A_2 : i32
    %sign3A_4 = arith.extui %sign3A_3 : i1 to i32
    %sign3A_5 = arith.subi %sign3A_1, %sign3A_4 : i32
    %sign3A_6 = arith.constant 0 : i32
    %sign3A_7 = arith.cmpi sgt, %jit3A, %sign3A_6 : i32
    %sign3A_8 = arith.extui %sign3A_7 : i1 to i32
    %sign3A_9 = arith.constant 0 : i32
    %sign3A_10 = arith.cmpi slt, %jit3A, %sign3A_9 : i32
    %sign3A_11 = arith.extui %sign3A_10 : i1 to i32
    %sign3A_12 = arith.subi %sign3A_8, %sign3A_11 : i32
    %ne3A = arith.cmpi ne, %sign3A_5, %sign3A_12 : i32
    %rem3A = arith.remsi %arg0, %jit3A : i32
    %ne3A_13 = arith.constant 0 : i32
    %ne3A_14 = arith.cmpi ne, %rem3A, %ne3A_13 : i32
    %and3A = arith.andi %ne3A, %ne3A_14 : i1
    %sub3A = arith.constant 1 : i32
    %sub3A_15 = arith.subi %div3A, %sub3A : i32
    %select_n3A = arith.select %and3A, %sub3A_15, %div3A : i32
    %c0_i32 = arith.constant 0 : i32
    %c0_i32_16 = arith.constant 0 : i32
    %c0_i32_17 = arith.constant 0 : i32
    return %select_n3A, %c0_i32, %c0_i32_16 : i32, i32, i32
  }
  func.func @transform_3(%arg0: i32) -> (i32, i32) {
    %c0_i32 = arith.constant 0 : i32
    %c0_i32_0 = arith.constant 0 : i32
    return %arg0, %c0_i32 : i32, i32
  }
}

module attributes {stable_mosaic.version = 14 : i64} {
  func.func @_post_body(%arg0: i32, %arg1: memref<1024x128xf32, #tpu.memory_space<vmem>>, %arg2: memref<1024x128xf32, #tpu.memory_space<vmem>>, %arg3: memref<1024x128xf32, #tpu.memory_space<vmem>>, %arg4: memref<1024x128xf32, #tpu.memory_space<vmem>>, %arg5: memref<128x128xf32, #tpu.memory_space<vmem>>, %arg6: memref<1x128xf32, #tpu.memory_space<vmem>>, %arg7: memref<128x128xf32, #tpu.memory_space<vmem>>, %arg8: memref<1024x128xf32, #tpu.memory_space<vmem>>, %arg9: memref<1024x128xf32, #tpu.memory_space<vmem>>) attributes {dimension_semantics = [#tpu.dimension_semantics<arbitrary>], iteration_bounds = array<i64: 10>, scalar_prefetch = 0 : i64, scratch_operands = 0 : i64, tpu.core_type = #tpu.core_type<tc>, window_params = [{transform_indices = @transform_0, window_bounds = array<i64: 1024, 128>}, {transform_indices = @transform_1, window_bounds = array<i64: 1024, 128>}, {transform_indices = @transform_2, window_bounds = array<i64: 1024, 128>}, {transform_indices = @transform_3, window_bounds = array<i64: 1024, 128>}, {pipeline_mode = #tpu.pipeline_mode<synchronous>, transform_indices = @transform_4, window_bounds = array<i64: 128, 128>}, {pipeline_mode = #tpu.pipeline_mode<synchronous>, transform_indices = @transform_5, window_bounds = array<i64: 1, 128>}, {pipeline_mode = #tpu.pipeline_mode<synchronous>, transform_indices = @transform_6, window_bounds = array<i64: 128, 128>}, {transform_indices = @transform_7, window_bounds = array<i64: 1024, 128>}, {transform_indices = @transform_8, window_bounds = array<i64: 1024, 128>}]} {
    %get3A = arith.constant 0 : index
    %get3A_0 = arith.constant 0 : index
    %get3A_1 = vector.load %arg3[%get3A, %get3A_0] : memref<1024x128xf32, #tpu.memory_space<vmem>>, vector<1024x128xf32>
    %get3A_2 = arith.constant 0 : index
    %get3A_3 = arith.constant 0 : index
    %get3A_4 = vector.load %arg4[%get3A_2, %get3A_3] : memref<1024x128xf32, #tpu.memory_space<vmem>>, vector<1024x128xf32>
    %add3A = arith.addf %get3A_1, %get3A_4 : vector<1024x128xf32>
    %slice3A = vector.extract_strided_slice %add3A {offsets = [0, 0], sizes = [1024, 1], strides = [1, 1]} : vector<1024x128xf32> to vector<1024x1xf32>
    %gt3A = arith.constant 0.000000e+00 : f32
    %gt3A_5 = vector.broadcast %gt3A : f32 to vector<1024x1xf32>
    %gt3A_6 = arith.cmpf ogt, %slice3A, %gt3A_5 : vector<1024x1xf32>
    %rsqrt3A = math.rsqrt %slice3A : vector<1024x1xf32>
    %jit3A = arith.constant 0.000000e+00 : f32
    %broadcast_in_dim3A = vector.broadcast %jit3A : f32 to vector<1024x1xf32>
    %select_n3A = arith.select %gt3A_6, %rsqrt3A, %broadcast_in_dim3A : vector<1024x1xi1>, vector<1024x1xf32>
    %get3A_7 = arith.constant 0 : index
    %get3A_8 = arith.constant 0 : index
    %get3A_9 = vector.load %arg1[%get3A_7, %get3A_8] : memref<1024x128xf32, #tpu.memory_space<vmem>>, vector<1024x128xf32>
    %get3A_10 = arith.constant 0 : index
    %get3A_11 = arith.constant 0 : index
    %get3A_12 = vector.load %arg2[%get3A_10, %get3A_11] : memref<1024x128xf32, #tpu.memory_space<vmem>>, vector<1024x128xf32>
    %add3A_13 = arith.addf %get3A_9, %get3A_12 : vector<1024x128xf32>
    %get3A_14 = arith.constant 0 : index
    %get3A_15 = arith.constant 0 : index
    %get3A_16 = vector.load %arg5[%get3A_14, %get3A_15] : memref<128x128xf32, #tpu.memory_space<vmem>>, vector<128x128xf32>
    %dot_general3A = arith.constant dense<0.000000e+00> : vector<1024x128xf32>
    %dot_general3A_17 = tpu.matmul %add3A_13, %get3A_16, %dot_general3A {dimension_numbers = #tpu.dot_dimension_numbers<[1], [0], [0], [1], [0, 0, 1, 1], [], []>, precision = #tpu.contract_precision<fp32>, transpose_lhs_hint = false} : vector<1024x128xf32>, vector<128x128xf32>, vector<1024x128xf32> -> vector<1024x128xf32>
    %get3A_18 = arith.constant 0 : index
    %get3A_19 = arith.constant 0 : index
    %get3A_20 = vector.load %arg6[%get3A_18, %get3A_19] : memref<1x128xf32, #tpu.memory_space<vmem>>, vector<1x128xf32>
    %mul3A = vector.broadcast %slice3A : vector<1024x1xf32> to vector<1024x128xf32>
    %mul3A_21 = vector.broadcast %get3A_20 : vector<1x128xf32> to vector<1024x128xf32>
    %mul3A_22 = arith.mulf %mul3A, %mul3A_21 : vector<1024x128xf32>
    %add3A_23 = arith.addf %dot_general3A_17, %mul3A_22 : vector<1024x128xf32>
    %max3A = arith.constant 0.000000e+00 : f32
    %max3A_24 = vector.broadcast %max3A : f32 to vector<1024x128xf32>
    %max3A_25 = arith.maximumf %add3A_23, %max3A_24 : vector<1024x128xf32>
    %get3A_26 = arith.constant 0 : index
    %get3A_27 = arith.constant 0 : index
    %get3A_28 = vector.load %arg7[%get3A_26, %get3A_27] : memref<128x128xf32, #tpu.memory_space<vmem>>, vector<128x128xf32>
    %dot_general3A_29 = arith.constant dense<0.000000e+00> : vector<1024x128xf32>
    %dot_general3A_30 = tpu.matmul %max3A_25, %get3A_28, %dot_general3A_29 {dimension_numbers = #tpu.dot_dimension_numbers<[1], [0], [0], [1], [0, 0, 1, 1], [], []>, precision = #tpu.contract_precision<fp32>, transpose_lhs_hint = false} : vector<1024x128xf32>, vector<128x128xf32>, vector<1024x128xf32> -> vector<1024x128xf32>
    %swap3A = arith.constant 0 : index
    %swap3A_31 = arith.constant 0 : index
    %swap3A_32 = vector.load %arg8[%swap3A, %swap3A_31] : memref<1024x128xf32, #tpu.memory_space<vmem>>, vector<1024x128xf32>
    tpu.vector_store %arg8[%swap3A, %swap3A_31], %dot_general3A_30 {strides = array<i32>} : memref<1024x128xf32, #tpu.memory_space<vmem>>, vector<1024x128xf32>,
    %mul3A_33 = vector.broadcast %select_n3A : vector<1024x1xf32> to vector<1024x128xf32>
    %mul3A_34 = arith.mulf %mul3A_33, %max3A_25 : vector<1024x128xf32>
    %swap3A_35 = arith.constant 0 : index
    %swap3A_36 = arith.constant 0 : index
    %swap3A_37 = vector.load %arg9[%swap3A_35, %swap3A_36] : memref<1024x128xf32, #tpu.memory_space<vmem>>, vector<1024x128xf32>
    tpu.vector_store %arg9[%swap3A_35, %swap3A_36], %mul3A_34 {strides = array<i32>} : memref<1024x128xf32, #tpu.memory_space<vmem>>, vector<1024x128xf32>,
    return
  }
  func.func @transform_0(%arg0: i32) -> (i32, i32) {
    %c0_i32 = arith.constant 0 : i32
    %c0_i32_0 = arith.constant 0 : i32
    return %arg0, %c0_i32 : i32, i32
  }
  func.func @transform_1(%arg0: i32) -> (i32, i32) {
    %c0_i32 = arith.constant 0 : i32
    %c0_i32_0 = arith.constant 0 : i32
    return %arg0, %c0_i32 : i32, i32
  }
  func.func @transform_2(%arg0: i32) -> (i32, i32) {
    %c0_i32 = arith.constant 0 : i32
    %c0_i32_0 = arith.constant 0 : i32
    return %arg0, %c0_i32 : i32, i32
  }
  func.func @transform_3(%arg0: i32) -> (i32, i32) {
    %c0_i32 = arith.constant 0 : i32
    %c0_i32_0 = arith.constant 0 : i32
    return %arg0, %c0_i32 : i32, i32
  }
  func.func @transform_4(%arg0: i32) -> (i32, i32) {
    %c0_i32 = arith.constant 0 : i32
    %c0_i32_0 = arith.constant 0 : i32
    %c0_i32_1 = arith.constant 0 : i32
    return %c0_i32, %c0_i32_0 : i32, i32
  }
  func.func @transform_5(%arg0: i32) -> (i32, i32) {
    %c0_i32 = arith.constant 0 : i32
    %c0_i32_0 = arith.constant 0 : i32
    %c0_i32_1 = arith.constant 0 : i32
    return %c0_i32, %c0_i32_0 : i32, i32
  }
  func.func @transform_6(%arg0: i32) -> (i32, i32) {
    %c0_i32 = arith.constant 0 : i32
    %c0_i32_0 = arith.constant 0 : i32
    %c0_i32_1 = arith.constant 0 : i32
    return %c0_i32, %c0_i32_0 : i32, i32
  }
  func.func @transform_7(%arg0: i32) -> (i32, i32) {
    %c0_i32 = arith.constant 0 : i32
    %c0_i32_0 = arith.constant 0 : i32
    return %arg0, %c0_i32 : i32, i32
  }
  func.func @transform_8(%arg0: i32) -> (i32, i32) {
    %c0_i32 = arith.constant 0 : i32
    %c0_i32_0 = arith.constant 0 : i32
    return %arg0, %c0_i32 : i32, i32
  }
}

module attributes {stable_mosaic.version = 14 : i64} {
  func.func @_mid_body(%arg0: i32, %arg1: memref<1024x128xf32, #tpu.memory_space<vmem>>, %arg2: memref<1024x128xf32, #tpu.memory_space<vmem>>, %arg3: memref<1024x128xf32, #tpu.memory_space<vmem>>, %arg4: memref<1024x128xf32, #tpu.memory_space<vmem>>, %arg5: memref<128x128xf32, #tpu.memory_space<vmem>>, %arg6: memref<1024x128xf32, #tpu.memory_space<vmem>>, %arg7: memref<1024x128xf32, #tpu.memory_space<vmem>>) attributes {dimension_semantics = [#tpu.dimension_semantics<arbitrary>], iteration_bounds = array<i64: 10>, scalar_prefetch = 0 : i64, scratch_operands = 0 : i64, tpu.core_type = #tpu.core_type<tc>, window_params = [{transform_indices = @transform_0, window_bounds = array<i64: 1024, 128>}, {transform_indices = @transform_1, window_bounds = array<i64: 1024, 128>}, {transform_indices = @transform_2, window_bounds = array<i64: 1024, 128>}, {transform_indices = @transform_3, window_bounds = array<i64: 1024, 128>}, {pipeline_mode = #tpu.pipeline_mode<synchronous>, transform_indices = @transform_4, window_bounds = array<i64: 128, 128>}, {transform_indices = @transform_5, window_bounds = array<i64: 1024, 128>}, {transform_indices = @transform_6, window_bounds = array<i64: 1024, 128>}]} {
    %get3A = arith.constant 0 : index
    %get3A_0 = arith.constant 0 : index
    %get3A_1 = vector.load %arg3[%get3A, %get3A_0] : memref<1024x128xf32, #tpu.memory_space<vmem>>, vector<1024x128xf32>
    %get3A_2 = arith.constant 0 : index
    %get3A_3 = arith.constant 0 : index
    %get3A_4 = vector.load %arg4[%get3A_2, %get3A_3] : memref<1024x128xf32, #tpu.memory_space<vmem>>, vector<1024x128xf32>
    %add3A = arith.addf %get3A_1, %get3A_4 : vector<1024x128xf32>
    %slice3A = vector.extract_strided_slice %add3A {offsets = [0, 0], sizes = [1024, 1], strides = [1, 1]} : vector<1024x128xf32> to vector<1024x1xf32>
    %gt3A = arith.constant 0.000000e+00 : f32
    %gt3A_5 = vector.broadcast %gt3A : f32 to vector<1024x1xf32>
    %gt3A_6 = arith.cmpf ogt, %slice3A, %gt3A_5 : vector<1024x1xf32>
    %rsqrt3A = math.rsqrt %slice3A : vector<1024x1xf32>
    %jit3A = arith.constant 0.000000e+00 : f32
    %broadcast_in_dim3A = vector.broadcast %jit3A : f32 to vector<1024x1xf32>
    %select_n3A = arith.select %gt3A_6, %rsqrt3A, %broadcast_in_dim3A : vector<1024x1xi1>, vector<1024x1xf32>
    %get3A_7 = arith.constant 0 : index
    %get3A_8 = arith.constant 0 : index
    %get3A_9 = vector.load %arg1[%get3A_7, %get3A_8] : memref<1024x128xf32, #tpu.memory_space<vmem>>, vector<1024x128xf32>
    %get3A_10 = arith.constant 0 : index
    %get3A_11 = arith.constant 0 : index
    %get3A_12 = vector.load %arg2[%get3A_10, %get3A_11] : memref<1024x128xf32, #tpu.memory_space<vmem>>, vector<1024x128xf32>
    %add3A_13 = arith.addf %get3A_9, %get3A_12 : vector<1024x128xf32>
    %mul3A = vector.broadcast %select_n3A : vector<1024x1xf32> to vector<1024x128xf32>
    %mul3A_14 = arith.mulf %mul3A, %add3A_13 : vector<1024x128xf32>
    %get3A_15 = arith.constant 0 : index
    %get3A_16 = arith.constant 0 : index
    %get3A_17 = vector.load %arg5[%get3A_15, %get3A_16] : memref<128x128xf32, #tpu.memory_space<vmem>>, vector<128x128xf32>
    %dot_general3A = arith.constant dense<0.000000e+00> : vector<1024x128xf32>
    %dot_general3A_18 = tpu.matmul %mul3A_14, %get3A_17, %dot_general3A {dimension_numbers = #tpu.dot_dimension_numbers<[1], [0], [0], [1], [0, 0, 1, 1], [], []>, precision = #tpu.contract_precision<fp32>, transpose_lhs_hint = false} : vector<1024x128xf32>, vector<128x128xf32>, vector<1024x128xf32> -> vector<1024x128xf32>
    %swap3A = arith.constant 0 : index
    %swap3A_19 = arith.constant 0 : index
    %swap3A_20 = vector.load %arg6[%swap3A, %swap3A_19] : memref<1024x128xf32, #tpu.memory_space<vmem>>, vector<1024x128xf32>
    tpu.vector_store %arg6[%swap3A, %swap3A_19], %dot_general3A_18 {strides = array<i32>} : memref<1024x128xf32, #tpu.memory_space<vmem>>, vector<1024x128xf32>,
    %mul3A_21 = vector.broadcast %select_n3A : vector<1024x1xf32> to vector<1024x128xf32>
    %mul3A_22 = arith.mulf %mul3A_21, %mul3A_14 : vector<1024x128xf32>
    %swap3A_23 = arith.constant 0 : index
    %swap3A_24 = arith.constant 0 : index
    %swap3A_25 = vector.load %arg7[%swap3A_23, %swap3A_24] : memref<1024x128xf32, #tpu.memory_space<vmem>>, vector<1024x128xf32>
    tpu.vector_store %arg7[%swap3A_23, %swap3A_24], %mul3A_22 {strides = array<i32>} : memref<1024x128xf32, #tpu.memory_space<vmem>>, vector<1024x128xf32>,
    return
  }
  func.func @transform_0(%arg0: i32) -> (i32, i32) {
    %c0_i32 = arith.constant 0 : i32
    %c0_i32_0 = arith.constant 0 : i32
    return %arg0, %c0_i32 : i32, i32
  }
  func.func @transform_1(%arg0: i32) -> (i32, i32) {
    %c0_i32 = arith.constant 0 : i32
    %c0_i32_0 = arith.constant 0 : i32
    return %arg0, %c0_i32 : i32, i32
  }
  func.func @transform_2(%arg0: i32) -> (i32, i32) {
    %c0_i32 = arith.constant 0 : i32
    %c0_i32_0 = arith.constant 0 : i32
    return %arg0, %c0_i32 : i32, i32
  }
  func.func @transform_3(%arg0: i32) -> (i32, i32) {
    %c0_i32 = arith.constant 0 : i32
    %c0_i32_0 = arith.constant 0 : i32
    return %arg0, %c0_i32 : i32, i32
  }
  func.func @transform_4(%arg0: i32) -> (i32, i32) {
    %c0_i32 = arith.constant 0 : i32
    %c0_i32_0 = arith.constant 0 : i32
    %c0_i32_1 = arith.constant 0 : i32
    return %c0_i32, %c0_i32_0 : i32, i32
  }
  func.func @transform_5(%arg0: i32) -> (i32, i32) {
    %c0_i32 = arith.constant 0 : i32
    %c0_i32_0 = arith.constant 0 : i32
    return %arg0, %c0_i32 : i32, i32
  }
  func.func @transform_6(%arg0: i32) -> (i32, i32) {
    %c0_i32 = arith.constant 0 : i32
    %c0_i32_0 = arith.constant 0 : i32
    return %arg0, %c0_i32 : i32, i32
  }
}

module attributes {stable_mosaic.version = 14 : i64} {
  func.func @_tagfin_body(%arg0: i32, %arg1: memref<1024x128xf32, #tpu.memory_space<vmem>>, %arg2: memref<1024x128xf32, #tpu.memory_space<vmem>>, %arg3: memref<1024x128xf32, #tpu.memory_space<vmem>>, %arg4: memref<1024x128xf32, #tpu.memory_space<vmem>>, %arg5: memref<1024x128xf32, #tpu.memory_space<vmem>>, %arg6: memref<1024x128xf32, #tpu.memory_space<vmem>>, %arg7: memref<128x128xf32, #tpu.memory_space<vmem>>, %arg8: memref<1x128xf32, #tpu.memory_space<vmem>>, %arg9: memref<128x128xf32, #tpu.memory_space<vmem>>, %arg10: memref<128x128xf32, #tpu.memory_space<vmem>>, %arg11: memref<1024x128xf32, #tpu.memory_space<vmem>>, %arg12: memref<1024x128xf32, #tpu.memory_space<vmem>>) attributes {dimension_semantics = [#tpu.dimension_semantics<arbitrary>], iteration_bounds = array<i64: 10>, scalar_prefetch = 0 : i64, scratch_operands = 0 : i64, tpu.core_type = #tpu.core_type<tc>, window_params = [{transform_indices = @transform_0, window_bounds = array<i64: 1024, 128>}, {transform_indices = @transform_1, window_bounds = array<i64: 1024, 128>}, {transform_indices = @transform_2, window_bounds = array<i64: 1024, 128>}, {transform_indices = @transform_3, window_bounds = array<i64: 1024, 128>}, {transform_indices = @transform_4, window_bounds = array<i64: 1024, 128>}, {transform_indices = @transform_5, window_bounds = array<i64: 1024, 128>}, {pipeline_mode = #tpu.pipeline_mode<synchronous>, transform_indices = @transform_6, window_bounds = array<i64: 128, 128>}, {pipeline_mode = #tpu.pipeline_mode<synchronous>, transform_indices = @transform_7, window_bounds = array<i64: 1, 128>}, {pipeline_mode = #tpu.pipeline_mode<synchronous>, transform_indices = @transform_8, window_bounds = array<i64: 128, 128>}, {pipeline_mode = #tpu.pipeline_mode<synchronous>, transform_indices = @transform_9, window_bounds = array<i64: 128, 128>}, {transform_indices = @transform_10, window_bounds = array<i64: 1024, 128>}, {transform_indices = @transform_11, window_bounds = array<i64: 1024, 128>}]} {
    %get3A = arith.constant 0 : index
    %get3A_0 = arith.constant 0 : index
    %get3A_1 = vector.load %arg3[%get3A, %get3A_0] : memref<1024x128xf32, #tpu.memory_space<vmem>>, vector<1024x128xf32>
    %get3A_2 = arith.constant 0 : index
    %get3A_3 = arith.constant 0 : index
    %get3A_4 = vector.load %arg4[%get3A_2, %get3A_3] : memref<1024x128xf32, #tpu.memory_space<vmem>>, vector<1024x128xf32>
    %add3A = arith.addf %get3A_1, %get3A_4 : vector<1024x128xf32>
    %slice3A = vector.extract_strided_slice %add3A {offsets = [0, 0], sizes = [1024, 1], strides = [1, 1]} : vector<1024x128xf32> to vector<1024x1xf32>
    %gt3A = arith.constant 0.000000e+00 : f32
    %gt3A_5 = vector.broadcast %gt3A : f32 to vector<1024x1xf32>
    %gt3A_6 = arith.cmpf ogt, %slice3A, %gt3A_5 : vector<1024x1xf32>
    %rsqrt3A = math.rsqrt %slice3A : vector<1024x1xf32>
    %jit3A = arith.constant 0.000000e+00 : f32
    %broadcast_in_dim3A = vector.broadcast %jit3A : f32 to vector<1024x1xf32>
    %select_n3A = arith.select %gt3A_6, %rsqrt3A, %broadcast_in_dim3A : vector<1024x1xi1>, vector<1024x1xf32>
    %get3A_7 = arith.constant 0 : index
    %get3A_8 = arith.constant 0 : index
    %get3A_9 = vector.load %arg1[%get3A_7, %get3A_8] : memref<1024x128xf32, #tpu.memory_space<vmem>>, vector<1024x128xf32>
    %get3A_10 = arith.constant 0 : index
    %get3A_11 = arith.constant 0 : index
    %get3A_12 = vector.load %arg2[%get3A_10, %get3A_11] : memref<1024x128xf32, #tpu.memory_space<vmem>>, vector<1024x128xf32>
    %add3A_13 = arith.addf %get3A_9, %get3A_12 : vector<1024x128xf32>
    %mul3A = vector.broadcast %select_n3A : vector<1024x1xf32> to vector<1024x128xf32>
    %mul3A_14 = arith.mulf %mul3A, %add3A_13 : vector<1024x128xf32>
    %get3A_15 = arith.constant 0 : index
    %get3A_16 = arith.constant 0 : index
    %get3A_17 = vector.load %arg5[%get3A_15, %get3A_16] : memref<1024x128xf32, #tpu.memory_space<vmem>>, vector<1024x128xf32>
    %get3A_18 = arith.constant 0 : index
    %get3A_19 = arith.constant 0 : index
    %get3A_20 = vector.load %arg6[%get3A_18, %get3A_19] : memref<1024x128xf32, #tpu.memory_space<vmem>>, vector<1024x128xf32>
    %add3A_21 = arith.addf %get3A_17, %get3A_20 : vector<1024x128xf32>
    %get3A_22 = arith.constant 0 : index
    %get3A_23 = arith.constant 0 : index
    %get3A_24 = vector.load %arg7[%get3A_22, %get3A_23] : memref<128x128xf32, #tpu.memory_space<vmem>>, vector<128x128xf32>
    %dot_general3A = arith.constant dense<0.000000e+00> : vector<1024x128xf32>
    %dot_general3A_25 = tpu.matmul %mul3A_14, %get3A_24, %dot_general3A {dimension_numbers = #tpu.dot_dimension_numbers<[1], [0], [0], [1], [0, 0, 1, 1], [], []>, precision = #tpu.contract_precision<fp32>, transpose_lhs_hint = false} : vector<1024x128xf32>, vector<128x128xf32>, vector<1024x128xf32> -> vector<1024x128xf32>
    %add3A_26 = arith.addf %add3A_21, %dot_general3A_25 : vector<1024x128xf32>
    %get3A_27 = arith.constant 0 : index
    %get3A_28 = arith.constant 0 : index
    %get3A_29 = vector.load %arg8[%get3A_27, %get3A_28] : memref<1x128xf32, #tpu.memory_space<vmem>>, vector<1x128xf32>
    %add3A_30 = vector.broadcast %get3A_29 : vector<1x128xf32> to vector<1024x128xf32>
    %add3A_31 = arith.addf %add3A_26, %add3A_30 : vector<1024x128xf32>
    %max3A = arith.constant 0.000000e+00 : f32
    %max3A_32 = vector.broadcast %max3A : f32 to vector<1024x128xf32>
    %max3A_33 = arith.maximumf %add3A_31, %max3A_32 : vector<1024x128xf32>
    %get3A_34 = arith.constant 0 : index
    %get3A_35 = arith.constant 0 : index
    %get3A_36 = vector.load %arg9[%get3A_34, %get3A_35] : memref<128x128xf32, #tpu.memory_space<vmem>>, vector<128x128xf32>
    %dot_general3A_37 = arith.constant dense<0.000000e+00> : vector<1024x128xf32>
    %dot_general3A_38 = tpu.matmul %max3A_33, %get3A_36, %dot_general3A_37 {dimension_numbers = #tpu.dot_dimension_numbers<[1], [0], [0], [1], [0, 0, 1, 1], [], []>, precision = #tpu.contract_precision<fp32>, transpose_lhs_hint = false} : vector<1024x128xf32>, vector<128x128xf32>, vector<1024x128xf32> -> vector<1024x128xf32>
    %swap3A = arith.constant 0 : index
    %swap3A_39 = arith.constant 0 : index
    %swap3A_40 = vector.load %arg11[%swap3A, %swap3A_39] : memref<1024x128xf32, #tpu.memory_space<vmem>>, vector<1024x128xf32>
    tpu.vector_store %arg11[%swap3A, %swap3A_39], %dot_general3A_38 {strides = array<i32>} : memref<1024x128xf32, #tpu.memory_space<vmem>>, vector<1024x128xf32>,
    %get3A_41 = arith.constant 0 : index
    %get3A_42 = arith.constant 0 : index
    %get3A_43 = vector.load %arg10[%get3A_41, %get3A_42] : memref<128x128xf32, #tpu.memory_space<vmem>>, vector<128x128xf32>
    %dot_general3A_44 = arith.constant dense<0.000000e+00> : vector<1024x128xf32>
    %dot_general3A_45 = tpu.matmul %max3A_33, %get3A_43, %dot_general3A_44 {dimension_numbers = #tpu.dot_dimension_numbers<[1], [0], [0], [1], [0, 0, 1, 1], [], []>, precision = #tpu.contract_precision<fp32>, transpose_lhs_hint = false} : vector<1024x128xf32>, vector<128x128xf32>, vector<1024x128xf32> -> vector<1024x128xf32>
    %swap3A_46 = arith.constant 0 : index
    %swap3A_47 = arith.constant 0 : index
    %swap3A_48 = vector.load %arg12[%swap3A_46, %swap3A_47] : memref<1024x128xf32, #tpu.memory_space<vmem>>, vector<1024x128xf32>
    tpu.vector_store %arg12[%swap3A_46, %swap3A_47], %dot_general3A_45 {strides = array<i32>} : memref<1024x128xf32, #tpu.memory_space<vmem>>, vector<1024x128xf32>,
    return
  }
  func.func @transform_0(%arg0: i32) -> (i32, i32) {
    %c0_i32 = arith.constant 0 : i32
    %c0_i32_0 = arith.constant 0 : i32
    return %arg0, %c0_i32 : i32, i32
  }
  func.func @transform_1(%arg0: i32) -> (i32, i32) {
    %c0_i32 = arith.constant 0 : i32
    %c0_i32_0 = arith.constant 0 : i32
    return %arg0, %c0_i32 : i32, i32
  }
  func.func @transform_2(%arg0: i32) -> (i32, i32) {
    %c0_i32 = arith.constant 0 : i32
    %c0_i32_0 = arith.constant 0 : i32
    return %arg0, %c0_i32 : i32, i32
  }
  func.func @transform_3(%arg0: i32) -> (i32, i32) {
    %c0_i32 = arith.constant 0 : i32
    %c0_i32_0 = arith.constant 0 : i32
    return %arg0, %c0_i32 : i32, i32
  }
  func.func @transform_4(%arg0: i32) -> (i32, i32) {
    %c0_i32 = arith.constant 0 : i32
    %c0_i32_0 = arith.constant 0 : i32
    return %arg0, %c0_i32 : i32, i32
  }
  func.func @transform_5(%arg0: i32) -> (i32, i32) {
    %c0_i32 = arith.constant 0 : i32
    %c0_i32_0 = arith.constant 0 : i32
    return %arg0, %c0_i32 : i32, i32
  }
  func.func @transform_6(%arg0: i32) -> (i32, i32) {
    %c0_i32 = arith.constant 0 : i32
    %c0_i32_0 = arith.constant 0 : i32
    %c0_i32_1 = arith.constant 0 : i32
    return %c0_i32, %c0_i32_0 : i32, i32
  }
  func.func @transform_7(%arg0: i32) -> (i32, i32) {
    %c0_i32 = arith.constant 0 : i32
    %c0_i32_0 = arith.constant 0 : i32
    %c0_i32_1 = arith.constant 0 : i32
    return %c0_i32, %c0_i32_0 : i32, i32
  }
  func.func @transform_8(%arg0: i32) -> (i32, i32) {
    %c0_i32 = arith.constant 0 : i32
    %c0_i32_0 = arith.constant 0 : i32
    %c0_i32_1 = arith.constant 0 : i32
    return %c0_i32, %c0_i32_0 : i32, i32
  }
  func.func @transform_9(%arg0: i32) -> (i32, i32) {
    %c0_i32 = arith.constant 0 : i32
    %c0_i32_0 = arith.constant 0 : i32
    %c0_i32_1 = arith.constant 0 : i32
    return %c0_i32, %c0_i32_0 : i32, i32
  }
  func.func @transform_10(%arg0: i32) -> (i32, i32) {
    %c0_i32 = arith.constant 0 : i32
    %c0_i32_0 = arith.constant 0 : i32
    return %arg0, %c0_i32 : i32, i32
  }
  func.func @transform_11(%arg0: i32) -> (i32, i32) {
    %c0_i32 = arith.constant 0 : i32
    %c0_i32_0 = arith.constant 0 : i32
    return %arg0, %c0_i32 : i32, i32
  }
}

module attributes {stable_mosaic.version = 14 : i64} {
  func.func @_final_body(%arg0: i32, %arg1: memref<1024x128xf32, #tpu.memory_space<vmem>>, %arg2: memref<1024x128xf32, #tpu.memory_space<vmem>>, %arg3: memref<1024x128xf32, #tpu.memory_space<vmem>>, %arg4: memref<1024x128xf32, #tpu.memory_space<vmem>>, %arg5: memref<128x128xf32, #tpu.memory_space<vmem>>, %arg6: memref<1x128xf32, #tpu.memory_space<vmem>>, %arg7: memref<1024x128xf32, #tpu.memory_space<vmem>>) attributes {dimension_semantics = [#tpu.dimension_semantics<arbitrary>], iteration_bounds = array<i64: 10>, scalar_prefetch = 0 : i64, scratch_operands = 0 : i64, tpu.core_type = #tpu.core_type<tc>, window_params = [{transform_indices = @transform_0, window_bounds = array<i64: 1024, 128>}, {transform_indices = @transform_1, window_bounds = array<i64: 1024, 128>}, {transform_indices = @transform_2, window_bounds = array<i64: 1024, 128>}, {transform_indices = @transform_3, window_bounds = array<i64: 1024, 128>}, {pipeline_mode = #tpu.pipeline_mode<synchronous>, transform_indices = @transform_4, window_bounds = array<i64: 128, 128>}, {pipeline_mode = #tpu.pipeline_mode<synchronous>, transform_indices = @transform_5, window_bounds = array<i64: 1, 128>}, {transform_indices = @transform_6, window_bounds = array<i64: 1024, 128>}]} {
    %get3A = arith.constant 0 : index
    %get3A_0 = arith.constant 0 : index
    %get3A_1 = vector.load %arg3[%get3A, %get3A_0] : memref<1024x128xf32, #tpu.memory_space<vmem>>, vector<1024x128xf32>
    %get3A_2 = arith.constant 0 : index
    %get3A_3 = arith.constant 0 : index
    %get3A_4 = vector.load %arg4[%get3A_2, %get3A_3] : memref<1024x128xf32, #tpu.memory_space<vmem>>, vector<1024x128xf32>
    %add3A = arith.addf %get3A_1, %get3A_4 : vector<1024x128xf32>
    %slice3A = vector.extract_strided_slice %add3A {offsets = [0, 0], sizes = [1024, 1], strides = [1, 1]} : vector<1024x128xf32> to vector<1024x1xf32>
    %get3A_5 = arith.constant 0 : index
    %get3A_6 = arith.constant 0 : index
    %get3A_7 = vector.load %arg1[%get3A_5, %get3A_6] : memref<1024x128xf32, #tpu.memory_space<vmem>>, vector<1024x128xf32>
    %get3A_8 = arith.constant 0 : index
    %get3A_9 = arith.constant 0 : index
    %get3A_10 = vector.load %arg2[%get3A_8, %get3A_9] : memref<1024x128xf32, #tpu.memory_space<vmem>>, vector<1024x128xf32>
    %add3A_11 = arith.addf %get3A_7, %get3A_10 : vector<1024x128xf32>
    %get3A_12 = arith.constant 0 : index
    %get3A_13 = arith.constant 0 : index
    %get3A_14 = vector.load %arg5[%get3A_12, %get3A_13] : memref<128x128xf32, #tpu.memory_space<vmem>>, vector<128x128xf32>
    %dot_general3A = arith.constant dense<0.000000e+00> : vector<1024x128xf32>
    %dot_general3A_15 = tpu.matmul %add3A_11, %get3A_14, %dot_general3A {dimension_numbers = #tpu.dot_dimension_numbers<[1], [0], [0], [1], [0, 0, 1, 1], [], []>, precision = #tpu.contract_precision<fp32>, transpose_lhs_hint = false} : vector<1024x128xf32>, vector<128x128xf32>, vector<1024x128xf32> -> vector<1024x128xf32>
    %get3A_16 = arith.constant 0 : index
    %get3A_17 = arith.constant 0 : index
    %get3A_18 = vector.load %arg6[%get3A_16, %get3A_17] : memref<1x128xf32, #tpu.memory_space<vmem>>, vector<1x128xf32>
    %mul3A = vector.broadcast %slice3A : vector<1024x1xf32> to vector<1024x128xf32>
    %mul3A_19 = vector.broadcast %get3A_18 : vector<1x128xf32> to vector<1024x128xf32>
    %mul3A_20 = arith.mulf %mul3A, %mul3A_19 : vector<1024x128xf32>
    %add3A_21 = arith.addf %dot_general3A_15, %mul3A_20 : vector<1024x128xf32>
    %swap3A = arith.constant 0 : index
    %swap3A_22 = arith.constant 0 : index
    %swap3A_23 = vector.load %arg7[%swap3A, %swap3A_22] : memref<1024x128xf32, #tpu.memory_space<vmem>>, vector<1024x128xf32>
    tpu.vector_store %arg7[%swap3A, %swap3A_22], %add3A_21 {strides = array<i32>} : memref<1024x128xf32, #tpu.memory_space<vmem>>, vector<1024x128xf32>,
    return
  }
  func.func @transform_0(%arg0: i32) -> (i32, i32) {
    %c0_i32 = arith.constant 0 : i32
    %c0_i32_0 = arith.constant 0 : i32
    return %arg0, %c0_i32 : i32, i32
  }
  func.func @transform_1(%arg0: i32) -> (i32, i32) {
    %c0_i32 = arith.constant 0 : i32
    %c0_i32_0 = arith.constant 0 : i32
    return %arg0, %c0_i32 : i32, i32
  }
  func.func @transform_2(%arg0: i32) -> (i32, i32) {
    %c0_i32 = arith.constant 0 : i32
    %c0_i32_0 = arith.constant 0 : i32
    return %arg0, %c0_i32 : i32, i32
  }
  func.func @transform_3(%arg0: i32) -> (i32, i32) {
    %c0_i32 = arith.constant 0 : i32
    %c0_i32_0 = arith.constant 0 : i32
    return %arg0, %c0_i32 : i32, i32
  }
  func.func @transform_4(%arg0: i32) -> (i32, i32) {
    %c0_i32 = arith.constant 0 : i32
    %c0_i32_0 = arith.constant 0 : i32
    %c0_i32_1 = arith.constant 0 : i32
    return %c0_i32, %c0_i32_0 : i32, i32
  }
  func.func @transform_5(%arg0: i32) -> (i32, i32) {
    %c0_i32 = arith.constant 0 : i32
    %c0_i32_0 = arith.constant 0 : i32
    %c0_i32_1 = arith.constant 0 : i32
    return %c0_i32, %c0_i32_0 : i32, i32
  }
  func.func @transform_6(%arg0: i32) -> (i32, i32) {
    %c0_i32 = arith.constant 0 : i32
    %c0_i32_0 = arith.constant 0 : i32
    return %arg0, %c0_i32 : i32, i32
  }
}

</mosaic_0001>

<sc_bundles>
// kernel: closed_call.20.cloned.1.call-start
scs
__scs_entry_jumppad:
0x0: {  	(pc) =	sbr.rel $0x88, $3  }
0x1: {  	(tag) =	ssettag $0x0;
	lr =	simm.s32 $0x1  }
0x2: {  	[smem:$0x3F8A] =	sst lr;
	_ =	strace $0xD0000000  }
0x3: {  	_ = 	snop  }
0x4: {  	_ = 	snop  }
0x5: {  	_ = 	snop  }
0x6: {  	_ = 	snop  }
0x7: {  	_ = 	snop  }
__scs_overlays_trampoline_lowered:
0x8: {  	[smem:$0x3F99] =	sst s0  }
0x9: {  	[smem:$0x3F9A] =	sst s1  }
0xa: {  	[smem:$0x3F9B] =	sst s2  }
0xb: {  	[smem:$0x3F9C] =	sst s3  }
0xc: {  	[smem:$0x3F9D] =	sst s4  }
0xd: {  	[smem:$0x3F9E] =	sst s5  }
0xe: {  	[smem:$0x3F9F] =	sst s6  }
0xf: {  	[smem:$0x3FA0] =	sst s7  }
0x10: {  	[smem:$0x3FA1] =	sst s8  }
0x11: {  	[smem:$0x3FA2] =	sst s9;
	s0 =	simm.s32 @!p0 $0x0  }
0x12: {  	s1 =	sld [smem:$0x3F88];
	s0 =	simm.s32 @p0 $0x1  }
0x13: {  	[smem:$0x3FA3] =	sst s0;
	s0 =	simm.s32 @!p1 $0x0  }
0x14: {  	s2 =	sld [smem:$0x3F87];
	s0 =	simm.s32 @p1 $0x1  }
0x15: {  	[smem:$0x3FA4] =	sst s0;
	s0 =	simm.s32 @!p2 $0x0  }
0x16: {  	s3 =	sld [smem:$0x3FDB];
	s0 =	simm.s32 @p2 $0x1  }
0x17: {  	s4 =	simm.s32 $0x1BF5;
	[smem:$0x3FA6] =	sst s0  }
0x18: {  	s0 =	sld [smem:$0x3F89];
	_ =	swait.ge [sflag:s4], $0x0  }
0x19: {  	s7 =	sld [smem:$0x3F8A]  }
0x1a: {  	s8 =	sadd.s32 $0xFFFFE003, lr  }
0x1b: {  	s9 =	sadd.s32 $0xFFFFFEF7, lr;
	s5 =	simm.s32 $0xFFFFFFFF;
	p2 =	slt.u32 s8, $0xFFFFF086  }
0x1c: {  	p1 =	slt.u32 s9, $0xF7A;
	s5 =	simm.s32 @!p2 $0x0  }
0x1d: {  	s5 =	simm.s32 @p1 $0x1;
	p0 =	seq.s32 s7, s2  }
0x1e: {  	s7 =	smul.u32 @!p0 $0xF7A, s2;
	p2 =	seq.s32 @!p0 s5, $0x0  }
0x1f: {  	s9 =	smul.u32 $0xF7A, s1;
	s8 =	simm.s32 @!p0 $0x1BF5;
	p2 =	por !p2, p0  }
0x20: {  	[sflag:s8] =	ssyncset.s32 @!p0 $0xFFFFF086;
	s6 =	sadd.s32 @!p0 s3, s7;
	s7 =	simm.s32 @!p0 $0x108  }
0x21: {  	s3 =	sadd.s32 s3, s9;
	s6 =	sadd.s32 @!p0 $0x88, s6;
	s7 =	simm.s32 @p2 $0x1082  }
0x22: {  	[simem:s7], [sflag:s8] =	dma.local @!p0 [hbm:s6], $0xF7A  }
0x23: {  	s9 =	sor.u32 $0xD0000000, s2;
	s6 =	simm.s32 $0x108;
	_ =	swait.ge @!p0 [sflag:s8], $0x0  }
0x24: {  	s3 =	sadd.s32 $0x88, s3;
	s6 =	simm.s32 @!p1 $0x1082;
	[sflag:s4] =	ssyncset.s32 $0xFFFFF086  }
0x25: {  	[simem:s6], [sflag:s4] =	dma.local [hbm:s3], $0xF7A  }
0x26: {  	[smem:$0x3F8A] =	sst s1;
	(tag) =	ssettag s2;
	_ =	strace s9  }
0x27: {  	s1 =	sld [smem:$0x3F9A]  }
0x28: {  	s2 =	sld [smem:$0x3F9B]  }
0x29: {  	s4 =	sld [smem:$0x3F9D]  }
0x2a: {  	p0 =	seq.s32 s5, $0x0;
	s5 =	sld [smem:$0x3F9E]  }
0x2b: {  	s6 =	sld [smem:$0x3F9F]  }
0x2c: {  	s7 =	sld [smem:$0x3FA0]  }
0x2d: {  	s3 =	simm.s32 $0x108;
	s8 =	sld [smem:$0x3FA1]  }
0x2e: {  	s3 =	simm.s32 @!p0 $0x1082;
	s9 =	sld [smem:$0x3FA2]  }
0x2f: {  	lr =	sadd.s32 s0, s3;
	s0 =	sld [smem:$0x3F99]  }
0x30: {  	s3 =	sld [smem:$0x3F9C]  }
0x31: {  	[smem:$0x3FA5] =	sst s10  }
0x32: {  	s10 =	sld [smem:$0x3FA3];
	_ =	sdelay $0x3  }
0x33: {  	p0 =	seq.s32 s10, $0x1;
	s10 =	sld [smem:$0x3FA5];
	_ =	sdelay $0x3  }
0x34: {  	[smem:$0x3FA5] =	sst s10  }
0x35: {  	s10 =	sld [smem:$0x3FA4];
	_ =	sdelay $0x3  }
0x36: {  	p1 =	seq.s32 s10, $0x1;
	s10 =	sld [smem:$0x3FA5];
	_ =	sdelay $0x3  }
0x37: {  	[smem:$0x3FA5] =	sst s10  }
0x38: {  	s10 =	sld [smem:$0x3FA6]  }
0x39: {  	_ = 	snop;
	(pc) =	sbr.ind lr, $3  }
0x3a: {  	_ = 	snop  }
0x3b: {  	_ = 	snop  }
0x3c: {  	p2 =	seq.s32 s10, $0x1;
	s10 =	sld [smem:$0x3FA5]  }
0x3d: {  	_ =	shalt  }
0x3e: {  	_ =	shalt  }
0x3f: {  	_ =	shalt  }
0x40: {  	_ =	shalt  }
0x41: {  	_ =	shalt  }
0x42: {  	_ =	shalt  }
0x43: {  	_ =	shalt  }
0x44: {  	_ =	shalt  }
0x45: {  	_ =	shalt  }
0x46: {  	_ =	shalt  }
0x47: {  	_ =	shalt  }
0x48: {  	_ =	shalt  }
0x49: {  	_ =	shalt  }
0x4a: {  	_ =	shalt  }
0x4b: {  	_ =	shalt  }
0x4c: {  	_ =	shalt  }
0x4d: {  	_ =	shalt  }
0x4e: {  	_ =	shalt  }
0x4f: {  	_ =	shalt  }
0x50: {  	_ =	shalt  }
0x51: {  	_ =	shalt  }
0x52: {  	_ =	shalt  }
0x53: {  	_ =	shalt  }
0x54: {  	_ =	shalt  }
0x55: {  	_ =	shalt  }
0x56: {  	_ =	shalt  }
0x57: {  	_ =	shalt  }
0x58: {  	_ =	shalt  }
0x59: {  	_ =	shalt  }
0x5a: {  	_ =	shalt  }
0x5b: {  	_ =	shalt  }
0x5c: {  	_ =	shalt  }
0x5d: {  	_ =	shalt  }
0x5e: {  	_ =	shalt  }
0x5f: {  	_ =	shalt  }
0x60: {  	_ =	shalt  }
0x61: {  	_ =	shalt  }
0x62: {  	_ =	shalt  }
0x63: {  	_ =	shalt  }
0x64: {  	_ =	shalt  }
0x65: {  	_ =	shalt  }
0x66: {  	_ =	shalt  }
0x67: {  	_ =	shalt  }
0x68: {  	_ =	shalt  }
0x69: {  	_ =	shalt  }
0x6a: {  	_ =	shalt  }
0x6b: {  	_ =	shalt  }
0x6c: {  	_ =	shalt  }
0x6d: {  	_ =	shalt  }
0x6e: {  	_ =	shalt  }
0x6f: {  	_ =	shalt  }
0x70: {  	_ =	shalt  }
0x71: {  	_ =	shalt  }
0x72: {  	_ =	shalt  }
0x73: {  	_ =	shalt  }
0x74: {  	_ =	shalt  }
0x75: {  	_ =	shalt  }
0x76: {  	_ =	shalt  }
0x77: {  	_ =	shalt  }
0x78: {  	_ =	shalt  }
0x79: {  	_ =	shalt  }
0x7a: {  	_ =	shalt  }
0x7b: {  	_ =	shalt  }
0x7c: {  	_ =	shalt  }
0x7d: {  	_ =	shalt  }
0x7e: {  	_ =	shalt  }
0x7f: {  	_ =	shalt  }
0x80: {  	_ =	shalt  }
0x81: {  	_ =	shalt  }
0x82: {  	_ =	shalt  }
0x83: {  	_ =	shalt  }
0x84: {  	_ =	shalt  }
0x85: {  	_ =	shalt  }
0x86: {  	_ =	shalt  }
0x87: {  	_ =	shalt  }
.Lfunc_end0:
.L_simem_size_0:
called_computation_lowered:
.L_overlay_start_0:
0x88: {  	s2 =	sld [smem:$0x3FD9]  }
0x89: {  	s3 =	sld [smem:$0x3FFE];
	_ =	sdelay $0x1  }
0x8a: {  	s1 =	srdreg.scid  }
0x8b: {  	s0 =	sand.u32 $0x1, s1  }
0x8c: {  	s16 =	sshll.u32 s0, $0xA;
	s2 =	sadd.s32 s3, s2  }
0x8d: {  	s2 =	sadd.s32 s2, s16  }
0x8e: {  	[smem:$0x3FB1] =	sst s2  }
0x8f: {  	_ = 	snop  }
0x90: {  	(tm) =	ssettm $0x1  }
0x91: {  	s17 =	sld [smem:$0x3FFB];
	_ =	sdelay $0x3  }
0x92: {  	_ =	strace s17  }
0x93: {  	s2 =	sld [smem:$0x3FFC];
	_ =	sdelay $0x3  }
0x94: {  	_ =	strace s2  }
0x95: {  	s2 =	sld [smem:$0x3FFD];
	_ =	sdelay $0x3  }
0x96: {  	_ =	strace s2  }
0x97: {  	_ =	strace $0x8FFFFFFF  }
0x98: {  	s18 =	sld [smem:$0x3FDB];
	_ =	sdelay $0x1  }
0x99: {  	s19 =	simm.s32 $_scs_section_size  }
0x9a: {  	s4 =	simm.s32 $_size__tile_overlayer_lowered;
	s5 =	simm.s32 $_tile_overlayer_lowered  }
0x9b: {  	s22 =	simm.s32 $0x1BFF;
	s21 =	sshll.u32 s5, $0x1;
	s2 =	sadd.s32 s19, s18  }
0x9c: {  	s6 =	simm.s32 $0x0;
	s20 =	sshll.u32 s4, $0x1;
	s4 =	sadd.s32 s21, s2  }
0x9d: {  	[timem:s6], [sflag:s22] =	dma.local [hbm:s4], s20  }
0x9e: {  	_ =	swait.ge [sflag:s22], s20  }
0x9f: {  	s3 =	ssub.s32 $0x0, s20;
	[sflag:s22] =	ssyncset.done $0x0  }
0xa0: {  	[sflag:s22] =	ssyncadd.s32 s3;
	_ =	sdelay $0x1  }
0xa1: {  	s23 =	simm.s32 $0x1B8B  }
0xa2: {  	_ =	swait.ge [sflag:s23], $0x1  }
0xa3: {  	[sflag:s23] =	ssyncset.done $0x0  }
0xa4: {  	s25 =	simm.s32 $0x1B8E;
	s24 =	sld [smem:$0x3FFE];
	[sflag:s23] =	ssyncadd.s32 $0xFFFFFFFF  }
0xa5: {  	s26 =	simm.s32 $execute0_lowered;
	[smem:$0x3FD2] =	sst s25  }
0xa6: {  	s4 =	sshll.u32 s26, $0x1;
	_ =	strace $0x80000046;
	[dreg:$0x1] =	wrdreg $0xFFFFFFFF  }
0xa7: {  	s28 =	simm.s32 $_size_execute0_lowered;
	s2 =	sadd.s32 s2, s4;
	[dreg:$0x0] =	wrdreg $0x0  }
0xa8: {  	s4 =	sshll.u32 s28, $0x1;
	[dreg:$0x2] =	wrdreg s2  }
0xa9: {  	[dreg:$0x3] =	wrdreg s4  }
0xaa: {  	[dreg:$0x4] =	wrdreg $0xC0  }
0xab: {  	_ =	task [dreg:s6], $0x5FFFF  }
0xac: {  	[dreg:$0x1] =	wrdreg $0xFFFFFFFF  }
0xad: {  	[dreg:$0x0] =	wrdreg $0x60  }
0xae: {  	[dreg:$0x2] =	wrdreg s24  }
0xaf: {  	[dreg:$0x3] =	wrdreg $0xAE800  }
0xb0: {  	[dreg:$0x4] =	wrdreg $0x9  }
0xb1: {  	_ =	task.clear_ibuf [dreg:s6], $0x5FFFF;
	_ =	strace $0x90000046  }
0xb2: {  	s29 =	simm.s32 $0x9;
	_ =	strace $0x80000048  }
0xb3: {  	_ =	swait.ge [sflag:s29], $0x1  }
0xb4: {  	[sflag:s29] =	ssyncadd.s32 $0xFFFFFFFF  }
0xb5: {  	_ =	strace $0x90000048  }
0xb6: {  	_ =	sfence  }
0xb7: {  	s30 =	sld [smem:$0x0];
	_ =	sdelay $0x2  }
0xb8: {  	s31 =	sshll.u32 s1, $0xD;
	s1 =	sshrl.u32 s1, $0x2  }
0xb9: {  	s3 =	sand.u32 $0x4000, s31;
	s1 =	sadd.s32 s1, s30  }
0xba: {  	s0 =	sor.u32 s3, s0;
	s1 =	sshll.u32 s1, $0x11  }
0xbb: {  	s0 =	sor.u32 s1, s0  }
0xbc: {  	s0 =	sadd.s32 $0x8F2B, s0  }
0xbd: {  	[sflag:s0] =	ssyncadd.remote.s32 $0x1  }
0xbe: {  	_ =	sfence.sel $0xFFFF  }
0xbf: {  	[dreg:$0x0] =	wrdreg $0xFFFFFFFF;
	(pc) =	sbr.abs _section_cstart, $3  }
0xc0: {  	[dreg:$0x1] =	wrdreg $0xFFFFFFFF  }
0xc1: {  	_ =	task.clear_ibuf [dreg:s6], $0x2FFFF;
	_ =	strace $0x9FFFFFFF  }
0xc2: {  	(tm) =	ssettm $0x7FFFFFFF  }
0xc3: {  	_ =	shalt  }
tec
execute0_lowered:
.L_overlay_start_1:
0x0: {  	(tag) =	ssettag $0x1  }
0x1: {  	s3 =	rddreg [dreg:$0x0]  }
0x2: {  	s1 =	rddreg [dreg:$0x1]  }
0x3: {  	s0 =	srdreg.scid;
	s2 =	simm.s32 $0x0;
	s22 =	stileid.u32  }
0x4: {  	s28 =	simm.s32 $0x500;
	s31 =	simm.s32 $0x2;
	s29 =	simm.s32 $0x700  }
0x5: {  	s0 =	sand.u32 $0x1, s0;
	[smem:$0x7FF] =	sst s2;
	s5 =	sadd.s32 $0x84E00, s3  }
0x6: {  	s17 =	sshll.u32 s22, $0x6;
	s18 =	ssub.s32 $0x2, s0;
	_ =	strace $0x80000047  }
0x7: {  	s6 =	smul.u32 $0x140000, s0;
	s7 =	sor.u32 $0x400, s17;
	s8 =	sor.u32 $0x800, s17  }
0x8: {  	s9 =	sor.u32 $0xC00, s17;
	s10 =	sor.u32 $0x1000, s17;
	s11 =	sor.u32 $0x1400, s17  }
0x9: {  	s12 =	sor.u32 $0x1800, s17;
	s13 =	smul.u32 $0x2800, s0;
	s14 =	sor.u32 $0x1C00, s17  }
0xa: {  	s21 =	sor.u32 $0x2000, s17;
	[dreg:$0x3] =	wrdreg s17;
	s4 =	sshrl.u32 s18, $0x1  }
0xb: {  	p0 =	seq.s32 s0, $0x0;
	s2 =	ssub.s32 s18, s4;
	s4 =	sshll.u32 s22, $0xD  }
0xc: {  	s19 =	sor.u32 s13, s7;
	s15 =	sadd.s32 s13, s8;
	s16 =	sadd.s32 s13, s9  }
0xd: {  	s24 =	sadd.s32 s13, s10;
	s25 =	sadd.s32 s13, s11;
	s26 =	sadd.s32 s13, s12  }
0xe: {  	s18 =	sadd.s32 s13, s14;
	s9 =	sshll.u32 s9, $0x7;
	s10 =	sshll.u32 s10, $0x7  }
0xf: {  	s6 =	sor.u32 s6, s4;
	s15 =	sshll.u32 s15, $0x4;
	s16 =	sshll.u32 s16, $0x4  }
0x10: {  	s30 =	sadd.s32 s4, s1;
	s4 =	sshll.u32 s7, $0x7;
	s6 =	sshrl.u32 s6, $0x3  }
0x11: {  	s20 =	sadd.s32 s5, s15;
	s23 =	sadd.s32 s5, s16;
	[dreg:$0x13] =	wrdreg s30  }
0x12: {  	s15 =	sshll.u32 s25, $0x4;
	s16 =	sshll.u32 s26, $0x4;
	[dreg:$0x6] =	wrdreg s20  }
0x13: {  	s25 =	sadd.s32 $0xCA00, s3;
	s26 =	sadd.s32 $0x175000, s3;
	[dreg:$0x7] =	wrdreg s23  }
0x14: {  	s6 =	sadd.s32 s5, s6;
	s15 =	sadd.s32 s5, s15;
	[dreg:$0x10] =	wrdreg s25  }
0x15: {  	s16 =	sadd.s32 s5, s16;
	s23 =	sadd.s32 $0x1D9400, s3;
	[dreg:$0x11] =	wrdreg s26  }
0x16: {  	s25 =	sshll.u32 s14, $0x7;
	s26 =	sshll.u32 s21, $0x7;
	[dreg:$0x4] =	wrdreg s6  }
0x17: {  	s14 =	simm.s32 $0x800;
	s6 =	sshll.u32 s19, $0x4;
	[dreg:$0x9] =	wrdreg s15  }
0x18: {  	[dreg:$0xa] =	wrdreg s16;
	s19 =	sadd.s32 s13, s21;
	s15 =	sshll.u32 s18, $0x4  }
0x19: {  	[dreg:$0xe] =	wrdreg s23;
	s21 =	simm.s32 $0x40;
	s6 =	sadd.s32 s5, s6  }
0x1a: {  	s16 =	sshll.u32 s19, $0x4;
	s15 =	sadd.s32 s5, s15;
	[dreg:$0x5] =	wrdreg s6  }
0x1b: {  	s19 =	sadd.s32 $0x566E00, s3;
	s6 =	sshll.u32 s24, $0x4;
	[dreg:$0xb] =	wrdreg s15  }
0x1c: {  	s20 =	sadd.s32 s5, s16;
	s15 =	sadd.s32 $0x175200, s3;
	s16 =	sadd.s32 $0x1B1200, s3  }
0x1d: {  	s24 =	sadd.s32 $0x1D9600, s3;
	s6 =	sadd.s32 s5, s6;
	[dreg:$0xc] =	wrdreg s20  }
0x1e: {  	s20 =	sadd.s32 $0x19D200, s3;
	[dreg:$0x8] =	wrdreg s6;
	s6 =	sor.u32 $0x2400, s17  }
0x1f: {  	[dreg:$0xf] =	wrdreg s24;
	s24 =	sshll.u32 s12, $0x7;
	s13 =	sadd.s32 s13, s6  }
0x20: {  	s12 =	simm.s32 $0x1;
	s17 =	sadd.s32 $0x5CC00, s3;
	s13 =	sshll.u32 s13, $0x4  }
0x21: {  	s6 =	sshll.u32 s6, $0x7;
	s5 =	sadd.s32 s5, s13;
	s13 =	sshll.u32 s11, $0x7  }
0x22: {  	s11 =	simm.s32 $0x6E80;
	[dreg:$0xd] =	wrdreg s5;
	s5 =	sadd.s32 $0x70C00, s3  }
0x23: {  	s3 =	sadd.s32 $0x1D9200, s3;
	s23 =	sadd.s32 s13, s1;
	s13 =	simm.s32 $0x400  }
0x24: {  	s18 =	smov.u32 s5;
	[dreg:$0x12] =	wrdreg s3;
	s3 =	sadd.s32 s9, s1  }
0x25: {  	[dreg:$0x18] =	wrdreg s23;
	s9 =	smul.u32 $0xA000, s22;
	s22 =	simm.s32 $0xE80  }
0x26: {  	s23 =	simm.s32 $0x2E80;
	s18 =	smov.u32 @p0 s17;
	s17 =	smov.u32 @p0 s5  }
0x27: {  	s5 =	sshll.u32 s8, $0x7;
	[dreg:$0x16] =	wrdreg s3;
	s3 =	sadd.s32 s10, s1  }
0x28: {  	s8 =	sadd.s32 s4, s1;
	s10 =	simm.s32 $0x680;
	[dreg:$0x17] =	wrdreg s3  }
0x29: {  	s7 =	sadd.s32 s5, s1;
	s3 =	sadd.s32 s24, s1;
	[dreg:$0x14] =	wrdreg s8  }
0x2a: {  	s5 =	sadd.s32 s26, s1;
	s26 =	smax.u32 s2, $0x1;
	[dreg:$0x15] =	wrdreg s7  }
0x2b: {  	s24 =	simm.s32 $0x4E80;
	s2 =	simm.s32 $0x0;
	[dreg:$0x19] =	wrdreg s3  }
0x2c: {  	s3 =	sadd.s32 s25, s1;
	[dreg:$0x1b] =	wrdreg s5;
	s7 =	sxor.u32 $0x1, s0  }
0x2d: {  	[dreg:$0x1d] =	wrdreg s26;
	s25 =	simm.s32 $0x480;
	s26 =	simm.s32 $0x8E80  }
0x2e: {  	s0 =	simm.s32 $0x580;
	[dreg:$0x1a] =	wrdreg s3;
	s3 =	sadd.s32 s6, s1  }
0x2f: {  	v1 =	vimm.f32 $0.0e+00;
	s5 =	simm.s32 $0x780;
	s6 =	simm.s32 $0x600;
	v0 =	vmov s7;
	[dreg:$0x1c] =	wrdreg s3  }
.LBB2_1:
0x30: {  	s3 =	simm.s32 $0x0;
	s4 =	rddreg [dreg:$0x10];
	s7 =	simm.s32 $0xC00  }
0x31: {  	[tilespmem:s7], [sflag:$0x3] =	stream.linear.gather [hbm4b:s4+s3], $0x80, $0x38;
	[tilespmem:$0x1EE80] =	vst v63  }
0x32: {  	[dreg:$0x1e] =	wrdreg s2;
	s7 =	simm.s32 $0x3  }
0x33: {  	_ =	swait.ge [sflag:s7], $0x80  }
0x34: {  	[sflag:s7] =	ssyncset.done $0x0  }
0x35: {  	s2 =	simm.s32 $0xC80;
	s4 =	rddreg [dreg:$0xe];
	[sflag:s7] =	ssyncadd.s32 $0xFFFFFF80  }
0x36: {  	[tilespmem:s2], [sflag:$0x3] =	stream.linear.gather [hbm4b:s4+s3], $0x80, $0x38;
	[tilespmem:$0x1EE80] =	vst v63  }
0x37: {  	_ =	swait.ge [sflag:s7], $0x80  }
0x38: {  	[sflag:s7] =	ssyncset.done $0x0  }
0x39: {  	s2 =	simm.s32 $0xD00;
	s4 =	rddreg [dreg:$0xf];
	[sflag:s7] =	ssyncadd.s32 $0xFFFFFF80  }
0x3a: {  	[tilespmem:s2], [sflag:$0x3] =	stream.linear.gather [hbm4b:s4+s3], $0x80, $0x38;
	[tilespmem:$0x1EE80] =	vst v63  }
0x3b: {  	_ =	swait.ge [sflag:s7], $0x80  }
0x3c: {  	[sflag:s7] =	ssyncset.done $0x0  }
0x3d: {  	s2 =	simm.s32 $0xD80;
	s4 =	rddreg [dreg:$0x11];
	[sflag:s7] =	ssyncadd.s32 $0xFFFFFF80  }
0x3e: {  	[tilespmem:s2], [sflag:$0x3] =	stream.linear.gather [hbm4b:s4+s3], $0x80, $0x38;
	[tilespmem:$0x1EE80] =	vst v63  }
0x3f: {  	_ =	swait.ge [sflag:s7], $0x80  }
0x40: {  	[sflag:s7] =	ssyncset.done $0x0  }
0x41: {  	s2 =	simm.s32 $0xE00;
	s4 =	rddreg [dreg:$0x12];
	[sflag:s7] =	ssyncadd.s32 $0xFFFFFF80  }
0x42: {  	[tilespmem:s2], [sflag:$0x3] =	stream.linear.gather [hbm4b:s4+s3], $0x80, $0x38;
	[tilespmem:$0x1EE80] =	vst v63  }
0x43: {  	_ =	swait.ge [sflag:s7], $0x80  }
0x44: {  	[sflag:s7] =	ssyncset.done $0x0  }
0x45: {  	s3 =	simm.s32 $0x0;
	s4 =	simm.s32 $0x200;
	[sflag:s7] =	ssyncadd.s32 $0xFFFFFF80  }
.LBB2_2:
0x46: {  	p0 =	sne.s32 s4, $0x7E00;
	[tilespmem:s3+$0x6EF0] =	vst v1  }
0x47: {  	[tilespmem:s3+$0x6E80] =	vst v1  }
0x48: {  	[tilespmem:s3+$0x6E90] =	vst v1  }
.Ltmp0:
0x49: {  	[tilespmem:s3+$0x6EA0] =	vst v1;
	(pc) =	sbr.rel @p0 .LBB2_2-.Ltmp0, $4  }
0x4a: {  	[tilespmem:s3+$0x6EB0] =	vst v1  }
0x4b: {  	[tilespmem:s3+$0x6EC0] =	vst v1  }
0x4c: {  	[tilespmem:s3+$0x6ED0] =	vst v1  }
0x4d: {  	[tilespmem:s3+$0x6EE0] =	vst v1;
	s3 =	sshra.s32 s4, $0x2;
	s4 =	sadd.s32 $0x200, s4  }
0x4e: {  	[tilespmem:s3+$0x6EF0] =	vst v1  }
0x4f: {  	[tilespmem:s3+$0x6E80] =	vst v1  }
0x50: {  	[tilespmem:s3+$0x6E90] =	vst v1  }
0x51: {  	[tilespmem:s3+$0x6EA0] =	vst v1  }
0x52: {  	[tilespmem:s3+$0x6EB0] =	vst v1  }
0x53: {  	[tilespmem:s3+$0x6EC0] =	vst v1  }
0x54: {  	[tilespmem:s3+$0x6ED0] =	vst v1  }
0x55: {  	[tilespmem:s3+$0x6EE0] =	vst v1  }
0x56: {  	[spmem:s30] =	stream.linear.scatter [tilespmem:s11], [sflag:$0x1], $0x2000, $0x38;
	[tilespmem:$0x1EE80] =	vst v63  }
0x57: {  	_ = 	snop  }
0x58: {  	[spmem:s8] =	stream.linear.scatter [tilespmem:s11], [sflag:$0x1], $0x2000, $0x38;
	[tilespmem:$0x1EE80] =	vst v63  }
0x59: {  	s7 =	rddreg [dreg:$0x15]  }
0x5a: {  	[spmem:s7] =	stream.linear.scatter [tilespmem:s11], [sflag:$0x1], $0x2000, $0x38;
	[tilespmem:$0x1EE80] =	vst v63  }
0x5b: {  	s8 =	rddreg [dreg:$0x16]  }
0x5c: {  	[spmem:s8] =	stream.linear.scatter [tilespmem:s11], [sflag:$0x1], $0x2000, $0x38;
	[tilespmem:$0x1EE80] =	vst v63  }
0x5d: {  	s30 =	rddreg [dreg:$0x17]  }
0x5e: {  	[spmem:s30] =	stream.linear.scatter [tilespmem:s11], [sflag:$0x1], $0x2000, $0x38;
	[tilespmem:$0x1EE80] =	vst v63  }
0x5f: {  	s2 =	rddreg [dreg:$0x18]  }
0x60: {  	[spmem:s2] =	stream.linear.scatter [tilespmem:s11], [sflag:$0x1], $0x2000, $0x38;
	[tilespmem:$0x1EE80] =	vst v63  }
0x61: {  	s4 =	rddreg [dreg:$0x19]  }
0x62: {  	[spmem:s4] =	stream.linear.scatter [tilespmem:s11], [sflag:$0x1], $0x2000, $0x38;
	[tilespmem:$0x1EE80] =	vst v63  }
0x63: {  	s7 =	rddreg [dreg:$0x1a]  }
0x64: {  	[spmem:s7] =	stream.linear.scatter [tilespmem:s11], [sflag:$0x1], $0x2000, $0x38;
	[tilespmem:$0x1EE80] =	vst v63  }
0x65: {  	s8 =	rddreg [dreg:$0x1b]  }
0x66: {  	[spmem:s8] =	stream.linear.scatter [tilespmem:s11], [sflag:$0x1], $0x2000, $0x38;
	[tilespmem:$0x1EE80] =	vst v63  }
0x67: {  	s30 =	rddreg [dreg:$0x1c]  }
0x68: {  	[spmem:s30] =	stream.linear.scatter [tilespmem:s11], [sflag:$0x1], $0x2000, $0x38;
	[tilespmem:$0x1EE80] =	vst v63  }
0x69: {  	_ =	swait.ge [sflag:s12], $0x2000  }
0x6a: {  	[sflag:s12] =	ssyncset.done $0x0  }
0x6b: {  	[sflag:s12] =	ssyncadd.s32 $0xFFFFE000  }
0x6c: {  	_ =	swait.ge [sflag:s12], $0x2000  }
0x6d: {  	[sflag:s12] =	ssyncset.done $0x0  }
0x6e: {  	[sflag:s12] =	ssyncadd.s32 $0xFFFFE000  }
0x6f: {  	_ =	swait.ge [sflag:s12], $0x2000  }
0x70: {  	[sflag:s12] =	ssyncset.done $0x0  }
0x71: {  	[sflag:s12] =	ssyncadd.s32 $0xFFFFE000  }
0x72: {  	_ =	swait.ge [sflag:s12], $0x2000  }
0x73: {  	[sflag:s12] =	ssyncset.done $0x0  }
0x74: {  	[sflag:s12] =	ssyncadd.s32 $0xFFFFE000  }
0x75: {  	_ =	swait.ge [sflag:s12], $0x2000  }
0x76: {  	[sflag:s12] =	ssyncset.done $0x0  }
0x77: {  	[sflag:s12] =	ssyncadd.s32 $0xFFFFE000  }
0x78: {  	_ =	swait.ge [sflag:s12], $0x2000  }
0x79: {  	[sflag:s12] =	ssyncset.done $0x0  }
0x7a: {  	[sflag:s12] =	ssyncadd.s32 $0xFFFFE000  }
0x7b: {  	_ =	swait.ge [sflag:s12], $0x2000  }
0x7c: {  	[sflag:s12] =	ssyncset.done $0x0  }
0x7d: {  	[sflag:s12] =	ssyncadd.s32 $0xFFFFE000  }
0x7e: {  	_ =	swait.ge [sflag:s12], $0x2000  }
0x7f: {  	[sflag:s12] =	ssyncset.done $0x0  }
0x80: {  	[sflag:s12] =	ssyncadd.s32 $0xFFFFE000  }
0x81: {  	_ =	swait.ge [sflag:s12], $0x2000  }
0x82: {  	[sflag:s12] =	ssyncset.done $0x0  }
0x83: {  	[sflag:s12] =	ssyncadd.s32 $0xFFFFE000  }
0x84: {  	_ =	swait.ge [sflag:s12], $0x2000  }
0x85: {  	[sflag:s12] =	ssyncset.done $0x0  }
0x86: {  	[sflag:s12] =	ssyncadd.s32 $0xFFFFE000  }
0x87: {  	v3 =	vld [tilespmem:$0xC00];
	_ =	sdelay $0x1  }
0x88: {  	[bflag:$0x0] =	sbarrier.arrive $0xFFFF  }
0x89: {  	v4 =	vld [tilespmem:$0xD00]  }
0x8a: {  	v5 =	vld [tilespmem:$0xD80]  }
0x8b: {  	v7 =	vld [tilespmem:$0xE00];
	vm0 =	vgt.s32 v3, v0  }
0x8c: {  	v3 =	vsel vm0, v3, v0  }
0x8d: {  	v6 =	vsub.s32 $0x1, v3  }
0x8e: {  	s2 =	simm.s32 $0x80;
	s4 =	simm.s32 $0x0;
	s8 =	simm.s32 $0x0;
	v2 =	vld [tilespmem:$0xC80];
	v6 =	vmul.u32 $0x2710, v6  }
.LBB2_4:
0x8f: {  	s3 =	sshll.u32 s4, $0xA  }
0x90: {  	s3 =	sadd.s32 s9, s3  }
0x91: {  	s3 =	sshrl.u32 s3, $0x3  }
0x92: {  	s7 =	sadd.s32 s18, s3  }
0x93: {  	[tilespmem:s8], [sflag:$0x1] =	stream.linear.gather [hbm4b:s7+s8], $0x400, $0x38;
	[tilespmem:$0x1EE80] =	vst v63  }
0x94: {  	s7 =	sadd.s32 s17, s3  }
0x95: {  	[tilespmem:s13], [sflag:$0x1] =	stream.linear.gather [hbm4b:s7+s8], $0x400, $0x38;
	[tilespmem:$0x1EE80] =	vst v63  }
0x96: {  	s3 =	sadd.s32 s20, s3  }
0x97: {  	[tilespmem:s14], [sflag:$0x1] =	stream.linear.gather [hbm4b:s3+s8], $0x400, $0x38;
	[tilespmem:$0x1EE80] =	vst v63  }
0x98: {  	_ =	swait.ge [sflag:s12], $0x400  }
0x99: {  	[sflag:s12] =	ssyncset.done $0x0  }
0x9a: {  	[sflag:s12] =	ssyncadd.s32 $0xFFFFFC00  }
0x9b: {  	_ =	swait.ge [sflag:s12], $0x400  }
0x9c: {  	[sflag:s12] =	ssyncset.done $0x0  }
0x9d: {  	[sflag:s12] =	ssyncadd.s32 $0xFFFFFC00  }
0x9e: {  	_ =	swait.ge [sflag:s12], $0x400  }
0x9f: {  	[sflag:s12] =	ssyncset.done $0x0  }
0xa0: {  	[sflag:s12] =	ssyncadd.s32 $0xFFFFFC00  }
0xa1: {  	v8 =	vld [tilespmem:$0x400]  }
0xa2: {  	v9 =	vld [tilespmem:$0x410]  }
0xa3: {  	v10 =	vld [tilespmem:$0x420]  }
0xa4: {  	v11 =	vld [tilespmem:$0x430]  }
0xa5: {  	v12 =	vld [tilespmem:$0x480]  }
0xa6: {  	v13 =	vld [tilespmem:$0x490];
	v8 =	vmul.u32 v3, v8  }
0xa7: {  	v14 =	vld [tilespmem:$0x4A0];
	v9 =	vmul.u32 v3, v9  }
0xa8: {  	v15 =	vld [tilespmem:$0x4B0];
	v10 =	vmul.u32 v3, v10;
	v8 =	vadd.s32 v6, v8  }
0xa9: {  	[tilespmem:$0x400] =	vst v8;
	v8 =	vadd.s32 v6, v9;
	v9 =	vmul.u32 v3, v11;
	v11 =	vld [tilespmem:$0x500]  }
0xaa: {  	[tilespmem:$0x410] =	vst v8;
	v8 =	vadd.s32 v6, v10;
	v10 =	vmul.u32 v3, v12;
	v12 =	vld [tilespmem:$0x510]  }
0xab: {  	[tilespmem:$0x420] =	vst v8;
	v8 =	vadd.s32 v6, v9;
	v9 =	vmul.u32 v3, v13;
	v13 =	vld [tilespmem:$0x520]  }
0xac: {  	[tilespmem:$0x430] =	vst v8;
	v8 =	vadd.s32 v6, v10;
	v10 =	vmul.u32 v3, v14;
	v14 =	vld [tilespmem:$0x530]  }
0xad: {  	[tilespmem:$0x480] =	vst v8;
	v8 =	vadd.s32 v6, v9;
	v9 =	vmul.u32 v3, v15;
	v15 =	vld [tilespmem:$0x580]  }
0xae: {  	[tilespmem:$0x490] =	vst v8;
	v8 =	vadd.s32 v6, v10;
	v10 =	vmul.u32 v3, v11;
	v11 =	vld [tilespmem:$0x590]  }
0xaf: {  	[tilespmem:$0x4A0] =	vst v8;
	v8 =	vadd.s32 v6, v9;
	v9 =	vmul.u32 v3, v12;
	v12 =	vld [tilespmem:$0x5A0]  }
0xb0: {  	[tilespmem:$0x4B0] =	vst v8;
	v8 =	vadd.s32 v6, v10;
	v10 =	vmul.u32 v3, v13;
	v13 =	vld [tilespmem:$0x5B0]  }
0xb1: {  	[tilespmem:$0x500] =	vst v8;
	v8 =	vadd.s32 v6, v9;
	v9 =	vmul.u32 v3, v14;
	v14 =	vld [tilespmem:$0x600]  }
0xb2: {  	[tilespmem:$0x510] =	vst v8;
	v8 =	vadd.s32 v6, v10;
	v10 =	vmul.u32 v3, v15;
	v15 =	vld [tilespmem:$0x610]  }
0xb3: {  	[tilespmem:$0x520] =	vst v8;
	v8 =	vadd.s32 v6, v9;
	v9 =	vmul.u32 v3, v11;
	v11 =	vld [tilespmem:$0x620]  }
0xb4: {  	[tilespmem:$0x530] =	vst v8;
	v8 =	vadd.s32 v6, v10;
	v10 =	vmul.u32 v3, v12;
	v12 =	vld [tilespmem:$0x630]  }
0xb5: {  	[tilespmem:$0x580] =	vst v8;
	v8 =	vadd.s32 v6, v9;
	v9 =	vmul.u32 v3, v13;
	v13 =	vld [tilespmem:$0x680]  }
0xb6: {  	[tilespmem:$0x590] =	vst v8;
	v8 =	vadd.s32 v6, v10;
	v10 =	vmul.u32 v3, v14;
	v14 =	vld [tilespmem:$0x690]  }
0xb7: {  	[tilespmem:$0x5A0] =	vst v8;
	v8 =	vadd.s32 v6, v9;
	v9 =	vmul.u32 v3, v15;
	v15 =	vld [tilespmem:$0x6A0]  }
0xb8: {  	[tilespmem:$0x5B0] =	vst v8;
	v8 =	vadd.s32 v6, v10;
	v10 =	vmul.u32 v3, v11;
	v11 =	vld [tilespmem:$0x6B0]  }
0xb9: {  	[tilespmem:$0x600] =	vst v8;
	v8 =	vadd.s32 v6, v9;
	v9 =	vmul.u32 v3, v12;
	v12 =	vld [tilespmem:$0x700]  }
0xba: {  	[tilespmem:$0x610] =	vst v8;
	v8 =	vadd.s32 v6, v10;
	v10 =	vmul.u32 v3, v13;
	v13 =	vld [tilespmem:$0x710]  }
0xbb: {  	[tilespmem:$0x620] =	vst v8;
	v8 =	vadd.s32 v6, v9;
	v9 =	vmul.u32 v3, v14;
	v14 =	vld [tilespmem:$0x720]  }
0xbc: {  	[tilespmem:$0x630] =	vst v8;
	v8 =	vadd.s32 v6, v10;
	v10 =	vmul.u32 v3, v15;
	v15 =	vld [tilespmem:$0x730]  }
0xbd: {  	[tilespmem:$0x680] =	vst v8;
	v8 =	vadd.s32 v6, v9;
	v9 =	vmul.u32 v3, v11;
	v11 =	vld [tilespmem:$0x780]  }
0xbe: {  	[tilespmem:$0x690] =	vst v8;
	v8 =	vadd.s32 v6, v10;
	v10 =	vmul.u32 v3, v12;
	v12 =	vld [tilespmem:$0x790]  }
0xbf: {  	[tilespmem:$0x6A0] =	vst v8;
	v8 =	vadd.s32 v6, v9;
	v9 =	vmul.u32 v3, v13;
	v13 =	vld [tilespmem:$0x7A0]  }
0xc0: {  	[tilespmem:$0x6B0] =	vst v8;
	v8 =	vadd.s32 v6, v10;
	v10 =	vmul.u32 v3, v14;
	v14 =	vld [tilespmem:$0x7B0]  }
0xc1: {  	[tilespmem:$0x700] =	vst v8;
	v8 =	vadd.s32 v6, v9;
	v9 =	vmul.u32 v3, v15  }
0xc2: {  	[tilespmem:$0x710] =	vst v8;
	v8 =	vadd.s32 v6, v10;
	v10 =	vmul.u32 v3, v11  }
0xc3: {  	[tilespmem:$0x720] =	vst v8;
	v8 =	vadd.s32 v6, v9;
	v9 =	vmul.u32 v3, v12  }
0xc4: {  	[tilespmem:$0x730] =	vst v8;
	v8 =	vadd.s32 v6, v10;
	v10 =	vmul.u32 v3, v13  }
0xc5: {  	[tilespmem:$0x780] =	vst v8;
	v8 =	vadd.s32 v6, v9;
	v9 =	vmul.u32 v3, v14  }
0xc6: {  	[tilespmem:$0x790] =	vst v8;
	v8 =	vadd.s32 v6, v10  }
0xc7: {  	[tilespmem:$0x7A0] =	vst v8;
	v8 =	vadd.s32 v6, v9  }
0xc8: {  	[tilespmem:$0x7B0] =	vst v8  }
0xc9: {  	[tilespmem:s22], [sflag:$0x1] =	stream.indirect.gather [hbm4b:s15+s21], $0x80, s13, s21, $0xb8;
	[tilespmem:$0x1EE80] =	vst v63  }
0xca: {  	_ = 	snop  }
0xcb: {  	[tilespmem:s23], [sflag:$0x1] =	stream.indirect.gather [hbm4b:s16+s21], $0x80, s8, s21, $0xb8;
	[tilespmem:$0x1EE80] =	vst v63  }
0xcc: {  	_ = 	snop  }
0xcd: {  	[tilespmem:s24], [sflag:$0x1] =	stream.indirect.gather [hbm4b:s19+s21], $0x80, s14, s21, $0xb8;
	[tilespmem:$0x1EE80] =	vst v63  }
0xce: {  	_ =	swait.ge [sflag:s12], $0x2000  }
0xcf: {  	[sflag:s12] =	ssyncset.done $0x0  }
0xd0: {  	[sflag:s12] =	ssyncadd.s32 $0xFFFFE000  }
0xd1: {  	_ =	swait.ge [sflag:s12], $0x2000  }
0xd2: {  	[sflag:s12] =	ssyncset.done $0x0  }
0xd3: {  	[sflag:s12] =	ssyncadd.s32 $0xFFFFE000  }
0xd4: {  	_ =	swait.ge [sflag:s12], $0x2000  }
0xd5: {  	[sflag:s12] =	ssyncset.done $0x0  }
0xd6: {  	s30 =	simm.s32 $0x0;
	[sflag:s12] =	ssyncadd.s32 $0xFFFFE000  }
0xd7: {  	v8 =	vld [tilespmem:s30+$0xEF0]  }
0xd8: {  	v9 =	vld [tilespmem:s30+$0x2EF0]  }
0xd9: {  	v10 =	vld [tilespmem:s30+$0x4EF0]  }
0xda: {  	v11 =	vld [tilespmem:s30+$0xE80]  }
0xdb: {  	v12 =	vld [tilespmem:s30+$0xE90]  }
0xdc: {  	v13 =	vld [tilespmem:s30+$0xEA0]  }
0xdd: {  	v14 =	vld [tilespmem:s30+$0xEB0]  }
0xde: {  	v15 =	vld [tilespmem:s30+$0xEC0];
	v8 =	vmul.f32 v8, v2  }
0xdf: {  	v17 =	vld [tilespmem:s30+$0x4E80]  }
0xe0: {  	v19 =	vld [tilespmem:s30+$0x2E90];
	v8 =	vadd.f32 v9, v8;
	v9 =	vmul.f32 v10, v4  }
0xe1: {  	v20 =	vld [tilespmem:s30+$0x4E90]  }
0xe2: {  	v21 =	vld [tilespmem:s30+$0x2EA0];
	v8 =	vadd.f32 v9, v8  }
0xe3: {  	v22 =	vld [tilespmem:s30+$0x2EB0]  }
0xe4: {  	v9 =	vld [tilespmem:s30+$0x2E80];
	v18 =	vmax.f32 v8, $0.0e+00  }
0xe5: {  	v25 =	vld [tilespmem:s30+$0x4EB0];
	v8 =	vmul.f32 v8, v7;
	v18 =	vmul.f32 v18, v5  }
0xe6: {  	v10 =	vld [tilespmem:s30+$0xED0]  }
0xe7: {  	v11 =	vmul.f32 v11, v2;
	v12 =	vmul.f32 v12, v2;
	v8 =	vadd.f32 v18, v8;
	v18 =	vld [tilespmem:s30+$0x4EA0]  }
0xe8: {  	v16 =	vld [tilespmem:s30+$0xEE0];
	v23 =	vmul.f32 v14, v2;
	v14 =	vmul.f32 v20, v4  }
0xe9: {  	v12 =	vadd.f32 v19, v12;
	v9 =	vadd.f32 v9, v11;
	v11 =	vmul.f32 v17, v4  }
0xea: {  	v26 =	vld [tilespmem:s30+$0x2EC0];
	v13 =	vmul.f32 v13, v2;
	v24 =	vmul.f32 v15, v2;
	v20 =	vadd.f32 v22, v23  }
0xeb: {  	v22 =	vmul.f32 v25, v4;
	v12 =	vadd.f32 v14, v12;
	v17 =	vld [tilespmem:s30+$0x4EC0];
	v11 =	vadd.f32 v11, v9  }
0xec: {  	v9 =	vmul.f32 v10, v2;
	v10 =	vadd.f32 v21, v13;
	v19 =	vmul.f32 v18, v4;
	v18 =	vld [tilespmem:s30+$0x2ED0]  }
0xed: {  	v15 =	vld [tilespmem:s30+$0x4ED0];
	[tilespmem:s30+$0x6EF0] =	vst v8;
	v8 =	vmul.f32 v16, v2;
	v13 =	vmax.f32 v11, $0.0e+00;
	v16 =	vmul.f32 v11, v7  }
0xee: {  	v11 =	vmax.f32 v12, $0.0e+00;
	v14 =	vmul.f32 v13, v5;
	v13 =	vld [tilespmem:s30+$0x2EE0];
	v19 =	vadd.f32 v19, v10  }
0xef: {  	s7 =	simm.s32 $0x400;
	s3 =	simm.s32 $0x80;
	v21 =	vadd.f32 v26, v24;
	v10 =	vmul.f32 v11, v5;
	v11 =	vmul.f32 v12, v7;
	v12 =	vld [tilespmem:s30+$0x4EE0]  }
.LBB2_5:
0xf0: {  	p0 =	sne.s32 s7, $0x7E00;
	v23 =	vld [tilespmem:s3+$0xEF0];
	v24 =	vmax.f32 v19, $0.0e+00;
	v20 =	vadd.f32 v22, v20;
	v17 =	vmul.f32 v17, v4  }
0xf1: {  	v19 =	vmul.f32 v19, v7;
	v22 =	vld [tilespmem:s3+$0x2EF0];
	v24 =	vmul.f32 v24, v5;
	v9 =	vadd.f32 v18, v9  }
0xf2: {  	v18 =	vld [tilespmem:s3+$0x4EF0];
	v25 =	vmax.f32 v20, $0.0e+00;
	v17 =	vadd.f32 v17, v21;
	v15 =	vmul.f32 v15, v4  }
0xf3: {  	v20 =	vmul.f32 v20, v7;
	v21 =	vld [tilespmem:s3+$0xE80];
	v25 =	vmul.f32 v25, v5;
	v8 =	vadd.f32 v13, v8  }
0xf4: {  	v13 =	vld [tilespmem:s3+$0xE90];
	v26 =	vmax.f32 v17, $0.0e+00;
	v9 =	vadd.f32 v15, v9;
	v12 =	vmul.f32 v12, v4  }
0xf5: {  	v14 =	vadd.f32 v14, v16;
	v15 =	vld [tilespmem:s3+$0xEA0];
	v23 =	vmul.f32 v23, v2;
	v16 =	vmul.f32 v26, v5  }
0xf6: {  	v17 =	vmul.f32 v17, v7;
	v26 =	vld [tilespmem:s3+$0xEB0];
	v27 =	vmax.f32 v9, $0.0e+00;
	v8 =	vadd.f32 v12, v8  }
0xf7: {  	v12 =	vld [tilespmem:s3+$0xEC0];
	v22 =	vadd.f32 v22, v23;
	v18 =	vmul.f32 v18, v4;
	[tilespmem:s30+$0x6E80] =	vst v14;
	v14 =	vmul.f32 v27, v5  }
0xf8: {  	v27 =	vmul.f32 v9, v7;
	v21 =	vmul.f32 v21, v2;
	v23 =	vld [tilespmem:s3+$0xED0];
	v9 =	vmax.f32 v8, $0.0e+00  }
0xf9: {  	v13 =	vmul.f32 v13, v2;
	v28 =	vld [tilespmem:s3+$0xEE0];
	v18 =	vadd.f32 v18, v22;
	v22 =	vmul.f32 v9, v5  }
0xfa: {  	v9 =	vadd.f32 v10, v11;
	v10 =	vmul.f32 v8, v7;
	v29 =	vld [tilespmem:s3+$0x2E80];
	v15 =	vmul.f32 v15, v2  }
0xfb: {  	v19 =	vadd.f32 v24, v19;
	v11 =	vld [tilespmem:s3+$0x4E80];
	v26 =	vmul.f32 v26, v2;
	v8 =	vmax.f32 v18, $0.0e+00  }
0xfc: {  	v20 =	vadd.f32 v25, v20;
	v18 =	vmul.f32 v18, v7;
	v24 =	vld [tilespmem:s3+$0x2E90];
	v30 =	vmul.f32 v8, v5;
	[tilespmem:s30+$0x6E90] =	vst v9  }
0xfd: {  	v16 =	vadd.f32 v16, v17;
	v12 =	vmul.f32 v12, v2;
	v25 =	vld [tilespmem:s3+$0x4E90];
	v9 =	vmul.f32 v23, v2;
	[tilespmem:s30+$0x6EA0] =	vst v19  }
0xfe: {  	v14 =	vadd.f32 v14, v27;
	v17 =	vld [tilespmem:s3+$0x2EA0];
	v8 =	vmul.f32 v28, v2;
	v18 =	vadd.f32 v30, v18;
	[tilespmem:s30+$0x6EB0] =	vst v20  }
0xff: {  	v10 =	vadd.f32 v22, v10;
	v19 =	vadd.f32 v29, v21;
	v20 =	vld [tilespmem:s3+$0x4EA0];
	[tilespmem:s30+$0x6EC0] =	vst v16  }
0x100: {  	v11 =	vmul.f32 v11, v4;
	v21 =	vld [tilespmem:s3+$0x2EB0];
	[tilespmem:s3+$0x6EF0] =	vst v18  }
0x101: {  	v13 =	vadd.f32 v24, v13;
	v22 =	vld [tilespmem:s3+$0x4EB0];
	[tilespmem:s30+$0x6ED0] =	vst v14  }
0x102: {  	v11 =	vadd.f32 v11, v19;
	v14 =	vmul.f32 v25, v4;
	v23 =	vld [tilespmem:s3+$0x2EC0];
	[tilespmem:s30+$0x6EE0] =	vst v10;
	s30 =	smov.u32 s3  }
.Ltmp1:
0x103: {  	v10 =	vadd.f32 v17, v15;
	v17 =	vld [tilespmem:s30+$0x4EC0];
	(pc) =	sbr.rel @p0 .LBB2_5-.Ltmp1, $4  }
0x104: {  	v15 =	vmax.f32 v11, $0.0e+00;
	v24 =	vadd.f32 v14, v13;
	v13 =	vmul.f32 v20, v4;
	v18 =	vld [tilespmem:s30+$0x2ED0]  }
0x105: {  	v16 =	vmul.f32 v11, v7;
	v14 =	vmul.f32 v15, v5;
	v20 =	vadd.f32 v21, v26;
	v15 =	vld [tilespmem:s30+$0x4ED0]  }
0x106: {  	v11 =	vmax.f32 v24, $0.0e+00;
	v19 =	vadd.f32 v13, v10;
	v22 =	vmul.f32 v22, v4;
	v13 =	vld [tilespmem:s30+$0x2EE0]  }
0x107: {  	s3 =	sshra.s32 s7, $0x2;
	s7 =	sadd.s32 $0x200, s7;
	v10 =	vmul.f32 v11, v5;
	v11 =	vmul.f32 v24, v7;
	v21 =	vadd.f32 v23, v12;
	v12 =	vld [tilespmem:s30+$0x4EE0]  }
0x108: {  	v23 =	vld [tilespmem:s3+$0xEF0]  }
0x109: {  	v24 =	vld [tilespmem:s3+$0x2EF0]  }
0x10a: {  	v25 =	vld [tilespmem:s3+$0x4EF0]  }
0x10b: {  	v26 =	vld [tilespmem:s3+$0xE80]  }
0x10c: {  	v27 =	vld [tilespmem:s3+$0xE90]  }
0x10d: {  	v28 =	vld [tilespmem:s3+$0xEA0];
	v14 =	vadd.f32 v14, v16  }
0x10e: {  	v16 =	vld [tilespmem:s3+$0xEB0];
	v20 =	vadd.f32 v22, v20;
	v17 =	vmul.f32 v17, v4  }
0x10f: {  	v29 =	vld [tilespmem:s3+$0xEC0];
	v9 =	vadd.f32 v18, v9;
	v10 =	vadd.f32 v10, v11;
	[tilespmem:s30+$0x6E80] =	vst v14  }
0x110: {  	v14 =	vmax.f32 v19, $0.0e+00;
	v19 =	vmul.f32 v19, v7;
	v17 =	vadd.f32 v17, v21;
	v30 =	vld [tilespmem:s3+$0xED0]  }
0x111: {  	v21 =	vmax.f32 v20, $0.0e+00;
	v15 =	vmul.f32 v15, v4;
	v22 =	vld [tilespmem:s3+$0xEE0];
	v18 =	vmul.f32 v23, v2  }
0x112: {  	v20 =	vmul.f32 v20, v7;
	v14 =	vmul.f32 v14, v5;
	v11 =	vld [tilespmem:s3+$0x4E80];
	v8 =	vadd.f32 v13, v8  }
0x113: {  	v60 =	vld [tilespmem:s3+$0x2E90];
	v12 =	vmul.f32 v12, v4;
	v59 =	vmul.f32 v25, v4;
	v18 =	vadd.f32 v24, v18  }
0x114: {  	v23 =	vld [tilespmem:s3+$0x2E80];
	v14 =	vadd.f32 v14, v19;
	v19 =	vmul.f32 v21, v5;
	[tilespmem:s30+$0x6E90] =	vst v10;
	v10 =	vmax.f32 v17, $0.0e+00  }
0x115: {  	v17 =	vmul.f32 v17, v7;
	v10 =	vmul.f32 v10, v5;
	v13 =	vadd.f32 v59, v18  }
0x116: {  	v9 =	vadd.f32 v15, v9;
	v8 =	vadd.f32 v12, v8  }
0x117: {  	v19 =	vadd.f32 v19, v20;
	v10 =	vadd.f32 v10, v17;
	v18 =	vld [tilespmem:s3+$0x4E90];
	[tilespmem:s30+$0x6EA0] =	vst v14;
	v14 =	vmax.f32 v13, $0.0e+00  }
0x118: {  	v17 =	vmax.f32 v9, $0.0e+00;
	v13 =	vmul.f32 v13, v7;
	v14 =	vmul.f32 v14, v5  }
0x119: {  	v9 =	vmul.f32 v9, v7;
	v17 =	vmul.f32 v17, v5;
	v15 =	vld [tilespmem:s3+$0x2EA0];
	[tilespmem:s30+$0x6EB0] =	vst v19  }
0x11a: {  	v12 =	vld [tilespmem:s3+$0x4EA0];
	[tilespmem:s30+$0x6EC0] =	vst v10;
	v10 =	vmul.f32 v26, v2;
	v13 =	vadd.f32 v14, v13;
	v14 =	vmax.f32 v8, $0.0e+00  }
0x11b: {  	v8 =	vmul.f32 v8, v7;
	v14 =	vmul.f32 v14, v5  }
0x11c: {  	v11 =	vmul.f32 v11, v4;
	v9 =	vadd.f32 v17, v9;
	v10 =	vadd.f32 v23, v10  }
0x11d: {  	v19 =	vld [tilespmem:s3+$0x2EB0];
	[tilespmem:s3+$0x6EF0] =	vst v13;
	v13 =	vmul.f32 v27, v2;
	v8 =	vadd.f32 v14, v8  }
0x11e: {  	v21 =	vmul.f32 v22, v2;
	v17 =	vld [tilespmem:s3+$0x4EB0];
	v10 =	vadd.f32 v11, v10;
	[tilespmem:s30+$0x6ED0] =	vst v9;
	v9 =	vmul.f32 v28, v2  }
0x11f: {  	v11 =	vmul.f32 v18, v4;
	v14 =	vmul.f32 v16, v2;
	v16 =	vld [tilespmem:s3+$0x2EC0];
	v13 =	vadd.f32 v60, v13;
	[tilespmem:s30+$0x6EE0] =	vst v8  }
0x120: {  	v18 =	vmul.f32 v30, v2;
	v12 =	vmul.f32 v12, v4;
	v9 =	vadd.f32 v15, v9;
	v15 =	vld [tilespmem:s3+$0x4EC0]  }
0x121: {  	v20 =	vmax.f32 v10, $0.0e+00;
	v10 =	vmul.f32 v10, v7;
	v11 =	vadd.f32 v11, v13;
	v13 =	vld [tilespmem:s3+$0x2ED0]  }
0x122: {  	v20 =	vmul.f32 v20, v5;
	v8 =	vmul.f32 v29, v2;
	v14 =	vadd.f32 v19, v14;
	v19 =	vld [tilespmem:s3+$0x4ED0]  }
0x123: {  	v9 =	vadd.f32 v12, v9;
	v12 =	vmul.f32 v17, v4;
	v17 =	vld [tilespmem:s3+$0x2EE0];
	v22 =	vmax.f32 v11, $0.0e+00  }
0x124: {  	v11 =	vmul.f32 v11, v7;
	v22 =	vmul.f32 v22, v5;
	v8 =	vadd.f32 v16, v8;
	v16 =	vld [tilespmem:s3+$0x4EE0]  }
0x125: {  	v23 =	vmax.f32 v9, $0.0e+00;
	v12 =	vadd.f32 v12, v14;
	v14 =	vmul.f32 v15, v4  }
0x126: {  	v9 =	vmul.f32 v9, v7;
	v15 =	vmul.f32 v23, v5;
	v13 =	vadd.f32 v13, v18  }
0x127: {  	v18 =	vmax.f32 v12, $0.0e+00;
	v8 =	vadd.f32 v14, v8;
	v14 =	vmul.f32 v19, v4  }
0x128: {  	v12 =	vmul.f32 v12, v7;
	v11 =	vadd.f32 v22, v11;
	v18 =	vmul.f32 v18, v5  }
0x129: {  	v17 =	vadd.f32 v17, v21;
	v13 =	vadd.f32 v14, v13;
	v14 =	vmul.f32 v16, v4  }
0x12a: {  	v10 =	vadd.f32 v20, v10;
	v9 =	vadd.f32 v15, v9  }
0x12b: {  	[tilespmem:s3+$0x6E90] =	vst v11;
	v11 =	vadd.f32 v18, v12;
	v19 =	vmax.f32 v8, $0.0e+00;
	v14 =	vadd.f32 v14, v17  }
0x12c: {  	v8 =	vmul.f32 v8, v7;
	v16 =	vmul.f32 v19, v5;
	v19 =	vmax.f32 v13, $0.0e+00  }
0x12d: {  	[tilespmem:s3+$0x6E80] =	vst v10;
	v13 =	vmul.f32 v13, v7;
	v10 =	vmul.f32 v19, v5;
	v15 =	vmax.f32 v14, $0.0e+00  }
0x12e: {  	[tilespmem:s3+$0x6EA0] =	vst v9;
	v8 =	vadd.f32 v16, v8;
	v14 =	vmul.f32 v14, v7;
	v12 =	vmul.f32 v15, v5  }
0x12f: {  	[tilespmem:s3+$0x6EB0] =	vst v11;
	v9 =	vadd.f32 v10, v13  }
0x130: {  	[tilespmem:s3+$0x6EC0] =	vst v8;
	v8 =	vadd.f32 v12, v14  }
0x131: {  	[tilespmem:s3+$0x6ED0] =	vst v9  }
0x132: {  	[tilespmem:s3+$0x6EE0] =	vst v8  }
0x133: {  	[spmem:s1] =	stream.indirect.scatter.add.f32 [tilespmem:s11], [sflag:$0x2], $0x80, s13, s21, $0xb8;
	[tilespmem:$0x1EE80] =	vst v63  }
0x134: {  	_ = 	snop  }
0x135: {  	[tilespmem:s22], [sflag:$0x1] =	stream.indirect.gather [hbm4b:s15+s21], $0x80, s25, s21, $0xb8;
	[tilespmem:$0x1EE80] =	vst v63  }
0x136: {  	_ = 	snop  }
0x137: {  	[tilespmem:s23], [sflag:$0x1] =	stream.indirect.gather [hbm4b:s16+s21], $0x80, s2, s21, $0xb8;
	[tilespmem:$0x1EE80] =	vst v63  }
0x138: {  	s7 =	simm.s32 $0x880  }
0x139: {  	[tilespmem:s24], [sflag:$0x1] =	stream.indirect.gather [hbm4b:s19+s21], $0x80, s7, s21, $0xb8;
	[tilespmem:$0x1EE80] =	vst v63  }
0x13a: {  	_ =	swait.ge [sflag:s12], $0x2000  }
0x13b: {  	[sflag:s12] =	ssyncset.done $0x0  }
0x13c: {  	[sflag:s12] =	ssyncadd.s32 $0xFFFFE000  }
0x13d: {  	_ =	swait.ge [sflag:s12], $0x2000  }
0x13e: {  	[sflag:s12] =	ssyncset.done $0x0  }
0x13f: {  	[sflag:s12] =	ssyncadd.s32 $0xFFFFE000  }
0x140: {  	_ =	swait.ge [sflag:s12], $0x2000  }
0x141: {  	[sflag:s12] =	ssyncset.done $0x0  }
0x142: {  	s30 =	simm.s32 $0x0;
	[sflag:s12] =	ssyncadd.s32 $0xFFFFE000  }
0x143: {  	v8 =	vld [tilespmem:s30+$0xEF0]  }
0x144: {  	v9 =	vld [tilespmem:s30+$0x2EF0]  }
0x145: {  	v10 =	vld [tilespmem:s30+$0x4EF0]  }
0x146: {  	v11 =	vld [tilespmem:s30+$0xE80]  }
0x147: {  	v12 =	vld [tilespmem:s30+$0xE90]  }
0x148: {  	v13 =	vld [tilespmem:s30+$0xEA0]  }
0x149: {  	v14 =	vld [tilespmem:s30+$0xEB0]  }
0x14a: {  	v15 =	vld [tilespmem:s30+$0xEC0];
	v8 =	vmul.f32 v8, v2  }
0x14b: {  	v17 =	vld [tilespmem:s30+$0x4E80]  }
0x14c: {  	v19 =	vld [tilespmem:s30+$0x2E90];
	v8 =	vadd.f32 v9, v8;
	v9 =	vmul.f32 v10, v4  }
0x14d: {  	v20 =	vld [tilespmem:s30+$0x4E90]  }
0x14e: {  	v21 =	vld [tilespmem:s30+$0x2EA0];
	v8 =	vadd.f32 v9, v8  }
0x14f: {  	v22 =	vld [tilespmem:s30+$0x2EB0]  }
0x150: {  	v9 =	vld [tilespmem:s30+$0x2E80];
	v18 =	vmax.f32 v8, $0.0e+00  }
0x151: {  	v62 =	vld [tilespmem:s30+$0x4EB0];
	v8 =	vmul.f32 v8, v7;
	v18 =	vmul.f32 v18, v5  }
0x152: {  	v10 =	vld [tilespmem:s30+$0xED0]  }
0x153: {  	v11 =	vmul.f32 v11, v2;
	v12 =	vmul.f32 v12, v2;
	v8 =	vadd.f32 v18, v8;
	v18 =	vld [tilespmem:s30+$0x4EA0]  }
0x154: {  	v16 =	vld [tilespmem:s30+$0xEE0];
	v23 =	vmul.f32 v14, v2;
	v14 =	vmul.f32 v20, v4  }
0x155: {  	v12 =	vadd.f32 v19, v12;
	v9 =	vadd.f32 v9, v11;
	v11 =	vmul.f32 v17, v4  }
0x156: {  	v63 =	vld [tilespmem:s30+$0x2EC0];
	v13 =	vmul.f32 v13, v2;
	v61 =	vmul.f32 v15, v2;
	v20 =	vadd.f32 v22, v23  }
0x157: {  	v22 =	vmul.f32 v62, v4;
	v12 =	vadd.f32 v14, v12;
	v17 =	vld [tilespmem:s30+$0x4EC0];
	v11 =	vadd.f32 v11, v9  }
0x158: {  	v9 =	vmul.f32 v10, v2;
	v10 =	vadd.f32 v21, v13;
	v19 =	vmul.f32 v18, v4;
	v18 =	vld [tilespmem:s30+$0x2ED0]  }
0x159: {  	v15 =	vld [tilespmem:s30+$0x4ED0];
	[tilespmem:s30+$0x8EF0] =	vst v8;
	v8 =	vmul.f32 v16, v2;
	v13 =	vmax.f32 v11, $0.0e+00;
	v16 =	vmul.f32 v11, v7  }
0x15a: {  	v11 =	vmax.f32 v12, $0.0e+00;
	v14 =	vmul.f32 v13, v5;
	v13 =	vld [tilespmem:s30+$0x2EE0];
	v19 =	vadd.f32 v19, v10  }
0x15b: {  	s3 =	simm.s32 $0x80;
	s7 =	simm.s32 $0x400;
	v21 =	vadd.f32 v63, v61;
	v10 =	vmul.f32 v11, v5;
	v11 =	vmul.f32 v12, v7;
	v12 =	vld [tilespmem:s30+$0x4EE0]  }
.LBB2_7:
0x15c: {  	p0 =	sne.s32 s7, $0x7E00;
	v23 =	vld [tilespmem:s3+$0xEF0];
	v24 =	vmax.f32 v19, $0.0e+00;
	v20 =	vadd.f32 v22, v20;
	v17 =	vmul.f32 v17, v4  }
0x15d: {  	v19 =	vmul.f32 v19, v7;
	v22 =	vld [tilespmem:s3+$0x2EF0];
	v24 =	vmul.f32 v24, v5;
	v9 =	vadd.f32 v18, v9  }
0x15e: {  	v18 =	vld [tilespmem:s3+$0x4EF0];
	v25 =	vmax.f32 v20, $0.0e+00;
	v17 =	vadd.f32 v17, v21;
	v15 =	vmul.f32 v15, v4  }
0x15f: {  	v20 =	vmul.f32 v20, v7;
	v21 =	vld [tilespmem:s3+$0xE80];
	v25 =	vmul.f32 v25, v5;
	v8 =	vadd.f32 v13, v8  }
0x160: {  	v13 =	vld [tilespmem:s3+$0xE90];
	v26 =	vmax.f32 v17, $0.0e+00;
	v9 =	vadd.f32 v15, v9;
	v12 =	vmul.f32 v12, v4  }
0x161: {  	v14 =	vadd.f32 v14, v16;
	v15 =	vld [tilespmem:s3+$0xEA0];
	v23 =	vmul.f32 v23, v2;
	v16 =	vmul.f32 v26, v5  }
0x162: {  	v17 =	vmul.f32 v17, v7;
	v26 =	vld [tilespmem:s3+$0xEB0];
	v27 =	vmax.f32 v9, $0.0e+00;
	v8 =	vadd.f32 v12, v8  }
0x163: {  	v12 =	vld [tilespmem:s3+$0xEC0];
	v22 =	vadd.f32 v22, v23;
	v18 =	vmul.f32 v18, v4;
	[tilespmem:s30+$0x8E80] =	vst v14;
	v14 =	vmul.f32 v27, v5  }
0x164: {  	v27 =	vmul.f32 v9, v7;
	v21 =	vmul.f32 v21, v2;
	v23 =	vld [tilespmem:s3+$0xED0];
	v9 =	vmax.f32 v8, $0.0e+00  }
0x165: {  	v13 =	vmul.f32 v13, v2;
	v28 =	vld [tilespmem:s3+$0xEE0];
	v18 =	vadd.f32 v18, v22;
	v22 =	vmul.f32 v9, v5  }
0x166: {  	v9 =	vadd.f32 v10, v11;
	v10 =	vmul.f32 v8, v7;
	v29 =	vld [tilespmem:s3+$0x2E80];
	v15 =	vmul.f32 v15, v2  }
0x167: {  	v19 =	vadd.f32 v24, v19;
	v11 =	vld [tilespmem:s3+$0x4E80];
	v26 =	vmul.f32 v26, v2;
	v8 =	vmax.f32 v18, $0.0e+00  }
0x168: {  	v20 =	vadd.f32 v25, v20;
	v18 =	vmul.f32 v18, v7;
	v24 =	vld [tilespmem:s3+$0x2E90];
	v30 =	vmul.f32 v8, v5;
	[tilespmem:s30+$0x8E90] =	vst v9  }
0x169: {  	v16 =	vadd.f32 v16, v17;
	v12 =	vmul.f32 v12, v2;
	v25 =	vld [tilespmem:s3+$0x4E90];
	v9 =	vmul.f32 v23, v2;
	[tilespmem:s30+$0x8EA0] =	vst v19  }
0x16a: {  	v14 =	vadd.f32 v14, v27;
	v17 =	vld [tilespmem:s3+$0x2EA0];
	v8 =	vmul.f32 v28, v2;
	v18 =	vadd.f32 v30, v18;
	[tilespmem:s30+$0x8EB0] =	vst v20  }
0x16b: {  	v10 =	vadd.f32 v22, v10;
	v19 =	vadd.f32 v29, v21;
	v20 =	vld [tilespmem:s3+$0x4EA0];
	[tilespmem:s30+$0x8EC0] =	vst v16  }
0x16c: {  	v11 =	vmul.f32 v11, v4;
	v21 =	vld [tilespmem:s3+$0x2EB0];
	[tilespmem:s3+$0x8EF0] =	vst v18  }
0x16d: {  	v13 =	vadd.f32 v24, v13;
	v22 =	vld [tilespmem:s3+$0x4EB0];
	[tilespmem:s30+$0x8ED0] =	vst v14  }
0x16e: {  	v11 =	vadd.f32 v11, v19;
	v14 =	vmul.f32 v25, v4;
	v23 =	vld [tilespmem:s3+$0x2EC0];
	[tilespmem:s30+$0x8EE0] =	vst v10;
	s30 =	smov.u32 s3  }
.Ltmp2:
0x16f: {  	v10 =	vadd.f32 v17, v15;
	v17 =	vld [tilespmem:s30+$0x4EC0];
	(pc) =	sbr.rel @p0 .LBB2_7-.Ltmp2, $4  }
0x170: {  	v15 =	vmax.f32 v11, $0.0e+00;
	v24 =	vadd.f32 v14, v13;
	v13 =	vmul.f32 v20, v4;
	v18 =	vld [tilespmem:s30+$0x2ED0]  }
0x171: {  	v16 =	vmul.f32 v11, v7;
	v14 =	vmul.f32 v15, v5;
	v20 =	vadd.f32 v21, v26;
	v15 =	vld [tilespmem:s30+$0x4ED0]  }
0x172: {  	v11 =	vmax.f32 v24, $0.0e+00;
	v19 =	vadd.f32 v13, v10;
	v22 =	vmul.f32 v22, v4;
	v13 =	vld [tilespmem:s30+$0x2EE0]  }
0x173: {  	s3 =	sshra.s32 s7, $0x2;
	s7 =	sadd.s32 $0x200, s7;
	v10 =	vmul.f32 v11, v5;
	v11 =	vmul.f32 v24, v7;
	v21 =	vadd.f32 v23, v12;
	v12 =	vld [tilespmem:s30+$0x4EE0]  }
0x174: {  	v23 =	vld [tilespmem:s3+$0xEF0]  }
0x175: {  	v24 =	vld [tilespmem:s3+$0x2EF0]  }
0x176: {  	v25 =	vld [tilespmem:s3+$0x4EF0]  }
0x177: {  	v26 =	vld [tilespmem:s3+$0xE80]  }
0x178: {  	v27 =	vld [tilespmem:s3+$0xE90]  }
0x179: {  	v28 =	vld [tilespmem:s3+$0xEA0];
	v14 =	vadd.f32 v14, v16  }
0x17a: {  	v16 =	vld [tilespmem:s3+$0xEB0];
	v20 =	vadd.f32 v22, v20;
	v17 =	vmul.f32 v17, v4  }
0x17b: {  	v29 =	vld [tilespmem:s3+$0xEC0];
	v9 =	vadd.f32 v18, v9;
	v10 =	vadd.f32 v10, v11;
	[tilespmem:s30+$0x8E80] =	vst v14  }
0x17c: {  	v14 =	vmax.f32 v19, $0.0e+00;
	v19 =	vmul.f32 v19, v7;
	v17 =	vadd.f32 v17, v21;
	v30 =	vld [tilespmem:s3+$0xED0]  }
0x17d: {  	v21 =	vmax.f32 v20, $0.0e+00;
	v15 =	vmul.f32 v15, v4;
	v22 =	vld [tilespmem:s3+$0xEE0];
	v18 =	vmul.f32 v23, v2  }
0x17e: {  	v20 =	vmul.f32 v20, v7;
	v14 =	vmul.f32 v14, v5;
	v11 =	vld [tilespmem:s3+$0x4E80];
	v8 =	vadd.f32 v13, v8  }
0x17f: {  	v60 =	vld [tilespmem:s3+$0x2E90];
	v12 =	vmul.f32 v12, v4;
	v59 =	vmul.f32 v25, v4;
	v18 =	vadd.f32 v24, v18  }
0x180: {  	v23 =	vld [tilespmem:s3+$0x2E80];
	v14 =	vadd.f32 v14, v19;
	v19 =	vmul.f32 v21, v5;
	[tilespmem:s30+$0x8E90] =	vst v10;
	v10 =	vmax.f32 v17, $0.0e+00  }
0x181: {  	v17 =	vmul.f32 v17, v7;
	v10 =	vmul.f32 v10, v5;
	v13 =	vadd.f32 v59, v18  }
0x182: {  	v9 =	vadd.f32 v15, v9;
	v8 =	vadd.f32 v12, v8  }
0x183: {  	v19 =	vadd.f32 v19, v20;
	v10 =	vadd.f32 v10, v17;
	v18 =	vld [tilespmem:s3+$0x4E90];
	[tilespmem:s30+$0x8EA0] =	vst v14;
	v14 =	vmax.f32 v13, $0.0e+00  }
0x184: {  	v17 =	vmax.f32 v9, $0.0e+00;
	v13 =	vmul.f32 v13, v7;
	v14 =	vmul.f32 v14, v5  }
0x185: {  	v9 =	vmul.f32 v9, v7;
	v17 =	vmul.f32 v17, v5;
	v15 =	vld [tilespmem:s3+$0x2EA0];
	[tilespmem:s30+$0x8EB0] =	vst v19  }
0x186: {  	v12 =	vld [tilespmem:s3+$0x4EA0];
	[tilespmem:s30+$0x8EC0] =	vst v10;
	v10 =	vmul.f32 v26, v2;
	v13 =	vadd.f32 v14, v13;
	v14 =	vmax.f32 v8, $0.0e+00  }
0x187: {  	v8 =	vmul.f32 v8, v7;
	v14 =	vmul.f32 v14, v5  }
0x188: {  	v11 =	vmul.f32 v11, v4;
	v9 =	vadd.f32 v17, v9;
	v10 =	vadd.f32 v23, v10  }
0x189: {  	v19 =	vld [tilespmem:s3+$0x2EB0];
	[tilespmem:s3+$0x8EF0] =	vst v13;
	v13 =	vmul.f32 v27, v2;
	v8 =	vadd.f32 v14, v8  }
0x18a: {  	v21 =	vmul.f32 v22, v2;
	v17 =	vld [tilespmem:s3+$0x4EB0];
	v10 =	vadd.f32 v11, v10;
	[tilespmem:s30+$0x8ED0] =	vst v9;
	v9 =	vmul.f32 v28, v2  }
0x18b: {  	v11 =	vmul.f32 v18, v4;
	v14 =	vmul.f32 v16, v2;
	v16 =	vld [tilespmem:s3+$0x2EC0];
	v13 =	vadd.f32 v60, v13;
	[tilespmem:s30+$0x8EE0] =	vst v8  }
0x18c: {  	v18 =	vmul.f32 v30, v2;
	v12 =	vmul.f32 v12, v4;
	v9 =	vadd.f32 v15, v9;
	v15 =	vld [tilespmem:s3+$0x4EC0]  }
0x18d: {  	v20 =	vmax.f32 v10, $0.0e+00;
	v10 =	vmul.f32 v10, v7;
	v11 =	vadd.f32 v11, v13;
	v13 =	vld [tilespmem:s3+$0x2ED0]  }
0x18e: {  	v20 =	vmul.f32 v20, v5;
	v8 =	vmul.f32 v29, v2;
	v14 =	vadd.f32 v19, v14;
	v19 =	vld [tilespmem:s3+$0x4ED0]  }
0x18f: {  	v9 =	vadd.f32 v12, v9;
	v12 =	vmul.f32 v17, v4;
	v17 =	vld [tilespmem:s3+$0x2EE0];
	v22 =	vmax.f32 v11, $0.0e+00  }
0x190: {  	v11 =	vmul.f32 v11, v7;
	v22 =	vmul.f32 v22, v5;
	v8 =	vadd.f32 v16, v8;
	v16 =	vld [tilespmem:s3+$0x4EE0]  }
0x191: {  	v23 =	vmax.f32 v9, $0.0e+00;
	v12 =	vadd.f32 v12, v14;
	v14 =	vmul.f32 v15, v4  }
0x192: {  	v9 =	vmul.f32 v9, v7;
	v15 =	vmul.f32 v23, v5;
	v13 =	vadd.f32 v13, v18  }
0x193: {  	v18 =	vmax.f32 v12, $0.0e+00;
	v8 =	vadd.f32 v14, v8;
	v14 =	vmul.f32 v19, v4  }
0x194: {  	v12 =	vmul.f32 v12, v7;
	v11 =	vadd.f32 v22, v11;
	v18 =	vmul.f32 v18, v5  }
0x195: {  	v17 =	vadd.f32 v17, v21;
	v13 =	vadd.f32 v14, v13;
	v14 =	vmul.f32 v16, v4  }
0x196: {  	v10 =	vadd.f32 v20, v10;
	v9 =	vadd.f32 v15, v9  }
0x197: {  	[tilespmem:s3+$0x8E90] =	vst v11;
	v11 =	vadd.f32 v18, v12;
	v19 =	vmax.f32 v8, $0.0e+00;
	v14 =	vadd.f32 v14, v17  }
0x198: {  	v8 =	vmul.f32 v8, v7;
	v16 =	vmul.f32 v19, v5;
	v19 =	vmax.f32 v13, $0.0e+00  }
0x199: {  	[tilespmem:s3+$0x8E80] =	vst v10;
	v13 =	vmul.f32 v13, v7;
	v10 =	vmul.f32 v19, v5;
	v15 =	vmax.f32 v14, $0.0e+00  }
0x19a: {  	[tilespmem:s3+$0x8EA0] =	vst v9;
	v8 =	vadd.f32 v16, v8;
	v14 =	vmul.f32 v14, v7;
	v12 =	vmul.f32 v15, v5  }
0x19b: {  	[tilespmem:s3+$0x8EB0] =	vst v11;
	v9 =	vadd.f32 v10, v13  }
0x19c: {  	[tilespmem:s3+$0x8EC0] =	vst v8;
	v8 =	vadd.f32 v12, v14  }
0x19d: {  	[tilespmem:s3+$0x8ED0] =	vst v9  }
0x19e: {  	[tilespmem:s3+$0x8EE0] =	vst v8  }
0x19f: {  	[spmem:s1] =	stream.indirect.scatter.add.f32 [tilespmem:s26], [sflag:$0x2], $0x80, s25, s21, $0xb8;
	[tilespmem:$0x1EE80] =	vst v63  }
0x1a0: {  	_ = 	snop  }
0x1a1: {  	[tilespmem:s22], [sflag:$0x1] =	stream.indirect.gather [hbm4b:s15+s21], $0x80, s28, s21, $0xb8;
	[tilespmem:$0x1EE80] =	vst v63  }
0x1a2: {  	s7 =	simm.s32 $0x100  }
0x1a3: {  	[tilespmem:s23], [sflag:$0x1] =	stream.indirect.gather [hbm4b:s16+s21], $0x80, s7, s21, $0xb8;
	[tilespmem:$0x1EE80] =	vst v63  }
0x1a4: {  	s7 =	simm.s32 $0x900  }
0x1a5: {  	[tilespmem:s24], [sflag:$0x1] =	stream.indirect.gather [hbm4b:s19+s21], $0x80, s7, s21, $0xb8;
	[tilespmem:$0x1EE80] =	vst v63  }
0x1a6: {  	_ =	swait.ge [sflag:s12], $0x2000  }
0x1a7: {  	[sflag:s12] =	ssyncset.done $0x0  }
0x1a8: {  	[sflag:s12] =	ssyncadd.s32 $0xFFFFE000  }
0x1a9: {  	_ =	swait.ge [sflag:s12], $0x2000  }
0x1aa: {  	[sflag:s12] =	ssyncset.done $0x0  }
0x1ab: {  	[sflag:s12] =	ssyncadd.s32 $0xFFFFE000  }
0x1ac: {  	_ =	swait.ge [sflag:s12], $0x2000  }
0x1ad: {  	[sflag:s12] =	ssyncset.done $0x0  }
0x1ae: {  	[sflag:s12] =	ssyncadd.s32 $0xFFFFE000  }
0x1af: {  	_ =	swait.ge [sflag:s31], $0x2000  }
0x1b0: {  	[sflag:s31] =	ssyncset.done $0x0  }
0x1b1: {  	s30 =	simm.s32 $0x0;
	[sflag:s31] =	ssyncadd.s32 $0xFFFFE000  }
0x1b2: {  	v8 =	vld [tilespmem:s30+$0xEF0]  }
0x1b3: {  	v9 =	vld [tilespmem:s30+$0x2EF0]  }
0x1b4: {  	v10 =	vld [tilespmem:s30+$0x4EF0]  }
0x1b5: {  	v11 =	vld [tilespmem:s30+$0xE80]  }
0x1b6: {  	v12 =	vld [tilespmem:s30+$0xE90]  }
0x1b7: {  	v13 =	vld [tilespmem:s30+$0xEA0]  }
0x1b8: {  	v14 =	vld [tilespmem:s30+$0xEB0]  }
0x1b9: {  	v15 =	vld [tilespmem:s30+$0xEC0];
	v8 =	vmul.f32 v8, v2  }
0x1ba: {  	v17 =	vld [tilespmem:s30+$0x4E80]  }
0x1bb: {  	v19 =	vld [tilespmem:s30+$0x2E90];
	v8 =	vadd.f32 v9, v8;
	v9 =	vmul.f32 v10, v4  }
0x1bc: {  	v20 =	vld [tilespmem:s30+$0x4E90]  }
0x1bd: {  	v21 =	vld [tilespmem:s30+$0x2EA0];
	v8 =	vadd.f32 v9, v8  }
0x1be: {  	v22 =	vld [tilespmem:s30+$0x2EB0]  }
0x1bf: {  	v9 =	vld [tilespmem:s30+$0x2E80];
	v18 =	vmax.f32 v8, $0.0e+00  }
0x1c0: {  	v62 =	vld [tilespmem:s30+$0x4EB0];
	v8 =	vmul.f32 v8, v7;
	v18 =	vmul.f32 v18, v5  }
0x1c1: {  	v10 =	vld [tilespmem:s30+$0xED0]  }
0x1c2: {  	v11 =	vmul.f32 v11, v2;
	v12 =	vmul.f32 v12, v2;
	v8 =	vadd.f32 v18, v8;
	v18 =	vld [tilespmem:s30+$0x4EA0]  }
0x1c3: {  	v16 =	vld [tilespmem:s30+$0xEE0];
	v23 =	vmul.f32 v14, v2;
	v14 =	vmul.f32 v20, v4  }
0x1c4: {  	v12 =	vadd.f32 v19, v12;
	v9 =	vadd.f32 v9, v11;
	v11 =	vmul.f32 v17, v4  }
0x1c5: {  	v63 =	vld [tilespmem:s30+$0x2EC0];
	v13 =	vmul.f32 v13, v2;
	v61 =	vmul.f32 v15, v2;
	v20 =	vadd.f32 v22, v23  }
0x1c6: {  	v22 =	vmul.f32 v62, v4;
	v12 =	vadd.f32 v14, v12;
	v17 =	vld [tilespmem:s30+$0x4EC0];
	v11 =	vadd.f32 v11, v9  }
0x1c7: {  	v9 =	vmul.f32 v10, v2;
	v10 =	vadd.f32 v21, v13;
	v19 =	vmul.f32 v18, v4;
	v18 =	vld [tilespmem:s30+$0x2ED0]  }
0x1c8: {  	v15 =	vld [tilespmem:s30+$0x4ED0];
	[tilespmem:s30+$0x6EF0] =	vst v8;
	v8 =	vmul.f32 v16, v2;
	v13 =	vmax.f32 v11, $0.0e+00;
	v16 =	vmul.f32 v11, v7  }
0x1c9: {  	v11 =	vmax.f32 v12, $0.0e+00;
	v14 =	vmul.f32 v13, v5;
	v13 =	vld [tilespmem:s30+$0x2EE0];
	v19 =	vadd.f32 v19, v10  }
0x1ca: {  	s3 =	simm.s32 $0x80;
	s7 =	simm.s32 $0x400;
	v21 =	vadd.f32 v63, v61;
	v10 =	vmul.f32 v11, v5;
	v11 =	vmul.f32 v12, v7;
	v12 =	vld [tilespmem:s30+$0x4EE0]  }
.LBB2_9:
0x1cb: {  	p0 =	sne.s32 s7, $0x7E00;
	v23 =	vld [tilespmem:s3+$0xEF0];
	v24 =	vmax.f32 v19, $0.0e+00;
	v20 =	vadd.f32 v22, v20;
	v17 =	vmul.f32 v17, v4  }
0x1cc: {  	v19 =	vmul.f32 v19, v7;
	v22 =	vld [tilespmem:s3+$0x2EF0];
	v24 =	vmul.f32 v24, v5;
	v9 =	vadd.f32 v18, v9  }
0x1cd: {  	v18 =	vld [tilespmem:s3+$0x4EF0];
	v25 =	vmax.f32 v20, $0.0e+00;
	v17 =	vadd.f32 v17, v21;
	v15 =	vmul.f32 v15, v4  }
0x1ce: {  	v20 =	vmul.f32 v20, v7;
	v21 =	vld [tilespmem:s3+$0xE80];
	v25 =	vmul.f32 v25, v5;
	v8 =	vadd.f32 v13, v8  }
0x1cf: {  	v13 =	vld [tilespmem:s3+$0xE90];
	v26 =	vmax.f32 v17, $0.0e+00;
	v9 =	vadd.f32 v15, v9;
	v12 =	vmul.f32 v12, v4  }
0x1d0: {  	v14 =	vadd.f32 v14, v16;
	v15 =	vld [tilespmem:s3+$0xEA0];
	v23 =	vmul.f32 v23, v2;
	v16 =	vmul.f32 v26, v5  }
0x1d1: {  	v17 =	vmul.f32 v17, v7;
	v26 =	vld [tilespmem:s3+$0xEB0];
	v27 =	vmax.f32 v9, $0.0e+00;
	v8 =	vadd.f32 v12, v8  }
0x1d2: {  	v12 =	vld [tilespmem:s3+$0xEC0];
	v22 =	vadd.f32 v22, v23;
	v18 =	vmul.f32 v18, v4;
	[tilespmem:s30+$0x6E80] =	vst v14;
	v14 =	vmul.f32 v27, v5  }
0x1d3: {  	v27 =	vmul.f32 v9, v7;
	v21 =	vmul.f32 v21, v2;
	v23 =	vld [tilespmem:s3+$0xED0];
	v9 =	vmax.f32 v8, $0.0e+00  }
0x1d4: {  	v13 =	vmul.f32 v13, v2;
	v28 =	vld [tilespmem:s3+$0xEE0];
	v18 =	vadd.f32 v18, v22;
	v22 =	vmul.f32 v9, v5  }
0x1d5: {  	v9 =	vadd.f32 v10, v11;
	v10 =	vmul.f32 v8, v7;
	v29 =	vld [tilespmem:s3+$0x2E80];
	v15 =	vmul.f32 v15, v2  }
0x1d6: {  	v19 =	vadd.f32 v24, v19;
	v11 =	vld [tilespmem:s3+$0x4E80];
	v26 =	vmul.f32 v26, v2;
	v8 =	vmax.f32 v18, $0.0e+00  }
0x1d7: {  	v20 =	vadd.f32 v25, v20;
	v18 =	vmul.f32 v18, v7;
	v24 =	vld [tilespmem:s3+$0x2E90];
	v30 =	vmul.f32 v8, v5;
	[tilespmem:s30+$0x6E90] =	vst v9  }
0x1d8: {  	v16 =	vadd.f32 v16, v17;
	v12 =	vmul.f32 v12, v2;
	v25 =	vld [tilespmem:s3+$0x4E90];
	v9 =	vmul.f32 v23, v2;
	[tilespmem:s30+$0x6EA0] =	vst v19  }
0x1d9: {  	v14 =	vadd.f32 v14, v27;
	v17 =	vld [tilespmem:s3+$0x2EA0];
	v8 =	vmul.f32 v28, v2;
	v18 =	vadd.f32 v30, v18;
	[tilespmem:s30+$0x6EB0] =	vst v20  }
0x1da: {  	v10 =	vadd.f32 v22, v10;
	v19 =	vadd.f32 v29, v21;
	v20 =	vld [tilespmem:s3+$0x4EA0];
	[tilespmem:s30+$0x6EC0] =	vst v16  }
0x1db: {  	v11 =	vmul.f32 v11, v4;
	v21 =	vld [tilespmem:s3+$0x2EB0];
	[tilespmem:s3+$0x6EF0] =	vst v18  }
0x1dc: {  	v13 =	vadd.f32 v24, v13;
	v22 =	vld [tilespmem:s3+$0x4EB0];
	[tilespmem:s30+$0x6ED0] =	vst v14  }
0x1dd: {  	v11 =	vadd.f32 v11, v19;
	v14 =	vmul.f32 v25, v4;
	v23 =	vld [tilespmem:s3+$0x2EC0];
	[tilespmem:s30+$0x6EE0] =	vst v10;
	s30 =	smov.u32 s3  }
.Ltmp3:
0x1de: {  	v10 =	vadd.f32 v17, v15;
	v17 =	vld [tilespmem:s30+$0x4EC0];
	(pc) =	sbr.rel @p0 .LBB2_9-.Ltmp3, $4  }
0x1df: {  	v15 =	vmax.f32 v11, $0.0e+00;
	v24 =	vadd.f32 v14, v13;
	v13 =	vmul.f32 v20, v4;
	v18 =	vld [tilespmem:s30+$0x2ED0]  }
0x1e0: {  	v16 =	vmul.f32 v11, v7;
	v14 =	vmul.f32 v15, v5;
	v20 =	vadd.f32 v21, v26;
	v15 =	vld [tilespmem:s30+$0x4ED0]  }
0x1e1: {  	v11 =	vmax.f32 v24, $0.0e+00;
	v19 =	vadd.f32 v13, v10;
	v22 =	vmul.f32 v22, v4;
	v13 =	vld [tilespmem:s30+$0x2EE0]  }
0x1e2: {  	s3 =	sshra.s32 s7, $0x2;
	s7 =	sadd.s32 $0x200, s7;
	v10 =	vmul.f32 v11, v5;
	v11 =	vmul.f32 v24, v7;
	v21 =	vadd.f32 v23, v12;
	v12 =	vld [tilespmem:s30+$0x4EE0]  }
0x1e3: {  	v23 =	vld [tilespmem:s3+$0xEF0]  }
0x1e4: {  	v24 =	vld [tilespmem:s3+$0x2EF0]  }
0x1e5: {  	v25 =	vld [tilespmem:s3+$0x4EF0]  }
0x1e6: {  	v26 =	vld [tilespmem:s3+$0xE80]  }
0x1e7: {  	v27 =	vld [tilespmem:s3+$0xE90]  }
0x1e8: {  	v28 =	vld [tilespmem:s3+$0xEA0];
	v14 =	vadd.f32 v14, v16  }
0x1e9: {  	v16 =	vld [tilespmem:s3+$0xEB0];
	v20 =	vadd.f32 v22, v20;
	v17 =	vmul.f32 v17, v4  }
0x1ea: {  	v29 =	vld [tilespmem:s3+$0xEC0];
	v9 =	vadd.f32 v18, v9;
	v10 =	vadd.f32 v10, v11;
	[tilespmem:s30+$0x6E80] =	vst v14  }
0x1eb: {  	v14 =	vmax.f32 v19, $0.0e+00;
	v19 =	vmul.f32 v19, v7;
	v17 =	vadd.f32 v17, v21;
	v30 =	vld [tilespmem:s3+$0xED0]  }
0x1ec: {  	v21 =	vmax.f32 v20, $0.0e+00;
	v15 =	vmul.f32 v15, v4;
	v22 =	vld [tilespmem:s3+$0xEE0];
	v18 =	vmul.f32 v23, v2  }
0x1ed: {  	v20 =	vmul.f32 v20, v7;
	v14 =	vmul.f32 v14, v5;
	v11 =	vld [tilespmem:s3+$0x4E80];
	v8 =	vadd.f32 v13, v8  }
0x1ee: {  	v60 =	vld [tilespmem:s3+$0x2E90];
	v12 =	vmul.f32 v12, v4;
	v59 =	vmul.f32 v25, v4;
	v18 =	vadd.f32 v24, v18  }
0x1ef: {  	v23 =	vld [tilespmem:s3+$0x2E80];
	v14 =	vadd.f32 v14, v19;
	v19 =	vmul.f32 v21, v5;
	[tilespmem:s30+$0x6E90] =	vst v10;
	v10 =	vmax.f32 v17, $0.0e+00  }
0x1f0: {  	v17 =	vmul.f32 v17, v7;
	v10 =	vmul.f32 v10, v5;
	v13 =	vadd.f32 v59, v18  }
0x1f1: {  	v9 =	vadd.f32 v15, v9;
	v8 =	vadd.f32 v12, v8  }
0x1f2: {  	v19 =	vadd.f32 v19, v20;
	v10 =	vadd.f32 v10, v17;
	v18 =	vld [tilespmem:s3+$0x4E90];
	[tilespmem:s30+$0x6EA0] =	vst v14;
	v14 =	vmax.f32 v13, $0.0e+00  }
0x1f3: {  	v17 =	vmax.f32 v9, $0.0e+00;
	v13 =	vmul.f32 v13, v7;
	v14 =	vmul.f32 v14, v5  }
0x1f4: {  	v9 =	vmul.f32 v9, v7;
	v17 =	vmul.f32 v17, v5;
	v15 =	vld [tilespmem:s3+$0x2EA0];
	[tilespmem:s30+$0x6EB0] =	vst v19  }
0x1f5: {  	v12 =	vld [tilespmem:s3+$0x4EA0];
	[tilespmem:s30+$0x6EC0] =	vst v10;
	v10 =	vmul.f32 v26, v2;
	v13 =	vadd.f32 v14, v13;
	v14 =	vmax.f32 v8, $0.0e+00  }
0x1f6: {  	v8 =	vmul.f32 v8, v7;
	v14 =	vmul.f32 v14, v5  }
0x1f7: {  	v11 =	vmul.f32 v11, v4;
	v9 =	vadd.f32 v17, v9;
	v10 =	vadd.f32 v23, v10  }
0x1f8: {  	v19 =	vld [tilespmem:s3+$0x2EB0];
	[tilespmem:s3+$0x6EF0] =	vst v13;
	v13 =	vmul.f32 v27, v2;
	v8 =	vadd.f32 v14, v8  }
0x1f9: {  	v21 =	vmul.f32 v22, v2;
	v17 =	vld [tilespmem:s3+$0x4EB0];
	v10 =	vadd.f32 v11, v10;
	[tilespmem:s30+$0x6ED0] =	vst v9;
	v9 =	vmul.f32 v28, v2  }
0x1fa: {  	v11 =	vmul.f32 v18, v4;
	v14 =	vmul.f32 v16, v2;
	v16 =	vld [tilespmem:s3+$0x2EC0];
	v13 =	vadd.f32 v60, v13;
	[tilespmem:s30+$0x6EE0] =	vst v8  }
0x1fb: {  	v18 =	vmul.f32 v30, v2;
	v12 =	vmul.f32 v12, v4;
	v9 =	vadd.f32 v15, v9;
	v15 =	vld [tilespmem:s3+$0x4EC0]  }
0x1fc: {  	v20 =	vmax.f32 v10, $0.0e+00;
	v10 =	vmul.f32 v10, v7;
	v11 =	vadd.f32 v11, v13;
	v13 =	vld [tilespmem:s3+$0x2ED0]  }
0x1fd: {  	v20 =	vmul.f32 v20, v5;
	v8 =	vmul.f32 v29, v2;
	v14 =	vadd.f32 v19, v14;
	v19 =	vld [tilespmem:s3+$0x4ED0]  }
0x1fe: {  	v9 =	vadd.f32 v12, v9;
	v12 =	vmul.f32 v17, v4;
	v17 =	vld [tilespmem:s3+$0x2EE0];
	v22 =	vmax.f32 v11, $0.0e+00  }
0x1ff: {  	v11 =	vmul.f32 v11, v7;
	v22 =	vmul.f32 v22, v5;
	v8 =	vadd.f32 v16, v8;
	v16 =	vld [tilespmem:s3+$0x4EE0]  }
0x200: {  	v23 =	vmax.f32 v9, $0.0e+00;
	v12 =	vadd.f32 v12, v14;
	v14 =	vmul.f32 v15, v4  }
0x201: {  	v9 =	vmul.f32 v9, v7;
	v15 =	vmul.f32 v23, v5;
	v13 =	vadd.f32 v13, v18  }
0x202: {  	v18 =	vmax.f32 v12, $0.0e+00;
	v8 =	vadd.f32 v14, v8;
	v14 =	vmul.f32 v19, v4  }
0x203: {  	v12 =	vmul.f32 v12, v7;
	v11 =	vadd.f32 v22, v11;
	v18 =	vmul.f32 v18, v5  }
0x204: {  	v17 =	vadd.f32 v17, v21;
	v13 =	vadd.f32 v14, v13;
	v14 =	vmul.f32 v16, v4  }
0x205: {  	v10 =	vadd.f32 v20, v10;
	v9 =	vadd.f32 v15, v9  }
0x206: {  	[tilespmem:s3+$0x6E90] =	vst v11;
	v11 =	vadd.f32 v18, v12;
	v19 =	vmax.f32 v8, $0.0e+00;
	v14 =	vadd.f32 v14, v17  }
0x207: {  	v8 =	vmul.f32 v8, v7;
	v16 =	vmul.f32 v19, v5;
	v19 =	vmax.f32 v13, $0.0e+00  }
0x208: {  	[tilespmem:s3+$0x6E80] =	vst v10;
	v13 =	vmul.f32 v13, v7;
	v10 =	vmul.f32 v19, v5;
	v15 =	vmax.f32 v14, $0.0e+00  }
0x209: {  	[tilespmem:s3+$0x6EA0] =	vst v9;
	v8 =	vadd.f32 v16, v8;
	v14 =	vmul.f32 v14, v7;
	v12 =	vmul.f32 v15, v5  }
0x20a: {  	[tilespmem:s3+$0x6EB0] =	vst v11;
	v9 =	vadd.f32 v10, v13  }
0x20b: {  	[tilespmem:s3+$0x6EC0] =	vst v8;
	v8 =	vadd.f32 v12, v14  }
0x20c: {  	[tilespmem:s3+$0x6ED0] =	vst v9  }
0x20d: {  	[tilespmem:s3+$0x6EE0] =	vst v8  }
0x20e: {  	[spmem:s1] =	stream.indirect.scatter.add.f32 [tilespmem:s11], [sflag:$0x2], $0x80, s28, s21, $0xb8;
	[tilespmem:$0x1EE80] =	vst v63  }
0x20f: {  	_ = 	snop  }
0x210: {  	[tilespmem:s22], [sflag:$0x1] =	stream.indirect.gather [hbm4b:s15+s21], $0x80, s0, s21, $0xb8;
	[tilespmem:$0x1EE80] =	vst v63  }
0x211: {  	s7 =	simm.s32 $0x180  }
0x212: {  	[tilespmem:s23], [sflag:$0x1] =	stream.indirect.gather [hbm4b:s16+s21], $0x80, s7, s21, $0xb8;
	[tilespmem:$0x1EE80] =	vst v63  }
0x213: {  	s7 =	simm.s32 $0x980  }
0x214: {  	[tilespmem:s24], [sflag:$0x1] =	stream.indirect.gather [hbm4b:s19+s21], $0x80, s7, s21, $0xb8;
	[tilespmem:$0x1EE80] =	vst v63  }
0x215: {  	_ =	swait.ge [sflag:s12], $0x2000  }
0x216: {  	[sflag:s12] =	ssyncset.done $0x0  }
0x217: {  	[sflag:s12] =	ssyncadd.s32 $0xFFFFE000  }
0x218: {  	_ =	swait.ge [sflag:s12], $0x2000  }
0x219: {  	[sflag:s12] =	ssyncset.done $0x0  }
0x21a: {  	[sflag:s12] =	ssyncadd.s32 $0xFFFFE000  }
0x21b: {  	_ =	swait.ge [sflag:s12], $0x2000  }
0x21c: {  	[sflag:s12] =	ssyncset.done $0x0  }
0x21d: {  	[sflag:s12] =	ssyncadd.s32 $0xFFFFE000  }
0x21e: {  	_ =	swait.ge [sflag:s31], $0x2000  }
0x21f: {  	[sflag:s31] =	ssyncset.done $0x0  }
0x220: {  	s30 =	simm.s32 $0x0;
	[sflag:s31] =	ssyncadd.s32 $0xFFFFE000  }
0x221: {  	v8 =	vld [tilespmem:s30+$0xEF0]  }
0x222: {  	v9 =	vld [tilespmem:s30+$0x2EF0]  }
0x223: {  	v10 =	vld [tilespmem:s30+$0x4EF0]  }
0x224: {  	v11 =	vld [tilespmem:s30+$0xE80]  }
0x225: {  	v12 =	vld [tilespmem:s30+$0xE90]  }
0x226: {  	v13 =	vld [tilespmem:s30+$0xEA0]  }
0x227: {  	v14 =	vld [tilespmem:s30+$0xEB0]  }
0x228: {  	v15 =	vld [tilespmem:s30+$0xEC0];
	v8 =	vmul.f32 v8, v2  }
0x229: {  	v17 =	vld [tilespmem:s30+$0x4E80]  }
0x22a: {  	v19 =	vld [tilespmem:s30+$0x2E90];
	v8 =	vadd.f32 v9, v8;
	v9 =	vmul.f32 v10, v4  }
0x22b: {  	v20 =	vld [tilespmem:s30+$0x4E90]  }
0x22c: {  	v21 =	vld [tilespmem:s30+$0x2EA0];
	v8 =	vadd.f32 v9, v8  }
0x22d: {  	v22 =	vld [tilespmem:s30+$0x2EB0]  }
0x22e: {  	v9 =	vld [tilespmem:s30+$0x2E80];
	v18 =	vmax.f32 v8, $0.0e+00  }
0x22f: {  	v62 =	vld [tilespmem:s30+$0x4EB0];
	v8 =	vmul.f32 v8, v7;
	v18 =	vmul.f32 v18, v5  }
0x230: {  	v10 =	vld [tilespmem:s30+$0xED0]  }
0x231: {  	v11 =	vmul.f32 v11, v2;
	v12 =	vmul.f32 v12, v2;
	v8 =	vadd.f32 v18, v8;
	v18 =	vld [tilespmem:s30+$0x4EA0]  }
0x232: {  	v16 =	vld [tilespmem:s30+$0xEE0];
	v23 =	vmul.f32 v14, v2;
	v14 =	vmul.f32 v20, v4  }
0x233: {  	v12 =	vadd.f32 v19, v12;
	v9 =	vadd.f32 v9, v11;
	v11 =	vmul.f32 v17, v4  }
0x234: {  	v63 =	vld [tilespmem:s30+$0x2EC0];
	v13 =	vmul.f32 v13, v2;
	v61 =	vmul.f32 v15, v2;
	v20 =	vadd.f32 v22, v23  }
0x235: {  	v22 =	vmul.f32 v62, v4;
	v12 =	vadd.f32 v14, v12;
	v17 =	vld [tilespmem:s30+$0x4EC0];
	v11 =	vadd.f32 v11, v9  }
0x236: {  	v9 =	vmul.f32 v10, v2;
	v10 =	vadd.f32 v21, v13;
	v19 =	vmul.f32 v18, v4;
	v18 =	vld [tilespmem:s30+$0x2ED0]  }
0x237: {  	v15 =	vld [tilespmem:s30+$0x4ED0];
	[tilespmem:s30+$0x8EF0] =	vst v8;
	v8 =	vmul.f32 v16, v2;
	v13 =	vmax.f32 v11, $0.0e+00;
	v16 =	vmul.f32 v11, v7  }
0x238: {  	v11 =	vmax.f32 v12, $0.0e+00;
	v14 =	vmul.f32 v13, v5;
	v13 =	vld [tilespmem:s30+$0x2EE0];
	v19 =	vadd.f32 v19, v10  }
0x239: {  	s3 =	simm.s32 $0x80;
	s7 =	simm.s32 $0x400;
	v21 =	vadd.f32 v63, v61;
	v10 =	vmul.f32 v11, v5;
	v11 =	vmul.f32 v12, v7;
	v12 =	vld [tilespmem:s30+$0x4EE0]  }
.LBB2_11:
0x23a: {  	p0 =	sne.s32 s7, $0x7E00;
	v23 =	vld [tilespmem:s3+$0xEF0];
	v24 =	vmax.f32 v19, $0.0e+00;
	v20 =	vadd.f32 v22, v20;
	v17 =	vmul.f32 v17, v4  }
0x23b: {  	v19 =	vmul.f32 v19, v7;
	v22 =	vld [tilespmem:s3+$0x2EF0];
	v24 =	vmul.f32 v24, v5;
	v9 =	vadd.f32 v18, v9  }
0x23c: {  	v18 =	vld [tilespmem:s3+$0x4EF0];
	v25 =	vmax.f32 v20, $0.0e+00;
	v17 =	vadd.f32 v17, v21;
	v15 =	vmul.f32 v15, v4  }
0x23d: {  	v20 =	vmul.f32 v20, v7;
	v21 =	vld [tilespmem:s3+$0xE80];
	v25 =	vmul.f32 v25, v5;
	v8 =	vadd.f32 v13, v8  }
0x23e: {  	v13 =	vld [tilespmem:s3+$0xE90];
	v26 =	vmax.f32 v17, $0.0e+00;
	v9 =	vadd.f32 v15, v9;
	v12 =	vmul.f32 v12, v4  }
0x23f: {  	v14 =	vadd.f32 v14, v16;
	v15 =	vld [tilespmem:s3+$0xEA0];
	v23 =	vmul.f32 v23, v2;
	v16 =	vmul.f32 v26, v5  }
0x240: {  	v17 =	vmul.f32 v17, v7;
	v26 =	vld [tilespmem:s3+$0xEB0];
	v27 =	vmax.f32 v9, $0.0e+00;
	v8 =	vadd.f32 v12, v8  }
0x241: {  	v12 =	vld [tilespmem:s3+$0xEC0];
	v22 =	vadd.f32 v22, v23;
	v18 =	vmul.f32 v18, v4;
	[tilespmem:s30+$0x8E80] =	vst v14;
	v14 =	vmul.f32 v27, v5  }
0x242: {  	v27 =	vmul.f32 v9, v7;
	v21 =	vmul.f32 v21, v2;
	v23 =	vld [tilespmem:s3+$0xED0];
	v9 =	vmax.f32 v8, $0.0e+00  }
0x243: {  	v13 =	vmul.f32 v13, v2;
	v28 =	vld [tilespmem:s3+$0xEE0];
	v18 =	vadd.f32 v18, v22;
	v22 =	vmul.f32 v9, v5  }
0x244: {  	v9 =	vadd.f32 v10, v11;
	v10 =	vmul.f32 v8, v7;
	v29 =	vld [tilespmem:s3+$0x2E80];
	v15 =	vmul.f32 v15, v2  }
0x245: {  	v19 =	vadd.f32 v24, v19;
	v11 =	vld [tilespmem:s3+$0x4E80];
	v26 =	vmul.f32 v26, v2;
	v8 =	vmax.f32 v18, $0.0e+00  }
0x246: {  	v20 =	vadd.f32 v25, v20;
	v18 =	vmul.f32 v18, v7;
	v24 =	vld [tilespmem:s3+$0x2E90];
	v30 =	vmul.f32 v8, v5;
	[tilespmem:s30+$0x8E90] =	vst v9  }
0x247: {  	v16 =	vadd.f32 v16, v17;
	v12 =	vmul.f32 v12, v2;
	v25 =	vld [tilespmem:s3+$0x4E90];
	v9 =	vmul.f32 v23, v2;
	[tilespmem:s30+$0x8EA0] =	vst v19  }
0x248: {  	v14 =	vadd.f32 v14, v27;
	v17 =	vld [tilespmem:s3+$0x2EA0];
	v8 =	vmul.f32 v28, v2;
	v18 =	vadd.f32 v30, v18;
	[tilespmem:s30+$0x8EB0] =	vst v20  }
0x249: {  	v10 =	vadd.f32 v22, v10;
	v19 =	vadd.f32 v29, v21;
	v20 =	vld [tilespmem:s3+$0x4EA0];
	[tilespmem:s30+$0x8EC0] =	vst v16  }
0x24a: {  	v11 =	vmul.f32 v11, v4;
	v21 =	vld [tilespmem:s3+$0x2EB0];
	[tilespmem:s3+$0x8EF0] =	vst v18  }
0x24b: {  	v13 =	vadd.f32 v24, v13;
	v22 =	vld [tilespmem:s3+$0x4EB0];
	[tilespmem:s30+$0x8ED0] =	vst v14  }
0x24c: {  	v11 =	vadd.f32 v11, v19;
	v14 =	vmul.f32 v25, v4;
	v23 =	vld [tilespmem:s3+$0x2EC0];
	[tilespmem:s30+$0x8EE0] =	vst v10;
	s30 =	smov.u32 s3  }
.Ltmp4:
0x24d: {  	v10 =	vadd.f32 v17, v15;
	v17 =	vld [tilespmem:s30+$0x4EC0];
	(pc) =	sbr.rel @p0 .LBB2_11-.Ltmp4, $4  }
0x24e: {  	v15 =	vmax.f32 v11, $0.0e+00;
	v24 =	vadd.f32 v14, v13;
	v13 =	vmul.f32 v20, v4;
	v18 =	vld [tilespmem:s30+$0x2ED0]  }
0x24f: {  	v16 =	vmul.f32 v11, v7;
	v14 =	vmul.f32 v15, v5;
	v20 =	vadd.f32 v21, v26;
	v15 =	vld [tilespmem:s30+$0x4ED0]  }
0x250: {  	v11 =	vmax.f32 v24, $0.0e+00;
	v19 =	vadd.f32 v13, v10;
	v22 =	vmul.f32 v22, v4;
	v13 =	vld [tilespmem:s30+$0x2EE0]  }
0x251: {  	s3 =	sshra.s32 s7, $0x2;
	s7 =	sadd.s32 $0x200, s7;
	v10 =	vmul.f32 v11, v5;
	v11 =	vmul.f32 v24, v7;
	v21 =	vadd.f32 v23, v12;
	v12 =	vld [tilespmem:s30+$0x4EE0]  }
0x252: {  	v23 =	vld [tilespmem:s3+$0xEF0]  }
0x253: {  	v24 =	vld [tilespmem:s3+$0x2EF0]  }
0x254: {  	v25 =	vld [tilespmem:s3+$0x4EF0]  }
0x255: {  	v26 =	vld [tilespmem:s3+$0xE80]  }
0x256: {  	v27 =	vld [tilespmem:s3+$0xE90]  }
0x257: {  	v28 =	vld [tilespmem:s3+$0xEA0];
	v14 =	vadd.f32 v14, v16  }
0x258: {  	v16 =	vld [tilespmem:s3+$0xEB0];
	v20 =	vadd.f32 v22, v20;
	v17 =	vmul.f32 v17, v4  }
0x259: {  	v29 =	vld [tilespmem:s3+$0xEC0];
	v9 =	vadd.f32 v18, v9;
	v10 =	vadd.f32 v10, v11;
	[tilespmem:s30+$0x8E80] =	vst v14  }
0x25a: {  	v14 =	vmax.f32 v19, $0.0e+00;
	v19 =	vmul.f32 v19, v7;
	v17 =	vadd.f32 v17, v21;
	v30 =	vld [tilespmem:s3+$0xED0]  }
0x25b: {  	v21 =	vmax.f32 v20, $0.0e+00;
	v15 =	vmul.f32 v15, v4;
	v22 =	vld [tilespmem:s3+$0xEE0];
	v18 =	vmul.f32 v23, v2  }
0x25c: {  	v20 =	vmul.f32 v20, v7;
	v14 =	vmul.f32 v14, v5;
	v11 =	vld [tilespmem:s3+$0x4E80];
	v8 =	vadd.f32 v13, v8  }
0x25d: {  	v60 =	vld [tilespmem:s3+$0x2E90];
	v12 =	vmul.f32 v12, v4;
	v59 =	vmul.f32 v25, v4;
	v18 =	vadd.f32 v24, v18  }
0x25e: {  	v23 =	vld [tilespmem:s3+$0x2E80];
	v14 =	vadd.f32 v14, v19;
	v19 =	vmul.f32 v21, v5;
	[tilespmem:s30+$0x8E90] =	vst v10;
	v10 =	vmax.f32 v17, $0.0e+00  }
0x25f: {  	v17 =	vmul.f32 v17, v7;
	v10 =	vmul.f32 v10, v5;
	v13 =	vadd.f32 v59, v18  }
0x260: {  	v9 =	vadd.f32 v15, v9;
	v8 =	vadd.f32 v12, v8  }
0x261: {  	v19 =	vadd.f32 v19, v20;
	v10 =	vadd.f32 v10, v17;
	v18 =	vld [tilespmem:s3+$0x4E90];
	[tilespmem:s30+$0x8EA0] =	vst v14;
	v14 =	vmax.f32 v13, $0.0e+00  }
0x262: {  	v17 =	vmax.f32 v9, $0.0e+00;
	v13 =	vmul.f32 v13, v7;
	v14 =	vmul.f32 v14, v5  }
0x263: {  	v9 =	vmul.f32 v9, v7;
	v17 =	vmul.f32 v17, v5;
	v15 =	vld [tilespmem:s3+$0x2EA0];
	[tilespmem:s30+$0x8EB0] =	vst v19  }
0x264: {  	v12 =	vld [tilespmem:s3+$0x4EA0];
	[tilespmem:s30+$0x8EC0] =	vst v10;
	v10 =	vmul.f32 v26, v2;
	v13 =	vadd.f32 v14, v13;
	v14 =	vmax.f32 v8, $0.0e+00  }
0x265: {  	v8 =	vmul.f32 v8, v7;
	v14 =	vmul.f32 v14, v5  }
0x266: {  	v11 =	vmul.f32 v11, v4;
	v9 =	vadd.f32 v17, v9;
	v10 =	vadd.f32 v23, v10  }
0x267: {  	v19 =	vld [tilespmem:s3+$0x2EB0];
	[tilespmem:s3+$0x8EF0] =	vst v13;
	v13 =	vmul.f32 v27, v2;
	v8 =	vadd.f32 v14, v8  }
0x268: {  	v21 =	vmul.f32 v22, v2;
	v17 =	vld [tilespmem:s3+$0x4EB0];
	v10 =	vadd.f32 v11, v10;
	[tilespmem:s30+$0x8ED0] =	vst v9;
	v9 =	vmul.f32 v28, v2  }
0x269: {  	v11 =	vmul.f32 v18, v4;
	v14 =	vmul.f32 v16, v2;
	v16 =	vld [tilespmem:s3+$0x2EC0];
	v13 =	vadd.f32 v60, v13;
	[tilespmem:s30+$0x8EE0] =	vst v8  }
0x26a: {  	v18 =	vmul.f32 v30, v2;
	v12 =	vmul.f32 v12, v4;
	v9 =	vadd.f32 v15, v9;
	v15 =	vld [tilespmem:s3+$0x4EC0]  }
0x26b: {  	v20 =	vmax.f32 v10, $0.0e+00;
	v10 =	vmul.f32 v10, v7;
	v11 =	vadd.f32 v11, v13;
	v13 =	vld [tilespmem:s3+$0x2ED0]  }
0x26c: {  	v20 =	vmul.f32 v20, v5;
	v8 =	vmul.f32 v29, v2;
	v14 =	vadd.f32 v19, v14;
	v19 =	vld [tilespmem:s3+$0x4ED0]  }
0x26d: {  	v9 =	vadd.f32 v12, v9;
	v12 =	vmul.f32 v17, v4;
	v17 =	vld [tilespmem:s3+$0x2EE0];
	v22 =	vmax.f32 v11, $0.0e+00  }
0x26e: {  	v11 =	vmul.f32 v11, v7;
	v22 =	vmul.f32 v22, v5;
	v8 =	vadd.f32 v16, v8;
	v16 =	vld [tilespmem:s3+$0x4EE0]  }
0x26f: {  	v23 =	vmax.f32 v9, $0.0e+00;
	v12 =	vadd.f32 v12, v14;
	v14 =	vmul.f32 v15, v4  }
0x270: {  	v9 =	vmul.f32 v9, v7;
	v15 =	vmul.f32 v23, v5;
	v13 =	vadd.f32 v13, v18  }
0x271: {  	v18 =	vmax.f32 v12, $0.0e+00;
	v8 =	vadd.f32 v14, v8;
	v14 =	vmul.f32 v19, v4  }
0x272: {  	v12 =	vmul.f32 v12, v7;
	v11 =	vadd.f32 v22, v11;
	v18 =	vmul.f32 v18, v5  }
0x273: {  	v17 =	vadd.f32 v17, v21;
	v13 =	vadd.f32 v14, v13;
	v14 =	vmul.f32 v16, v4  }
0x274: {  	v10 =	vadd.f32 v20, v10;
	v9 =	vadd.f32 v15, v9  }
0x275: {  	[tilespmem:s3+$0x8E90] =	vst v11;
	v11 =	vadd.f32 v18, v12;
	v19 =	vmax.f32 v8, $0.0e+00;
	v14 =	vadd.f32 v14, v17  }
0x276: {  	v8 =	vmul.f32 v8, v7;
	v16 =	vmul.f32 v19, v5;
	v19 =	vmax.f32 v13, $0.0e+00  }
0x277: {  	[tilespmem:s3+$0x8E80] =	vst v10;
	v13 =	vmul.f32 v13, v7;
	v10 =	vmul.f32 v19, v5;
	v15 =	vmax.f32 v14, $0.0e+00  }
0x278: {  	[tilespmem:s3+$0x8EA0] =	vst v9;
	v8 =	vadd.f32 v16, v8;
	v14 =	vmul.f32 v14, v7;
	v12 =	vmul.f32 v15, v5  }
0x279: {  	[tilespmem:s3+$0x8EB0] =	vst v11;
	v9 =	vadd.f32 v10, v13  }
0x27a: {  	[tilespmem:s3+$0x8EC0] =	vst v8;
	v8 =	vadd.f32 v12, v14  }
0x27b: {  	[tilespmem:s3+$0x8ED0] =	vst v9  }
0x27c: {  	[tilespmem:s3+$0x8EE0] =	vst v8  }
0x27d: {  	[spmem:s1] =	stream.indirect.scatter.add.f32 [tilespmem:s26], [sflag:$0x2], $0x80, s0, s21, $0xb8;
	[tilespmem:$0x1EE80] =	vst v63  }
0x27e: {  	_ = 	snop  }
0x27f: {  	[tilespmem:s22], [sflag:$0x1] =	stream.indirect.gather [hbm4b:s15+s21], $0x80, s6, s21, $0xb8;
	[tilespmem:$0x1EE80] =	vst v63  }
0x280: {  	s7 =	simm.s32 $0x200  }
0x281: {  	[tilespmem:s23], [sflag:$0x1] =	stream.indirect.gather [hbm4b:s16+s21], $0x80, s7, s21, $0xb8;
	[tilespmem:$0x1EE80] =	vst v63  }
0x282: {  	s7 =	simm.s32 $0xA00  }
0x283: {  	[tilespmem:s24], [sflag:$0x1] =	stream.indirect.gather [hbm4b:s19+s21], $0x80, s7, s21, $0xb8;
	[tilespmem:$0x1EE80] =	vst v63  }
0x284: {  	_ =	swait.ge [sflag:s12], $0x2000  }
0x285: {  	[sflag:s12] =	ssyncset.done $0x0  }
0x286: {  	[sflag:s12] =	ssyncadd.s32 $0xFFFFE000  }
0x287: {  	_ =	swait.ge [sflag:s12], $0x2000  }
0x288: {  	[sflag:s12] =	ssyncset.done $0x0  }
0x289: {  	[sflag:s12] =	ssyncadd.s32 $0xFFFFE000  }
0x28a: {  	_ =	swait.ge [sflag:s12], $0x2000  }
0x28b: {  	[sflag:s12] =	ssyncset.done $0x0  }
0x28c: {  	[sflag:s12] =	ssyncadd.s32 $0xFFFFE000  }
0x28d: {  	_ =	swait.ge [sflag:s31], $0x2000  }
0x28e: {  	[sflag:s31] =	ssyncset.done $0x0  }
0x28f: {  	s30 =	simm.s32 $0x0;
	[sflag:s31] =	ssyncadd.s32 $0xFFFFE000  }
0x290: {  	v8 =	vld [tilespmem:s30+$0xEF0]  }
0x291: {  	v9 =	vld [tilespmem:s30+$0x2EF0]  }
0x292: {  	v10 =	vld [tilespmem:s30+$0x4EF0]  }
0x293: {  	v11 =	vld [tilespmem:s30+$0xE80]  }
0x294: {  	v12 =	vld [tilespmem:s30+$0xE90]  }
0x295: {  	v13 =	vld [tilespmem:s30+$0xEA0]  }
0x296: {  	v14 =	vld [tilespmem:s30+$0xEB0]  }
0x297: {  	v15 =	vld [tilespmem:s30+$0xEC0];
	v8 =	vmul.f32 v8, v2  }
0x298: {  	v17 =	vld [tilespmem:s30+$0x4E80]  }
0x299: {  	v19 =	vld [tilespmem:s30+$0x2E90];
	v8 =	vadd.f32 v9, v8;
	v9 =	vmul.f32 v10, v4  }
0x29a: {  	v20 =	vld [tilespmem:s30+$0x4E90]  }
0x29b: {  	v21 =	vld [tilespmem:s30+$0x2EA0];
	v8 =	vadd.f32 v9, v8  }
0x29c: {  	v22 =	vld [tilespmem:s30+$0x2EB0]  }
0x29d: {  	v9 =	vld [tilespmem:s30+$0x2E80];
	v18 =	vmax.f32 v8, $0.0e+00  }
0x29e: {  	v62 =	vld [tilespmem:s30+$0x4EB0];
	v8 =	vmul.f32 v8, v7;
	v18 =	vmul.f32 v18, v5  }
0x29f: {  	v10 =	vld [tilespmem:s30+$0xED0]  }
0x2a0: {  	v11 =	vmul.f32 v11, v2;
	v12 =	vmul.f32 v12, v2;
	v8 =	vadd.f32 v18, v8;
	v18 =	vld [tilespmem:s30+$0x4EA0]  }
0x2a1: {  	v16 =	vld [tilespmem:s30+$0xEE0];
	v23 =	vmul.f32 v14, v2;
	v14 =	vmul.f32 v20, v4  }
0x2a2: {  	v12 =	vadd.f32 v19, v12;
	v9 =	vadd.f32 v9, v11;
	v11 =	vmul.f32 v17, v4  }
0x2a3: {  	v63 =	vld [tilespmem:s30+$0x2EC0];
	v13 =	vmul.f32 v13, v2;
	v61 =	vmul.f32 v15, v2;
	v20 =	vadd.f32 v22, v23  }
0x2a4: {  	v22 =	vmul.f32 v62, v4;
	v12 =	vadd.f32 v14, v12;
	v17 =	vld [tilespmem:s30+$0x4EC0];
	v11 =	vadd.f32 v11, v9  }
0x2a5: {  	v9 =	vmul.f32 v10, v2;
	v10 =	vadd.f32 v21, v13;
	v19 =	vmul.f32 v18, v4;
	v18 =	vld [tilespmem:s30+$0x2ED0]  }
0x2a6: {  	v15 =	vld [tilespmem:s30+$0x4ED0];
	[tilespmem:s30+$0x6EF0] =	vst v8;
	v8 =	vmul.f32 v16, v2;
	v13 =	vmax.f32 v11, $0.0e+00;
	v16 =	vmul.f32 v11, v7  }
0x2a7: {  	v11 =	vmax.f32 v12, $0.0e+00;
	v14 =	vmul.f32 v13, v5;
	v13 =	vld [tilespmem:s30+$0x2EE0];
	v19 =	vadd.f32 v19, v10  }
0x2a8: {  	s3 =	simm.s32 $0x80;
	s7 =	simm.s32 $0x400;
	v21 =	vadd.f32 v63, v61;
	v10 =	vmul.f32 v11, v5;
	v11 =	vmul.f32 v12, v7;
	v12 =	vld [tilespmem:s30+$0x4EE0]  }
.LBB2_13:
0x2a9: {  	p0 =	sne.s32 s7, $0x7E00;
	v23 =	vld [tilespmem:s3+$0xEF0];
	v24 =	vmax.f32 v19, $0.0e+00;
	v20 =	vadd.f32 v22, v20;
	v17 =	vmul.f32 v17, v4  }
0x2aa: {  	v19 =	vmul.f32 v19, v7;
	v22 =	vld [tilespmem:s3+$0x2EF0];
	v24 =	vmul.f32 v24, v5;
	v9 =	vadd.f32 v18, v9  }
0x2ab: {  	v18 =	vld [tilespmem:s3+$0x4EF0];
	v25 =	vmax.f32 v20, $0.0e+00;
	v17 =	vadd.f32 v17, v21;
	v15 =	vmul.f32 v15, v4  }
0x2ac: {  	v20 =	vmul.f32 v20, v7;
	v21 =	vld [tilespmem:s3+$0xE80];
	v25 =	vmul.f32 v25, v5;
	v8 =	vadd.f32 v13, v8  }
0x2ad: {  	v13 =	vld [tilespmem:s3+$0xE90];
	v26 =	vmax.f32 v17, $0.0e+00;
	v9 =	vadd.f32 v15, v9;
	v12 =	vmul.f32 v12, v4  }
0x2ae: {  	v14 =	vadd.f32 v14, v16;
	v15 =	vld [tilespmem:s3+$0xEA0];
	v23 =	vmul.f32 v23, v2;
	v16 =	vmul.f32 v26, v5  }
0x2af: {  	v17 =	vmul.f32 v17, v7;
	v26 =	vld [tilespmem:s3+$0xEB0];
	v27 =	vmax.f32 v9, $0.0e+00;
	v8 =	vadd.f32 v12, v8  }
0x2b0: {  	v12 =	vld [tilespmem:s3+$0xEC0];
	v22 =	vadd.f32 v22, v23;
	v18 =	vmul.f32 v18, v4;
	[tilespmem:s30+$0x6E80] =	vst v14;
	v14 =	vmul.f32 v27, v5  }
0x2b1: {  	v27 =	vmul.f32 v9, v7;
	v21 =	vmul.f32 v21, v2;
	v23 =	vld [tilespmem:s3+$0xED0];
	v9 =	vmax.f32 v8, $0.0e+00  }
0x2b2: {  	v13 =	vmul.f32 v13, v2;
	v28 =	vld [tilespmem:s3+$0xEE0];
	v18 =	vadd.f32 v18, v22;
	v22 =	vmul.f32 v9, v5  }
0x2b3: {  	v9 =	vadd.f32 v10, v11;
	v10 =	vmul.f32 v8, v7;
	v29 =	vld [tilespmem:s3+$0x2E80];
	v15 =	vmul.f32 v15, v2  }
0x2b4: {  	v19 =	vadd.f32 v24, v19;
	v11 =	vld [tilespmem:s3+$0x4E80];
	v26 =	vmul.f32 v26, v2;
	v8 =	vmax.f32 v18, $0.0e+00  }
0x2b5: {  	v20 =	vadd.f32 v25, v20;
	v18 =	vmul.f32 v18, v7;
	v24 =	vld [tilespmem:s3+$0x2E90];
	v30 =	vmul.f32 v8, v5;
	[tilespmem:s30+$0x6E90] =	vst v9  }
0x2b6: {  	v16 =	vadd.f32 v16, v17;
	v12 =	vmul.f32 v12, v2;
	v25 =	vld [tilespmem:s3+$0x4E90];
	v9 =	vmul.f32 v23, v2;
	[tilespmem:s30+$0x6EA0] =	vst v19  }
0x2b7: {  	v14 =	vadd.f32 v14, v27;
	v17 =	vld [tilespmem:s3+$0x2EA0];
	v8 =	vmul.f32 v28, v2;
	v18 =	vadd.f32 v30, v18;
	[tilespmem:s30+$0x6EB0] =	vst v20  }
0x2b8: {  	v10 =	vadd.f32 v22, v10;
	v19 =	vadd.f32 v29, v21;
	v20 =	vld [tilespmem:s3+$0x4EA0];
	[tilespmem:s30+$0x6EC0] =	vst v16  }
0x2b9: {  	v11 =	vmul.f32 v11, v4;
	v21 =	vld [tilespmem:s3+$0x2EB0];
	[tilespmem:s3+$0x6EF0] =	vst v18  }
0x2ba: {  	v13 =	vadd.f32 v24, v13;
	v22 =	vld [tilespmem:s3+$0x4EB0];
	[tilespmem:s30+$0x6ED0] =	vst v14  }
0x2bb: {  	v11 =	vadd.f32 v11, v19;
	v14 =	vmul.f32 v25, v4;
	v23 =	vld [tilespmem:s3+$0x2EC0];
	[tilespmem:s30+$0x6EE0] =	vst v10;
	s30 =	smov.u32 s3  }
.Ltmp5:
0x2bc: {  	v10 =	vadd.f32 v17, v15;
	v17 =	vld [tilespmem:s30+$0x4EC0];
	(pc) =	sbr.rel @p0 .LBB2_13-.Ltmp5, $4  }
0x2bd: {  	v15 =	vmax.f32 v11, $0.0e+00;
	v24 =	vadd.f32 v14, v13;
	v13 =	vmul.f32 v20, v4;
	v18 =	vld [tilespmem:s30+$0x2ED0]  }
0x2be: {  	v16 =	vmul.f32 v11, v7;
	v14 =	vmul.f32 v15, v5;
	v20 =	vadd.f32 v21, v26;
	v15 =	vld [tilespmem:s30+$0x4ED0]  }
0x2bf: {  	v11 =	vmax.f32 v24, $0.0e+00;
	v19 =	vadd.f32 v13, v10;
	v22 =	vmul.f32 v22, v4;
	v13 =	vld [tilespmem:s30+$0x2EE0]  }
0x2c0: {  	s3 =	sshra.s32 s7, $0x2;
	s7 =	sadd.s32 $0x200, s7;
	v10 =	vmul.f32 v11, v5;
	v11 =	vmul.f32 v24, v7;
	v21 =	vadd.f32 v23, v12;
	v12 =	vld [tilespmem:s30+$0x4EE0]  }
0x2c1: {  	v23 =	vld [tilespmem:s3+$0xEF0]  }
0x2c2: {  	v24 =	vld [tilespmem:s3+$0x2EF0]  }
0x2c3: {  	v25 =	vld [tilespmem:s3+$0x4EF0]  }
0x2c4: {  	v26 =	vld [tilespmem:s3+$0xE80]  }
0x2c5: {  	v27 =	vld [tilespmem:s3+$0xE90]  }
0x2c6: {  	v28 =	vld [tilespmem:s3+$0xEA0];
	v14 =	vadd.f32 v14, v16  }
0x2c7: {  	v16 =	vld [tilespmem:s3+$0xEB0];
	v20 =	vadd.f32 v22, v20;
	v17 =	vmul.f32 v17, v4  }
0x2c8: {  	v29 =	vld [tilespmem:s3+$0xEC0];
	v9 =	vadd.f32 v18, v9;
	v10 =	vadd.f32 v10, v11;
	[tilespmem:s30+$0x6E80] =	vst v14  }
0x2c9: {  	v14 =	vmax.f32 v19, $0.0e+00;
	v19 =	vmul.f32 v19, v7;
	v17 =	vadd.f32 v17, v21;
	v30 =	vld [tilespmem:s3+$0xED0]  }
0x2ca: {  	v21 =	vmax.f32 v20, $0.0e+00;
	v15 =	vmul.f32 v15, v4;
	v22 =	vld [tilespmem:s3+$0xEE0];
	v18 =	vmul.f32 v23, v2  }
0x2cb: {  	v20 =	vmul.f32 v20, v7;
	v14 =	vmul.f32 v14, v5;
	v11 =	vld [tilespmem:s3+$0x4E80];
	v8 =	vadd.f32 v13, v8  }
0x2cc: {  	v60 =	vld [tilespmem:s3+$0x2E90];
	v12 =	vmul.f32 v12, v4;
	v59 =	vmul.f32 v25, v4;
	v18 =	vadd.f32 v24, v18  }
0x2cd: {  	v23 =	vld [tilespmem:s3+$0x2E80];
	v14 =	vadd.f32 v14, v19;
	v19 =	vmul.f32 v21, v5;
	[tilespmem:s30+$0x6E90] =	vst v10;
	v10 =	vmax.f32 v17, $0.0e+00  }
0x2ce: {  	v17 =	vmul.f32 v17, v7;
	v10 =	vmul.f32 v10, v5;
	v13 =	vadd.f32 v59, v18  }
0x2cf: {  	v9 =	vadd.f32 v15, v9;
	v8 =	vadd.f32 v12, v8  }
0x2d0: {  	v19 =	vadd.f32 v19, v20;
	v10 =	vadd.f32 v10, v17;
	v18 =	vld [tilespmem:s3+$0x4E90];
	[tilespmem:s30+$0x6EA0] =	vst v14;
	v14 =	vmax.f32 v13, $0.0e+00  }
0x2d1: {  	v17 =	vmax.f32 v9, $0.0e+00;
	v13 =	vmul.f32 v13, v7;
	v14 =	vmul.f32 v14, v5  }
0x2d2: {  	v9 =	vmul.f32 v9, v7;
	v17 =	vmul.f32 v17, v5;
	v15 =	vld [tilespmem:s3+$0x2EA0];
	[tilespmem:s30+$0x6EB0] =	vst v19  }
0x2d3: {  	v12 =	vld [tilespmem:s3+$0x4EA0];
	[tilespmem:s30+$0x6EC0] =	vst v10;
	v10 =	vmul.f32 v26, v2;
	v13 =	vadd.f32 v14, v13;
	v14 =	vmax.f32 v8, $0.0e+00  }
0x2d4: {  	v8 =	vmul.f32 v8, v7;
	v14 =	vmul.f32 v14, v5  }
0x2d5: {  	v11 =	vmul.f32 v11, v4;
	v9 =	vadd.f32 v17, v9;
	v10 =	vadd.f32 v23, v10  }
0x2d6: {  	v19 =	vld [tilespmem:s3+$0x2EB0];
	[tilespmem:s3+$0x6EF0] =	vst v13;
	v13 =	vmul.f32 v27, v2;
	v8 =	vadd.f32 v14, v8  }
0x2d7: {  	v21 =	vmul.f32 v22, v2;
	v17 =	vld [tilespmem:s3+$0x4EB0];
	v10 =	vadd.f32 v11, v10;
	[tilespmem:s30+$0x6ED0] =	vst v9;
	v9 =	vmul.f32 v28, v2  }
0x2d8: {  	v11 =	vmul.f32 v18, v4;
	v14 =	vmul.f32 v16, v2;
	v16 =	vld [tilespmem:s3+$0x2EC0];
	v13 =	vadd.f32 v60, v13;
	[tilespmem:s30+$0x6EE0] =	vst v8  }
0x2d9: {  	v18 =	vmul.f32 v30, v2;
	v12 =	vmul.f32 v12, v4;
	v9 =	vadd.f32 v15, v9;
	v15 =	vld [tilespmem:s3+$0x4EC0]  }
0x2da: {  	v20 =	vmax.f32 v10, $0.0e+00;
	v10 =	vmul.f32 v10, v7;
	v11 =	vadd.f32 v11, v13;
	v13 =	vld [tilespmem:s3+$0x2ED0]  }
0x2db: {  	v20 =	vmul.f32 v20, v5;
	v8 =	vmul.f32 v29, v2;
	v14 =	vadd.f32 v19, v14;
	v19 =	vld [tilespmem:s3+$0x4ED0]  }
0x2dc: {  	v9 =	vadd.f32 v12, v9;
	v12 =	vmul.f32 v17, v4;
	v17 =	vld [tilespmem:s3+$0x2EE0];
	v22 =	vmax.f32 v11, $0.0e+00  }
0x2dd: {  	v11 =	vmul.f32 v11, v7;
	v22 =	vmul.f32 v22, v5;
	v8 =	vadd.f32 v16, v8;
	v16 =	vld [tilespmem:s3+$0x4EE0]  }
0x2de: {  	v23 =	vmax.f32 v9, $0.0e+00;
	v12 =	vadd.f32 v12, v14;
	v14 =	vmul.f32 v15, v4  }
0x2df: {  	v9 =	vmul.f32 v9, v7;
	v15 =	vmul.f32 v23, v5;
	v13 =	vadd.f32 v13, v18  }
0x2e0: {  	v18 =	vmax.f32 v12, $0.0e+00;
	v8 =	vadd.f32 v14, v8;
	v14 =	vmul.f32 v19, v4  }
0x2e1: {  	v12 =	vmul.f32 v12, v7;
	v11 =	vadd.f32 v22, v11;
	v18 =	vmul.f32 v18, v5  }
0x2e2: {  	v17 =	vadd.f32 v17, v21;
	v13 =	vadd.f32 v14, v13;
	v14 =	vmul.f32 v16, v4  }
0x2e3: {  	v10 =	vadd.f32 v20, v10;
	v9 =	vadd.f32 v15, v9  }
0x2e4: {  	[tilespmem:s3+$0x6E90] =	vst v11;
	v11 =	vadd.f32 v18, v12;
	v19 =	vmax.f32 v8, $0.0e+00;
	v14 =	vadd.f32 v14, v17  }
0x2e5: {  	v8 =	vmul.f32 v8, v7;
	v16 =	vmul.f32 v19, v5;
	v19 =	vmax.f32 v13, $0.0e+00  }
0x2e6: {  	[tilespmem:s3+$0x6E80] =	vst v10;
	v13 =	vmul.f32 v13, v7;
	v10 =	vmul.f32 v19, v5;
	v15 =	vmax.f32 v14, $0.0e+00  }
0x2e7: {  	[tilespmem:s3+$0x6EA0] =	vst v9;
	v8 =	vadd.f32 v16, v8;
	v14 =	vmul.f32 v14, v7;
	v12 =	vmul.f32 v15, v5  }
0x2e8: {  	[tilespmem:s3+$0x6EB0] =	vst v11;
	v9 =	vadd.f32 v10, v13  }
0x2e9: {  	[tilespmem:s3+$0x6EC0] =	vst v8;
	v8 =	vadd.f32 v12, v14  }
0x2ea: {  	[tilespmem:s3+$0x6ED0] =	vst v9  }
0x2eb: {  	[tilespmem:s3+$0x6EE0] =	vst v8  }
0x2ec: {  	[spmem:s1] =	stream.indirect.scatter.add.f32 [tilespmem:s11], [sflag:$0x2], $0x80, s6, s21, $0xb8;
	[tilespmem:$0x1EE80] =	vst v63  }
0x2ed: {  	_ = 	snop  }
0x2ee: {  	[tilespmem:s22], [sflag:$0x1] =	stream.indirect.gather [hbm4b:s15+s21], $0x80, s10, s21, $0xb8;
	[tilespmem:$0x1EE80] =	vst v63  }
0x2ef: {  	s7 =	simm.s32 $0x280  }
0x2f0: {  	[tilespmem:s23], [sflag:$0x1] =	stream.indirect.gather [hbm4b:s16+s21], $0x80, s7, s21, $0xb8;
	[tilespmem:$0x1EE80] =	vst v63  }
0x2f1: {  	s7 =	simm.s32 $0xA80  }
0x2f2: {  	[tilespmem:s24], [sflag:$0x1] =	stream.indirect.gather [hbm4b:s19+s21], $0x80, s7, s21, $0xb8;
	[tilespmem:$0x1EE80] =	vst v63  }
0x2f3: {  	_ =	swait.ge [sflag:s12], $0x2000  }
0x2f4: {  	[sflag:s12] =	ssyncset.done $0x0  }
0x2f5: {  	[sflag:s12] =	ssyncadd.s32 $0xFFFFE000  }
0x2f6: {  	_ =	swait.ge [sflag:s12], $0x2000  }
0x2f7: {  	[sflag:s12] =	ssyncset.done $0x0  }
0x2f8: {  	[sflag:s12] =	ssyncadd.s32 $0xFFFFE000  }
0x2f9: {  	_ =	swait.ge [sflag:s12], $0x2000  }
0x2fa: {  	[sflag:s12] =	ssyncset.done $0x0  }
0x2fb: {  	[sflag:s12] =	ssyncadd.s32 $0xFFFFE000  }
0x2fc: {  	_ =	swait.ge [sflag:s31], $0x2000  }
0x2fd: {  	[sflag:s31] =	ssyncset.done $0x0  }
0x2fe: {  	s30 =	simm.s32 $0x0;
	[sflag:s31] =	ssyncadd.s32 $0xFFFFE000  }
0x2ff: {  	v8 =	vld [tilespmem:s30+$0xEF0]  }
0x300: {  	v9 =	vld [tilespmem:s30+$0x2EF0]  }
0x301: {  	v10 =	vld [tilespmem:s30+$0x4EF0]  }
0x302: {  	v11 =	vld [tilespmem:s30+$0xE80]  }
0x303: {  	v12 =	vld [tilespmem:s30+$0xE90]  }
0x304: {  	v13 =	vld [tilespmem:s30+$0xEA0]  }
0x305: {  	v14 =	vld [tilespmem:s30+$0xEB0]  }
0x306: {  	v15 =	vld [tilespmem:s30+$0xEC0];
	v8 =	vmul.f32 v8, v2  }
0x307: {  	v17 =	vld [tilespmem:s30+$0x4E80]  }
0x308: {  	v19 =	vld [tilespmem:s30+$0x2E90];
	v8 =	vadd.f32 v9, v8;
	v9 =	vmul.f32 v10, v4  }
0x309: {  	v20 =	vld [tilespmem:s30+$0x4E90]  }
0x30a: {  	v21 =	vld [tilespmem:s30+$0x2EA0];
	v8 =	vadd.f32 v9, v8  }
0x30b: {  	v22 =	vld [tilespmem:s30+$0x2EB0]  }
0x30c: {  	v9 =	vld [tilespmem:s30+$0x2E80];
	v18 =	vmax.f32 v8, $0.0e+00  }
0x30d: {  	v62 =	vld [tilespmem:s30+$0x4EB0];
	v8 =	vmul.f32 v8, v7;
	v18 =	vmul.f32 v18, v5  }
0x30e: {  	v10 =	vld [tilespmem:s30+$0xED0]  }
0x30f: {  	v11 =	vmul.f32 v11, v2;
	v12 =	vmul.f32 v12, v2;
	v8 =	vadd.f32 v18, v8;
	v18 =	vld [tilespmem:s30+$0x4EA0]  }
0x310: {  	v16 =	vld [tilespmem:s30+$0xEE0];
	v23 =	vmul.f32 v14, v2;
	v14 =	vmul.f32 v20, v4  }
0x311: {  	v12 =	vadd.f32 v19, v12;
	v9 =	vadd.f32 v9, v11;
	v11 =	vmul.f32 v17, v4  }
0x312: {  	v63 =	vld [tilespmem:s30+$0x2EC0];
	v13 =	vmul.f32 v13, v2;
	v61 =	vmul.f32 v15, v2;
	v20 =	vadd.f32 v22, v23  }
0x313: {  	v22 =	vmul.f32 v62, v4;
	v12 =	vadd.f32 v14, v12;
	v17 =	vld [tilespmem:s30+$0x4EC0];
	v11 =	vadd.f32 v11, v9  }
0x314: {  	v9 =	vmul.f32 v10, v2;
	v10 =	vadd.f32 v21, v13;
	v19 =	vmul.f32 v18, v4;
	v18 =	vld [tilespmem:s30+$0x2ED0]  }
0x315: {  	v15 =	vld [tilespmem:s30+$0x4ED0];
	[tilespmem:s30+$0x8EF0] =	vst v8;
	v8 =	vmul.f32 v16, v2;
	v13 =	vmax.f32 v11, $0.0e+00;
	v16 =	vmul.f32 v11, v7  }
0x316: {  	v11 =	vmax.f32 v12, $0.0e+00;
	v14 =	vmul.f32 v13, v5;
	v13 =	vld [tilespmem:s30+$0x2EE0];
	v19 =	vadd.f32 v19, v10  }
0x317: {  	s3 =	simm.s32 $0x80;
	s7 =	simm.s32 $0x400;
	v21 =	vadd.f32 v63, v61;
	v10 =	vmul.f32 v11, v5;
	v11 =	vmul.f32 v12, v7;
	v12 =	vld [tilespmem:s30+$0x4EE0]  }
.LBB2_15:
0x318: {  	p0 =	sne.s32 s7, $0x7E00;
	v23 =	vld [tilespmem:s3+$0xEF0];
	v24 =	vmax.f32 v19, $0.0e+00;
	v20 =	vadd.f32 v22, v20;
	v17 =	vmul.f32 v17, v4  }
0x319: {  	v19 =	vmul.f32 v19, v7;
	v22 =	vld [tilespmem:s3+$0x2EF0];
	v24 =	vmul.f32 v24, v5;
	v9 =	vadd.f32 v18, v9  }
0x31a: {  	v18 =	vld [tilespmem:s3+$0x4EF0];
	v25 =	vmax.f32 v20, $0.0e+00;
	v17 =	vadd.f32 v17, v21;
	v15 =	vmul.f32 v15, v4  }
0x31b: {  	v20 =	vmul.f32 v20, v7;
	v21 =	vld [tilespmem:s3+$0xE80];
	v25 =	vmul.f32 v25, v5;
	v8 =	vadd.f32 v13, v8  }
0x31c: {  	v13 =	vld [tilespmem:s3+$0xE90];
	v26 =	vmax.f32 v17, $0.0e+00;
	v9 =	vadd.f32 v15, v9;
	v12 =	vmul.f32 v12, v4  }
0x31d: {  	v14 =	vadd.f32 v14, v16;
	v15 =	vld [tilespmem:s3+$0xEA0];
	v23 =	vmul.f32 v23, v2;
	v16 =	vmul.f32 v26, v5  }
0x31e: {  	v17 =	vmul.f32 v17, v7;
	v26 =	vld [tilespmem:s3+$0xEB0];
	v27 =	vmax.f32 v9, $0.0e+00;
	v8 =	vadd.f32 v12, v8  }
0x31f: {  	v12 =	vld [tilespmem:s3+$0xEC0];
	v22 =	vadd.f32 v22, v23;
	v18 =	vmul.f32 v18, v4;
	[tilespmem:s30+$0x8E80] =	vst v14;
	v14 =	vmul.f32 v27, v5  }
0x320: {  	v27 =	vmul.f32 v9, v7;
	v21 =	vmul.f32 v21, v2;
	v23 =	vld [tilespmem:s3+$0xED0];
	v9 =	vmax.f32 v8, $0.0e+00  }
0x321: {  	v13 =	vmul.f32 v13, v2;
	v28 =	vld [tilespmem:s3+$0xEE0];
	v18 =	vadd.f32 v18, v22;
	v22 =	vmul.f32 v9, v5  }
0x322: {  	v9 =	vadd.f32 v10, v11;
	v10 =	vmul.f32 v8, v7;
	v29 =	vld [tilespmem:s3+$0x2E80];
	v15 =	vmul.f32 v15, v2  }
0x323: {  	v19 =	vadd.f32 v24, v19;
	v11 =	vld [tilespmem:s3+$0x4E80];
	v26 =	vmul.f32 v26, v2;
	v8 =	vmax.f32 v18, $0.0e+00  }
0x324: {  	v20 =	vadd.f32 v25, v20;
	v18 =	vmul.f32 v18, v7;
	v24 =	vld [tilespmem:s3+$0x2E90];
	v30 =	vmul.f32 v8, v5;
	[tilespmem:s30+$0x8E90] =	vst v9  }
0x325: {  	v16 =	vadd.f32 v16, v17;
	v12 =	vmul.f32 v12, v2;
	v25 =	vld [tilespmem:s3+$0x4E90];
	v9 =	vmul.f32 v23, v2;
	[tilespmem:s30+$0x8EA0] =	vst v19  }
0x326: {  	v14 =	vadd.f32 v14, v27;
	v17 =	vld [tilespmem:s3+$0x2EA0];
	v8 =	vmul.f32 v28, v2;
	v18 =	vadd.f32 v30, v18;
	[tilespmem:s30+$0x8EB0] =	vst v20  }
0x327: {  	v10 =	vadd.f32 v22, v10;
	v19 =	vadd.f32 v29, v21;
	v20 =	vld [tilespmem:s3+$0x4EA0];
	[tilespmem:s30+$0x8EC0] =	vst v16  }
0x328: {  	v11 =	vmul.f32 v11, v4;
	v21 =	vld [tilespmem:s3+$0x2EB0];
	[tilespmem:s3+$0x8EF0] =	vst v18  }
0x329: {  	v13 =	vadd.f32 v24, v13;
	v22 =	vld [tilespmem:s3+$0x4EB0];
	[tilespmem:s30+$0x8ED0] =	vst v14  }
0x32a: {  	v11 =	vadd.f32 v11, v19;
	v14 =	vmul.f32 v25, v4;
	v23 =	vld [tilespmem:s3+$0x2EC0];
	[tilespmem:s30+$0x8EE0] =	vst v10;
	s30 =	smov.u32 s3  }
.Ltmp6:
0x32b: {  	v10 =	vadd.f32 v17, v15;
	v17 =	vld [tilespmem:s30+$0x4EC0];
	(pc) =	sbr.rel @p0 .LBB2_15-.Ltmp6, $4  }
0x32c: {  	v15 =	vmax.f32 v11, $0.0e+00;
	v24 =	vadd.f32 v14, v13;
	v13 =	vmul.f32 v20, v4;
	v18 =	vld [tilespmem:s30+$0x2ED0]  }
0x32d: {  	v16 =	vmul.f32 v11, v7;
	v14 =	vmul.f32 v15, v5;
	v20 =	vadd.f32 v21, v26;
	v15 =	vld [tilespmem:s30+$0x4ED0]  }
0x32e: {  	v11 =	vmax.f32 v24, $0.0e+00;
	v19 =	vadd.f32 v13, v10;
	v22 =	vmul.f32 v22, v4;
	v13 =	vld [tilespmem:s30+$0x2EE0]  }
0x32f: {  	s3 =	sshra.s32 s7, $0x2;
	s7 =	sadd.s32 $0x200, s7;
	v10 =	vmul.f32 v11, v5;
	v11 =	vmul.f32 v24, v7;
	v21 =	vadd.f32 v23, v12;
	v12 =	vld [tilespmem:s30+$0x4EE0]  }
0x330: {  	v23 =	vld [tilespmem:s3+$0xEF0]  }
0x331: {  	v24 =	vld [tilespmem:s3+$0x2EF0]  }
0x332: {  	v25 =	vld [tilespmem:s3+$0x4EF0]  }
0x333: {  	v26 =	vld [tilespmem:s3+$0xE80]  }
0x334: {  	v27 =	vld [tilespmem:s3+$0xE90]  }
0x335: {  	v28 =	vld [tilespmem:s3+$0xEA0];
	v14 =	vadd.f32 v14, v16  }
0x336: {  	v16 =	vld [tilespmem:s3+$0xEB0];
	v20 =	vadd.f32 v22, v20;
	v17 =	vmul.f32 v17, v4  }
0x337: {  	v29 =	vld [tilespmem:s3+$0xEC0];
	v9 =	vadd.f32 v18, v9;
	v10 =	vadd.f32 v10, v11;
	[tilespmem:s30+$0x8E80] =	vst v14  }
0x338: {  	v14 =	vmax.f32 v19, $0.0e+00;
	v19 =	vmul.f32 v19, v7;
	v17 =	vadd.f32 v17, v21;
	v30 =	vld [tilespmem:s3+$0xED0]  }
0x339: {  	v21 =	vmax.f32 v20, $0.0e+00;
	v15 =	vmul.f32 v15, v4;
	v22 =	vld [tilespmem:s3+$0xEE0];
	v18 =	vmul.f32 v23, v2  }
0x33a: {  	v20 =	vmul.f32 v20, v7;
	v14 =	vmul.f32 v14, v5;
	v11 =	vld [tilespmem:s3+$0x4E80];
	v8 =	vadd.f32 v13, v8  }
0x33b: {  	v60 =	vld [tilespmem:s3+$0x2E90];
	v12 =	vmul.f32 v12, v4;
	v59 =	vmul.f32 v25, v4;
	v18 =	vadd.f32 v24, v18  }
0x33c: {  	v23 =	vld [tilespmem:s3+$0x2E80];
	v14 =	vadd.f32 v14, v19;
	v19 =	vmul.f32 v21, v5;
	[tilespmem:s30+$0x8E90] =	vst v10;
	v10 =	vmax.f32 v17, $0.0e+00  }
0x33d: {  	v17 =	vmul.f32 v17, v7;
	v10 =	vmul.f32 v10, v5;
	v13 =	vadd.f32 v59, v18  }
0x33e: {  	v9 =	vadd.f32 v15, v9;
	v8 =	vadd.f32 v12, v8  }
0x33f: {  	v19 =	vadd.f32 v19, v20;
	v10 =	vadd.f32 v10, v17;
	v18 =	vld [tilespmem:s3+$0x4E90];
	[tilespmem:s30+$0x8EA0] =	vst v14;
	v14 =	vmax.f32 v13, $0.0e+00  }
0x340: {  	v17 =	vmax.f32 v9, $0.0e+00;
	v13 =	vmul.f32 v13, v7;
	v14 =	vmul.f32 v14, v5  }
0x341: {  	v9 =	vmul.f32 v9, v7;
	v17 =	vmul.f32 v17, v5;
	v15 =	vld [tilespmem:s3+$0x2EA0];
	[tilespmem:s30+$0x8EB0] =	vst v19  }
0x342: {  	v12 =	vld [tilespmem:s3+$0x4EA0];
	[tilespmem:s30+$0x8EC0] =	vst v10;
	v10 =	vmul.f32 v26, v2;
	v13 =	vadd.f32 v14, v13;
	v14 =	vmax.f32 v8, $0.0e+00  }
0x343: {  	v8 =	vmul.f32 v8, v7;
	v14 =	vmul.f32 v14, v5  }
0x344: {  	v11 =	vmul.f32 v11, v4;
	v9 =	vadd.f32 v17, v9;
	v10 =	vadd.f32 v23, v10  }
0x345: {  	v19 =	vld [tilespmem:s3+$0x2EB0];
	[tilespmem:s3+$0x8EF0] =	vst v13;
	v13 =	vmul.f32 v27, v2;
	v8 =	vadd.f32 v14, v8  }
0x346: {  	v21 =	vmul.f32 v22, v2;
	v17 =	vld [tilespmem:s3+$0x4EB0];
	v10 =	vadd.f32 v11, v10;
	[tilespmem:s30+$0x8ED0] =	vst v9;
	v9 =	vmul.f32 v28, v2  }
0x347: {  	v11 =	vmul.f32 v18, v4;
	v14 =	vmul.f32 v16, v2;
	v16 =	vld [tilespmem:s3+$0x2EC0];
	v13 =	vadd.f32 v60, v13;
	[tilespmem:s30+$0x8EE0] =	vst v8  }
0x348: {  	v18 =	vmul.f32 v30, v2;
	v12 =	vmul.f32 v12, v4;
	v9 =	vadd.f32 v15, v9;
	v15 =	vld [tilespmem:s3+$0x4EC0]  }
0x349: {  	v20 =	vmax.f32 v10, $0.0e+00;
	v10 =	vmul.f32 v10, v7;
	v11 =	vadd.f32 v11, v13;
	v13 =	vld [tilespmem:s3+$0x2ED0]  }
0x34a: {  	v20 =	vmul.f32 v20, v5;
	v8 =	vmul.f32 v29, v2;
	v14 =	vadd.f32 v19, v14;
	v19 =	vld [tilespmem:s3+$0x4ED0]  }
0x34b: {  	v9 =	vadd.f32 v12, v9;
	v12 =	vmul.f32 v17, v4;
	v17 =	vld [tilespmem:s3+$0x2EE0];
	v22 =	vmax.f32 v11, $0.0e+00  }
0x34c: {  	v11 =	vmul.f32 v11, v7;
	v22 =	vmul.f32 v22, v5;
	v8 =	vadd.f32 v16, v8;
	v16 =	vld [tilespmem:s3+$0x4EE0]  }
0x34d: {  	v23 =	vmax.f32 v9, $0.0e+00;
	v12 =	vadd.f32 v12, v14;
	v14 =	vmul.f32 v15, v4  }
0x34e: {  	v9 =	vmul.f32 v9, v7;
	v15 =	vmul.f32 v23, v5;
	v13 =	vadd.f32 v13, v18  }
0x34f: {  	v18 =	vmax.f32 v12, $0.0e+00;
	v8 =	vadd.f32 v14, v8;
	v14 =	vmul.f32 v19, v4  }
0x350: {  	v12 =	vmul.f32 v12, v7;
	v11 =	vadd.f32 v22, v11;
	v18 =	vmul.f32 v18, v5  }
0x351: {  	v17 =	vadd.f32 v17, v21;
	v13 =	vadd.f32 v14, v13;
	v14 =	vmul.f32 v16, v4  }
0x352: {  	v10 =	vadd.f32 v20, v10;
	v9 =	vadd.f32 v15, v9  }
0x353: {  	[tilespmem:s3+$0x8E90] =	vst v11;
	v11 =	vadd.f32 v18, v12;
	v19 =	vmax.f32 v8, $0.0e+00;
	v14 =	vadd.f32 v14, v17  }
0x354: {  	v8 =	vmul.f32 v8, v7;
	v16 =	vmul.f32 v19, v5;
	v19 =	vmax.f32 v13, $0.0e+00  }
0x355: {  	[tilespmem:s3+$0x8E80] =	vst v10;
	v13 =	vmul.f32 v13, v7;
	v10 =	vmul.f32 v19, v5;
	v15 =	vmax.f32 v14, $0.0e+00  }
0x356: {  	[tilespmem:s3+$0x8EA0] =	vst v9;
	v8 =	vadd.f32 v16, v8;
	v14 =	vmul.f32 v14, v7;
	v12 =	vmul.f32 v15, v5  }
0x357: {  	[tilespmem:s3+$0x8EB0] =	vst v11;
	v9 =	vadd.f32 v10, v13  }
0x358: {  	[tilespmem:s3+$0x8EC0] =	vst v8;
	v8 =	vadd.f32 v12, v14  }
0x359: {  	[tilespmem:s3+$0x8ED0] =	vst v9  }
0x35a: {  	[tilespmem:s3+$0x8EE0] =	vst v8  }
0x35b: {  	[spmem:s1] =	stream.indirect.scatter.add.f32 [tilespmem:s26], [sflag:$0x2], $0x80, s10, s21, $0xb8;
	[tilespmem:$0x1EE80] =	vst v63  }
0x35c: {  	_ = 	snop  }
0x35d: {  	[tilespmem:s22], [sflag:$0x1] =	stream.indirect.gather [hbm4b:s15+s21], $0x80, s29, s21, $0xb8;
	[tilespmem:$0x1EE80] =	vst v63  }
0x35e: {  	s7 =	simm.s32 $0x300  }
0x35f: {  	[tilespmem:s23], [sflag:$0x1] =	stream.indirect.gather [hbm4b:s16+s21], $0x80, s7, s21, $0xb8;
	[tilespmem:$0x1EE80] =	vst v63  }
0x360: {  	s7 =	simm.s32 $0xB00  }
0x361: {  	[tilespmem:s24], [sflag:$0x1] =	stream.indirect.gather [hbm4b:s19+s21], $0x80, s7, s21, $0xb8;
	[tilespmem:$0x1EE80] =	vst v63  }
0x362: {  	_ =	swait.ge [sflag:s12], $0x2000  }
0x363: {  	[sflag:s12] =	ssyncset.done $0x0  }
0x364: {  	[sflag:s12] =	ssyncadd.s32 $0xFFFFE000  }
0x365: {  	_ =	swait.ge [sflag:s12], $0x2000  }
0x366: {  	[sflag:s12] =	ssyncset.done $0x0  }
0x367: {  	[sflag:s12] =	ssyncadd.s32 $0xFFFFE000  }
0x368: {  	_ =	swait.ge [sflag:s12], $0x2000  }
0x369: {  	[sflag:s12] =	ssyncset.done $0x0  }
0x36a: {  	[sflag:s12] =	ssyncadd.s32 $0xFFFFE000  }
0x36b: {  	_ =	swait.ge [sflag:s31], $0x2000  }
0x36c: {  	[sflag:s31] =	ssyncset.done $0x0  }
0x36d: {  	s30 =	simm.s32 $0x0;
	[sflag:s31] =	ssyncadd.s32 $0xFFFFE000  }
0x36e: {  	v8 =	vld [tilespmem:s30+$0xEF0]  }
0x36f: {  	v9 =	vld [tilespmem:s30+$0x2EF0]  }
0x370: {  	v10 =	vld [tilespmem:s30+$0x4EF0]  }
0x371: {  	v11 =	vld [tilespmem:s30+$0xE80]  }
0x372: {  	v12 =	vld [tilespmem:s30+$0xE90]  }
0x373: {  	v13 =	vld [tilespmem:s30+$0xEA0]  }
0x374: {  	v14 =	vld [tilespmem:s30+$0xEB0]  }
0x375: {  	v15 =	vld [tilespmem:s30+$0xEC0];
	v8 =	vmul.f32 v8, v2  }
0x376: {  	v17 =	vld [tilespmem:s30+$0x4E80]  }
0x377: {  	v19 =	vld [tilespmem:s30+$0x2E90];
	v8 =	vadd.f32 v9, v8;
	v9 =	vmul.f32 v10, v4  }
0x378: {  	v20 =	vld [tilespmem:s30+$0x4E90]  }
0x379: {  	v21 =	vld [tilespmem:s30+$0x2EA0];
	v8 =	vadd.f32 v9, v8  }
0x37a: {  	v22 =	vld [tilespmem:s30+$0x2EB0]  }
0x37b: {  	v9 =	vld [tilespmem:s30+$0x2E80];
	v18 =	vmax.f32 v8, $0.0e+00  }
0x37c: {  	v62 =	vld [tilespmem:s30+$0x4EB0];
	v8 =	vmul.f32 v8, v7;
	v18 =	vmul.f32 v18, v5  }
0x37d: {  	v10 =	vld [tilespmem:s30+$0xED0]  }
0x37e: {  	v11 =	vmul.f32 v11, v2;
	v12 =	vmul.f32 v12, v2;
	v8 =	vadd.f32 v18, v8;
	v18 =	vld [tilespmem:s30+$0x4EA0]  }
0x37f: {  	v16 =	vld [tilespmem:s30+$0xEE0];
	v23 =	vmul.f32 v14, v2;
	v14 =	vmul.f32 v20, v4  }
0x380: {  	v12 =	vadd.f32 v19, v12;
	v9 =	vadd.f32 v9, v11;
	v11 =	vmul.f32 v17, v4  }
0x381: {  	v63 =	vld [tilespmem:s30+$0x2EC0];
	v13 =	vmul.f32 v13, v2;
	v61 =	vmul.f32 v15, v2;
	v20 =	vadd.f32 v22, v23  }
0x382: {  	v22 =	vmul.f32 v62, v4;
	v12 =	vadd.f32 v14, v12;
	v17 =	vld [tilespmem:s30+$0x4EC0];
	v11 =	vadd.f32 v11, v9  }
0x383: {  	v9 =	vmul.f32 v10, v2;
	v10 =	vadd.f32 v21, v13;
	v19 =	vmul.f32 v18, v4;
	v18 =	vld [tilespmem:s30+$0x2ED0]  }
0x384: {  	v15 =	vld [tilespmem:s30+$0x4ED0];
	[tilespmem:s30+$0x6EF0] =	vst v8;
	v8 =	vmul.f32 v16, v2;
	v13 =	vmax.f32 v11, $0.0e+00;
	v16 =	vmul.f32 v11, v7  }
0x385: {  	v11 =	vmax.f32 v12, $0.0e+00;
	v14 =	vmul.f32 v13, v5;
	v13 =	vld [tilespmem:s30+$0x2EE0];
	v19 =	vadd.f32 v19, v10  }
0x386: {  	s3 =	simm.s32 $0x80;
	s7 =	simm.s32 $0x400;
	v21 =	vadd.f32 v63, v61;
	v10 =	vmul.f32 v11, v5;
	v11 =	vmul.f32 v12, v7;
	v12 =	vld [tilespmem:s30+$0x4EE0]  }
.LBB2_17:
0x387: {  	p0 =	sne.s32 s7, $0x7E00;
	v23 =	vld [tilespmem:s3+$0xEF0];
	v24 =	vmax.f32 v19, $0.0e+00;
	v20 =	vadd.f32 v22, v20;
	v17 =	vmul.f32 v17, v4  }
0x388: {  	v19 =	vmul.f32 v19, v7;
	v22 =	vld [tilespmem:s3+$0x2EF0];
	v24 =	vmul.f32 v24, v5;
	v9 =	vadd.f32 v18, v9  }
0x389: {  	v18 =	vld [tilespmem:s3+$0x4EF0];
	v25 =	vmax.f32 v20, $0.0e+00;
	v17 =	vadd.f32 v17, v21;
	v15 =	vmul.f32 v15, v4  }
0x38a: {  	v20 =	vmul.f32 v20, v7;
	v21 =	vld [tilespmem:s3+$0xE80];
	v25 =	vmul.f32 v25, v5;
	v8 =	vadd.f32 v13, v8  }
0x38b: {  	v13 =	vld [tilespmem:s3+$0xE90];
	v26 =	vmax.f32 v17, $0.0e+00;
	v9 =	vadd.f32 v15, v9;
	v12 =	vmul.f32 v12, v4  }
0x38c: {  	v14 =	vadd.f32 v14, v16;
	v15 =	vld [tilespmem:s3+$0xEA0];
	v23 =	vmul.f32 v23, v2;
	v16 =	vmul.f32 v26, v5  }
0x38d: {  	v17 =	vmul.f32 v17, v7;
	v26 =	vld [tilespmem:s3+$0xEB0];
	v27 =	vmax.f32 v9, $0.0e+00;
	v8 =	vadd.f32 v12, v8  }
0x38e: {  	v12 =	vld [tilespmem:s3+$0xEC0];
	v22 =	vadd.f32 v22, v23;
	v18 =	vmul.f32 v18, v4;
	[tilespmem:s30+$0x6E80] =	vst v14;
	v14 =	vmul.f32 v27, v5  }
0x38f: {  	v27 =	vmul.f32 v9, v7;
	v21 =	vmul.f32 v21, v2;
	v23 =	vld [tilespmem:s3+$0xED0];
	v9 =	vmax.f32 v8, $0.0e+00  }
0x390: {  	v13 =	vmul.f32 v13, v2;
	v28 =	vld [tilespmem:s3+$0xEE0];
	v18 =	vadd.f32 v18, v22;
	v22 =	vmul.f32 v9, v5  }
0x391: {  	v9 =	vadd.f32 v10, v11;
	v10 =	vmul.f32 v8, v7;
	v29 =	vld [tilespmem:s3+$0x2E80];
	v15 =	vmul.f32 v15, v2  }
0x392: {  	v19 =	vadd.f32 v24, v19;
	v11 =	vld [tilespmem:s3+$0x4E80];
	v26 =	vmul.f32 v26, v2;
	v8 =	vmax.f32 v18, $0.0e+00  }
0x393: {  	v20 =	vadd.f32 v25, v20;
	v18 =	vmul.f32 v18, v7;
	v24 =	vld [tilespmem:s3+$0x2E90];
	v30 =	vmul.f32 v8, v5;
	[tilespmem:s30+$0x6E90] =	vst v9  }
0x394: {  	v16 =	vadd.f32 v16, v17;
	v12 =	vmul.f32 v12, v2;
	v25 =	vld [tilespmem:s3+$0x4E90];
	v9 =	vmul.f32 v23, v2;
	[tilespmem:s30+$0x6EA0] =	vst v19  }
0x395: {  	v14 =	vadd.f32 v14, v27;
	v17 =	vld [tilespmem:s3+$0x2EA0];
	v8 =	vmul.f32 v28, v2;
	v18 =	vadd.f32 v30, v18;
	[tilespmem:s30+$0x6EB0] =	vst v20  }
0x396: {  	v10 =	vadd.f32 v22, v10;
	v19 =	vadd.f32 v29, v21;
	v20 =	vld [tilespmem:s3+$0x4EA0];
	[tilespmem:s30+$0x6EC0] =	vst v16  }
0x397: {  	v11 =	vmul.f32 v11, v4;
	v21 =	vld [tilespmem:s3+$0x2EB0];
	[tilespmem:s3+$0x6EF0] =	vst v18  }
0x398: {  	v13 =	vadd.f32 v24, v13;
	v22 =	vld [tilespmem:s3+$0x4EB0];
	[tilespmem:s30+$0x6ED0] =	vst v14  }
0x399: {  	v11 =	vadd.f32 v11, v19;
	v14 =	vmul.f32 v25, v4;
	v23 =	vld [tilespmem:s3+$0x2EC0];
	[tilespmem:s30+$0x6EE0] =	vst v10;
	s30 =	smov.u32 s3  }
.Ltmp7:
0x39a: {  	v10 =	vadd.f32 v17, v15;
	v17 =	vld [tilespmem:s30+$0x4EC0];
	(pc) =	sbr.rel @p0 .LBB2_17-.Ltmp7, $4  }
0x39b: {  	v15 =	vmax.f32 v11, $0.0e+00;
	v24 =	vadd.f32 v14, v13;
	v13 =	vmul.f32 v20, v4;
	v18 =	vld [tilespmem:s30+$0x2ED0]  }
0x39c: {  	v16 =	vmul.f32 v11, v7;
	v14 =	vmul.f32 v15, v5;
	v20 =	vadd.f32 v21, v26;
	v15 =	vld [tilespmem:s30+$0x4ED0]  }
0x39d: {  	v11 =	vmax.f32 v24, $0.0e+00;
	v19 =	vadd.f32 v13, v10;
	v22 =	vmul.f32 v22, v4;
	v13 =	vld [tilespmem:s30+$0x2EE0]  }
0x39e: {  	s3 =	sshra.s32 s7, $0x2;
	s7 =	sadd.s32 $0x200, s7;
	v10 =	vmul.f32 v11, v5;
	v11 =	vmul.f32 v24, v7;
	v21 =	vadd.f32 v23, v12;
	v12 =	vld [tilespmem:s30+$0x4EE0]  }
0x39f: {  	v23 =	vld [tilespmem:s3+$0xEF0]  }
0x3a0: {  	v24 =	vld [tilespmem:s3+$0x2EF0]  }
0x3a1: {  	v25 =	vld [tilespmem:s3+$0x4EF0]  }
0x3a2: {  	v26 =	vld [tilespmem:s3+$0xE80]  }
0x3a3: {  	v27 =	vld [tilespmem:s3+$0xE90]  }
0x3a4: {  	v28 =	vld [tilespmem:s3+$0xEA0];
	v14 =	vadd.f32 v14, v16  }
0x3a5: {  	v16 =	vld [tilespmem:s3+$0xEB0];
	v20 =	vadd.f32 v22, v20;
	v17 =	vmul.f32 v17, v4  }
0x3a6: {  	v29 =	vld [tilespmem:s3+$0xEC0];
	v9 =	vadd.f32 v18, v9;
	v10 =	vadd.f32 v10, v11;
	[tilespmem:s30+$0x6E80] =	vst v14  }
0x3a7: {  	v14 =	vmax.f32 v19, $0.0e+00;
	v19 =	vmul.f32 v19, v7;
	v17 =	vadd.f32 v17, v21;
	v30 =	vld [tilespmem:s3+$0xED0]  }
0x3a8: {  	v21 =	vmax.f32 v20, $0.0e+00;
	v15 =	vmul.f32 v15, v4;
	v22 =	vld [tilespmem:s3+$0xEE0];
	v18 =	vmul.f32 v23, v2  }
0x3a9: {  	v20 =	vmul.f32 v20, v7;
	v14 =	vmul.f32 v14, v5;
	v11 =	vld [tilespmem:s3+$0x4E80];
	v8 =	vadd.f32 v13, v8  }
0x3aa: {  	v60 =	vld [tilespmem:s3+$0x2E90];
	v12 =	vmul.f32 v12, v4;
	v59 =	vmul.f32 v25, v4;
	v18 =	vadd.f32 v24, v18  }
0x3ab: {  	v23 =	vld [tilespmem:s3+$0x2E80];
	v14 =	vadd.f32 v14, v19;
	v19 =	vmul.f32 v21, v5;
	[tilespmem:s30+$0x6E90] =	vst v10;
	v10 =	vmax.f32 v17, $0.0e+00  }
0x3ac: {  	v17 =	vmul.f32 v17, v7;
	v10 =	vmul.f32 v10, v5;
	v13 =	vadd.f32 v59, v18  }
0x3ad: {  	v9 =	vadd.f32 v15, v9;
	v8 =	vadd.f32 v12, v8  }
0x3ae: {  	v19 =	vadd.f32 v19, v20;
	v10 =	vadd.f32 v10, v17;
	v18 =	vld [tilespmem:s3+$0x4E90];
	[tilespmem:s30+$0x6EA0] =	vst v14;
	v14 =	vmax.f32 v13, $0.0e+00  }
0x3af: {  	v17 =	vmax.f32 v9, $0.0e+00;
	v13 =	vmul.f32 v13, v7;
	v14 =	vmul.f32 v14, v5  }
0x3b0: {  	v9 =	vmul.f32 v9, v7;
	v17 =	vmul.f32 v17, v5;
	v15 =	vld [tilespmem:s3+$0x2EA0];
	[tilespmem:s30+$0x6EB0] =	vst v19  }
0x3b1: {  	v12 =	vld [tilespmem:s3+$0x4EA0];
	[tilespmem:s30+$0x6EC0] =	vst v10;
	v10 =	vmul.f32 v26, v2;
	v13 =	vadd.f32 v14, v13;
	v14 =	vmax.f32 v8, $0.0e+00  }
0x3b2: {  	v8 =	vmul.f32 v8, v7;
	v14 =	vmul.f32 v14, v5  }
0x3b3: {  	v11 =	vmul.f32 v11, v4;
	v9 =	vadd.f32 v17, v9;
	v10 =	vadd.f32 v23, v10  }
0x3b4: {  	v19 =	vld [tilespmem:s3+$0x2EB0];
	[tilespmem:s3+$0x6EF0] =	vst v13;
	v13 =	vmul.f32 v27, v2;
	v8 =	vadd.f32 v14, v8  }
0x3b5: {  	v21 =	vmul.f32 v22, v2;
	v17 =	vld [tilespmem:s3+$0x4EB0];
	v10 =	vadd.f32 v11, v10;
	[tilespmem:s30+$0x6ED0] =	vst v9;
	v9 =	vmul.f32 v28, v2  }
0x3b6: {  	v11 =	vmul.f32 v18, v4;
	v14 =	vmul.f32 v16, v2;
	v16 =	vld [tilespmem:s3+$0x2EC0];
	v13 =	vadd.f32 v60, v13;
	[tilespmem:s30+$0x6EE0] =	vst v8  }
0x3b7: {  	v18 =	vmul.f32 v30, v2;
	v12 =	vmul.f32 v12, v4;
	v9 =	vadd.f32 v15, v9;
	v15 =	vld [tilespmem:s3+$0x4EC0]  }
0x3b8: {  	v20 =	vmax.f32 v10, $0.0e+00;
	v10 =	vmul.f32 v10, v7;
	v11 =	vadd.f32 v11, v13;
	v13 =	vld [tilespmem:s3+$0x2ED0]  }
0x3b9: {  	v20 =	vmul.f32 v20, v5;
	v8 =	vmul.f32 v29, v2;
	v14 =	vadd.f32 v19, v14;
	v19 =	vld [tilespmem:s3+$0x4ED0]  }
0x3ba: {  	v9 =	vadd.f32 v12, v9;
	v12 =	vmul.f32 v17, v4;
	v17 =	vld [tilespmem:s3+$0x2EE0];
	v22 =	vmax.f32 v11, $0.0e+00  }
0x3bb: {  	v11 =	vmul.f32 v11, v7;
	v22 =	vmul.f32 v22, v5;
	v8 =	vadd.f32 v16, v8;
	v16 =	vld [tilespmem:s3+$0x4EE0]  }
0x3bc: {  	v23 =	vmax.f32 v9, $0.0e+00;
	v12 =	vadd.f32 v12, v14;
	v14 =	vmul.f32 v15, v4  }
0x3bd: {  	v9 =	vmul.f32 v9, v7;
	v15 =	vmul.f32 v23, v5;
	v13 =	vadd.f32 v13, v18  }
0x3be: {  	v18 =	vmax.f32 v12, $0.0e+00;
	v8 =	vadd.f32 v14, v8;
	v14 =	vmul.f32 v19, v4  }
0x3bf: {  	v12 =	vmul.f32 v12, v7;
	v11 =	vadd.f32 v22, v11;
	v18 =	vmul.f32 v18, v5  }
0x3c0: {  	v17 =	vadd.f32 v17, v21;
	v13 =	vadd.f32 v14, v13;
	v14 =	vmul.f32 v16, v4  }
0x3c1: {  	v10 =	vadd.f32 v20, v10;
	v9 =	vadd.f32 v15, v9  }
0x3c2: {  	[tilespmem:s3+$0x6E90] =	vst v11;
	v11 =	vadd.f32 v18, v12;
	v19 =	vmax.f32 v8, $0.0e+00;
	v14 =	vadd.f32 v14, v17  }
0x3c3: {  	v8 =	vmul.f32 v8, v7;
	v16 =	vmul.f32 v19, v5;
	v19 =	vmax.f32 v13, $0.0e+00  }
0x3c4: {  	[tilespmem:s3+$0x6E80] =	vst v10;
	v13 =	vmul.f32 v13, v7;
	v10 =	vmul.f32 v19, v5;
	v15 =	vmax.f32 v14, $0.0e+00  }
0x3c5: {  	[tilespmem:s3+$0x6EA0] =	vst v9;
	v8 =	vadd.f32 v16, v8;
	v14 =	vmul.f32 v14, v7;
	v12 =	vmul.f32 v15, v5  }
0x3c6: {  	[tilespmem:s3+$0x6EB0] =	vst v11;
	v9 =	vadd.f32 v10, v13  }
0x3c7: {  	[tilespmem:s3+$0x6EC0] =	vst v8;
	v8 =	vadd.f32 v12, v14  }
0x3c8: {  	[tilespmem:s3+$0x6ED0] =	vst v9  }
0x3c9: {  	[tilespmem:s3+$0x6EE0] =	vst v8  }
0x3ca: {  	[spmem:s1] =	stream.indirect.scatter.add.f32 [tilespmem:s11], [sflag:$0x2], $0x80, s29, s21, $0xb8;
	[tilespmem:$0x1EE80] =	vst v63  }
0x3cb: {  	_ = 	snop  }
0x3cc: {  	[tilespmem:s22], [sflag:$0x1] =	stream.indirect.gather [hbm4b:s15+s21], $0x80, s5, s21, $0xb8;
	[tilespmem:$0x1EE80] =	vst v63  }
0x3cd: {  	s7 =	simm.s32 $0x380  }
0x3ce: {  	[tilespmem:s23], [sflag:$0x1] =	stream.indirect.gather [hbm4b:s16+s21], $0x80, s7, s21, $0xb8;
	[tilespmem:$0x1EE80] =	vst v63  }
0x3cf: {  	s7 =	simm.s32 $0xB80  }
0x3d0: {  	[tilespmem:s24], [sflag:$0x1] =	stream.indirect.gather [hbm4b:s19+s21], $0x80, s7, s21, $0xb8;
	[tilespmem:$0x1EE80] =	vst v63  }
0x3d1: {  	_ =	swait.ge [sflag:s12], $0x2000  }
0x3d2: {  	[sflag:s12] =	ssyncset.done $0x0  }
0x3d3: {  	[sflag:s12] =	ssyncadd.s32 $0xFFFFE000  }
0x3d4: {  	_ =	swait.ge [sflag:s12], $0x2000  }
0x3d5: {  	[sflag:s12] =	ssyncset.done $0x0  }
0x3d6: {  	[sflag:s12] =	ssyncadd.s32 $0xFFFFE000  }
0x3d7: {  	_ =	swait.ge [sflag:s12], $0x2000  }
0x3d8: {  	[sflag:s12] =	ssyncset.done $0x0  }
0x3d9: {  	[sflag:s12] =	ssyncadd.s32 $0xFFFFE000  }
0x3da: {  	_ =	swait.ge [sflag:s31], $0x2000  }
0x3db: {  	[sflag:s31] =	ssyncset.done $0x0  }
0x3dc: {  	s30 =	simm.s32 $0x0;
	[sflag:s31] =	ssyncadd.s32 $0xFFFFE000  }
0x3dd: {  	v8 =	vld [tilespmem:s30+$0xEF0]  }
0x3de: {  	v9 =	vld [tilespmem:s30+$0x2EF0]  }
0x3df: {  	v10 =	vld [tilespmem:s30+$0x4EF0]  }
0x3e0: {  	v11 =	vld [tilespmem:s30+$0xE80]  }
0x3e1: {  	v12 =	vld [tilespmem:s30+$0xE90]  }
0x3e2: {  	v13 =	vld [tilespmem:s30+$0xEA0]  }
0x3e3: {  	v14 =	vld [tilespmem:s30+$0xEB0]  }
0x3e4: {  	v15 =	vld [tilespmem:s30+$0xEC0];
	v8 =	vmul.f32 v8, v2  }
0x3e5: {  	v17 =	vld [tilespmem:s30+$0x4E80]  }
0x3e6: {  	v19 =	vld [tilespmem:s30+$0x2E90];
	v8 =	vadd.f32 v9, v8;
	v9 =	vmul.f32 v10, v4  }
0x3e7: {  	v20 =	vld [tilespmem:s30+$0x4E90]  }
0x3e8: {  	v21 =	vld [tilespmem:s30+$0x2EA0];
	v8 =	vadd.f32 v9, v8  }
0x3e9: {  	v22 =	vld [tilespmem:s30+$0x2EB0]  }
0x3ea: {  	v9 =	vld [tilespmem:s30+$0x2E80];
	v18 =	vmax.f32 v8, $0.0e+00  }
0x3eb: {  	v62 =	vld [tilespmem:s30+$0x4EB0];
	v8 =	vmul.f32 v8, v7;
	v18 =	vmul.f32 v18, v5  }
0x3ec: {  	v10 =	vld [tilespmem:s30+$0xED0]  }
0x3ed: {  	v11 =	vmul.f32 v11, v2;
	v12 =	vmul.f32 v12, v2;
	v8 =	vadd.f32 v18, v8;
	v18 =	vld [tilespmem:s30+$0x4EA0]  }
0x3ee: {  	v16 =	vld [tilespmem:s30+$0xEE0];
	v23 =	vmul.f32 v14, v2;
	v14 =	vmul.f32 v20, v4  }
0x3ef: {  	v12 =	vadd.f32 v19, v12;
	v9 =	vadd.f32 v9, v11;
	v11 =	vmul.f32 v17, v4  }
0x3f0: {  	v63 =	vld [tilespmem:s30+$0x2EC0];
	v13 =	vmul.f32 v13, v2;
	v61 =	vmul.f32 v15, v2;
	v20 =	vadd.f32 v22, v23  }
0x3f1: {  	v22 =	vmul.f32 v62, v4;
	v12 =	vadd.f32 v14, v12;
	v17 =	vld [tilespmem:s30+$0x4EC0];
	v11 =	vadd.f32 v11, v9  }
0x3f2: {  	v9 =	vmul.f32 v10, v2;
	v10 =	vadd.f32 v21, v13;
	v19 =	vmul.f32 v18, v4;
	v18 =	vld [tilespmem:s30+$0x2ED0]  }
0x3f3: {  	v15 =	vld [tilespmem:s30+$0x4ED0];
	[tilespmem:s30+$0x8EF0] =	vst v8;
	v8 =	vmul.f32 v16, v2;
	v13 =	vmax.f32 v11, $0.0e+00;
	v16 =	vmul.f32 v11, v7  }
0x3f4: {  	v11 =	vmax.f32 v12, $0.0e+00;
	v14 =	vmul.f32 v13, v5;
	v13 =	vld [tilespmem:s30+$0x2EE0];
	v19 =	vadd.f32 v19, v10  }
0x3f5: {  	s3 =	simm.s32 $0x80;
	s7 =	simm.s32 $0x400;
	v21 =	vadd.f32 v63, v61;
	v10 =	vmul.f32 v11, v5;
	v11 =	vmul.f32 v12, v7;
	v12 =	vld [tilespmem:s30+$0x4EE0]  }
.LBB2_19:
0x3f6: {  	p0 =	sne.s32 s7, $0x7E00;
	v23 =	vld [tilespmem:s3+$0xEF0];
	v24 =	vmax.f32 v19, $0.0e+00;
	v20 =	vadd.f32 v22, v20;
	v17 =	vmul.f32 v17, v4  }
0x3f7: {  	v19 =	vmul.f32 v19, v7;
	v22 =	vld [tilespmem:s3+$0x2EF0];
	v24 =	vmul.f32 v24, v5;
	v9 =	vadd.f32 v18, v9  }
0x3f8: {  	v18 =	vld [tilespmem:s3+$0x4EF0];
	v25 =	vmax.f32 v20, $0.0e+00;
	v17 =	vadd.f32 v17, v21;
	v15 =	vmul.f32 v15, v4  }
0x3f9: {  	v20 =	vmul.f32 v20, v7;
	v21 =	vld [tilespmem:s3+$0xE80];
	v25 =	vmul.f32 v25, v5;
	v8 =	vadd.f32 v13, v8  }
0x3fa: {  	v13 =	vld [tilespmem:s3+$0xE90];
	v26 =	vmax.f32 v17, $0.0e+00;
	v9 =	vadd.f32 v15, v9;
	v12 =	vmul.f32 v12, v4  }
0x3fb: {  	v14 =	vadd.f32 v14, v16;
	v15 =	vld [tilespmem:s3+$0xEA0];
	v23 =	vmul.f32 v23, v2;
	v16 =	vmul.f32 v26, v5  }
0x3fc: {  	v17 =	vmul.f32 v17, v7;
	v26 =	vld [tilespmem:s3+$0xEB0];
	v27 =	vmax.f32 v9, $0.0e+00;
	v8 =	vadd.f32 v12, v8  }
0x3fd: {  	v12 =	vld [tilespmem:s3+$0xEC0];
	v22 =	vadd.f32 v22, v23;
	v18 =	vmul.f32 v18, v4;
	[tilespmem:s30+$0x8E80] =	vst v14;
	v14 =	vmul.f32 v27, v5  }
0x3fe: {  	v27 =	vmul.f32 v9, v7;
	v21 =	vmul.f32 v21, v2;
	v23 =	vld [tilespmem:s3+$0xED0];
	v9 =	vmax.f32 v8, $0.0e+00  }
0x3ff: {  	v13 =	vmul.f32 v13, v2;
	v28 =	vld [tilespmem:s3+$0xEE0];
	v18 =	vadd.f32 v18, v22;
	v22 =	vmul.f32 v9, v5  }
0x400: {  	v9 =	vadd.f32 v10, v11;
	v10 =	vmul.f32 v8, v7;
	v29 =	vld [tilespmem:s3+$0x2E80];
	v15 =	vmul.f32 v15, v2  }
0x401: {  	v19 =	vadd.f32 v24, v19;
	v11 =	vld [tilespmem:s3+$0x4E80];
	v26 =	vmul.f32 v26, v2;
	v8 =	vmax.f32 v18, $0.0e+00  }
0x402: {  	v20 =	vadd.f32 v25, v20;
	v18 =	vmul.f32 v18, v7;
	v24 =	vld [tilespmem:s3+$0x2E90];
	v30 =	vmul.f32 v8, v5;
	[tilespmem:s30+$0x8E90] =	vst v9  }
0x403: {  	v16 =	vadd.f32 v16, v17;
	v12 =	vmul.f32 v12, v2;
	v25 =	vld [tilespmem:s3+$0x4E90];
	v9 =	vmul.f32 v23, v2;
	[tilespmem:s30+$0x8EA0] =	vst v19  }
0x404: {  	v14 =	vadd.f32 v14, v27;
	v17 =	vld [tilespmem:s3+$0x2EA0];
	v8 =	vmul.f32 v28, v2;
	v18 =	vadd.f32 v30, v18;
	[tilespmem:s30+$0x8EB0] =	vst v20  }
0x405: {  	v10 =	vadd.f32 v22, v10;
	v19 =	vadd.f32 v29, v21;
	v20 =	vld [tilespmem:s3+$0x4EA0];
	[tilespmem:s30+$0x8EC0] =	vst v16  }
0x406: {  	v11 =	vmul.f32 v11, v4;
	v21 =	vld [tilespmem:s3+$0x2EB0];
	[tilespmem:s3+$0x8EF0] =	vst v18  }
0x407: {  	v13 =	vadd.f32 v24, v13;
	v22 =	vld [tilespmem:s3+$0x4EB0];
	[tilespmem:s30+$0x8ED0] =	vst v14  }
0x408: {  	v11 =	vadd.f32 v11, v19;
	v14 =	vmul.f32 v25, v4;
	v23 =	vld [tilespmem:s3+$0x2EC0];
	[tilespmem:s30+$0x8EE0] =	vst v10;
	s30 =	smov.u32 s3  }
.Ltmp8:
0x409: {  	v10 =	vadd.f32 v17, v15;
	v17 =	vld [tilespmem:s30+$0x4EC0];
	(pc) =	sbr.rel @p0 .LBB2_19-.Ltmp8, $4  }
0x40a: {  	v15 =	vmax.f32 v11, $0.0e+00;
	v24 =	vadd.f32 v14, v13;
	v13 =	vmul.f32 v20, v4;
	v18 =	vld [tilespmem:s30+$0x2ED0]  }
0x40b: {  	v16 =	vmul.f32 v11, v7;
	v14 =	vmul.f32 v15, v5;
	v20 =	vadd.f32 v21, v26;
	v15 =	vld [tilespmem:s30+$0x4ED0]  }
0x40c: {  	v11 =	vmax.f32 v24, $0.0e+00;
	v19 =	vadd.f32 v13, v10;
	v22 =	vmul.f32 v22, v4;
	v13 =	vld [tilespmem:s30+$0x2EE0]  }
0x40d: {  	s3 =	sshra.s32 s7, $0x2;
	s7 =	sadd.s32 $0x200, s7;
	v10 =	vmul.f32 v11, v5;
	v11 =	vmul.f32 v24, v7;
	v21 =	vadd.f32 v23, v12;
	v12 =	vld [tilespmem:s30+$0x4EE0]  }
0x40e: {  	v23 =	vld [tilespmem:s3+$0xEF0]  }
0x40f: {  	v24 =	vld [tilespmem:s3+$0x2EF0]  }
0x410: {  	v25 =	vld [tilespmem:s3+$0x4EF0]  }
0x411: {  	v26 =	vld [tilespmem:s3+$0xE80]  }
0x412: {  	v27 =	vld [tilespmem:s3+$0xE90]  }
0x413: {  	v28 =	vld [tilespmem:s3+$0xEA0];
	v14 =	vadd.f32 v14, v16;
	v51 =	vmax.f32 v19, $0.0e+00  }
0x414: {  	v50 =	vld [tilespmem:s3+$0xEB0];
	v20 =	vadd.f32 v22, v20;
	v17 =	vmul.f32 v17, v4;
	v53 =	vmul.f32 v19, v7  }
0x415: {  	v29 =	vld [tilespmem:s3+$0xEC0];
	v9 =	vadd.f32 v18, v9;
	v10 =	vadd.f32 v10, v11;
	[tilespmem:s30+$0x8E80] =	vst v14;
	v14 =	vmul.f32 v51, v5  }
0x416: {  	v56 =	vmax.f32 v20, $0.0e+00;
	v15 =	vmul.f32 v15, v4;
	v30 =	vld [tilespmem:s3+$0xED0];
	v54 =	vmul.f32 v23, v2  }
0x417: {  	v17 =	vadd.f32 v17, v21;
	v20 =	vmul.f32 v20, v7;
	v52 =	vld [tilespmem:s3+$0xEE0];
	v60 =	vmul.f32 v56, v5  }
0x418: {  	v55 =	vld [tilespmem:s3+$0x2E80];
	v8 =	vadd.f32 v13, v8;
	v58 =	vmul.f32 v25, v4;
	v18 =	vadd.f32 v24, v54  }
0x419: {  	v57 =	vld [tilespmem:s3+$0x4E80];
	v14 =	vadd.f32 v14, v53;
	v61 =	vmax.f32 v17, $0.0e+00;
	v17 =	vmul.f32 v17, v7  }
0x41a: {  	v59 =	vld [tilespmem:s3+$0x2E90];
	[tilespmem:s30+$0x8E90] =	vst v10;
	v12 =	vmul.f32 v12, v4;
	v10 =	vmul.f32 v61, v5;
	v62 =	vadd.f32 v58, v18  }
0x41b: {  	v9 =	vadd.f32 v15, v9;
	v19 =	vadd.f32 v60, v20;
	v32 =	vmul.f32 v26, v2  }
0x41c: {  	v8 =	vadd.f32 v12, v8;
	v10 =	vadd.f32 v10, v17;
	v20 =	vmax.f32 v62, $0.0e+00  }
0x41d: {  	v63 =	vld [tilespmem:s3+$0x4E90];
	[tilespmem:s30+$0x8EA0] =	vst v14;
	v24 =	vmax.f32 v9, $0.0e+00;
	v13 =	vmul.f32 v62, v7;
	v14 =	vmul.f32 v20, v5  }
0x41e: {  	v21 =	vld [tilespmem:s3+$0x2EA0];
	[tilespmem:s30+$0x8EB0] =	vst v19;
	v9 =	vmul.f32 v9, v7;
	v17 =	vmul.f32 v24, v5;
	v33 =	vmax.f32 v8, $0.0e+00  }
0x41f: {  	v31 =	vld [tilespmem:s3+$0x4EA0];
	v8 =	vmul.f32 v8, v7;
	[tilespmem:s30+$0x8EC0] =	vst v10;
	v13 =	vadd.f32 v14, v13;
	v14 =	vmul.f32 v33, v5  }
0x420: {  	v11 =	vmul.f32 v57, v4;
	v10 =	vadd.f32 v55, v32;
	v19 =	vld [tilespmem:s3+$0x2EB0];
	v9 =	vadd.f32 v17, v9  }
0x421: {  	v34 =	vmul.f32 v27, v2;
	v36 =	vmul.f32 v28, v2;
	v35 =	vld [tilespmem:s3+$0x4EB0];
	[tilespmem:s3+$0x8EF0] =	vst v13;
	v8 =	vadd.f32 v14, v8  }
0x422: {  	v37 =	vmul.f32 v50, v2;
	v40 =	vmul.f32 v30, v2;
	v10 =	vadd.f32 v11, v10;
	[tilespmem:s30+$0x8ED0] =	vst v9  }
0x423: {  	v44 =	vmul.f32 v52, v2;
	v39 =	vmul.f32 v63, v4;
	v38 =	vld [tilespmem:s3+$0x2EC0];
	[tilespmem:s30+$0x8EE0] =	vst v8  }
0x424: {  	v42 =	vmax.f32 v10, $0.0e+00;
	v12 =	vmul.f32 v31, v4;
	v13 =	vadd.f32 v59, v34;
	v41 =	vld [tilespmem:s3+$0x4EC0]  }
0x425: {  	v10 =	vmul.f32 v10, v7;
	v20 =	vmul.f32 v42, v5;
	v9 =	vadd.f32 v21, v36;
	v43 =	vld [tilespmem:s3+$0x2ED0]  }
0x426: {  	v47 =	vmul.f32 v35, v4;
	v14 =	vadd.f32 v19, v37;
	v11 =	vadd.f32 v39, v13;
	v45 =	vld [tilespmem:s3+$0x4ED0]  }
0x427: {  	v10 =	vadd.f32 v20, v10;
	v8 =	vmul.f32 v29, v2;
	v9 =	vadd.f32 v12, v9;
	v48 =	vld [tilespmem:s3+$0x2EE0]  }
0x428: {  	v49 =	vld [tilespmem:s3+$0x4EE0];
	v12 =	vadd.f32 v47, v14;
	v46 =	vmax.f32 v11, $0.0e+00;
	v11 =	vmul.f32 v11, v7  }
0x429: {  	v22 =	vmul.f32 v46, v5;
	v50 =	vmax.f32 v9, $0.0e+00;
	v9 =	vmul.f32 v9, v7  }
0x42a: {  	v53 =	vmax.f32 v12, $0.0e+00;
	v12 =	vmul.f32 v12, v7;
	v52 =	vmul.f32 v50, v5  }
0x42b: {  	v18 =	vmul.f32 v53, v5;
	v8 =	vadd.f32 v38, v8;
	v51 =	vmul.f32 v41, v4  }
0x42c: {  	v11 =	vadd.f32 v22, v11;
	v13 =	vadd.f32 v43, v40;
	v54 =	vmul.f32 v45, v4  }
0x42d: {  	v17 =	vadd.f32 v48, v44;
	v56 =	vmul.f32 v49, v4;
	v8 =	vadd.f32 v51, v8  }
0x42e: {  	v9 =	vadd.f32 v52, v9;
	v13 =	vadd.f32 v54, v13  }
0x42f: {  	v61 =	vadd.f32 v18, v12;
	v14 =	vadd.f32 v56, v17;
	v55 =	vmax.f32 v8, $0.0e+00  }
0x430: {  	[tilespmem:s3+$0x8E80] =	vst v10;
	v58 =	vmax.f32 v13, $0.0e+00;
	v8 =	vmul.f32 v8, v7;
	v57 =	vmul.f32 v55, v5  }
0x431: {  	[tilespmem:s3+$0x8E90] =	vst v11;
	v13 =	vmul.f32 v13, v7;
	v60 =	vmax.f32 v14, $0.0e+00;
	v59 =	vmul.f32 v58, v5  }
0x432: {  	[tilespmem:s3+$0x8EA0] =	vst v9;
	v14 =	vmul.f32 v14, v7;
	v62 =	vmul.f32 v60, v5;
	v8 =	vadd.f32 v57, v8  }
0x433: {  	[tilespmem:s3+$0x8EB0] =	vst v61;
	v63 =	vadd.f32 v59, v13  }
0x434: {  	[tilespmem:s3+$0x8EC0] =	vst v8;
	v8 =	vadd.f32 v62, v14  }
0x435: {  	[tilespmem:s3+$0x8ED0] =	vst v63  }
0x436: {  	s4 =	sadd.s32 $0x1, s4;
	[tilespmem:s3+$0x8EE0] =	vst v8  }
0x437: {  	[spmem:s1] =	stream.indirect.scatter.add.f32 [tilespmem:s26], [sflag:$0x2], $0x80, s5, s21, $0xb8;
	[tilespmem:$0x1EE80] =	vst v63  }
0x438: {  	p0 =	sne.s32 s4, $0x28;
	_ =	swait.ge [sflag:s31], $0x2000  }
.Ltmp9:
0x439: {  	[sflag:s31] =	ssyncset.done $0x0;
	(pc) =	sbr.rel @p0 .LBB2_4-.Ltmp9, $4  }
0x43a: {  	[sflag:s31] =	ssyncadd.s32 $0xFFFFE000  }
0x43b: {  	_ =	swait.ge [sflag:s31], $0x2000  }
0x43c: {  	[sflag:s31] =	ssyncset.done $0x0  }
0x43d: {  	[sflag:s31] =	ssyncadd.s32 $0xFFFFE000  }
0x43e: {  	[bflag:$0x0] =	sbarrier.arrive $0xFFFF  }
0x43f: {  	s3 =	rddreg [dreg:$0x3]  }
0x440: {  	s30 =	rddreg [dreg:$0x13]  }
0x441: {  	s7 =	rddreg [dreg:$0x4];
	s3 =	sor.u32 $0x1C01, s3;
	s4 =	sshrl.u32 s30, $0x3  }
0x442: {  	[hbm:s7], [sflag:s3] =	dma.local [spmem:s4], $0x400  }
0x443: {  	s8 =	rddreg [dreg:$0x14]  }
0x444: {  	s7 =	rddreg [dreg:$0x5];
	s2 =	sshrl.u32 s8, $0x3  }
0x445: {  	[hbm:s7], [sflag:s3] =	dma.local [spmem:s2], $0x400  }
0x446: {  	s4 =	rddreg [dreg:$0x15]  }
0x447: {  	s7 =	rddreg [dreg:$0x6];
	s4 =	sshrl.u32 s4, $0x3  }
0x448: {  	[hbm:s7], [sflag:s3] =	dma.local [spmem:s4], $0x400  }
0x449: {  	s4 =	rddreg [dreg:$0x16]  }
0x44a: {  	s7 =	rddreg [dreg:$0x7];
	s4 =	sshrl.u32 s4, $0x3  }
0x44b: {  	[hbm:s7], [sflag:s3] =	dma.local [spmem:s4], $0x400  }
0x44c: {  	s4 =	rddreg [dreg:$0x17]  }
0x44d: {  	s7 =	rddreg [dreg:$0x8];
	s4 =	sshrl.u32 s4, $0x3  }
0x44e: {  	[hbm:s7], [sflag:s3] =	dma.local [spmem:s4], $0x400  }
0x44f: {  	s4 =	rddreg [dreg:$0x18]  }
0x450: {  	s7 =	rddreg [dreg:$0x9];
	s4 =	sshrl.u32 s4, $0x3  }
0x451: {  	[hbm:s7], [sflag:s3] =	dma.local [spmem:s4], $0x400  }
0x452: {  	s4 =	rddreg [dreg:$0x19]  }
0x453: {  	s7 =	rddreg [dreg:$0xa];
	s4 =	sshrl.u32 s4, $0x3  }
0x454: {  	[hbm:s7], [sflag:s3] =	dma.local [spmem:s4], $0x400  }
0x455: {  	s4 =	rddreg [dreg:$0x1a]  }
0x456: {  	s7 =	rddreg [dreg:$0xb];
	s4 =	sshrl.u32 s4, $0x3  }
0x457: {  	[hbm:s7], [sflag:s3] =	dma.local [spmem:s4], $0x400  }
0x458: {  	s4 =	rddreg [dreg:$0x1b]  }
0x459: {  	s7 =	rddreg [dreg:$0xc];
	s4 =	sshrl.u32 s4, $0x3  }
0x45a: {  	[hbm:s7], [sflag:s3] =	dma.local [spmem:s4], $0x400  }
0x45b: {  	s4 =	rddreg [dreg:$0x1c]  }
0x45c: {  	s7 =	rddreg [dreg:$0xd];
	s4 =	sshrl.u32 s4, $0x3  }
0x45d: {  	[hbm:s7], [sflag:s3] =	dma.local [spmem:s4], $0x400  }
0x45e: {  	_ =	swait.ge [sflag:s12], $0x400  }
0x45f: {  	[sflag:s12] =	ssyncset.done $0x0  }
0x460: {  	[sflag:s12] =	ssyncadd.s32 $0xFFFFFC00  }
0x461: {  	_ =	swait.ge [sflag:s12], $0x400  }
0x462: {  	[sflag:s12] =	ssyncset.done $0x0  }
0x463: {  	[sflag:s12] =	ssyncadd.s32 $0xFFFFFC00  }
0x464: {  	_ =	swait.ge [sflag:s12], $0x400  }
0x465: {  	[sflag:s12] =	ssyncset.done $0x0  }
0x466: {  	[sflag:s12] =	ssyncadd.s32 $0xFFFFFC00  }
0x467: {  	_ =	swait.ge [sflag:s12], $0x400  }
0x468: {  	[sflag:s12] =	ssyncset.done $0x0  }
0x469: {  	[sflag:s12] =	ssyncadd.s32 $0xFFFFFC00  }
0x46a: {  	_ =	swait.ge [sflag:s12], $0x400  }
0x46b: {  	[sflag:s12] =	ssyncset.done $0x0  }
0x46c: {  	[sflag:s12] =	ssyncadd.s32 $0xFFFFFC00  }
0x46d: {  	_ =	swait.ge [sflag:s12], $0x400  }
0x46e: {  	[sflag:s12] =	ssyncset.done $0x0  }
0x46f: {  	[sflag:s12] =	ssyncadd.s32 $0xFFFFFC00  }
0x470: {  	_ =	swait.ge [sflag:s12], $0x400  }
0x471: {  	[sflag:s12] =	ssyncset.done $0x0  }
0x472: {  	[sflag:s12] =	ssyncadd.s32 $0xFFFFFC00  }
0x473: {  	_ =	swait.ge [sflag:s12], $0x400  }
0x474: {  	[sflag:s12] =	ssyncset.done $0x0  }
0x475: {  	[sflag:s12] =	ssyncadd.s32 $0xFFFFFC00  }
0x476: {  	_ =	swait.ge [sflag:s12], $0x400  }
0x477: {  	[sflag:s12] =	ssyncset.done $0x0  }
0x478: {  	[sflag:s12] =	ssyncadd.s32 $0xFFFFFC00  }
0x479: {  	_ =	swait.ge [sflag:s12], $0x400  }
0x47a: {  	s2 =	rddreg [dreg:$0x1e]  }
0x47b: {  	s7 =	rddreg [dreg:$0x1d];
	s2 =	sadd.s32 $0x1, s2  }
0x47c: {  	p0 =	sne.s32 s2, s7  }
.Ltmp10:
0x47d: {  	_ = 	snop;
	(pc) =	sbr.rel @p0 .LBB2_1-.Ltmp10, $3  }
0x47e: {  	_ =	sdelay $0x1  }
0x47f: {  	[sflag:s12] =	ssyncset.done $0x0  }
0x480: {  	[sflag:s12] =	ssyncadd.s32 $0xFFFFFC00  }
0x481: {  	_ =	sfence.sel $0x180000  }
0x482: {  	[bflag:$0x0] =	sbarrier.arrive $0xFFFF  }
0x483: {  	_ =	strace $0x90000047  }
0x484: {  	s0 =	stileid.u32;
	[bflag:$0x2] =	sbarrier.arrive $0xFFFF  }
0x485: {  	p0 =	sne.s32 s0, $0x0;
	s0 =	rddreg [dreg:$0x2]  }
0x486: {  	s0 =	sadd.s32 @!p0 $0x100000, s0  }
0x487: {  	[sflag:s0] =	ssyncadd.tile.s32 @!p0 $0x1;
	_ =	shalt  }
.Lfunc_end2:
_tile_overlayer_lowered:
.L_overlay_start_2:
0x488: {  	(tag) =	ssettag $0x2  }
0x489: {  	s0 =	rddreg [dreg:$0x0];
	s2 =	stileid.u32  }
0x48a: {  	s1 =	rddreg [dreg:$0x1];
	p0 =	sne.s32 s2, $0x0  }
0x48b: {  	s3 =	rddreg [dreg:$0x2];
	[bflag:$0x3] =	sbarrier.arrive $0xFFFF;
	s2 =	simm.s32 @!p0 $0x1C03  }
0x48c: {  	[timem:s3], [sflag:s2] =	dma.local @!p0 [hbm:s0], s1  }
0x48d: {  	s0 =	simm.s32 @!p0 $0x3  }
0x48e: {  	_ =	swait.ge @!p0 [sflag:s0], s1  }
0x48f: {  	s1 =	ssub.s32 @!p0 $0x0, s1;
	[sflag:s0] =	ssyncset.done @!p0 $0x0  }
0x490: {  	[sflag:s0] =	ssyncadd.s32 @!p0 s1  }
0x491: {  	[bflag:$0x3] =	sbarrier.arrive $0xFFFF  }
0x492: {  	_ =	shalt  }

</sc_bundles>
